<compile_context>
chip_gen: v7x
topology: tpu7x:2x2x1
jax: 0.10.2.dev20260603
libtpu: 0.0.44.dev20260713+nightly
codegen_flags: <defaults>
</compile_context>

<pallas_src>
import functools

import jax
import jax.numpy as jnp
from jax import lax
from jax.experimental import pallas as pl
from jax.experimental.pallas import tpu as pltpu
from jax.experimental.pallas import tpu_sc as plsc

B = 1024
L = 200
DIM = 128
EPS = 1e-12
N = B * L

_info = plsc.get_sparse_core_info()
NC, NS = _info.num_cores, _info.num_subcores
NW = NC * NS
TOK_W = N // NW
C = 80
NCHUNK = TOK_W // C
NBUF = 4
NGROUP = NCHUNK // NBUF
NREG = DIM // 16


def _rsqrt(x):
    i = lax.bitcast_convert_type(x, jnp.int32)
    i = jnp.int32(0x5F3759DF) - (i >> 1)
    y = lax.bitcast_convert_type(i, jnp.float32)
    for _ in range(3):
        y = y * (1.5 - 0.5 * x * y * y)
    return y


def _tree_sum(vs):
    while len(vs) > 1:
        vs = [a + b for a, b in zip(vs[::2], vs[1::2])]
    return vs[0]


def _sc_body(ids_hbm, word_hbm, pos_hbm, gamma_hbm, beta_hbm,
             normed_hbm, words_hbm, ids_v, pos_v, gamma_v, beta_v, *scr):
    rows = scr[:NBUF]
    norm = scr[NBUF:2 * NBUF]
    gsem = scr[2 * NBUF:3 * NBUF]
    wsem = scr[3 * NBUF:4 * NBUF]
    nsem = scr[4 * NBUF:5 * NBUF]

    wid = lax.axis_index("s") * NC + lax.axis_index("c")
    base = wid * TOK_W

    ids_cp = pltpu.async_copy(ids_hbm.at[pl.ds(base, TOK_W)], ids_v, nsem[0])
    pos_cp = pltpu.async_copy(pos_hbm.at[pl.ds(0, L)], pos_v, nsem[1])
    g_cp = pltpu.async_copy(gamma_hbm, gamma_v, nsem[2])
    b_cp = pltpu.async_copy(beta_hbm, beta_v, nsem[3])
    ids_cp.wait()

    def gather(c, b):
        return pltpu.make_async_copy(
            word_hbm.at[ids_v.at[pl.ds(c * C, C)]], rows[b], gsem[b])

    def words_out(c, b):
        return pltpu.make_async_copy(
            rows[b], words_hbm.at[pl.ds(base + c * C, C)], wsem[b])

    def norm_out(c, b):
        return pltpu.make_async_copy(
            norm[b], normed_hbm.at[pl.ds(base + c * C, C)], nsem[b])

    for b in range(NBUF):
        gather(b, b).start()
    pos_cp.wait()
    g_cp.wait()
    b_cp.wait()

    gamma_regs = [gamma_v[pl.ds(16 * j, 16)] for j in range(NREG)]
    beta_regs = [beta_v[pl.ds(16 * j, 16)] for j in range(NREG)]

    def compute_chunk(c, b):
        rows_v, norm_v = rows[b], norm[b]
        off = lax.rem(c * C, L)

        @plsc.parallel_loop(0, C, unroll=2)
        def _tok(t):
            p = off + t
            p = jnp.where(p >= L, p - L, p)
            x = [rows_v[t, pl.ds(16 * j, 16)] + pos_v[p, pl.ds(16 * j, 16)]
                 for j in range(NREG)]
            s = jnp.sum(_tree_sum(x))
            q = jnp.sum(_tree_sum([xj * xj for xj in x]))
            mean = s * (1.0 / DIM)
            var = q * (1.0 / DIM) - mean * mean
            r = _rsqrt(var + EPS)
            a = [r * g for g in gamma_regs]
            for j in range(NREG):
                norm_v[t, pl.ds(16 * j, 16)] = (
                    (x[j] - mean) * a[j] + beta_regs[j])

    def group_body(g, carry):
        for b in range(NBUF):
            c = g * NBUF + b
            gather(c, b).wait()
            words_out(c, b).start()

            @pl.when(g >= 1)
            def _():
                norm_out(c - NBUF, b).wait()

            compute_chunk(c, b)
            norm_out(c, b).start()

            @pl.when(g < NGROUP - 1)
            def _():
                words_out(c, b).wait()
                gather(c + NBUF, b).start()
        return carry

    lax.fori_loop(0, NGROUP, group_body, 0)

    for b in range(NBUF):
        words_out(NCHUNK - NBUF + b, b).wait()
        norm_out(NCHUNK - NBUF + b, b).wait()


@functools.partial(jax.jit, static_argnames=())
def kernel(input_ids, word_table, pos_table, gamma, beta):
    ids_flat = input_ids.reshape(N).astype(jnp.int32)
    mesh = plsc.VectorSubcoreMesh(core_axis_name="c", subcore_axis_name="s")
    normed, words = pl.kernel(
        _sc_body,
        out_type=[
            jax.ShapeDtypeStruct((N, DIM), jnp.float32),
            jax.ShapeDtypeStruct((N, DIM), jnp.float32),
        ],
        mesh=mesh,
        compiler_params=pltpu.CompilerParams(needs_layout_passes=False),
        scratch_types=(
            [
                pltpu.VMEM((TOK_W,), jnp.int32),
                pltpu.VMEM((L, DIM), jnp.float32),
                pltpu.VMEM((DIM,), jnp.float32),
                pltpu.VMEM((DIM,), jnp.float32),
            ]
            + [pltpu.VMEM((C, DIM), jnp.float32)] * (2 * NBUF)
            + [pltpu.SemaphoreType.DMA] * (3 * NBUF)
        ),
    )(ids_flat, word_table, pos_table, gamma, beta)
    return (normed.reshape(B, L, DIM), words.reshape(B, L, DIM))

# --- scband reference (transcript-rebuilt; emitter-appended) ---
"""Pipeline reference for scband-bert-embeddings-44289702756424 (READ-ONLY COPY).

The authoritative reference and input builder live on the scoring server;
editing this copy changes nothing except your own understanding.
"""

import jax, jax.numpy as jnp
import numpy as np

VOCAB = 100000
DIM = 128
MAXLEN = 512
B = 1024
L = 200
EPS = 1e-12


def setup_inputs(seed: int = 0) -> dict:
    key = jax.random.key(seed)
    k1, k2, k3 = jax.random.split(key, 3)
    input_ids = jax.random.randint(k1, (B, L), 0, VOCAB, dtype=jnp.int64 if jax.config.jax_enable_x64 else jnp.int32)
    word_table = jax.random.normal(k2, (VOCAB, DIM), dtype=jnp.float32) * 0.02
    word_table = word_table.at[0].set(0.0)  # padding_idx row is zero in nn.Embedding
    pos_table = jax.random.normal(k3, (MAXLEN, DIM), dtype=jnp.float32) * 0.02
    gamma = jnp.ones((DIM,), dtype=jnp.float32)
    beta = jnp.zeros((DIM,), dtype=jnp.float32)
    return {"input_ids": input_ids, "word_table": word_table, "pos_table": pos_table, "gamma": gamma, "beta": beta}


def reference(input_ids, word_table, pos_table, gamma, beta):
    seq_length = input_ids.shape[1]
    position_ids = jnp.broadcast_to(jnp.arange(seq_length, dtype=input_ids.dtype)[None, :], input_ids.shape)
    words_embeddings = jnp.take(word_table, input_ids, axis=0)
    position_embeddings = jnp.take(pos_table, position_ids, axis=0)
    embeddings = words_embeddings + position_embeddings
    mean = jnp.mean(embeddings, axis=-1, keepdims=True)
    var = jnp.mean((embeddings - mean) ** 2, axis=-1, keepdims=True)
    normed = (embeddings - mean) / jnp.sqrt(var + EPS) * gamma + beta
    # dropout is identity in eval mode
    return (normed, words_embeddings)

if __name__ == "__main__":
    import jax
    _d = setup_inputs()
    print(jax.jit(kernel)(*tuple(_d.values())))

</pallas_src>

<mosaic_0001>
#map = affine_map<(d0, d1) -> (0)>
#map1 = affine_map<(d0, d1) -> (0, 0)>
module attributes {stable_mosaic.version = 14 : i64} {
  func.func @_sc_body(%arg0: i32, %arg1: i32, %arg2: memref<204800xi32, #tpu.memory_space<hbm>>, %arg3: memref<100000x128xf32, #tpu.memory_space<hbm>>, %arg4: memref<512x128xf32, #tpu.memory_space<hbm>>, %arg5: memref<128xf32, #tpu.memory_space<hbm>>, %arg6: memref<128xf32, #tpu.memory_space<hbm>>, %arg7: memref<204800x128xf32, #tpu.memory_space<hbm>>, %arg8: memref<204800x128xf32, #tpu.memory_space<hbm>>, %arg9: memref<6400xi32, #tpu.memory_space<vmem>>, %arg10: memref<200x128xf32, #tpu.memory_space<vmem>>, %arg11: memref<128xf32, #tpu.memory_space<vmem>>, %arg12: memref<128xf32, #tpu.memory_space<vmem>>, %arg13: memref<80x128xf32, #tpu.memory_space<vmem>>, %arg14: memref<80x128xf32, #tpu.memory_space<vmem>>, %arg15: memref<80x128xf32, #tpu.memory_space<vmem>>, %arg16: memref<80x128xf32, #tpu.memory_space<vmem>>, %arg17: memref<80x128xf32, #tpu.memory_space<vmem>>, %arg18: memref<80x128xf32, #tpu.memory_space<vmem>>, %arg19: memref<80x128xf32, #tpu.memory_space<vmem>>, %arg20: memref<80x128xf32, #tpu.memory_space<vmem>>, %arg21: memref<!tpu.dma_semaphore, #tpu.memory_space<semaphore_mem>>, %arg22: memref<!tpu.dma_semaphore, #tpu.memory_space<semaphore_mem>>, %arg23: memref<!tpu.dma_semaphore, #tpu.memory_space<semaphore_mem>>, %arg24: memref<!tpu.dma_semaphore, #tpu.memory_space<semaphore_mem>>, %arg25: memref<!tpu.dma_semaphore, #tpu.memory_space<semaphore_mem>>, %arg26: memref<!tpu.dma_semaphore, #tpu.memory_space<semaphore_mem>>, %arg27: memref<!tpu.dma_semaphore, #tpu.memory_space<semaphore_mem>>, %arg28: memref<!tpu.dma_semaphore, #tpu.memory_space<semaphore_mem>>, %arg29: memref<!tpu.dma_semaphore, #tpu.memory_space<semaphore_mem>>, %arg30: memref<!tpu.dma_semaphore, #tpu.memory_space<semaphore_mem>>, %arg31: memref<!tpu.dma_semaphore, #tpu.memory_space<semaphore_mem>>, %arg32: memref<!tpu.dma_semaphore, #tpu.memory_space<semaphore_mem>>) attributes {dimension_semantics = [#tpu.dimension_semantics<core_parallel>, #tpu.dimension_semantics<subcore_parallel>], iteration_bounds = array<i64: 2, 16>, scalar_prefetch = 0 : i64, scratch_operands = 24 : i64, tpu.core_type = #tpu.core_type<sc_vector_subcore>, window_params = [{transform_indices = #map}, {transform_indices = #map1}, {transform_indices = #map1}, {transform_indices = #map}, {transform_indices = #map}, {transform_indices = #map1}, {transform_indices = #map1}]} {
    %mul3A = arith.constant 2 : i32
    %mul3A_0 = arith.muli %arg1, %mul3A : i32
    %add3A = arith.addi %mul3A_0, %arg0 : i32
    %mul3A_1 = arith.constant 6400 : i32
    %mul3A_2 = arith.muli %add3A, %mul3A_1 : i32
    %dma_start3A = tpu.memref_slice %arg2[%mul3A_2] : memref<204800xi32, #tpu.memory_space<hbm>> -> memref<6400xi32, #tpu.memory_space<hbm>>
    %dma_start3A_3 = tpu.memref_slice %arg2[%mul3A_2] : memref<204800xi32, #tpu.memory_space<hbm>> -> memref<6400xi32, #tpu.memory_space<hbm>>
    tpu.enqueue_dma source(%dma_start3A_3 : memref<6400xi32, #tpu.memory_space<hbm>>) target(%arg9 : memref<6400xi32, #tpu.memory_space<vmem>>) target_semaphore(%arg29 : memref<!tpu.dma_semaphore, #tpu.memory_space<semaphore_mem>>)
    %dma_start3A_4 = arith.constant 0 : i32
    %dma_start3A_5 = arith.constant 0 : i32
    %dma_start3A_6 = tpu.memref_slice %arg4[%dma_start3A_4, %dma_start3A_5] : memref<512x128xf32, #tpu.memory_space<hbm>> -> memref<200x128xf32, #tpu.memory_space<hbm>>
    %dma_start3A_7 = arith.constant 0 : i32
    %dma_start3A_8 = arith.constant 0 : i32
    %dma_start3A_9 = tpu.memref_slice %arg4[%dma_start3A_7, %dma_start3A_8] : memref<512x128xf32, #tpu.memory_space<hbm>> -> memref<200x128xf32, #tpu.memory_space<hbm>>
    tpu.enqueue_dma source(%dma_start3A_9 : memref<200x128xf32, #tpu.memory_space<hbm>>) target(%arg10 : memref<200x128xf32, #tpu.memory_space<vmem>>) target_semaphore(%arg30 : memref<!tpu.dma_semaphore, #tpu.memory_space<semaphore_mem>>)
    tpu.enqueue_dma source(%arg5 : memref<128xf32, #tpu.memory_space<hbm>>) target(%arg11 : memref<128xf32, #tpu.memory_space<vmem>>) target_semaphore(%arg31 : memref<!tpu.dma_semaphore, #tpu.memory_space<semaphore_mem>>)
    tpu.enqueue_dma source(%arg6 : memref<128xf32, #tpu.memory_space<hbm>>) target(%arg12 : memref<128xf32, #tpu.memory_space<vmem>>) target_semaphore(%arg32 : memref<!tpu.dma_semaphore, #tpu.memory_space<semaphore_mem>>)
    %dma_wait3A = tpu.memref_slice %arg2[%mul3A_2] : memref<204800xi32, #tpu.memory_space<hbm>> -> memref<6400xi32, #tpu.memory_space<hbm>>
    %dma_wait3A_10 = tpu.memref_slice %arg2[%mul3A_2] : memref<204800xi32, #tpu.memory_space<hbm>> -> memref<6400xi32, #tpu.memory_space<hbm>>
    tpu.wait_dma2 semaphore(%arg29 : memref<!tpu.dma_semaphore, #tpu.memory_space<semaphore_mem>>) src(%dma_wait3A_10 : memref<6400xi32, #tpu.memory_space<hbm>>) dst(%arg9 : memref<6400xi32, #tpu.memory_space<vmem>>)
    %dma_start3A_11 = arith.constant 0 : i32
    %dma_start3A_12 = tpu.memref_slice %arg9[%dma_start3A_11] : memref<6400xi32, #tpu.memory_space<vmem>> -> memref<80xi32, #tpu.memory_space<vmem>>
    %dma_start3A_13 = arith.constant 0 : i32
    %dma_start3A_14 = arith.constant 0 : i32
    %dma_start3A_15 = tpu.memref_slice %arg3[%dma_start3A_13, %dma_start3A_14] : memref<100000x128xf32, #tpu.memory_space<hbm>> -> memref<100000x128xf32, #tpu.memory_space<hbm>>
    tpu.enqueue_indirect_dma source(%dma_start3A_15 : memref<100000x128xf32, #tpu.memory_space<hbm>>) target(%arg13 : memref<80x128xf32, #tpu.memory_space<vmem>>) offsets(%dma_start3A_12 : memref<80xi32, #tpu.memory_space<vmem>>) semaphore(%arg21 : memref<!tpu.dma_semaphore, #tpu.memory_space<semaphore_mem>>)
    %dma_start3A_16 = arith.constant 80 : i32
    %dma_start3A_17 = tpu.memref_slice %arg9[%dma_start3A_16] : memref<6400xi32, #tpu.memory_space<vmem>> -> memref<80xi32, #tpu.memory_space<vmem>>
    %dma_start3A_18 = arith.constant 0 : i32
    %dma_start3A_19 = arith.constant 0 : i32
    %dma_start3A_20 = tpu.memref_slice %arg3[%dma_start3A_18, %dma_start3A_19] : memref<100000x128xf32, #tpu.memory_space<hbm>> -> memref<100000x128xf32, #tpu.memory_space<hbm>>
    tpu.enqueue_indirect_dma source(%dma_start3A_20 : memref<100000x128xf32, #tpu.memory_space<hbm>>) target(%arg14 : memref<80x128xf32, #tpu.memory_space<vmem>>) offsets(%dma_start3A_17 : memref<80xi32, #tpu.memory_space<vmem>>) semaphore(%arg22 : memref<!tpu.dma_semaphore, #tpu.memory_space<semaphore_mem>>)
    %dma_start3A_21 = arith.constant 160 : i32
    %dma_start3A_22 = tpu.memref_slice %arg9[%dma_start3A_21] : memref<6400xi32, #tpu.memory_space<vmem>> -> memref<80xi32, #tpu.memory_space<vmem>>
    %dma_start3A_23 = arith.constant 0 : i32
    %dma_start3A_24 = arith.constant 0 : i32
    %dma_start3A_25 = tpu.memref_slice %arg3[%dma_start3A_23, %dma_start3A_24] : memref<100000x128xf32, #tpu.memory_space<hbm>> -> memref<100000x128xf32, #tpu.memory_space<hbm>>
    tpu.enqueue_indirect_dma source(%dma_start3A_25 : memref<100000x128xf32, #tpu.memory_space<hbm>>) target(%arg15 : memref<80x128xf32, #tpu.memory_space<vmem>>) offsets(%dma_start3A_22 : memref<80xi32, #tpu.memory_space<vmem>>) semaphore(%arg23 : memref<!tpu.dma_semaphore, #tpu.memory_space<semaphore_mem>>)
    %dma_start3A_26 = arith.constant 240 : i32
    %dma_start3A_27 = tpu.memref_slice %arg9[%dma_start3A_26] : memref<6400xi32, #tpu.memory_space<vmem>> -> memref<80xi32, #tpu.memory_space<vmem>>
    %dma_start3A_28 = arith.constant 0 : i32
    %dma_start3A_29 = arith.constant 0 : i32
    %dma_start3A_30 = tpu.memref_slice %arg3[%dma_start3A_28, %dma_start3A_29] : memref<100000x128xf32, #tpu.memory_space<hbm>> -> memref<100000x128xf32, #tpu.memory_space<hbm>>
    tpu.enqueue_indirect_dma source(%dma_start3A_30 : memref<100000x128xf32, #tpu.memory_space<hbm>>) target(%arg16 : memref<80x128xf32, #tpu.memory_space<vmem>>) offsets(%dma_start3A_27 : memref<80xi32, #tpu.memory_space<vmem>>) semaphore(%arg24 : memref<!tpu.dma_semaphore, #tpu.memory_space<semaphore_mem>>)
    %dma_wait3A_31 = arith.constant 0 : i32
    %dma_wait3A_32 = arith.constant 0 : i32
    %dma_wait3A_33 = tpu.memref_slice %arg4[%dma_wait3A_31, %dma_wait3A_32] : memref<512x128xf32, #tpu.memory_space<hbm>> -> memref<200x128xf32, #tpu.memory_space<hbm>>
    %dma_wait3A_34 = arith.constant 0 : i32
    %dma_wait3A_35 = arith.constant 0 : i32
    %dma_wait3A_36 = tpu.memref_slice %arg4[%dma_wait3A_34, %dma_wait3A_35] : memref<512x128xf32, #tpu.memory_space<hbm>> -> memref<200x128xf32, #tpu.memory_space<hbm>>
    tpu.wait_dma2 semaphore(%arg30 : memref<!tpu.dma_semaphore, #tpu.memory_space<semaphore_mem>>) src(%dma_wait3A_36 : memref<200x128xf32, #tpu.memory_space<hbm>>) dst(%arg10 : memref<200x128xf32, #tpu.memory_space<vmem>>)
    tpu.wait_dma2 semaphore(%arg31 : memref<!tpu.dma_semaphore, #tpu.memory_space<semaphore_mem>>) src(%arg5 : memref<128xf32, #tpu.memory_space<hbm>>) dst(%arg11 : memref<128xf32, #tpu.memory_space<vmem>>)
    tpu.wait_dma2 semaphore(%arg32 : memref<!tpu.dma_semaphore, #tpu.memory_space<semaphore_mem>>) src(%arg6 : memref<128xf32, #tpu.memory_space<hbm>>) dst(%arg12 : memref<128xf32, #tpu.memory_space<vmem>>)
    %get3A = arith.constant 0 : index
    %get3A_37 = tpu.vector_load %arg11[%get3A] {strides = array<i32>} : memref<128xf32, #tpu.memory_space<vmem>>, vector<16xf32>,
    %get3A_38 = arith.constant 16 : index
    %get3A_39 = tpu.vector_load %arg11[%get3A_38] {strides = array<i32>} : memref<128xf32, #tpu.memory_space<vmem>>, vector<16xf32>,
    %get3A_40 = arith.constant 32 : index
    %get3A_41 = tpu.vector_load %arg11[%get3A_40] {strides = array<i32>} : memref<128xf32, #tpu.memory_space<vmem>>, vector<16xf32>,
    %get3A_42 = arith.constant 48 : index
    %get3A_43 = tpu.vector_load %arg11[%get3A_42] {strides = array<i32>} : memref<128xf32, #tpu.memory_space<vmem>>, vector<16xf32>,
    %get3A_44 = arith.constant 64 : index
    %get3A_45 = tpu.vector_load %arg11[%get3A_44] {strides = array<i32>} : memref<128xf32, #tpu.memory_space<vmem>>, vector<16xf32>,
    %get3A_46 = arith.constant 80 : index
    %get3A_47 = tpu.vector_load %arg11[%get3A_46] {strides = array<i32>} : memref<128xf32, #tpu.memory_space<vmem>>, vector<16xf32>,
    %get3A_48 = arith.constant 96 : index
    %get3A_49 = tpu.vector_load %arg11[%get3A_48] {strides = array<i32>} : memref<128xf32, #tpu.memory_space<vmem>>, vector<16xf32>,
    %get3A_50 = arith.constant 112 : index
    %get3A_51 = tpu.vector_load %arg11[%get3A_50] {strides = array<i32>} : memref<128xf32, #tpu.memory_space<vmem>>, vector<16xf32>,
    %get3A_52 = arith.constant 0 : index
    %get3A_53 = tpu.vector_load %arg12[%get3A_52] {strides = array<i32>} : memref<128xf32, #tpu.memory_space<vmem>>, vector<16xf32>,
    %get3A_54 = arith.constant 16 : index
    %get3A_55 = tpu.vector_load %arg12[%get3A_54] {strides = array<i32>} : memref<128xf32, #tpu.memory_space<vmem>>, vector<16xf32>,
    %get3A_56 = arith.constant 32 : index
    %get3A_57 = tpu.vector_load %arg12[%get3A_56] {strides = array<i32>} : memref<128xf32, #tpu.memory_space<vmem>>, vector<16xf32>,
    %get3A_58 = arith.constant 48 : index
    %get3A_59 = tpu.vector_load %arg12[%get3A_58] {strides = array<i32>} : memref<128xf32, #tpu.memory_space<vmem>>, vector<16xf32>,
    %get3A_60 = arith.constant 64 : index
    %get3A_61 = tpu.vector_load %arg12[%get3A_60] {strides = array<i32>} : memref<128xf32, #tpu.memory_space<vmem>>, vector<16xf32>,
    %get3A_62 = arith.constant 80 : index
    %get3A_63 = tpu.vector_load %arg12[%get3A_62] {strides = array<i32>} : memref<128xf32, #tpu.memory_space<vmem>>, vector<16xf32>,
    %get3A_64 = arith.constant 96 : index
    %get3A_65 = tpu.vector_load %arg12[%get3A_64] {strides = array<i32>} : memref<128xf32, #tpu.memory_space<vmem>>, vector<16xf32>,
    %get3A_66 = arith.constant 112 : index
    %get3A_67 = tpu.vector_load %arg12[%get3A_66] {strides = array<i32>} : memref<128xf32, #tpu.memory_space<vmem>>, vector<16xf32>,
    %scan3A = arith.constant 0 : i32
    %scan3A_68 = arith.constant 0 : i32
    %scan3A_69 = arith.constant 20 : i32
    %scan3A_70 = arith.addi %scan3A_68, %scan3A_69 : i32
    %scan3A_71 = arith.constant 1 : i32
    scf.for %scan3A_121 = %scan3A_68 to %scan3A_70 step %scan3A_71  : i32 {
      %mul3A_122 = arith.constant 4 : i32
      %mul3A_123 = arith.muli %scan3A_121, %mul3A_122 : i32
      %add3A_124 = arith.constant 0 : i32
      %add3A_125 = arith.addi %mul3A_123, %add3A_124 : i32
      %mul3A_126 = arith.constant 80 : i32
      %mul3A_127 = arith.muli %add3A_125, %mul3A_126 : i32
      %dma_wait3A_128 = tpu.memref_slice %arg9[%mul3A_127] : memref<6400xi32, #tpu.memory_space<vmem>> -> memref<80xi32, #tpu.memory_space<vmem>>
      %dma_wait3A_129 = arith.constant 0 : i32
      %dma_wait3A_130 = arith.constant 0 : i32
      %dma_wait3A_131 = tpu.memref_slice %arg3[%dma_wait3A_129, %dma_wait3A_130] : memref<100000x128xf32, #tpu.memory_space<hbm>> -> memref<100000x128xf32, #tpu.memory_space<hbm>>
      tpu.wait_indirect_dma semaphore(%arg21 : memref<!tpu.dma_semaphore, #tpu.memory_space<semaphore_mem>>) src(%dma_wait3A_131 : memref<100000x128xf32, #tpu.memory_space<hbm>>) dst(%arg13 : memref<80x128xf32, #tpu.memory_space<vmem>>)
      %mul3A_132 = arith.constant 80 : i32
      %mul3A_133 = arith.muli %add3A_125, %mul3A_132 : i32
      %add3A_134 = arith.addi %mul3A_2, %mul3A_133 : i32
      %dma_start3A_135 = arith.constant 0 : i32
      %dma_start3A_136 = tpu.memref_slice %arg8[%add3A_134, %dma_start3A_135] : memref<204800x128xf32, #tpu.memory_space<hbm>> -> memref<80x128xf32, #tpu.memory_space<hbm>>
      %dma_start3A_137 = arith.constant 0 : i32
      %dma_start3A_138 = tpu.memref_slice %arg8[%add3A_134, %dma_start3A_137] : memref<204800x128xf32, #tpu.memory_space<hbm>> -> memref<80x128xf32, #tpu.memory_space<hbm>>
      tpu.enqueue_dma source(%arg13 : memref<80x128xf32, #tpu.memory_space<vmem>>) target(%dma_start3A_138 : memref<80x128xf32, #tpu.memory_space<hbm>>) target_semaphore(%arg25 : memref<!tpu.dma_semaphore, #tpu.memory_space<semaphore_mem>>)
      %ge3A = arith.constant 1 : i32
      %ge3A_139 = arith.cmpi sge, %scan3A_121, %ge3A : i32
      %convert_element_type3A = arith.extui %ge3A_139 : i1 to i32
      %cond3A = arith.constant 0 : i32
      %cond3A_140 = arith.cmpi ne, %convert_element_type3A, %cond3A : i32
      scf.if %cond3A_140 {
        %sub3A = arith.constant 4 : i32
        %sub3A_280 = arith.subi %add3A_125, %sub3A : i32
        %mul3A_281 = arith.constant 80 : i32
        %mul3A_282 = arith.muli %sub3A_280, %mul3A_281 : i32
        %add3A_283 = arith.addi %mul3A_2, %mul3A_282 : i32
        %dma_wait3A_284 = arith.constant 0 : i32
        %dma_wait3A_285 = tpu.memref_slice %arg7[%add3A_283, %dma_wait3A_284] : memref<204800x128xf32, #tpu.memory_space<hbm>> -> memref<80x128xf32, #tpu.memory_space<hbm>>
        %dma_wait3A_286 = arith.constant 0 : i32
        %dma_wait3A_287 = tpu.memref_slice %arg7[%add3A_283, %dma_wait3A_286] : memref<204800x128xf32, #tpu.memory_space<hbm>> -> memref<80x128xf32, #tpu.memory_space<hbm>>
        tpu.wait_dma2 semaphore(%arg29 : memref<!tpu.dma_semaphore, #tpu.memory_space<semaphore_mem>>) src(%arg17 : memref<80x128xf32, #tpu.memory_space<vmem>>) dst(%dma_wait3A_287 : memref<80x128xf32, #tpu.memory_space<hbm>>)
      } else {
      }
      %mul3A_141 = arith.constant 80 : i32
      %mul3A_142 = arith.muli %add3A_125, %mul3A_141 : i32
      %rem3A = arith.constant 200 : i32
      %rem3A_143 = arith.remsi %mul3A_142, %rem3A : i32
      %parallel_loop3A = arith.constant 0 : i32
      %parallel_loop3A_144 = arith.constant 80 : i32
      %parallel_loop3A_145 = arith.constant 1 : i32
      scf.for %parallel_loop3A_280 = %parallel_loop3A to %parallel_loop3A_144 step %parallel_loop3A_145  : i32 {
        %parallel_loop3A_281 = arith.addi %rem3A_143, %parallel_loop3A_280 : i32
        %parallel_loop3A_282 = arith.constant 200 : i32
        %parallel_loop3A_283 = arith.cmpi sge, %parallel_loop3A_281, %parallel_loop3A_282 : i32
        %parallel_loop3A_284 = arith.constant 200 : i32
        %parallel_loop3A_285 = arith.subi %parallel_loop3A_281, %parallel_loop3A_284 : i32
        %parallel_loop3A_286 = arith.select %parallel_loop3A_283, %parallel_loop3A_285, %parallel_loop3A_281 : i32
        %parallel_loop3A_287 = arith.index_cast %parallel_loop3A_280 : i32 to index
        %parallel_loop3A_288 = arith.constant 0 : index
        %parallel_loop3A_289 = tpu.vector_load %arg13[%parallel_loop3A_287, %parallel_loop3A_288] {strides = array<i32>} : memref<80x128xf32, #tpu.memory_space<vmem>>, vector<16xf32>,
        %parallel_loop3A_290 = arith.index_cast %parallel_loop3A_286 : i32 to index
        %parallel_loop3A_291 = arith.constant 0 : index
        %parallel_loop3A_292 = tpu.vector_load %arg10[%parallel_loop3A_290, %parallel_loop3A_291] {strides = array<i32>} : memref<200x128xf32, #tpu.memory_space<vmem>>, vector<16xf32>,
        %parallel_loop3A_293 = arith.addf %parallel_loop3A_289, %parallel_loop3A_292 : vector<16xf32>
        %parallel_loop3A_294 = arith.index_cast %parallel_loop3A_280 : i32 to index
        %parallel_loop3A_295 = arith.constant 16 : index
        %parallel_loop3A_296 = tpu.vector_load %arg13[%parallel_loop3A_294, %parallel_loop3A_295] {strides = array<i32>} : memref<80x128xf32, #tpu.memory_space<vmem>>, vector<16xf32>,
        %parallel_loop3A_297 = arith.index_cast %parallel_loop3A_286 : i32 to index
        %parallel_loop3A_298 = arith.constant 16 : index
        %parallel_loop3A_299 = tpu.vector_load %arg10[%parallel_loop3A_297, %parallel_loop3A_298] {strides = array<i32>} : memref<200x128xf32, #tpu.memory_space<vmem>>, vector<16xf32>,
        %parallel_loop3A_300 = arith.addf %parallel_loop3A_296, %parallel_loop3A_299 : vector<16xf32>
        %parallel_loop3A_301 = arith.index_cast %parallel_loop3A_280 : i32 to index
        %parallel_loop3A_302 = arith.constant 32 : index
        %parallel_loop3A_303 = tpu.vector_load %arg13[%parallel_loop3A_301, %parallel_loop3A_302] {strides = array<i32>} : memref<80x128xf32, #tpu.memory_space<vmem>>, vector<16xf32>,
        %parallel_loop3A_304 = arith.index_cast %parallel_loop3A_286 : i32 to index
        %parallel_loop3A_305 = arith.constant 32 : index
        %parallel_loop3A_306 = tpu.vector_load %arg10[%parallel_loop3A_304, %parallel_loop3A_305] {strides = array<i32>} : memref<200x128xf32, #tpu.memory_space<vmem>>, vector<16xf32>,
        %parallel_loop3A_307 = arith.addf %parallel_loop3A_303, %parallel_loop3A_306 : vector<16xf32>
        %parallel_loop3A_308 = arith.index_cast %parallel_loop3A_280 : i32 to index
        %parallel_loop3A_309 = arith.constant 48 : index
        %parallel_loop3A_310 = tpu.vector_load %arg13[%parallel_loop3A_308, %parallel_loop3A_309] {strides = array<i32>} : memref<80x128xf32, #tpu.memory_space<vmem>>, vector<16xf32>,
        %parallel_loop3A_311 = arith.index_cast %parallel_loop3A_286 : i32 to index
        %parallel_loop3A_312 = arith.constant 48 : index
        %parallel_loop3A_313 = tpu.vector_load %arg10[%parallel_loop3A_311, %parallel_loop3A_312] {strides = array<i32>} : memref<200x128xf32, #tpu.memory_space<vmem>>, vector<16xf32>,
        %parallel_loop3A_314 = arith.addf %parallel_loop3A_310, %parallel_loop3A_313 : vector<16xf32>
        %parallel_loop3A_315 = arith.index_cast %parallel_loop3A_280 : i32 to index
        %parallel_loop3A_316 = arith.constant 64 : index
        %parallel_loop3A_317 = tpu.vector_load %arg13[%parallel_loop3A_315, %parallel_loop3A_316] {strides = array<i32>} : memref<80x128xf32, #tpu.memory_space<vmem>>, vector<16xf32>,
        %parallel_loop3A_318 = arith.index_cast %parallel_loop3A_286 : i32 to index
        %parallel_loop3A_319 = arith.constant 64 : index
        %parallel_loop3A_320 = tpu.vector_load %arg10[%parallel_loop3A_318, %parallel_loop3A_319] {strides = array<i32>} : memref<200x128xf32, #tpu.memory_space<vmem>>, vector<16xf32>,
        %parallel_loop3A_321 = arith.addf %parallel_loop3A_317, %parallel_loop3A_320 : vector<16xf32>
        %parallel_loop3A_322 = arith.index_cast %parallel_loop3A_280 : i32 to index
        %parallel_loop3A_323 = arith.constant 80 : index
        %parallel_loop3A_324 = tpu.vector_load %arg13[%parallel_loop3A_322, %parallel_loop3A_323] {strides = array<i32>} : memref<80x128xf32, #tpu.memory_space<vmem>>, vector<16xf32>,
        %parallel_loop3A_325 = arith.index_cast %parallel_loop3A_286 : i32 to index
        %parallel_loop3A_326 = arith.constant 80 : index
        %parallel_loop3A_327 = tpu.vector_load %arg10[%parallel_loop3A_325, %parallel_loop3A_326] {strides = array<i32>} : memref<200x128xf32, #tpu.memory_space<vmem>>, vector<16xf32>,
        %parallel_loop3A_328 = arith.addf %parallel_loop3A_324, %parallel_loop3A_327 : vector<16xf32>
        %parallel_loop3A_329 = arith.index_cast %parallel_loop3A_280 : i32 to index
        %parallel_loop3A_330 = arith.constant 96 : index
        %parallel_loop3A_331 = tpu.vector_load %arg13[%parallel_loop3A_329, %parallel_loop3A_330] {strides = array<i32>} : memref<80x128xf32, #tpu.memory_space<vmem>>, vector<16xf32>,
        %parallel_loop3A_332 = arith.index_cast %parallel_loop3A_286 : i32 to index
        %parallel_loop3A_333 = arith.constant 96 : index
        %parallel_loop3A_334 = tpu.vector_load %arg10[%parallel_loop3A_332, %parallel_loop3A_333] {strides = array<i32>} : memref<200x128xf32, #tpu.memory_space<vmem>>, vector<16xf32>,
        %parallel_loop3A_335 = arith.addf %parallel_loop3A_331, %parallel_loop3A_334 : vector<16xf32>
        %parallel_loop3A_336 = arith.index_cast %parallel_loop3A_280 : i32 to index
        %parallel_loop3A_337 = arith.constant 112 : index
        %parallel_loop3A_338 = tpu.vector_load %arg13[%parallel_loop3A_336, %parallel_loop3A_337] {strides = array<i32>} : memref<80x128xf32, #tpu.memory_space<vmem>>, vector<16xf32>,
        %parallel_loop3A_339 = arith.index_cast %parallel_loop3A_286 : i32 to index
        %parallel_loop3A_340 = arith.constant 112 : index
        %parallel_loop3A_341 = tpu.vector_load %arg10[%parallel_loop3A_339, %parallel_loop3A_340] {strides = array<i32>} : memref<200x128xf32, #tpu.memory_space<vmem>>, vector<16xf32>,
        %parallel_loop3A_342 = arith.addf %parallel_loop3A_338, %parallel_loop3A_341 : vector<16xf32>
        %parallel_loop3A_343 = arith.addf %parallel_loop3A_293, %parallel_loop3A_300 : vector<16xf32>
        %parallel_loop3A_344 = arith.addf %parallel_loop3A_307, %parallel_loop3A_314 : vector<16xf32>
        %parallel_loop3A_345 = arith.addf %parallel_loop3A_321, %parallel_loop3A_328 : vector<16xf32>
        %parallel_loop3A_346 = arith.addf %parallel_loop3A_335, %parallel_loop3A_342 : vector<16xf32>
        %parallel_loop3A_347 = arith.addf %parallel_loop3A_343, %parallel_loop3A_344 : vector<16xf32>
        %parallel_loop3A_348 = arith.addf %parallel_loop3A_345, %parallel_loop3A_346 : vector<16xf32>
        %parallel_loop3A_349 = arith.addf %parallel_loop3A_347, %parallel_loop3A_348 : vector<16xf32>
        %parallel_loop3A_350 = arith.constant true
        %parallel_loop3A_351 = vector.broadcast %parallel_loop3A_350 : i1 to vector<16xi1>
        %parallel_loop3A_352 = tpu.scan <sum>, %parallel_loop3A_349 masked %parallel_loop3A_351 : vector<16xf32>, vector<16xi1> -> vector<16xf32>
        %parallel_loop3A_353 = vector.extract %parallel_loop3A_352[15] : f32 from vector<16xf32>
        %parallel_loop3A_354 = arith.mulf %parallel_loop3A_293, %parallel_loop3A_293 : vector<16xf32>
        %parallel_loop3A_355 = arith.mulf %parallel_loop3A_300, %parallel_loop3A_300 : vector<16xf32>
        %parallel_loop3A_356 = arith.mulf %parallel_loop3A_307, %parallel_loop3A_307 : vector<16xf32>
        %parallel_loop3A_357 = arith.mulf %parallel_loop3A_314, %parallel_loop3A_314 : vector<16xf32>
        %parallel_loop3A_358 = arith.mulf %parallel_loop3A_321, %parallel_loop3A_321 : vector<16xf32>
        %parallel_loop3A_359 = arith.mulf %parallel_loop3A_328, %parallel_loop3A_328 : vector<16xf32>
        %parallel_loop3A_360 = arith.mulf %parallel_loop3A_335, %parallel_loop3A_335 : vector<16xf32>
        %parallel_loop3A_361 = arith.mulf %parallel_loop3A_342, %parallel_loop3A_342 : vector<16xf32>
        %parallel_loop3A_362 = arith.addf %parallel_loop3A_354, %parallel_loop3A_355 : vector<16xf32>
        %parallel_loop3A_363 = arith.addf %parallel_loop3A_356, %parallel_loop3A_357 : vector<16xf32>
        %parallel_loop3A_364 = arith.addf %parallel_loop3A_358, %parallel_loop3A_359 : vector<16xf32>
        %parallel_loop3A_365 = arith.addf %parallel_loop3A_360, %parallel_loop3A_361 : vector<16xf32>
        %parallel_loop3A_366 = arith.addf %parallel_loop3A_362, %parallel_loop3A_363 : vector<16xf32>
        %parallel_loop3A_367 = arith.addf %parallel_loop3A_364, %parallel_loop3A_365 : vector<16xf32>
        %parallel_loop3A_368 = arith.addf %parallel_loop3A_366, %parallel_loop3A_367 : vector<16xf32>
        %parallel_loop3A_369 = arith.constant true
        %parallel_loop3A_370 = vector.broadcast %parallel_loop3A_369 : i1 to vector<16xi1>
        %parallel_loop3A_371 = tpu.scan <sum>, %parallel_loop3A_368 masked %parallel_loop3A_370 : vector<16xf32>, vector<16xi1> -> vector<16xf32>
        %parallel_loop3A_372 = vector.extract %parallel_loop3A_371[15] : f32 from vector<16xf32>
        %parallel_loop3A_373 = arith.constant 7.812500e-03 : f32
        %parallel_loop3A_374 = arith.mulf %parallel_loop3A_353, %parallel_loop3A_373 : f32
        %parallel_loop3A_375 = arith.constant 7.812500e-03 : f32
        %parallel_loop3A_376 = arith.mulf %parallel_loop3A_372, %parallel_loop3A_375 : f32
        %parallel_loop3A_377 = arith.mulf %parallel_loop3A_374, %parallel_loop3A_374 : f32
        %parallel_loop3A_378 = arith.subf %parallel_loop3A_376, %parallel_loop3A_377 : f32
        %parallel_loop3A_379 = arith.constant 9.99999996E-13 : f32
        %parallel_loop3A_380 = arith.addf %parallel_loop3A_378, %parallel_loop3A_379 : f32
        %parallel_loop3A_381 = arith.bitcast %parallel_loop3A_380 : f32 to i32
        %parallel_loop3A_382 = arith.constant 1 : i32
        %parallel_loop3A_383 = arith.shrsi %parallel_loop3A_381, %parallel_loop3A_382 : i32
        %parallel_loop3A_384 = arith.constant 1597463007 : i32
        %parallel_loop3A_385 = arith.subi %parallel_loop3A_384, %parallel_loop3A_383 : i32
        %parallel_loop3A_386 = arith.bitcast %parallel_loop3A_385 : i32 to f32
        %parallel_loop3A_387 = arith.constant 5.000000e-01 : f32
        %parallel_loop3A_388 = arith.mulf %parallel_loop3A_387, %parallel_loop3A_380 : f32
        %parallel_loop3A_389 = arith.mulf %parallel_loop3A_388, %parallel_loop3A_386 : f32
        %parallel_loop3A_390 = arith.mulf %parallel_loop3A_389, %parallel_loop3A_386 : f32
        %parallel_loop3A_391 = arith.constant 1.500000e+00 : f32
        %parallel_loop3A_392 = arith.subf %parallel_loop3A_391, %parallel_loop3A_390 : f32
        %parallel_loop3A_393 = arith.mulf %parallel_loop3A_386, %parallel_loop3A_392 : f32
        %parallel_loop3A_394 = arith.constant 5.000000e-01 : f32
        %parallel_loop3A_395 = arith.mulf %parallel_loop3A_394, %parallel_loop3A_380 : f32
        %parallel_loop3A_396 = arith.mulf %parallel_loop3A_395, %parallel_loop3A_393 : f32
        %parallel_loop3A_397 = arith.mulf %parallel_loop3A_396, %parallel_loop3A_393 : f32
        %parallel_loop3A_398 = arith.constant 1.500000e+00 : f32
        %parallel_loop3A_399 = arith.subf %parallel_loop3A_398, %parallel_loop3A_397 : f32
        %parallel_loop3A_400 = arith.mulf %parallel_loop3A_393, %parallel_loop3A_399 : f32
        %parallel_loop3A_401 = arith.constant 5.000000e-01 : f32
        %parallel_loop3A_402 = arith.mulf %parallel_loop3A_401, %parallel_loop3A_380 : f32
        %parallel_loop3A_403 = arith.mulf %parallel_loop3A_402, %parallel_loop3A_400 : f32
        %parallel_loop3A_404 = arith.mulf %parallel_loop3A_403, %parallel_loop3A_400 : f32
        %parallel_loop3A_405 = arith.constant 1.500000e+00 : f32
        %parallel_loop3A_406 = arith.subf %parallel_loop3A_405, %parallel_loop3A_404 : f32
        %parallel_loop3A_407 = arith.mulf %parallel_loop3A_400, %parallel_loop3A_406 : f32
        %parallel_loop3A_408 = vector.broadcast %parallel_loop3A_407 : f32 to vector<16xf32>
        %parallel_loop3A_409 = arith.mulf %parallel_loop3A_408, %get3A_37 : vector<16xf32>
        %parallel_loop3A_410 = vector.broadcast %parallel_loop3A_407 : f32 to vector<16xf32>
        %parallel_loop3A_411 = arith.mulf %parallel_loop3A_410, %get3A_39 : vector<16xf32>
        %parallel_loop3A_412 = vector.broadcast %parallel_loop3A_407 : f32 to vector<16xf32>
        %parallel_loop3A_413 = arith.mulf %parallel_loop3A_412, %get3A_41 : vector<16xf32>
        %parallel_loop3A_414 = vector.broadcast %parallel_loop3A_407 : f32 to vector<16xf32>
        %parallel_loop3A_415 = arith.mulf %parallel_loop3A_414, %get3A_43 : vector<16xf32>
        %parallel_loop3A_416 = vector.broadcast %parallel_loop3A_407 : f32 to vector<16xf32>
        %parallel_loop3A_417 = arith.mulf %parallel_loop3A_416, %get3A_45 : vector<16xf32>
        %parallel_loop3A_418 = vector.broadcast %parallel_loop3A_407 : f32 to vector<16xf32>
        %parallel_loop3A_419 = arith.mulf %parallel_loop3A_418, %get3A_47 : vector<16xf32>
        %parallel_loop3A_420 = vector.broadcast %parallel_loop3A_407 : f32 to vector<16xf32>
        %parallel_loop3A_421 = arith.mulf %parallel_loop3A_420, %get3A_49 : vector<16xf32>
        %parallel_loop3A_422 = vector.broadcast %parallel_loop3A_407 : f32 to vector<16xf32>
        %parallel_loop3A_423 = arith.mulf %parallel_loop3A_422, %get3A_51 : vector<16xf32>
        %parallel_loop3A_424 = vector.broadcast %parallel_loop3A_374 : f32 to vector<16xf32>
        %parallel_loop3A_425 = arith.subf %parallel_loop3A_293, %parallel_loop3A_424 : vector<16xf32>
        %parallel_loop3A_426 = arith.mulf %parallel_loop3A_425, %parallel_loop3A_409 : vector<16xf32>
        %parallel_loop3A_427 = arith.addf %parallel_loop3A_426, %get3A_53 : vector<16xf32>
        %parallel_loop3A_428 = arith.index_cast %parallel_loop3A_280 : i32 to index
        %parallel_loop3A_429 = arith.constant 0 : index
        %parallel_loop3A_430 = tpu.vector_load %arg17[%parallel_loop3A_428, %parallel_loop3A_429] {strides = array<i32>} : memref<80x128xf32, #tpu.memory_space<vmem>>, vector<16xf32>,
        tpu.vector_store %arg17[%parallel_loop3A_428, %parallel_loop3A_429], %parallel_loop3A_427 {strides = array<i32>} : memref<80x128xf32, #tpu.memory_space<vmem>>, vector<16xf32>,
        %parallel_loop3A_431 = vector.broadcast %parallel_loop3A_374 : f32 to vector<16xf32>
        %parallel_loop3A_432 = arith.subf %parallel_loop3A_300, %parallel_loop3A_431 : vector<16xf32>
        %parallel_loop3A_433 = arith.mulf %parallel_loop3A_432, %parallel_loop3A_411 : vector<16xf32>
        %parallel_loop3A_434 = arith.addf %parallel_loop3A_433, %get3A_55 : vector<16xf32>
        %parallel_loop3A_435 = arith.index_cast %parallel_loop3A_280 : i32 to index
        %parallel_loop3A_436 = arith.constant 16 : index
        %parallel_loop3A_437 = tpu.vector_load %arg17[%parallel_loop3A_435, %parallel_loop3A_436] {strides = array<i32>} : memref<80x128xf32, #tpu.memory_space<vmem>>, vector<16xf32>,
        tpu.vector_store %arg17[%parallel_loop3A_435, %parallel_loop3A_436], %parallel_loop3A_434 {strides = array<i32>} : memref<80x128xf32, #tpu.memory_space<vmem>>, vector<16xf32>,
        %parallel_loop3A_438 = vector.broadcast %parallel_loop3A_374 : f32 to vector<16xf32>
        %parallel_loop3A_439 = arith.subf %parallel_loop3A_307, %parallel_loop3A_438 : vector<16xf32>
        %parallel_loop3A_440 = arith.mulf %parallel_loop3A_439, %parallel_loop3A_413 : vector<16xf32>
        %parallel_loop3A_441 = arith.addf %parallel_loop3A_440, %get3A_57 : vector<16xf32>
        %parallel_loop3A_442 = arith.index_cast %parallel_loop3A_280 : i32 to index
        %parallel_loop3A_443 = arith.constant 32 : index
        %parallel_loop3A_444 = tpu.vector_load %arg17[%parallel_loop3A_442, %parallel_loop3A_443] {strides = array<i32>} : memref<80x128xf32, #tpu.memory_space<vmem>>, vector<16xf32>,
        tpu.vector_store %arg17[%parallel_loop3A_442, %parallel_loop3A_443], %parallel_loop3A_441 {strides = array<i32>} : memref<80x128xf32, #tpu.memory_space<vmem>>, vector<16xf32>,
        %parallel_loop3A_445 = vector.broadcast %parallel_loop3A_374 : f32 to vector<16xf32>
        %parallel_loop3A_446 = arith.subf %parallel_loop3A_314, %parallel_loop3A_445 : vector<16xf32>
        %parallel_loop3A_447 = arith.mulf %parallel_loop3A_446, %parallel_loop3A_415 : vector<16xf32>
        %parallel_loop3A_448 = arith.addf %parallel_loop3A_447, %get3A_59 : vector<16xf32>
        %parallel_loop3A_449 = arith.index_cast %parallel_loop3A_280 : i32 to index
        %parallel_loop3A_450 = arith.constant 48 : index
        %parallel_loop3A_451 = tpu.vector_load %arg17[%parallel_loop3A_449, %parallel_loop3A_450] {strides = array<i32>} : memref<80x128xf32, #tpu.memory_space<vmem>>, vector<16xf32>,
        tpu.vector_store %arg17[%parallel_loop3A_449, %parallel_loop3A_450], %parallel_loop3A_448 {strides = array<i32>} : memref<80x128xf32, #tpu.memory_space<vmem>>, vector<16xf32>,
        %parallel_loop3A_452 = vector.broadcast %parallel_loop3A_374 : f32 to vector<16xf32>
        %parallel_loop3A_453 = arith.subf %parallel_loop3A_321, %parallel_loop3A_452 : vector<16xf32>
        %parallel_loop3A_454 = arith.mulf %parallel_loop3A_453, %parallel_loop3A_417 : vector<16xf32>
        %parallel_loop3A_455 = arith.addf %parallel_loop3A_454, %get3A_61 : vector<16xf32>
        %parallel_loop3A_456 = arith.index_cast %parallel_loop3A_280 : i32 to index
        %parallel_loop3A_457 = arith.constant 64 : index
        %parallel_loop3A_458 = tpu.vector_load %arg17[%parallel_loop3A_456, %parallel_loop3A_457] {strides = array<i32>} : memref<80x128xf32, #tpu.memory_space<vmem>>, vector<16xf32>,
        tpu.vector_store %arg17[%parallel_loop3A_456, %parallel_loop3A_457], %parallel_loop3A_455 {strides = array<i32>} : memref<80x128xf32, #tpu.memory_space<vmem>>, vector<16xf32>,
        %parallel_loop3A_459 = vector.broadcast %parallel_loop3A_374 : f32 to vector<16xf32>
        %parallel_loop3A_460 = arith.subf %parallel_loop3A_328, %parallel_loop3A_459 : vector<16xf32>
        %parallel_loop3A_461 = arith.mulf %parallel_loop3A_460, %parallel_loop3A_419 : vector<16xf32>
        %parallel_loop3A_462 = arith.addf %parallel_loop3A_461, %get3A_63 : vector<16xf32>
        %parallel_loop3A_463 = arith.index_cast %parallel_loop3A_280 : i32 to index
        %parallel_loop3A_464 = arith.constant 80 : index
        %parallel_loop3A_465 = tpu.vector_load %arg17[%parallel_loop3A_463, %parallel_loop3A_464] {strides = array<i32>} : memref<80x128xf32, #tpu.memory_space<vmem>>, vector<16xf32>,
        tpu.vector_store %arg17[%parallel_loop3A_463, %parallel_loop3A_464], %parallel_loop3A_462 {strides = array<i32>} : memref<80x128xf32, #tpu.memory_space<vmem>>, vector<16xf32>,
        %parallel_loop3A_466 = vector.broadcast %parallel_loop3A_374 : f32 to vector<16xf32>
        %parallel_loop3A_467 = arith.subf %parallel_loop3A_335, %parallel_loop3A_466 : vector<16xf32>
        %parallel_loop3A_468 = arith.mulf %parallel_loop3A_467, %parallel_loop3A_421 : vector<16xf32>
        %parallel_loop3A_469 = arith.addf %parallel_loop3A_468, %get3A_65 : vector<16xf32>
        %parallel_loop3A_470 = arith.index_cast %parallel_loop3A_280 : i32 to index
        %parallel_loop3A_471 = arith.constant 96 : index
        %parallel_loop3A_472 = tpu.vector_load %arg17[%parallel_loop3A_470, %parallel_loop3A_471] {strides = array<i32>} : memref<80x128xf32, #tpu.memory_space<vmem>>, vector<16xf32>,
        tpu.vector_store %arg17[%parallel_loop3A_470, %parallel_loop3A_471], %parallel_loop3A_469 {strides = array<i32>} : memref<80x128xf32, #tpu.memory_space<vmem>>, vector<16xf32>,
        %parallel_loop3A_473 = vector.broadcast %parallel_loop3A_374 : f32 to vector<16xf32>
        %parallel_loop3A_474 = arith.subf %parallel_loop3A_342, %parallel_loop3A_473 : vector<16xf32>
        %parallel_loop3A_475 = arith.mulf %parallel_loop3A_474, %parallel_loop3A_423 : vector<16xf32>
        %parallel_loop3A_476 = arith.addf %parallel_loop3A_475, %get3A_67 : vector<16xf32>
        %parallel_loop3A_477 = arith.index_cast %parallel_loop3A_280 : i32 to index
        %parallel_loop3A_478 = arith.constant 112 : index
        %parallel_loop3A_479 = tpu.vector_load %arg17[%parallel_loop3A_477, %parallel_loop3A_478] {strides = array<i32>} : memref<80x128xf32, #tpu.memory_space<vmem>>, vector<16xf32>,
        tpu.vector_store %arg17[%parallel_loop3A_477, %parallel_loop3A_478], %parallel_loop3A_476 {strides = array<i32>} : memref<80x128xf32, #tpu.memory_space<vmem>>, vector<16xf32>,
      } {sc.loop_unroll_factor = 2 : i64, sc.parallel_access}
      %mul3A_146 = arith.constant 80 : i32
      %mul3A_147 = arith.muli %add3A_125, %mul3A_146 : i32
      %add3A_148 = arith.addi %mul3A_2, %mul3A_147 : i32
      %dma_start3A_149 = arith.constant 0 : i32
      %dma_start3A_150 = tpu.memref_slice %arg7[%add3A_148, %dma_start3A_149] : memref<204800x128xf32, #tpu.memory_space<hbm>> -> memref<80x128xf32, #tpu.memory_space<hbm>>
      %dma_start3A_151 = arith.constant 0 : i32
      %dma_start3A_152 = tpu.memref_slice %arg7[%add3A_148, %dma_start3A_151] : memref<204800x128xf32, #tpu.memory_space<hbm>> -> memref<80x128xf32, #tpu.memory_space<hbm>>
      tpu.enqueue_dma source(%arg17 : memref<80x128xf32, #tpu.memory_space<vmem>>) target(%dma_start3A_152 : memref<80x128xf32, #tpu.memory_space<hbm>>) target_semaphore(%arg29 : memref<!tpu.dma_semaphore, #tpu.memory_space<semaphore_mem>>)
      %lt3A = arith.constant 19 : i32
      %lt3A_153 = arith.cmpi slt, %scan3A_121, %lt3A : i32
      %convert_element_type3A_154 = arith.extui %lt3A_153 : i1 to i32
      %cond3A_155 = arith.constant 0 : i32
      %cond3A_156 = arith.cmpi ne, %convert_element_type3A_154, %cond3A_155 : i32
      scf.if %cond3A_156 {
        %mul3A_280 = arith.constant 80 : i32
        %mul3A_281 = arith.muli %add3A_125, %mul3A_280 : i32
        %add3A_282 = arith.addi %mul3A_2, %mul3A_281 : i32
        %dma_wait3A_283 = arith.constant 0 : i32
        %dma_wait3A_284 = tpu.memref_slice %arg8[%add3A_282, %dma_wait3A_283] : memref<204800x128xf32, #tpu.memory_space<hbm>> -> memref<80x128xf32, #tpu.memory_space<hbm>>
        %dma_wait3A_285 = arith.constant 0 : i32
        %dma_wait3A_286 = tpu.memref_slice %arg8[%add3A_282, %dma_wait3A_285] : memref<204800x128xf32, #tpu.memory_space<hbm>> -> memref<80x128xf32, #tpu.memory_space<hbm>>
        tpu.wait_dma2 semaphore(%arg25 : memref<!tpu.dma_semaphore, #tpu.memory_space<semaphore_mem>>) src(%arg13 : memref<80x128xf32, #tpu.memory_space<vmem>>) dst(%dma_wait3A_286 : memref<80x128xf32, #tpu.memory_space<hbm>>)
        %add3A_287 = arith.constant 4 : i32
        %add3A_288 = arith.addi %add3A_125, %add3A_287 : i32
        %mul3A_289 = arith.constant 80 : i32
        %mul3A_290 = arith.muli %add3A_288, %mul3A_289 : i32
        %dma_start3A_291 = tpu.memref_slice %arg9[%mul3A_290] : memref<6400xi32, #tpu.memory_space<vmem>> -> memref<80xi32, #tpu.memory_space<vmem>>
        %dma_start3A_292 = arith.constant 0 : i32
        %dma_start3A_293 = arith.constant 0 : i32
        %dma_start3A_294 = tpu.memref_slice %arg3[%dma_start3A_292, %dma_start3A_293] : memref<100000x128xf32, #tpu.memory_space<hbm>> -> memref<100000x128xf32, #tpu.memory_space<hbm>>
        tpu.enqueue_indirect_dma source(%dma_start3A_294 : memref<100000x128xf32, #tpu.memory_space<hbm>>) target(%arg13 : memref<80x128xf32, #tpu.memory_space<vmem>>) offsets(%dma_start3A_291 : memref<80xi32, #tpu.memory_space<vmem>>) semaphore(%arg21 : memref<!tpu.dma_semaphore, #tpu.memory_space<semaphore_mem>>)
      } else {
      }
      %mul3A_157 = arith.constant 4 : i32
      %mul3A_158 = arith.muli %scan3A_121, %mul3A_157 : i32
      %add3A_159 = arith.constant 1 : i32
      %add3A_160 = arith.addi %mul3A_158, %add3A_159 : i32
      %mul3A_161 = arith.constant 80 : i32
      %mul3A_162 = arith.muli %add3A_160, %mul3A_161 : i32
      %dma_wait3A_163 = tpu.memref_slice %arg9[%mul3A_162] : memref<6400xi32, #tpu.memory_space<vmem>> -> memref<80xi32, #tpu.memory_space<vmem>>
      %dma_wait3A_164 = arith.constant 0 : i32
      %dma_wait3A_165 = arith.constant 0 : i32
      %dma_wait3A_166 = tpu.memref_slice %arg3[%dma_wait3A_164, %dma_wait3A_165] : memref<100000x128xf32, #tpu.memory_space<hbm>> -> memref<100000x128xf32, #tpu.memory_space<hbm>>
      tpu.wait_indirect_dma semaphore(%arg22 : memref<!tpu.dma_semaphore, #tpu.memory_space<semaphore_mem>>) src(%dma_wait3A_166 : memref<100000x128xf32, #tpu.memory_space<hbm>>) dst(%arg14 : memref<80x128xf32, #tpu.memory_space<vmem>>)
      %mul3A_167 = arith.constant 80 : i32
      %mul3A_168 = arith.muli %add3A_160, %mul3A_167 : i32
      %add3A_169 = arith.addi %mul3A_2, %mul3A_168 : i32
      %dma_start3A_170 = arith.constant 0 : i32
      %dma_start3A_171 = tpu.memref_slice %arg8[%add3A_169, %dma_start3A_170] : memref<204800x128xf32, #tpu.memory_space<hbm>> -> memref<80x128xf32, #tpu.memory_space<hbm>>
      %dma_start3A_172 = arith.constant 0 : i32
      %dma_start3A_173 = tpu.memref_slice %arg8[%add3A_169, %dma_start3A_172] : memref<204800x128xf32, #tpu.memory_space<hbm>> -> memref<80x128xf32, #tpu.memory_space<hbm>>
      tpu.enqueue_dma source(%arg14 : memref<80x128xf32, #tpu.memory_space<vmem>>) target(%dma_start3A_173 : memref<80x128xf32, #tpu.memory_space<hbm>>) target_semaphore(%arg26 : memref<!tpu.dma_semaphore, #tpu.memory_space<semaphore_mem>>)
      %ge3A_174 = arith.constant 1 : i32
      %ge3A_175 = arith.cmpi sge, %scan3A_121, %ge3A_174 : i32
      %convert_element_type3A_176 = arith.extui %ge3A_175 : i1 to i32
      %cond3A_177 = arith.constant 0 : i32
      %cond3A_178 = arith.cmpi ne, %convert_element_type3A_176, %cond3A_177 : i32
      scf.if %cond3A_178 {
        %sub3A = arith.constant 4 : i32
        %sub3A_280 = arith.subi %add3A_160, %sub3A : i32
        %mul3A_281 = arith.constant 80 : i32
        %mul3A_282 = arith.muli %sub3A_280, %mul3A_281 : i32
        %add3A_283 = arith.addi %mul3A_2, %mul3A_282 : i32
        %dma_wait3A_284 = arith.constant 0 : i32
        %dma_wait3A_285 = tpu.memref_slice %arg7[%add3A_283, %dma_wait3A_284] : memref<204800x128xf32, #tpu.memory_space<hbm>> -> memref<80x128xf32, #tpu.memory_space<hbm>>
        %dma_wait3A_286 = arith.constant 0 : i32
        %dma_wait3A_287 = tpu.memref_slice %arg7[%add3A_283, %dma_wait3A_286] : memref<204800x128xf32, #tpu.memory_space<hbm>> -> memref<80x128xf32, #tpu.memory_space<hbm>>
        tpu.wait_dma2 semaphore(%arg30 : memref<!tpu.dma_semaphore, #tpu.memory_space<semaphore_mem>>) src(%arg18 : memref<80x128xf32, #tpu.memory_space<vmem>>) dst(%dma_wait3A_287 : memref<80x128xf32, #tpu.memory_space<hbm>>)
      } else {
      }
      %mul3A_179 = arith.constant 80 : i32
      %mul3A_180 = arith.muli %add3A_160, %mul3A_179 : i32
      %rem3A_181 = arith.constant 200 : i32
      %rem3A_182 = arith.remsi %mul3A_180, %rem3A_181 : i32
      %parallel_loop3A_183 = arith.constant 0 : i32
      %parallel_loop3A_184 = arith.constant 80 : i32
      %parallel_loop3A_185 = arith.constant 1 : i32
      scf.for %parallel_loop3A_280 = %parallel_loop3A_183 to %parallel_loop3A_184 step %parallel_loop3A_185  : i32 {
        %parallel_loop3A_281 = arith.addi %rem3A_182, %parallel_loop3A_280 : i32
        %parallel_loop3A_282 = arith.constant 200 : i32
        %parallel_loop3A_283 = arith.cmpi sge, %parallel_loop3A_281, %parallel_loop3A_282 : i32
        %parallel_loop3A_284 = arith.constant 200 : i32
        %parallel_loop3A_285 = arith.subi %parallel_loop3A_281, %parallel_loop3A_284 : i32
        %parallel_loop3A_286 = arith.select %parallel_loop3A_283, %parallel_loop3A_285, %parallel_loop3A_281 : i32
        %parallel_loop3A_287 = arith.index_cast %parallel_loop3A_280 : i32 to index
        %parallel_loop3A_288 = arith.constant 0 : index
        %parallel_loop3A_289 = tpu.vector_load %arg14[%parallel_loop3A_287, %parallel_loop3A_288] {strides = array<i32>} : memref<80x128xf32, #tpu.memory_space<vmem>>, vector<16xf32>,
        %parallel_loop3A_290 = arith.index_cast %parallel_loop3A_286 : i32 to index
        %parallel_loop3A_291 = arith.constant 0 : index
        %parallel_loop3A_292 = tpu.vector_load %arg10[%parallel_loop3A_290, %parallel_loop3A_291] {strides = array<i32>} : memref<200x128xf32, #tpu.memory_space<vmem>>, vector<16xf32>,
        %parallel_loop3A_293 = arith.addf %parallel_loop3A_289, %parallel_loop3A_292 : vector<16xf32>
        %parallel_loop3A_294 = arith.index_cast %parallel_loop3A_280 : i32 to index
        %parallel_loop3A_295 = arith.constant 16 : index
        %parallel_loop3A_296 = tpu.vector_load %arg14[%parallel_loop3A_294, %parallel_loop3A_295] {strides = array<i32>} : memref<80x128xf32, #tpu.memory_space<vmem>>, vector<16xf32>,
        %parallel_loop3A_297 = arith.index_cast %parallel_loop3A_286 : i32 to index
        %parallel_loop3A_298 = arith.constant 16 : index
        %parallel_loop3A_299 = tpu.vector_load %arg10[%parallel_loop3A_297, %parallel_loop3A_298] {strides = array<i32>} : memref<200x128xf32, #tpu.memory_space<vmem>>, vector<16xf32>,
        %parallel_loop3A_300 = arith.addf %parallel_loop3A_296, %parallel_loop3A_299 : vector<16xf32>
        %parallel_loop3A_301 = arith.index_cast %parallel_loop3A_280 : i32 to index
        %parallel_loop3A_302 = arith.constant 32 : index
        %parallel_loop3A_303 = tpu.vector_load %arg14[%parallel_loop3A_301, %parallel_loop3A_302] {strides = array<i32>} : memref<80x128xf32, #tpu.memory_space<vmem>>, vector<16xf32>,
        %parallel_loop3A_304 = arith.index_cast %parallel_loop3A_286 : i32 to index
        %parallel_loop3A_305 = arith.constant 32 : index
        %parallel_loop3A_306 = tpu.vector_load %arg10[%parallel_loop3A_304, %parallel_loop3A_305] {strides = array<i32>} : memref<200x128xf32, #tpu.memory_space<vmem>>, vector<16xf32>,
        %parallel_loop3A_307 = arith.addf %parallel_loop3A_303, %parallel_loop3A_306 : vector<16xf32>
        %parallel_loop3A_308 = arith.index_cast %parallel_loop3A_280 : i32 to index
        %parallel_loop3A_309 = arith.constant 48 : index
        %parallel_loop3A_310 = tpu.vector_load %arg14[%parallel_loop3A_308, %parallel_loop3A_309] {strides = array<i32>} : memref<80x128xf32, #tpu.memory_space<vmem>>, vector<16xf32>,
        %parallel_loop3A_311 = arith.index_cast %parallel_loop3A_286 : i32 to index
        %parallel_loop3A_312 = arith.constant 48 : index
        %parallel_loop3A_313 = tpu.vector_load %arg10[%parallel_loop3A_311, %parallel_loop3A_312] {strides = array<i32>} : memref<200x128xf32, #tpu.memory_space<vmem>>, vector<16xf32>,
        %parallel_loop3A_314 = arith.addf %parallel_loop3A_310, %parallel_loop3A_313 : vector<16xf32>
        %parallel_loop3A_315 = arith.index_cast %parallel_loop3A_280 : i32 to index
        %parallel_loop3A_316 = arith.constant 64 : index
        %parallel_loop3A_317 = tpu.vector_load %arg14[%parallel_loop3A_315, %parallel_loop3A_316] {strides = array<i32>} : memref<80x128xf32, #tpu.memory_space<vmem>>, vector<16xf32>,
        %parallel_loop3A_318 = arith.index_cast %parallel_loop3A_286 : i32 to index
        %parallel_loop3A_319 = arith.constant 64 : index
        %parallel_loop3A_320 = tpu.vector_load %arg10[%parallel_loop3A_318, %parallel_loop3A_319] {strides = array<i32>} : memref<200x128xf32, #tpu.memory_space<vmem>>, vector<16xf32>,
        %parallel_loop3A_321 = arith.addf %parallel_loop3A_317, %parallel_loop3A_320 : vector<16xf32>
        %parallel_loop3A_322 = arith.index_cast %parallel_loop3A_280 : i32 to index
        %parallel_loop3A_323 = arith.constant 80 : index
        %parallel_loop3A_324 = tpu.vector_load %arg14[%parallel_loop3A_322, %parallel_loop3A_323] {strides = array<i32>} : memref<80x128xf32, #tpu.memory_space<vmem>>, vector<16xf32>,
        %parallel_loop3A_325 = arith.index_cast %parallel_loop3A_286 : i32 to index
        %parallel_loop3A_326 = arith.constant 80 : index
        %parallel_loop3A_327 = tpu.vector_load %arg10[%parallel_loop3A_325, %parallel_loop3A_326] {strides = array<i32>} : memref<200x128xf32, #tpu.memory_space<vmem>>, vector<16xf32>,
        %parallel_loop3A_328 = arith.addf %parallel_loop3A_324, %parallel_loop3A_327 : vector<16xf32>
        %parallel_loop3A_329 = arith.index_cast %parallel_loop3A_280 : i32 to index
        %parallel_loop3A_330 = arith.constant 96 : index
        %parallel_loop3A_331 = tpu.vector_load %arg14[%parallel_loop3A_329, %parallel_loop3A_330] {strides = array<i32>} : memref<80x128xf32, #tpu.memory_space<vmem>>, vector<16xf32>,
        %parallel_loop3A_332 = arith.index_cast %parallel_loop3A_286 : i32 to index
        %parallel_loop3A_333 = arith.constant 96 : index
        %parallel_loop3A_334 = tpu.vector_load %arg10[%parallel_loop3A_332, %parallel_loop3A_333] {strides = array<i32>} : memref<200x128xf32, #tpu.memory_space<vmem>>, vector<16xf32>,
        %parallel_loop3A_335 = arith.addf %parallel_loop3A_331, %parallel_loop3A_334 : vector<16xf32>
        %parallel_loop3A_336 = arith.index_cast %parallel_loop3A_280 : i32 to index
        %parallel_loop3A_337 = arith.constant 112 : index
        %parallel_loop3A_338 = tpu.vector_load %arg14[%parallel_loop3A_336, %parallel_loop3A_337] {strides = array<i32>} : memref<80x128xf32, #tpu.memory_space<vmem>>, vector<16xf32>,
        %parallel_loop3A_339 = arith.index_cast %parallel_loop3A_286 : i32 to index
        %parallel_loop3A_340 = arith.constant 112 : index
        %parallel_loop3A_341 = tpu.vector_load %arg10[%parallel_loop3A_339, %parallel_loop3A_340] {strides = array<i32>} : memref<200x128xf32, #tpu.memory_space<vmem>>, vector<16xf32>,
        %parallel_loop3A_342 = arith.addf %parallel_loop3A_338, %parallel_loop3A_341 : vector<16xf32>
        %parallel_loop3A_343 = arith.addf %parallel_loop3A_293, %parallel_loop3A_300 : vector<16xf32>
        %parallel_loop3A_344 = arith.addf %parallel_loop3A_307, %parallel_loop3A_314 : vector<16xf32>
        %parallel_loop3A_345 = arith.addf %parallel_loop3A_321, %parallel_loop3A_328 : vector<16xf32>
        %parallel_loop3A_346 = arith.addf %parallel_loop3A_335, %parallel_loop3A_342 : vector<16xf32>
        %parallel_loop3A_347 = arith.addf %parallel_loop3A_343, %parallel_loop3A_344 : vector<16xf32>
        %parallel_loop3A_348 = arith.addf %parallel_loop3A_345, %parallel_loop3A_346 : vector<16xf32>
        %parallel_loop3A_349 = arith.addf %parallel_loop3A_347, %parallel_loop3A_348 : vector<16xf32>
        %parallel_loop3A_350 = arith.constant true
        %parallel_loop3A_351 = vector.broadcast %parallel_loop3A_350 : i1 to vector<16xi1>
        %parallel_loop3A_352 = tpu.scan <sum>, %parallel_loop3A_349 masked %parallel_loop3A_351 : vector<16xf32>, vector<16xi1> -> vector<16xf32>
        %parallel_loop3A_353 = vector.extract %parallel_loop3A_352[15] : f32 from vector<16xf32>
        %parallel_loop3A_354 = arith.mulf %parallel_loop3A_293, %parallel_loop3A_293 : vector<16xf32>
        %parallel_loop3A_355 = arith.mulf %parallel_loop3A_300, %parallel_loop3A_300 : vector<16xf32>
        %parallel_loop3A_356 = arith.mulf %parallel_loop3A_307, %parallel_loop3A_307 : vector<16xf32>
        %parallel_loop3A_357 = arith.mulf %parallel_loop3A_314, %parallel_loop3A_314 : vector<16xf32>
        %parallel_loop3A_358 = arith.mulf %parallel_loop3A_321, %parallel_loop3A_321 : vector<16xf32>
        %parallel_loop3A_359 = arith.mulf %parallel_loop3A_328, %parallel_loop3A_328 : vector<16xf32>
        %parallel_loop3A_360 = arith.mulf %parallel_loop3A_335, %parallel_loop3A_335 : vector<16xf32>
        %parallel_loop3A_361 = arith.mulf %parallel_loop3A_342, %parallel_loop3A_342 : vector<16xf32>
        %parallel_loop3A_362 = arith.addf %parallel_loop3A_354, %parallel_loop3A_355 : vector<16xf32>
        %parallel_loop3A_363 = arith.addf %parallel_loop3A_356, %parallel_loop3A_357 : vector<16xf32>
        %parallel_loop3A_364 = arith.addf %parallel_loop3A_358, %parallel_loop3A_359 : vector<16xf32>
        %parallel_loop3A_365 = arith.addf %parallel_loop3A_360, %parallel_loop3A_361 : vector<16xf32>
        %parallel_loop3A_366 = arith.addf %parallel_loop3A_362, %parallel_loop3A_363 : vector<16xf32>
        %parallel_loop3A_367 = arith.addf %parallel_loop3A_364, %parallel_loop3A_365 : vector<16xf32>
        %parallel_loop3A_368 = arith.addf %parallel_loop3A_366, %parallel_loop3A_367 : vector<16xf32>
        %parallel_loop3A_369 = arith.constant true
        %parallel_loop3A_370 = vector.broadcast %parallel_loop3A_369 : i1 to vector<16xi1>
        %parallel_loop3A_371 = tpu.scan <sum>, %parallel_loop3A_368 masked %parallel_loop3A_370 : vector<16xf32>, vector<16xi1> -> vector<16xf32>
        %parallel_loop3A_372 = vector.extract %parallel_loop3A_371[15] : f32 from vector<16xf32>
        %parallel_loop3A_373 = arith.constant 7.812500e-03 : f32
        %parallel_loop3A_374 = arith.mulf %parallel_loop3A_353, %parallel_loop3A_373 : f32
        %parallel_loop3A_375 = arith.constant 7.812500e-03 : f32
        %parallel_loop3A_376 = arith.mulf %parallel_loop3A_372, %parallel_loop3A_375 : f32
        %parallel_loop3A_377 = arith.mulf %parallel_loop3A_374, %parallel_loop3A_374 : f32
        %parallel_loop3A_378 = arith.subf %parallel_loop3A_376, %parallel_loop3A_377 : f32
        %parallel_loop3A_379 = arith.constant 9.99999996E-13 : f32
        %parallel_loop3A_380 = arith.addf %parallel_loop3A_378, %parallel_loop3A_379 : f32
        %parallel_loop3A_381 = arith.bitcast %parallel_loop3A_380 : f32 to i32
        %parallel_loop3A_382 = arith.constant 1 : i32
        %parallel_loop3A_383 = arith.shrsi %parallel_loop3A_381, %parallel_loop3A_382 : i32
        %parallel_loop3A_384 = arith.constant 1597463007 : i32
        %parallel_loop3A_385 = arith.subi %parallel_loop3A_384, %parallel_loop3A_383 : i32
        %parallel_loop3A_386 = arith.bitcast %parallel_loop3A_385 : i32 to f32
        %parallel_loop3A_387 = arith.constant 5.000000e-01 : f32
        %parallel_loop3A_388 = arith.mulf %parallel_loop3A_387, %parallel_loop3A_380 : f32
        %parallel_loop3A_389 = arith.mulf %parallel_loop3A_388, %parallel_loop3A_386 : f32
        %parallel_loop3A_390 = arith.mulf %parallel_loop3A_389, %parallel_loop3A_386 : f32
        %parallel_loop3A_391 = arith.constant 1.500000e+00 : f32
        %parallel_loop3A_392 = arith.subf %parallel_loop3A_391, %parallel_loop3A_390 : f32
        %parallel_loop3A_393 = arith.mulf %parallel_loop3A_386, %parallel_loop3A_392 : f32
        %parallel_loop3A_394 = arith.constant 5.000000e-01 : f32
        %parallel_loop3A_395 = arith.mulf %parallel_loop3A_394, %parallel_loop3A_380 : f32
        %parallel_loop3A_396 = arith.mulf %parallel_loop3A_395, %parallel_loop3A_393 : f32
        %parallel_loop3A_397 = arith.mulf %parallel_loop3A_396, %parallel_loop3A_393 : f32
        %parallel_loop3A_398 = arith.constant 1.500000e+00 : f32
        %parallel_loop3A_399 = arith.subf %parallel_loop3A_398, %parallel_loop3A_397 : f32
        %parallel_loop3A_400 = arith.mulf %parallel_loop3A_393, %parallel_loop3A_399 : f32
        %parallel_loop3A_401 = arith.constant 5.000000e-01 : f32
        %parallel_loop3A_402 = arith.mulf %parallel_loop3A_401, %parallel_loop3A_380 : f32
        %parallel_loop3A_403 = arith.mulf %parallel_loop3A_402, %parallel_loop3A_400 : f32
        %parallel_loop3A_404 = arith.mulf %parallel_loop3A_403, %parallel_loop3A_400 : f32
        %parallel_loop3A_405 = arith.constant 1.500000e+00 : f32
        %parallel_loop3A_406 = arith.subf %parallel_loop3A_405, %parallel_loop3A_404 : f32
        %parallel_loop3A_407 = arith.mulf %parallel_loop3A_400, %parallel_loop3A_406 : f32
        %parallel_loop3A_408 = vector.broadcast %parallel_loop3A_407 : f32 to vector<16xf32>
        %parallel_loop3A_409 = arith.mulf %parallel_loop3A_408, %get3A_37 : vector<16xf32>
        %parallel_loop3A_410 = vector.broadcast %parallel_loop3A_407 : f32 to vector<16xf32>
        %parallel_loop3A_411 = arith.mulf %parallel_loop3A_410, %get3A_39 : vector<16xf32>
        %parallel_loop3A_412 = vector.broadcast %parallel_loop3A_407 : f32 to vector<16xf32>
        %parallel_loop3A_413 = arith.mulf %parallel_loop3A_412, %get3A_41 : vector<16xf32>
        %parallel_loop3A_414 = vector.broadcast %parallel_loop3A_407 : f32 to vector<16xf32>
        %parallel_loop3A_415 = arith.mulf %parallel_loop3A_414, %get3A_43 : vector<16xf32>
        %parallel_loop3A_416 = vector.broadcast %parallel_loop3A_407 : f32 to vector<16xf32>
        %parallel_loop3A_417 = arith.mulf %parallel_loop3A_416, %get3A_45 : vector<16xf32>
        %parallel_loop3A_418 = vector.broadcast %parallel_loop3A_407 : f32 to vector<16xf32>
        %parallel_loop3A_419 = arith.mulf %parallel_loop3A_418, %get3A_47 : vector<16xf32>
        %parallel_loop3A_420 = vector.broadcast %parallel_loop3A_407 : f32 to vector<16xf32>
        %parallel_loop3A_421 = arith.mulf %parallel_loop3A_420, %get3A_49 : vector<16xf32>
        %parallel_loop3A_422 = vector.broadcast %parallel_loop3A_407 : f32 to vector<16xf32>
        %parallel_loop3A_423 = arith.mulf %parallel_loop3A_422, %get3A_51 : vector<16xf32>
        %parallel_loop3A_424 = vector.broadcast %parallel_loop3A_374 : f32 to vector<16xf32>
        %parallel_loop3A_425 = arith.subf %parallel_loop3A_293, %parallel_loop3A_424 : vector<16xf32>
        %parallel_loop3A_426 = arith.mulf %parallel_loop3A_425, %parallel_loop3A_409 : vector<16xf32>
        %parallel_loop3A_427 = arith.addf %parallel_loop3A_426, %get3A_53 : vector<16xf32>
        %parallel_loop3A_428 = arith.index_cast %parallel_loop3A_280 : i32 to index
        %parallel_loop3A_429 = arith.constant 0 : index
        %parallel_loop3A_430 = tpu.vector_load %arg18[%parallel_loop3A_428, %parallel_loop3A_429] {strides = array<i32>} : memref<80x128xf32, #tpu.memory_space<vmem>>, vector<16xf32>,
        tpu.vector_store %arg18[%parallel_loop3A_428, %parallel_loop3A_429], %parallel_loop3A_427 {strides = array<i32>} : memref<80x128xf32, #tpu.memory_space<vmem>>, vector<16xf32>,
        %parallel_loop3A_431 = vector.broadcast %parallel_loop3A_374 : f32 to vector<16xf32>
        %parallel_loop3A_432 = arith.subf %parallel_loop3A_300, %parallel_loop3A_431 : vector<16xf32>
        %parallel_loop3A_433 = arith.mulf %parallel_loop3A_432, %parallel_loop3A_411 : vector<16xf32>
        %parallel_loop3A_434 = arith.addf %parallel_loop3A_433, %get3A_55 : vector<16xf32>
        %parallel_loop3A_435 = arith.index_cast %parallel_loop3A_280 : i32 to index
        %parallel_loop3A_436 = arith.constant 16 : index
        %parallel_loop3A_437 = tpu.vector_load %arg18[%parallel_loop3A_435, %parallel_loop3A_436] {strides = array<i32>} : memref<80x128xf32, #tpu.memory_space<vmem>>, vector<16xf32>,
        tpu.vector_store %arg18[%parallel_loop3A_435, %parallel_loop3A_436], %parallel_loop3A_434 {strides = array<i32>} : memref<80x128xf32, #tpu.memory_space<vmem>>, vector<16xf32>,
        %parallel_loop3A_438 = vector.broadcast %parallel_loop3A_374 : f32 to vector<16xf32>
        %parallel_loop3A_439 = arith.subf %parallel_loop3A_307, %parallel_loop3A_438 : vector<16xf32>
        %parallel_loop3A_440 = arith.mulf %parallel_loop3A_439, %parallel_loop3A_413 : vector<16xf32>
        %parallel_loop3A_441 = arith.addf %parallel_loop3A_440, %get3A_57 : vector<16xf32>
        %parallel_loop3A_442 = arith.index_cast %parallel_loop3A_280 : i32 to index
        %parallel_loop3A_443 = arith.constant 32 : index
        %parallel_loop3A_444 = tpu.vector_load %arg18[%parallel_loop3A_442, %parallel_loop3A_443] {strides = array<i32>} : memref<80x128xf32, #tpu.memory_space<vmem>>, vector<16xf32>,
        tpu.vector_store %arg18[%parallel_loop3A_442, %parallel_loop3A_443], %parallel_loop3A_441 {strides = array<i32>} : memref<80x128xf32, #tpu.memory_space<vmem>>, vector<16xf32>,
        %parallel_loop3A_445 = vector.broadcast %parallel_loop3A_374 : f32 to vector<16xf32>
        %parallel_loop3A_446 = arith.subf %parallel_loop3A_314, %parallel_loop3A_445 : vector<16xf32>
        %parallel_loop3A_447 = arith.mulf %parallel_loop3A_446, %parallel_loop3A_415 : vector<16xf32>
        %parallel_loop3A_448 = arith.addf %parallel_loop3A_447, %get3A_59 : vector<16xf32>
        %parallel_loop3A_449 = arith.index_cast %parallel_loop3A_280 : i32 to index
        %parallel_loop3A_450 = arith.constant 48 : index
        %parallel_loop3A_451 = tpu.vector_load %arg18[%parallel_loop3A_449, %parallel_loop3A_450] {strides = array<i32>} : memref<80x128xf32, #tpu.memory_space<vmem>>, vector<16xf32>,
        tpu.vector_store %arg18[%parallel_loop3A_449, %parallel_loop3A_450], %parallel_loop3A_448 {strides = array<i32>} : memref<80x128xf32, #tpu.memory_space<vmem>>, vector<16xf32>,
        %parallel_loop3A_452 = vector.broadcast %parallel_loop3A_374 : f32 to vector<16xf32>
        %parallel_loop3A_453 = arith.subf %parallel_loop3A_321, %parallel_loop3A_452 : vector<16xf32>
        %parallel_loop3A_454 = arith.mulf %parallel_loop3A_453, %parallel_loop3A_417 : vector<16xf32>
        %parallel_loop3A_455 = arith.addf %parallel_loop3A_454, %get3A_61 : vector<16xf32>
        %parallel_loop3A_456 = arith.index_cast %parallel_loop3A_280 : i32 to index
        %parallel_loop3A_457 = arith.constant 64 : index
        %parallel_loop3A_458 = tpu.vector_load %arg18[%parallel_loop3A_456, %parallel_loop3A_457] {strides = array<i32>} : memref<80x128xf32, #tpu.memory_space<vmem>>, vector<16xf32>,
        tpu.vector_store %arg18[%parallel_loop3A_456, %parallel_loop3A_457], %parallel_loop3A_455 {strides = array<i32>} : memref<80x128xf32, #tpu.memory_space<vmem>>, vector<16xf32>,
        %parallel_loop3A_459 = vector.broadcast %parallel_loop3A_374 : f32 to vector<16xf32>
        %parallel_loop3A_460 = arith.subf %parallel_loop3A_328, %parallel_loop3A_459 : vector<16xf32>
        %parallel_loop3A_461 = arith.mulf %parallel_loop3A_460, %parallel_loop3A_419 : vector<16xf32>
        %parallel_loop3A_462 = arith.addf %parallel_loop3A_461, %get3A_63 : vector<16xf32>
        %parallel_loop3A_463 = arith.index_cast %parallel_loop3A_280 : i32 to index
        %parallel_loop3A_464 = arith.constant 80 : index
        %parallel_loop3A_465 = tpu.vector_load %arg18[%parallel_loop3A_463, %parallel_loop3A_464] {strides = array<i32>} : memref<80x128xf32, #tpu.memory_space<vmem>>, vector<16xf32>,
        tpu.vector_store %arg18[%parallel_loop3A_463, %parallel_loop3A_464], %parallel_loop3A_462 {strides = array<i32>} : memref<80x128xf32, #tpu.memory_space<vmem>>, vector<16xf32>,
        %parallel_loop3A_466 = vector.broadcast %parallel_loop3A_374 : f32 to vector<16xf32>
        %parallel_loop3A_467 = arith.subf %parallel_loop3A_335, %parallel_loop3A_466 : vector<16xf32>
        %parallel_loop3A_468 = arith.mulf %parallel_loop3A_467, %parallel_loop3A_421 : vector<16xf32>
        %parallel_loop3A_469 = arith.addf %parallel_loop3A_468, %get3A_65 : vector<16xf32>
        %parallel_loop3A_470 = arith.index_cast %parallel_loop3A_280 : i32 to index
        %parallel_loop3A_471 = arith.constant 96 : index
        %parallel_loop3A_472 = tpu.vector_load %arg18[%parallel_loop3A_470, %parallel_loop3A_471] {strides = array<i32>} : memref<80x128xf32, #tpu.memory_space<vmem>>, vector<16xf32>,
        tpu.vector_store %arg18[%parallel_loop3A_470, %parallel_loop3A_471], %parallel_loop3A_469 {strides = array<i32>} : memref<80x128xf32, #tpu.memory_space<vmem>>, vector<16xf32>,
        %parallel_loop3A_473 = vector.broadcast %parallel_loop3A_374 : f32 to vector<16xf32>
        %parallel_loop3A_474 = arith.subf %parallel_loop3A_342, %parallel_loop3A_473 : vector<16xf32>
        %parallel_loop3A_475 = arith.mulf %parallel_loop3A_474, %parallel_loop3A_423 : vector<16xf32>
        %parallel_loop3A_476 = arith.addf %parallel_loop3A_475, %get3A_67 : vector<16xf32>
        %parallel_loop3A_477 = arith.index_cast %parallel_loop3A_280 : i32 to index
        %parallel_loop3A_478 = arith.constant 112 : index
        %parallel_loop3A_479 = tpu.vector_load %arg18[%parallel_loop3A_477, %parallel_loop3A_478] {strides = array<i32>} : memref<80x128xf32, #tpu.memory_space<vmem>>, vector<16xf32>,
        tpu.vector_store %arg18[%parallel_loop3A_477, %parallel_loop3A_478], %parallel_loop3A_476 {strides = array<i32>} : memref<80x128xf32, #tpu.memory_space<vmem>>, vector<16xf32>,
      } {sc.loop_unroll_factor = 2 : i64, sc.parallel_access}
      %mul3A_186 = arith.constant 80 : i32
      %mul3A_187 = arith.muli %add3A_160, %mul3A_186 : i32
      %add3A_188 = arith.addi %mul3A_2, %mul3A_187 : i32
      %dma_start3A_189 = arith.constant 0 : i32
      %dma_start3A_190 = tpu.memref_slice %arg7[%add3A_188, %dma_start3A_189] : memref<204800x128xf32, #tpu.memory_space<hbm>> -> memref<80x128xf32, #tpu.memory_space<hbm>>
      %dma_start3A_191 = arith.constant 0 : i32
      %dma_start3A_192 = tpu.memref_slice %arg7[%add3A_188, %dma_start3A_191] : memref<204800x128xf32, #tpu.memory_space<hbm>> -> memref<80x128xf32, #tpu.memory_space<hbm>>
      tpu.enqueue_dma source(%arg18 : memref<80x128xf32, #tpu.memory_space<vmem>>) target(%dma_start3A_192 : memref<80x128xf32, #tpu.memory_space<hbm>>) target_semaphore(%arg30 : memref<!tpu.dma_semaphore, #tpu.memory_space<semaphore_mem>>)
      %lt3A_193 = arith.constant 19 : i32
      %lt3A_194 = arith.cmpi slt, %scan3A_121, %lt3A_193 : i32
      %convert_element_type3A_195 = arith.extui %lt3A_194 : i1 to i32
      %cond3A_196 = arith.constant 0 : i32
      %cond3A_197 = arith.cmpi ne, %convert_element_type3A_195, %cond3A_196 : i32
      scf.if %cond3A_197 {
        %mul3A_280 = arith.constant 80 : i32
        %mul3A_281 = arith.muli %add3A_160, %mul3A_280 : i32
        %add3A_282 = arith.addi %mul3A_2, %mul3A_281 : i32
        %dma_wait3A_283 = arith.constant 0 : i32
        %dma_wait3A_284 = tpu.memref_slice %arg8[%add3A_282, %dma_wait3A_283] : memref<204800x128xf32, #tpu.memory_space<hbm>> -> memref<80x128xf32, #tpu.memory_space<hbm>>
        %dma_wait3A_285 = arith.constant 0 : i32
        %dma_wait3A_286 = tpu.memref_slice %arg8[%add3A_282, %dma_wait3A_285] : memref<204800x128xf32, #tpu.memory_space<hbm>> -> memref<80x128xf32, #tpu.memory_space<hbm>>
        tpu.wait_dma2 semaphore(%arg26 : memref<!tpu.dma_semaphore, #tpu.memory_space<semaphore_mem>>) src(%arg14 : memref<80x128xf32, #tpu.memory_space<vmem>>) dst(%dma_wait3A_286 : memref<80x128xf32, #tpu.memory_space<hbm>>)
        %add3A_287 = arith.constant 4 : i32
        %add3A_288 = arith.addi %add3A_160, %add3A_287 : i32
        %mul3A_289 = arith.constant 80 : i32
        %mul3A_290 = arith.muli %add3A_288, %mul3A_289 : i32
        %dma_start3A_291 = tpu.memref_slice %arg9[%mul3A_290] : memref<6400xi32, #tpu.memory_space<vmem>> -> memref<80xi32, #tpu.memory_space<vmem>>
        %dma_start3A_292 = arith.constant 0 : i32
        %dma_start3A_293 = arith.constant 0 : i32
        %dma_start3A_294 = tpu.memref_slice %arg3[%dma_start3A_292, %dma_start3A_293] : memref<100000x128xf32, #tpu.memory_space<hbm>> -> memref<100000x128xf32, #tpu.memory_space<hbm>>
        tpu.enqueue_indirect_dma source(%dma_start3A_294 : memref<100000x128xf32, #tpu.memory_space<hbm>>) target(%arg14 : memref<80x128xf32, #tpu.memory_space<vmem>>) offsets(%dma_start3A_291 : memref<80xi32, #tpu.memory_space<vmem>>) semaphore(%arg22 : memref<!tpu.dma_semaphore, #tpu.memory_space<semaphore_mem>>)
      } else {
      }
      %mul3A_198 = arith.constant 4 : i32
      %mul3A_199 = arith.muli %scan3A_121, %mul3A_198 : i32
      %add3A_200 = arith.constant 2 : i32
      %add3A_201 = arith.addi %mul3A_199, %add3A_200 : i32
      %mul3A_202 = arith.constant 80 : i32
      %mul3A_203 = arith.muli %add3A_201, %mul3A_202 : i32
      %dma_wait3A_204 = tpu.memref_slice %arg9[%mul3A_203] : memref<6400xi32, #tpu.memory_space<vmem>> -> memref<80xi32, #tpu.memory_space<vmem>>
      %dma_wait3A_205 = arith.constant 0 : i32
      %dma_wait3A_206 = arith.constant 0 : i32
      %dma_wait3A_207 = tpu.memref_slice %arg3[%dma_wait3A_205, %dma_wait3A_206] : memref<100000x128xf32, #tpu.memory_space<hbm>> -> memref<100000x128xf32, #tpu.memory_space<hbm>>
      tpu.wait_indirect_dma semaphore(%arg23 : memref<!tpu.dma_semaphore, #tpu.memory_space<semaphore_mem>>) src(%dma_wait3A_207 : memref<100000x128xf32, #tpu.memory_space<hbm>>) dst(%arg15 : memref<80x128xf32, #tpu.memory_space<vmem>>)
      %mul3A_208 = arith.constant 80 : i32
      %mul3A_209 = arith.muli %add3A_201, %mul3A_208 : i32
      %add3A_210 = arith.addi %mul3A_2, %mul3A_209 : i32
      %dma_start3A_211 = arith.constant 0 : i32
      %dma_start3A_212 = tpu.memref_slice %arg8[%add3A_210, %dma_start3A_211] : memref<204800x128xf32, #tpu.memory_space<hbm>> -> memref<80x128xf32, #tpu.memory_space<hbm>>
      %dma_start3A_213 = arith.constant 0 : i32
      %dma_start3A_214 = tpu.memref_slice %arg8[%add3A_210, %dma_start3A_213] : memref<204800x128xf32, #tpu.memory_space<hbm>> -> memref<80x128xf32, #tpu.memory_space<hbm>>
      tpu.enqueue_dma source(%arg15 : memref<80x128xf32, #tpu.memory_space<vmem>>) target(%dma_start3A_214 : memref<80x128xf32, #tpu.memory_space<hbm>>) target_semaphore(%arg27 : memref<!tpu.dma_semaphore, #tpu.memory_space<semaphore_mem>>)
      %ge3A_215 = arith.constant 1 : i32
      %ge3A_216 = arith.cmpi sge, %scan3A_121, %ge3A_215 : i32
      %convert_element_type3A_217 = arith.extui %ge3A_216 : i1 to i32
      %cond3A_218 = arith.constant 0 : i32
      %cond3A_219 = arith.cmpi ne, %convert_element_type3A_217, %cond3A_218 : i32
      scf.if %cond3A_219 {
        %sub3A = arith.constant 4 : i32
        %sub3A_280 = arith.subi %add3A_201, %sub3A : i32
        %mul3A_281 = arith.constant 80 : i32
        %mul3A_282 = arith.muli %sub3A_280, %mul3A_281 : i32
        %add3A_283 = arith.addi %mul3A_2, %mul3A_282 : i32
        %dma_wait3A_284 = arith.constant 0 : i32
        %dma_wait3A_285 = tpu.memref_slice %arg7[%add3A_283, %dma_wait3A_284] : memref<204800x128xf32, #tpu.memory_space<hbm>> -> memref<80x128xf32, #tpu.memory_space<hbm>>
        %dma_wait3A_286 = arith.constant 0 : i32
        %dma_wait3A_287 = tpu.memref_slice %arg7[%add3A_283, %dma_wait3A_286] : memref<204800x128xf32, #tpu.memory_space<hbm>> -> memref<80x128xf32, #tpu.memory_space<hbm>>
        tpu.wait_dma2 semaphore(%arg31 : memref<!tpu.dma_semaphore, #tpu.memory_space<semaphore_mem>>) src(%arg19 : memref<80x128xf32, #tpu.memory_space<vmem>>) dst(%dma_wait3A_287 : memref<80x128xf32, #tpu.memory_space<hbm>>)
      } else {
      }
      %mul3A_220 = arith.constant 80 : i32
      %mul3A_221 = arith.muli %add3A_201, %mul3A_220 : i32
      %rem3A_222 = arith.constant 200 : i32
      %rem3A_223 = arith.remsi %mul3A_221, %rem3A_222 : i32
      %parallel_loop3A_224 = arith.constant 0 : i32
      %parallel_loop3A_225 = arith.constant 80 : i32
      %parallel_loop3A_226 = arith.constant 1 : i32
      scf.for %parallel_loop3A_280 = %parallel_loop3A_224 to %parallel_loop3A_225 step %parallel_loop3A_226  : i32 {
        %parallel_loop3A_281 = arith.addi %rem3A_223, %parallel_loop3A_280 : i32
        %parallel_loop3A_282 = arith.constant 200 : i32
        %parallel_loop3A_283 = arith.cmpi sge, %parallel_loop3A_281, %parallel_loop3A_282 : i32
        %parallel_loop3A_284 = arith.constant 200 : i32
        %parallel_loop3A_285 = arith.subi %parallel_loop3A_281, %parallel_loop3A_284 : i32
        %parallel_loop3A_286 = arith.select %parallel_loop3A_283, %parallel_loop3A_285, %parallel_loop3A_281 : i32
        %parallel_loop3A_287 = arith.index_cast %parallel_loop3A_280 : i32 to index
        %parallel_loop3A_288 = arith.constant 0 : index
        %parallel_loop3A_289 = tpu.vector_load %arg15[%parallel_loop3A_287, %parallel_loop3A_288] {strides = array<i32>} : memref<80x128xf32, #tpu.memory_space<vmem>>, vector<16xf32>,
        %parallel_loop3A_290 = arith.index_cast %parallel_loop3A_286 : i32 to index
        %parallel_loop3A_291 = arith.constant 0 : index
        %parallel_loop3A_292 = tpu.vector_load %arg10[%parallel_loop3A_290, %parallel_loop3A_291] {strides = array<i32>} : memref<200x128xf32, #tpu.memory_space<vmem>>, vector<16xf32>,
        %parallel_loop3A_293 = arith.addf %parallel_loop3A_289, %parallel_loop3A_292 : vector<16xf32>
        %parallel_loop3A_294 = arith.index_cast %parallel_loop3A_280 : i32 to index
        %parallel_loop3A_295 = arith.constant 16 : index
        %parallel_loop3A_296 = tpu.vector_load %arg15[%parallel_loop3A_294, %parallel_loop3A_295] {strides = array<i32>} : memref<80x128xf32, #tpu.memory_space<vmem>>, vector<16xf32>,
        %parallel_loop3A_297 = arith.index_cast %parallel_loop3A_286 : i32 to index
        %parallel_loop3A_298 = arith.constant 16 : index
        %parallel_loop3A_299 = tpu.vector_load %arg10[%parallel_loop3A_297, %parallel_loop3A_298] {strides = array<i32>} : memref<200x128xf32, #tpu.memory_space<vmem>>, vector<16xf32>,
        %parallel_loop3A_300 = arith.addf %parallel_loop3A_296, %parallel_loop3A_299 : vector<16xf32>
        %parallel_loop3A_301 = arith.index_cast %parallel_loop3A_280 : i32 to index
        %parallel_loop3A_302 = arith.constant 32 : index
        %parallel_loop3A_303 = tpu.vector_load %arg15[%parallel_loop3A_301, %parallel_loop3A_302] {strides = array<i32>} : memref<80x128xf32, #tpu.memory_space<vmem>>, vector<16xf32>,
        %parallel_loop3A_304 = arith.index_cast %parallel_loop3A_286 : i32 to index
        %parallel_loop3A_305 = arith.constant 32 : index
        %parallel_loop3A_306 = tpu.vector_load %arg10[%parallel_loop3A_304, %parallel_loop3A_305] {strides = array<i32>} : memref<200x128xf32, #tpu.memory_space<vmem>>, vector<16xf32>,
        %parallel_loop3A_307 = arith.addf %parallel_loop3A_303, %parallel_loop3A_306 : vector<16xf32>
        %parallel_loop3A_308 = arith.index_cast %parallel_loop3A_280 : i32 to index
        %parallel_loop3A_309 = arith.constant 48 : index
        %parallel_loop3A_310 = tpu.vector_load %arg15[%parallel_loop3A_308, %parallel_loop3A_309] {strides = array<i32>} : memref<80x128xf32, #tpu.memory_space<vmem>>, vector<16xf32>,
        %parallel_loop3A_311 = arith.index_cast %parallel_loop3A_286 : i32 to index
        %parallel_loop3A_312 = arith.constant 48 : index
        %parallel_loop3A_313 = tpu.vector_load %arg10[%parallel_loop3A_311, %parallel_loop3A_312] {strides = array<i32>} : memref<200x128xf32, #tpu.memory_space<vmem>>, vector<16xf32>,
        %parallel_loop3A_314 = arith.addf %parallel_loop3A_310, %parallel_loop3A_313 : vector<16xf32>
        %parallel_loop3A_315 = arith.index_cast %parallel_loop3A_280 : i32 to index
        %parallel_loop3A_316 = arith.constant 64 : index
        %parallel_loop3A_317 = tpu.vector_load %arg15[%parallel_loop3A_315, %parallel_loop3A_316] {strides = array<i32>} : memref<80x128xf32, #tpu.memory_space<vmem>>, vector<16xf32>,
        %parallel_loop3A_318 = arith.index_cast %parallel_loop3A_286 : i32 to index
        %parallel_loop3A_319 = arith.constant 64 : index
        %parallel_loop3A_320 = tpu.vector_load %arg10[%parallel_loop3A_318, %parallel_loop3A_319] {strides = array<i32>} : memref<200x128xf32, #tpu.memory_space<vmem>>, vector<16xf32>,
        %parallel_loop3A_321 = arith.addf %parallel_loop3A_317, %parallel_loop3A_320 : vector<16xf32>
        %parallel_loop3A_322 = arith.index_cast %parallel_loop3A_280 : i32 to index
        %parallel_loop3A_323 = arith.constant 80 : index
        %parallel_loop3A_324 = tpu.vector_load %arg15[%parallel_loop3A_322, %parallel_loop3A_323] {strides = array<i32>} : memref<80x128xf32, #tpu.memory_space<vmem>>, vector<16xf32>,
        %parallel_loop3A_325 = arith.index_cast %parallel_loop3A_286 : i32 to index
        %parallel_loop3A_326 = arith.constant 80 : index
        %parallel_loop3A_327 = tpu.vector_load %arg10[%parallel_loop3A_325, %parallel_loop3A_326] {strides = array<i32>} : memref<200x128xf32, #tpu.memory_space<vmem>>, vector<16xf32>,
        %parallel_loop3A_328 = arith.addf %parallel_loop3A_324, %parallel_loop3A_327 : vector<16xf32>
        %parallel_loop3A_329 = arith.index_cast %parallel_loop3A_280 : i32 to index
        %parallel_loop3A_330 = arith.constant 96 : index
        %parallel_loop3A_331 = tpu.vector_load %arg15[%parallel_loop3A_329, %parallel_loop3A_330] {strides = array<i32>} : memref<80x128xf32, #tpu.memory_space<vmem>>, vector<16xf32>,
        %parallel_loop3A_332 = arith.index_cast %parallel_loop3A_286 : i32 to index
        %parallel_loop3A_333 = arith.constant 96 : index
        %parallel_loop3A_334 = tpu.vector_load %arg10[%parallel_loop3A_332, %parallel_loop3A_333] {strides = array<i32>} : memref<200x128xf32, #tpu.memory_space<vmem>>, vector<16xf32>,
        %parallel_loop3A_335 = arith.addf %parallel_loop3A_331, %parallel_loop3A_334 : vector<16xf32>
        %parallel_loop3A_336 = arith.index_cast %parallel_loop3A_280 : i32 to index
        %parallel_loop3A_337 = arith.constant 112 : index
        %parallel_loop3A_338 = tpu.vector_load %arg15[%parallel_loop3A_336, %parallel_loop3A_337] {strides = array<i32>} : memref<80x128xf32, #tpu.memory_space<vmem>>, vector<16xf32>,
        %parallel_loop3A_339 = arith.index_cast %parallel_loop3A_286 : i32 to index
        %parallel_loop3A_340 = arith.constant 112 : index
        %parallel_loop3A_341 = tpu.vector_load %arg10[%parallel_loop3A_339, %parallel_loop3A_340] {strides = array<i32>} : memref<200x128xf32, #tpu.memory_space<vmem>>, vector<16xf32>,
        %parallel_loop3A_342 = arith.addf %parallel_loop3A_338, %parallel_loop3A_341 : vector<16xf32>
        %parallel_loop3A_343 = arith.addf %parallel_loop3A_293, %parallel_loop3A_300 : vector<16xf32>
        %parallel_loop3A_344 = arith.addf %parallel_loop3A_307, %parallel_loop3A_314 : vector<16xf32>
        %parallel_loop3A_345 = arith.addf %parallel_loop3A_321, %parallel_loop3A_328 : vector<16xf32>
        %parallel_loop3A_346 = arith.addf %parallel_loop3A_335, %parallel_loop3A_342 : vector<16xf32>
        %parallel_loop3A_347 = arith.addf %parallel_loop3A_343, %parallel_loop3A_344 : vector<16xf32>
        %parallel_loop3A_348 = arith.addf %parallel_loop3A_345, %parallel_loop3A_346 : vector<16xf32>
        %parallel_loop3A_349 = arith.addf %parallel_loop3A_347, %parallel_loop3A_348 : vector<16xf32>
        %parallel_loop3A_350 = arith.constant true
        %parallel_loop3A_351 = vector.broadcast %parallel_loop3A_350 : i1 to vector<16xi1>
        %parallel_loop3A_352 = tpu.scan <sum>, %parallel_loop3A_349 masked %parallel_loop3A_351 : vector<16xf32>, vector<16xi1> -> vector<16xf32>
        %parallel_loop3A_353 = vector.extract %parallel_loop3A_352[15] : f32 from vector<16xf32>
        %parallel_loop3A_354 = arith.mulf %parallel_loop3A_293, %parallel_loop3A_293 : vector<16xf32>
        %parallel_loop3A_355 = arith.mulf %parallel_loop3A_300, %parallel_loop3A_300 : vector<16xf32>
        %parallel_loop3A_356 = arith.mulf %parallel_loop3A_307, %parallel_loop3A_307 : vector<16xf32>
        %parallel_loop3A_357 = arith.mulf %parallel_loop3A_314, %parallel_loop3A_314 : vector<16xf32>
        %parallel_loop3A_358 = arith.mulf %parallel_loop3A_321, %parallel_loop3A_321 : vector<16xf32>
        %parallel_loop3A_359 = arith.mulf %parallel_loop3A_328, %parallel_loop3A_328 : vector<16xf32>
        %parallel_loop3A_360 = arith.mulf %parallel_loop3A_335, %parallel_loop3A_335 : vector<16xf32>
        %parallel_loop3A_361 = arith.mulf %parallel_loop3A_342, %parallel_loop3A_342 : vector<16xf32>
        %parallel_loop3A_362 = arith.addf %parallel_loop3A_354, %parallel_loop3A_355 : vector<16xf32>
        %parallel_loop3A_363 = arith.addf %parallel_loop3A_356, %parallel_loop3A_357 : vector<16xf32>
        %parallel_loop3A_364 = arith.addf %parallel_loop3A_358, %parallel_loop3A_359 : vector<16xf32>
        %parallel_loop3A_365 = arith.addf %parallel_loop3A_360, %parallel_loop3A_361 : vector<16xf32>
        %parallel_loop3A_366 = arith.addf %parallel_loop3A_362, %parallel_loop3A_363 : vector<16xf32>
        %parallel_loop3A_367 = arith.addf %parallel_loop3A_364, %parallel_loop3A_365 : vector<16xf32>
        %parallel_loop3A_368 = arith.addf %parallel_loop3A_366, %parallel_loop3A_367 : vector<16xf32>
        %parallel_loop3A_369 = arith.constant true
        %parallel_loop3A_370 = vector.broadcast %parallel_loop3A_369 : i1 to vector<16xi1>
        %parallel_loop3A_371 = tpu.scan <sum>, %parallel_loop3A_368 masked %parallel_loop3A_370 : vector<16xf32>, vector<16xi1> -> vector<16xf32>
        %parallel_loop3A_372 = vector.extract %parallel_loop3A_371[15] : f32 from vector<16xf32>
        %parallel_loop3A_373 = arith.constant 7.812500e-03 : f32
        %parallel_loop3A_374 = arith.mulf %parallel_loop3A_353, %parallel_loop3A_373 : f32
        %parallel_loop3A_375 = arith.constant 7.812500e-03 : f32
        %parallel_loop3A_376 = arith.mulf %parallel_loop3A_372, %parallel_loop3A_375 : f32
        %parallel_loop3A_377 = arith.mulf %parallel_loop3A_374, %parallel_loop3A_374 : f32
        %parallel_loop3A_378 = arith.subf %parallel_loop3A_376, %parallel_loop3A_377 : f32
        %parallel_loop3A_379 = arith.constant 9.99999996E-13 : f32
        %parallel_loop3A_380 = arith.addf %parallel_loop3A_378, %parallel_loop3A_379 : f32
        %parallel_loop3A_381 = arith.bitcast %parallel_loop3A_380 : f32 to i32
        %parallel_loop3A_382 = arith.constant 1 : i32
        %parallel_loop3A_383 = arith.shrsi %parallel_loop3A_381, %parallel_loop3A_382 : i32
        %parallel_loop3A_384 = arith.constant 1597463007 : i32
        %parallel_loop3A_385 = arith.subi %parallel_loop3A_384, %parallel_loop3A_383 : i32
        %parallel_loop3A_386 = arith.bitcast %parallel_loop3A_385 : i32 to f32
        %parallel_loop3A_387 = arith.constant 5.000000e-01 : f32
        %parallel_loop3A_388 = arith.mulf %parallel_loop3A_387, %parallel_loop3A_380 : f32
        %parallel_loop3A_389 = arith.mulf %parallel_loop3A_388, %parallel_loop3A_386 : f32
        %parallel_loop3A_390 = arith.mulf %parallel_loop3A_389, %parallel_loop3A_386 : f32
        %parallel_loop3A_391 = arith.constant 1.500000e+00 : f32
        %parallel_loop3A_392 = arith.subf %parallel_loop3A_391, %parallel_loop3A_390 : f32
        %parallel_loop3A_393 = arith.mulf %parallel_loop3A_386, %parallel_loop3A_392 : f32
        %parallel_loop3A_394 = arith.constant 5.000000e-01 : f32
        %parallel_loop3A_395 = arith.mulf %parallel_loop3A_394, %parallel_loop3A_380 : f32
        %parallel_loop3A_396 = arith.mulf %parallel_loop3A_395, %parallel_loop3A_393 : f32
        %parallel_loop3A_397 = arith.mulf %parallel_loop3A_396, %parallel_loop3A_393 : f32
        %parallel_loop3A_398 = arith.constant 1.500000e+00 : f32
        %parallel_loop3A_399 = arith.subf %parallel_loop3A_398, %parallel_loop3A_397 : f32
        %parallel_loop3A_400 = arith.mulf %parallel_loop3A_393, %parallel_loop3A_399 : f32
        %parallel_loop3A_401 = arith.constant 5.000000e-01 : f32
        %parallel_loop3A_402 = arith.mulf %parallel_loop3A_401, %parallel_loop3A_380 : f32
        %parallel_loop3A_403 = arith.mulf %parallel_loop3A_402, %parallel_loop3A_400 : f32
        %parallel_loop3A_404 = arith.mulf %parallel_loop3A_403, %parallel_loop3A_400 : f32
        %parallel_loop3A_405 = arith.constant 1.500000e+00 : f32
        %parallel_loop3A_406 = arith.subf %parallel_loop3A_405, %parallel_loop3A_404 : f32
        %parallel_loop3A_407 = arith.mulf %parallel_loop3A_400, %parallel_loop3A_406 : f32
        %parallel_loop3A_408 = vector.broadcast %parallel_loop3A_407 : f32 to vector<16xf32>
        %parallel_loop3A_409 = arith.mulf %parallel_loop3A_408, %get3A_37 : vector<16xf32>
        %parallel_loop3A_410 = vector.broadcast %parallel_loop3A_407 : f32 to vector<16xf32>
        %parallel_loop3A_411 = arith.mulf %parallel_loop3A_410, %get3A_39 : vector<16xf32>
        %parallel_loop3A_412 = vector.broadcast %parallel_loop3A_407 : f32 to vector<16xf32>
        %parallel_loop3A_413 = arith.mulf %parallel_loop3A_412, %get3A_41 : vector<16xf32>
        %parallel_loop3A_414 = vector.broadcast %parallel_loop3A_407 : f32 to vector<16xf32>
        %parallel_loop3A_415 = arith.mulf %parallel_loop3A_414, %get3A_43 : vector<16xf32>
        %parallel_loop3A_416 = vector.broadcast %parallel_loop3A_407 : f32 to vector<16xf32>
        %parallel_loop3A_417 = arith.mulf %parallel_loop3A_416, %get3A_45 : vector<16xf32>
        %parallel_loop3A_418 = vector.broadcast %parallel_loop3A_407 : f32 to vector<16xf32>
        %parallel_loop3A_419 = arith.mulf %parallel_loop3A_418, %get3A_47 : vector<16xf32>
        %parallel_loop3A_420 = vector.broadcast %parallel_loop3A_407 : f32 to vector<16xf32>
        %parallel_loop3A_421 = arith.mulf %parallel_loop3A_420, %get3A_49 : vector<16xf32>
        %parallel_loop3A_422 = vector.broadcast %parallel_loop3A_407 : f32 to vector<16xf32>
        %parallel_loop3A_423 = arith.mulf %parallel_loop3A_422, %get3A_51 : vector<16xf32>
        %parallel_loop3A_424 = vector.broadcast %parallel_loop3A_374 : f32 to vector<16xf32>
        %parallel_loop3A_425 = arith.subf %parallel_loop3A_293, %parallel_loop3A_424 : vector<16xf32>
        %parallel_loop3A_426 = arith.mulf %parallel_loop3A_425, %parallel_loop3A_409 : vector<16xf32>
        %parallel_loop3A_427 = arith.addf %parallel_loop3A_426, %get3A_53 : vector<16xf32>
        %parallel_loop3A_428 = arith.index_cast %parallel_loop3A_280 : i32 to index
        %parallel_loop3A_429 = arith.constant 0 : index
        %parallel_loop3A_430 = tpu.vector_load %arg19[%parallel_loop3A_428, %parallel_loop3A_429] {strides = array<i32>} : memref<80x128xf32, #tpu.memory_space<vmem>>, vector<16xf32>,
        tpu.vector_store %arg19[%parallel_loop3A_428, %parallel_loop3A_429], %parallel_loop3A_427 {strides = array<i32>} : memref<80x128xf32, #tpu.memory_space<vmem>>, vector<16xf32>,
        %parallel_loop3A_431 = vector.broadcast %parallel_loop3A_374 : f32 to vector<16xf32>
        %parallel_loop3A_432 = arith.subf %parallel_loop3A_300, %parallel_loop3A_431 : vector<16xf32>
        %parallel_loop3A_433 = arith.mulf %parallel_loop3A_432, %parallel_loop3A_411 : vector<16xf32>
        %parallel_loop3A_434 = arith.addf %parallel_loop3A_433, %get3A_55 : vector<16xf32>
        %parallel_loop3A_435 = arith.index_cast %parallel_loop3A_280 : i32 to index
        %parallel_loop3A_436 = arith.constant 16 : index
        %parallel_loop3A_437 = tpu.vector_load %arg19[%parallel_loop3A_435, %parallel_loop3A_436] {strides = array<i32>} : memref<80x128xf32, #tpu.memory_space<vmem>>, vector<16xf32>,
        tpu.vector_store %arg19[%parallel_loop3A_435, %parallel_loop3A_436], %parallel_loop3A_434 {strides = array<i32>} : memref<80x128xf32, #tpu.memory_space<vmem>>, vector<16xf32>,
        %parallel_loop3A_438 = vector.broadcast %parallel_loop3A_374 : f32 to vector<16xf32>
        %parallel_loop3A_439 = arith.subf %parallel_loop3A_307, %parallel_loop3A_438 : vector<16xf32>
        %parallel_loop3A_440 = arith.mulf %parallel_loop3A_439, %parallel_loop3A_413 : vector<16xf32>
        %parallel_loop3A_441 = arith.addf %parallel_loop3A_440, %get3A_57 : vector<16xf32>
        %parallel_loop3A_442 = arith.index_cast %parallel_loop3A_280 : i32 to index
        %parallel_loop3A_443 = arith.constant 32 : index
        %parallel_loop3A_444 = tpu.vector_load %arg19[%parallel_loop3A_442, %parallel_loop3A_443] {strides = array<i32>} : memref<80x128xf32, #tpu.memory_space<vmem>>, vector<16xf32>,
        tpu.vector_store %arg19[%parallel_loop3A_442, %parallel_loop3A_443], %parallel_loop3A_441 {strides = array<i32>} : memref<80x128xf32, #tpu.memory_space<vmem>>, vector<16xf32>,
        %parallel_loop3A_445 = vector.broadcast %parallel_loop3A_374 : f32 to vector<16xf32>
        %parallel_loop3A_446 = arith.subf %parallel_loop3A_314, %parallel_loop3A_445 : vector<16xf32>
        %parallel_loop3A_447 = arith.mulf %parallel_loop3A_446, %parallel_loop3A_415 : vector<16xf32>
        %parallel_loop3A_448 = arith.addf %parallel_loop3A_447, %get3A_59 : vector<16xf32>
        %parallel_loop3A_449 = arith.index_cast %parallel_loop3A_280 : i32 to index
        %parallel_loop3A_450 = arith.constant 48 : index
        %parallel_loop3A_451 = tpu.vector_load %arg19[%parallel_loop3A_449, %parallel_loop3A_450] {strides = array<i32>} : memref<80x128xf32, #tpu.memory_space<vmem>>, vector<16xf32>,
        tpu.vector_store %arg19[%parallel_loop3A_449, %parallel_loop3A_450], %parallel_loop3A_448 {strides = array<i32>} : memref<80x128xf32, #tpu.memory_space<vmem>>, vector<16xf32>,
        %parallel_loop3A_452 = vector.broadcast %parallel_loop3A_374 : f32 to vector<16xf32>
        %parallel_loop3A_453 = arith.subf %parallel_loop3A_321, %parallel_loop3A_452 : vector<16xf32>
        %parallel_loop3A_454 = arith.mulf %parallel_loop3A_453, %parallel_loop3A_417 : vector<16xf32>
        %parallel_loop3A_455 = arith.addf %parallel_loop3A_454, %get3A_61 : vector<16xf32>
        %parallel_loop3A_456 = arith.index_cast %parallel_loop3A_280 : i32 to index
        %parallel_loop3A_457 = arith.constant 64 : index
        %parallel_loop3A_458 = tpu.vector_load %arg19[%parallel_loop3A_456, %parallel_loop3A_457] {strides = array<i32>} : memref<80x128xf32, #tpu.memory_space<vmem>>, vector<16xf32>,
        tpu.vector_store %arg19[%parallel_loop3A_456, %parallel_loop3A_457], %parallel_loop3A_455 {strides = array<i32>} : memref<80x128xf32, #tpu.memory_space<vmem>>, vector<16xf32>,
        %parallel_loop3A_459 = vector.broadcast %parallel_loop3A_374 : f32 to vector<16xf32>
        %parallel_loop3A_460 = arith.subf %parallel_loop3A_328, %parallel_loop3A_459 : vector<16xf32>
        %parallel_loop3A_461 = arith.mulf %parallel_loop3A_460, %parallel_loop3A_419 : vector<16xf32>
        %parallel_loop3A_462 = arith.addf %parallel_loop3A_461, %get3A_63 : vector<16xf32>
        %parallel_loop3A_463 = arith.index_cast %parallel_loop3A_280 : i32 to index
        %parallel_loop3A_464 = arith.constant 80 : index
        %parallel_loop3A_465 = tpu.vector_load %arg19[%parallel_loop3A_463, %parallel_loop3A_464] {strides = array<i32>} : memref<80x128xf32, #tpu.memory_space<vmem>>, vector<16xf32>,
        tpu.vector_store %arg19[%parallel_loop3A_463, %parallel_loop3A_464], %parallel_loop3A_462 {strides = array<i32>} : memref<80x128xf32, #tpu.memory_space<vmem>>, vector<16xf32>,
        %parallel_loop3A_466 = vector.broadcast %parallel_loop3A_374 : f32 to vector<16xf32>
        %parallel_loop3A_467 = arith.subf %parallel_loop3A_335, %parallel_loop3A_466 : vector<16xf32>
        %parallel_loop3A_468 = arith.mulf %parallel_loop3A_467, %parallel_loop3A_421 : vector<16xf32>
        %parallel_loop3A_469 = arith.addf %parallel_loop3A_468, %get3A_65 : vector<16xf32>
        %parallel_loop3A_470 = arith.index_cast %parallel_loop3A_280 : i32 to index
        %parallel_loop3A_471 = arith.constant 96 : index
        %parallel_loop3A_472 = tpu.vector_load %arg19[%parallel_loop3A_470, %parallel_loop3A_471] {strides = array<i32>} : memref<80x128xf32, #tpu.memory_space<vmem>>, vector<16xf32>,
        tpu.vector_store %arg19[%parallel_loop3A_470, %parallel_loop3A_471], %parallel_loop3A_469 {strides = array<i32>} : memref<80x128xf32, #tpu.memory_space<vmem>>, vector<16xf32>,
        %parallel_loop3A_473 = vector.broadcast %parallel_loop3A_374 : f32 to vector<16xf32>
        %parallel_loop3A_474 = arith.subf %parallel_loop3A_342, %parallel_loop3A_473 : vector<16xf32>
        %parallel_loop3A_475 = arith.mulf %parallel_loop3A_474, %parallel_loop3A_423 : vector<16xf32>
        %parallel_loop3A_476 = arith.addf %parallel_loop3A_475, %get3A_67 : vector<16xf32>
        %parallel_loop3A_477 = arith.index_cast %parallel_loop3A_280 : i32 to index
        %parallel_loop3A_478 = arith.constant 112 : index
        %parallel_loop3A_479 = tpu.vector_load %arg19[%parallel_loop3A_477, %parallel_loop3A_478] {strides = array<i32>} : memref<80x128xf32, #tpu.memory_space<vmem>>, vector<16xf32>,
        tpu.vector_store %arg19[%parallel_loop3A_477, %parallel_loop3A_478], %parallel_loop3A_476 {strides = array<i32>} : memref<80x128xf32, #tpu.memory_space<vmem>>, vector<16xf32>,
      } {sc.loop_unroll_factor = 2 : i64, sc.parallel_access}
      %mul3A_227 = arith.constant 80 : i32
      %mul3A_228 = arith.muli %add3A_201, %mul3A_227 : i32
      %add3A_229 = arith.addi %mul3A_2, %mul3A_228 : i32
      %dma_start3A_230 = arith.constant 0 : i32
      %dma_start3A_231 = tpu.memref_slice %arg7[%add3A_229, %dma_start3A_230] : memref<204800x128xf32, #tpu.memory_space<hbm>> -> memref<80x128xf32, #tpu.memory_space<hbm>>
      %dma_start3A_232 = arith.constant 0 : i32
      %dma_start3A_233 = tpu.memref_slice %arg7[%add3A_229, %dma_start3A_232] : memref<204800x128xf32, #tpu.memory_space<hbm>> -> memref<80x128xf32, #tpu.memory_space<hbm>>
      tpu.enqueue_dma source(%arg19 : memref<80x128xf32, #tpu.memory_space<vmem>>) target(%dma_start3A_233 : memref<80x128xf32, #tpu.memory_space<hbm>>) target_semaphore(%arg31 : memref<!tpu.dma_semaphore, #tpu.memory_space<semaphore_mem>>)
      %lt3A_234 = arith.constant 19 : i32
      %lt3A_235 = arith.cmpi slt, %scan3A_121, %lt3A_234 : i32
      %convert_element_type3A_236 = arith.extui %lt3A_235 : i1 to i32
      %cond3A_237 = arith.constant 0 : i32
      %cond3A_238 = arith.cmpi ne, %convert_element_type3A_236, %cond3A_237 : i32
      scf.if %cond3A_238 {
        %mul3A_280 = arith.constant 80 : i32
        %mul3A_281 = arith.muli %add3A_201, %mul3A_280 : i32
        %add3A_282 = arith.addi %mul3A_2, %mul3A_281 : i32
        %dma_wait3A_283 = arith.constant 0 : i32
        %dma_wait3A_284 = tpu.memref_slice %arg8[%add3A_282, %dma_wait3A_283] : memref<204800x128xf32, #tpu.memory_space<hbm>> -> memref<80x128xf32, #tpu.memory_space<hbm>>
        %dma_wait3A_285 = arith.constant 0 : i32
        %dma_wait3A_286 = tpu.memref_slice %arg8[%add3A_282, %dma_wait3A_285] : memref<204800x128xf32, #tpu.memory_space<hbm>> -> memref<80x128xf32, #tpu.memory_space<hbm>>
        tpu.wait_dma2 semaphore(%arg27 : memref<!tpu.dma_semaphore, #tpu.memory_space<semaphore_mem>>) src(%arg15 : memref<80x128xf32, #tpu.memory_space<vmem>>) dst(%dma_wait3A_286 : memref<80x128xf32, #tpu.memory_space<hbm>>)
        %add3A_287 = arith.constant 4 : i32
        %add3A_288 = arith.addi %add3A_201, %add3A_287 : i32
        %mul3A_289 = arith.constant 80 : i32
        %mul3A_290 = arith.muli %add3A_288, %mul3A_289 : i32
        %dma_start3A_291 = tpu.memref_slice %arg9[%mul3A_290] : memref<6400xi32, #tpu.memory_space<vmem>> -> memref<80xi32, #tpu.memory_space<vmem>>
        %dma_start3A_292 = arith.constant 0 : i32
        %dma_start3A_293 = arith.constant 0 : i32
        %dma_start3A_294 = tpu.memref_slice %arg3[%dma_start3A_292, %dma_start3A_293] : memref<100000x128xf32, #tpu.memory_space<hbm>> -> memref<100000x128xf32, #tpu.memory_space<hbm>>
        tpu.enqueue_indirect_dma source(%dma_start3A_294 : memref<100000x128xf32, #tpu.memory_space<hbm>>) target(%arg15 : memref<80x128xf32, #tpu.memory_space<vmem>>) offsets(%dma_start3A_291 : memref<80xi32, #tpu.memory_space<vmem>>) semaphore(%arg23 : memref<!tpu.dma_semaphore, #tpu.memory_space<semaphore_mem>>)
      } else {
      }
      %mul3A_239 = arith.constant 4 : i32
      %mul3A_240 = arith.muli %scan3A_121, %mul3A_239 : i32
      %add3A_241 = arith.constant 3 : i32
      %add3A_242 = arith.addi %mul3A_240, %add3A_241 : i32
      %mul3A_243 = arith.constant 80 : i32
      %mul3A_244 = arith.muli %add3A_242, %mul3A_243 : i32
      %dma_wait3A_245 = tpu.memref_slice %arg9[%mul3A_244] : memref<6400xi32, #tpu.memory_space<vmem>> -> memref<80xi32, #tpu.memory_space<vmem>>
      %dma_wait3A_246 = arith.constant 0 : i32
      %dma_wait3A_247 = arith.constant 0 : i32
      %dma_wait3A_248 = tpu.memref_slice %arg3[%dma_wait3A_246, %dma_wait3A_247] : memref<100000x128xf32, #tpu.memory_space<hbm>> -> memref<100000x128xf32, #tpu.memory_space<hbm>>
      tpu.wait_indirect_dma semaphore(%arg24 : memref<!tpu.dma_semaphore, #tpu.memory_space<semaphore_mem>>) src(%dma_wait3A_248 : memref<100000x128xf32, #tpu.memory_space<hbm>>) dst(%arg16 : memref<80x128xf32, #tpu.memory_space<vmem>>)
      %mul3A_249 = arith.constant 80 : i32
      %mul3A_250 = arith.muli %add3A_242, %mul3A_249 : i32
      %add3A_251 = arith.addi %mul3A_2, %mul3A_250 : i32
      %dma_start3A_252 = arith.constant 0 : i32
      %dma_start3A_253 = tpu.memref_slice %arg8[%add3A_251, %dma_start3A_252] : memref<204800x128xf32, #tpu.memory_space<hbm>> -> memref<80x128xf32, #tpu.memory_space<hbm>>
      %dma_start3A_254 = arith.constant 0 : i32
      %dma_start3A_255 = tpu.memref_slice %arg8[%add3A_251, %dma_start3A_254] : memref<204800x128xf32, #tpu.memory_space<hbm>> -> memref<80x128xf32, #tpu.memory_space<hbm>>
      tpu.enqueue_dma source(%arg16 : memref<80x128xf32, #tpu.memory_space<vmem>>) target(%dma_start3A_255 : memref<80x128xf32, #tpu.memory_space<hbm>>) target_semaphore(%arg28 : memref<!tpu.dma_semaphore, #tpu.memory_space<semaphore_mem>>)
      %ge3A_256 = arith.constant 1 : i32
      %ge3A_257 = arith.cmpi sge, %scan3A_121, %ge3A_256 : i32
      %convert_element_type3A_258 = arith.extui %ge3A_257 : i1 to i32
      %cond3A_259 = arith.constant 0 : i32
      %cond3A_260 = arith.cmpi ne, %convert_element_type3A_258, %cond3A_259 : i32
      scf.if %cond3A_260 {
        %sub3A = arith.constant 4 : i32
        %sub3A_280 = arith.subi %add3A_242, %sub3A : i32
        %mul3A_281 = arith.constant 80 : i32
        %mul3A_282 = arith.muli %sub3A_280, %mul3A_281 : i32
        %add3A_283 = arith.addi %mul3A_2, %mul3A_282 : i32
        %dma_wait3A_284 = arith.constant 0 : i32
        %dma_wait3A_285 = tpu.memref_slice %arg7[%add3A_283, %dma_wait3A_284] : memref<204800x128xf32, #tpu.memory_space<hbm>> -> memref<80x128xf32, #tpu.memory_space<hbm>>
        %dma_wait3A_286 = arith.constant 0 : i32
        %dma_wait3A_287 = tpu.memref_slice %arg7[%add3A_283, %dma_wait3A_286] : memref<204800x128xf32, #tpu.memory_space<hbm>> -> memref<80x128xf32, #tpu.memory_space<hbm>>
        tpu.wait_dma2 semaphore(%arg32 : memref<!tpu.dma_semaphore, #tpu.memory_space<semaphore_mem>>) src(%arg20 : memref<80x128xf32, #tpu.memory_space<vmem>>) dst(%dma_wait3A_287 : memref<80x128xf32, #tpu.memory_space<hbm>>)
      } else {
      }
      %mul3A_261 = arith.constant 80 : i32
      %mul3A_262 = arith.muli %add3A_242, %mul3A_261 : i32
      %rem3A_263 = arith.constant 200 : i32
      %rem3A_264 = arith.remsi %mul3A_262, %rem3A_263 : i32
      %parallel_loop3A_265 = arith.constant 0 : i32
      %parallel_loop3A_266 = arith.constant 80 : i32
      %parallel_loop3A_267 = arith.constant 1 : i32
      scf.for %parallel_loop3A_280 = %parallel_loop3A_265 to %parallel_loop3A_266 step %parallel_loop3A_267  : i32 {
        %parallel_loop3A_281 = arith.addi %rem3A_264, %parallel_loop3A_280 : i32
        %parallel_loop3A_282 = arith.constant 200 : i32
        %parallel_loop3A_283 = arith.cmpi sge, %parallel_loop3A_281, %parallel_loop3A_282 : i32
        %parallel_loop3A_284 = arith.constant 200 : i32
        %parallel_loop3A_285 = arith.subi %parallel_loop3A_281, %parallel_loop3A_284 : i32
        %parallel_loop3A_286 = arith.select %parallel_loop3A_283, %parallel_loop3A_285, %parallel_loop3A_281 : i32
        %parallel_loop3A_287 = arith.index_cast %parallel_loop3A_280 : i32 to index
        %parallel_loop3A_288 = arith.constant 0 : index
        %parallel_loop3A_289 = tpu.vector_load %arg16[%parallel_loop3A_287, %parallel_loop3A_288] {strides = array<i32>} : memref<80x128xf32, #tpu.memory_space<vmem>>, vector<16xf32>,
        %parallel_loop3A_290 = arith.index_cast %parallel_loop3A_286 : i32 to index
        %parallel_loop3A_291 = arith.constant 0 : index
        %parallel_loop3A_292 = tpu.vector_load %arg10[%parallel_loop3A_290, %parallel_loop3A_291] {strides = array<i32>} : memref<200x128xf32, #tpu.memory_space<vmem>>, vector<16xf32>,
        %parallel_loop3A_293 = arith.addf %parallel_loop3A_289, %parallel_loop3A_292 : vector<16xf32>
        %parallel_loop3A_294 = arith.index_cast %parallel_loop3A_280 : i32 to index
        %parallel_loop3A_295 = arith.constant 16 : index
        %parallel_loop3A_296 = tpu.vector_load %arg16[%parallel_loop3A_294, %parallel_loop3A_295] {strides = array<i32>} : memref<80x128xf32, #tpu.memory_space<vmem>>, vector<16xf32>,
        %parallel_loop3A_297 = arith.index_cast %parallel_loop3A_286 : i32 to index
        %parallel_loop3A_298 = arith.constant 16 : index
        %parallel_loop3A_299 = tpu.vector_load %arg10[%parallel_loop3A_297, %parallel_loop3A_298] {strides = array<i32>} : memref<200x128xf32, #tpu.memory_space<vmem>>, vector<16xf32>,
        %parallel_loop3A_300 = arith.addf %parallel_loop3A_296, %parallel_loop3A_299 : vector<16xf32>
        %parallel_loop3A_301 = arith.index_cast %parallel_loop3A_280 : i32 to index
        %parallel_loop3A_302 = arith.constant 32 : index
        %parallel_loop3A_303 = tpu.vector_load %arg16[%parallel_loop3A_301, %parallel_loop3A_302] {strides = array<i32>} : memref<80x128xf32, #tpu.memory_space<vmem>>, vector<16xf32>,
        %parallel_loop3A_304 = arith.index_cast %parallel_loop3A_286 : i32 to index
        %parallel_loop3A_305 = arith.constant 32 : index
        %parallel_loop3A_306 = tpu.vector_load %arg10[%parallel_loop3A_304, %parallel_loop3A_305] {strides = array<i32>} : memref<200x128xf32, #tpu.memory_space<vmem>>, vector<16xf32>,
        %parallel_loop3A_307 = arith.addf %parallel_loop3A_303, %parallel_loop3A_306 : vector<16xf32>
        %parallel_loop3A_308 = arith.index_cast %parallel_loop3A_280 : i32 to index
        %parallel_loop3A_309 = arith.constant 48 : index
        %parallel_loop3A_310 = tpu.vector_load %arg16[%parallel_loop3A_308, %parallel_loop3A_309] {strides = array<i32>} : memref<80x128xf32, #tpu.memory_space<vmem>>, vector<16xf32>,
        %parallel_loop3A_311 = arith.index_cast %parallel_loop3A_286 : i32 to index
        %parallel_loop3A_312 = arith.constant 48 : index
        %parallel_loop3A_313 = tpu.vector_load %arg10[%parallel_loop3A_311, %parallel_loop3A_312] {strides = array<i32>} : memref<200x128xf32, #tpu.memory_space<vmem>>, vector<16xf32>,
        %parallel_loop3A_314 = arith.addf %parallel_loop3A_310, %parallel_loop3A_313 : vector<16xf32>
        %parallel_loop3A_315 = arith.index_cast %parallel_loop3A_280 : i32 to index
        %parallel_loop3A_316 = arith.constant 64 : index
        %parallel_loop3A_317 = tpu.vector_load %arg16[%parallel_loop3A_315, %parallel_loop3A_316] {strides = array<i32>} : memref<80x128xf32, #tpu.memory_space<vmem>>, vector<16xf32>,
        %parallel_loop3A_318 = arith.index_cast %parallel_loop3A_286 : i32 to index
        %parallel_loop3A_319 = arith.constant 64 : index
        %parallel_loop3A_320 = tpu.vector_load %arg10[%parallel_loop3A_318, %parallel_loop3A_319] {strides = array<i32>} : memref<200x128xf32, #tpu.memory_space<vmem>>, vector<16xf32>,
        %parallel_loop3A_321 = arith.addf %parallel_loop3A_317, %parallel_loop3A_320 : vector<16xf32>
        %parallel_loop3A_322 = arith.index_cast %parallel_loop3A_280 : i32 to index
        %parallel_loop3A_323 = arith.constant 80 : index
        %parallel_loop3A_324 = tpu.vector_load %arg16[%parallel_loop3A_322, %parallel_loop3A_323] {strides = array<i32>} : memref<80x128xf32, #tpu.memory_space<vmem>>, vector<16xf32>,
        %parallel_loop3A_325 = arith.index_cast %parallel_loop3A_286 : i32 to index
        %parallel_loop3A_326 = arith.constant 80 : index
        %parallel_loop3A_327 = tpu.vector_load %arg10[%parallel_loop3A_325, %parallel_loop3A_326] {strides = array<i32>} : memref<200x128xf32, #tpu.memory_space<vmem>>, vector<16xf32>,
        %parallel_loop3A_328 = arith.addf %parallel_loop3A_324, %parallel_loop3A_327 : vector<16xf32>
        %parallel_loop3A_329 = arith.index_cast %parallel_loop3A_280 : i32 to index
        %parallel_loop3A_330 = arith.constant 96 : index
        %parallel_loop3A_331 = tpu.vector_load %arg16[%parallel_loop3A_329, %parallel_loop3A_330] {strides = array<i32>} : memref<80x128xf32, #tpu.memory_space<vmem>>, vector<16xf32>,
        %parallel_loop3A_332 = arith.index_cast %parallel_loop3A_286 : i32 to index
        %parallel_loop3A_333 = arith.constant 96 : index
        %parallel_loop3A_334 = tpu.vector_load %arg10[%parallel_loop3A_332, %parallel_loop3A_333] {strides = array<i32>} : memref<200x128xf32, #tpu.memory_space<vmem>>, vector<16xf32>,
        %parallel_loop3A_335 = arith.addf %parallel_loop3A_331, %parallel_loop3A_334 : vector<16xf32>
        %parallel_loop3A_336 = arith.index_cast %parallel_loop3A_280 : i32 to index
        %parallel_loop3A_337 = arith.constant 112 : index
        %parallel_loop3A_338 = tpu.vector_load %arg16[%parallel_loop3A_336, %parallel_loop3A_337] {strides = array<i32>} : memref<80x128xf32, #tpu.memory_space<vmem>>, vector<16xf32>,
        %parallel_loop3A_339 = arith.index_cast %parallel_loop3A_286 : i32 to index
        %parallel_loop3A_340 = arith.constant 112 : index
        %parallel_loop3A_341 = tpu.vector_load %arg10[%parallel_loop3A_339, %parallel_loop3A_340] {strides = array<i32>} : memref<200x128xf32, #tpu.memory_space<vmem>>, vector<16xf32>,
        %parallel_loop3A_342 = arith.addf %parallel_loop3A_338, %parallel_loop3A_341 : vector<16xf32>
        %parallel_loop3A_343 = arith.addf %parallel_loop3A_293, %parallel_loop3A_300 : vector<16xf32>
        %parallel_loop3A_344 = arith.addf %parallel_loop3A_307, %parallel_loop3A_314 : vector<16xf32>
        %parallel_loop3A_345 = arith.addf %parallel_loop3A_321, %parallel_loop3A_328 : vector<16xf32>
        %parallel_loop3A_346 = arith.addf %parallel_loop3A_335, %parallel_loop3A_342 : vector<16xf32>
        %parallel_loop3A_347 = arith.addf %parallel_loop3A_343, %parallel_loop3A_344 : vector<16xf32>
        %parallel_loop3A_348 = arith.addf %parallel_loop3A_345, %parallel_loop3A_346 : vector<16xf32>
        %parallel_loop3A_349 = arith.addf %parallel_loop3A_347, %parallel_loop3A_348 : vector<16xf32>
        %parallel_loop3A_350 = arith.constant true
        %parallel_loop3A_351 = vector.broadcast %parallel_loop3A_350 : i1 to vector<16xi1>
        %parallel_loop3A_352 = tpu.scan <sum>, %parallel_loop3A_349 masked %parallel_loop3A_351 : vector<16xf32>, vector<16xi1> -> vector<16xf32>
        %parallel_loop3A_353 = vector.extract %parallel_loop3A_352[15] : f32 from vector<16xf32>
        %parallel_loop3A_354 = arith.mulf %parallel_loop3A_293, %parallel_loop3A_293 : vector<16xf32>
        %parallel_loop3A_355 = arith.mulf %parallel_loop3A_300, %parallel_loop3A_300 : vector<16xf32>
        %parallel_loop3A_356 = arith.mulf %parallel_loop3A_307, %parallel_loop3A_307 : vector<16xf32>
        %parallel_loop3A_357 = arith.mulf %parallel_loop3A_314, %parallel_loop3A_314 : vector<16xf32>
        %parallel_loop3A_358 = arith.mulf %parallel_loop3A_321, %parallel_loop3A_321 : vector<16xf32>
        %parallel_loop3A_359 = arith.mulf %parallel_loop3A_328, %parallel_loop3A_328 : vector<16xf32>
        %parallel_loop3A_360 = arith.mulf %parallel_loop3A_335, %parallel_loop3A_335 : vector<16xf32>
        %parallel_loop3A_361 = arith.mulf %parallel_loop3A_342, %parallel_loop3A_342 : vector<16xf32>
        %parallel_loop3A_362 = arith.addf %parallel_loop3A_354, %parallel_loop3A_355 : vector<16xf32>
        %parallel_loop3A_363 = arith.addf %parallel_loop3A_356, %parallel_loop3A_357 : vector<16xf32>
        %parallel_loop3A_364 = arith.addf %parallel_loop3A_358, %parallel_loop3A_359 : vector<16xf32>
        %parallel_loop3A_365 = arith.addf %parallel_loop3A_360, %parallel_loop3A_361 : vector<16xf32>
        %parallel_loop3A_366 = arith.addf %parallel_loop3A_362, %parallel_loop3A_363 : vector<16xf32>
        %parallel_loop3A_367 = arith.addf %parallel_loop3A_364, %parallel_loop3A_365 : vector<16xf32>
        %parallel_loop3A_368 = arith.addf %parallel_loop3A_366, %parallel_loop3A_367 : vector<16xf32>
        %parallel_loop3A_369 = arith.constant true
        %parallel_loop3A_370 = vector.broadcast %parallel_loop3A_369 : i1 to vector<16xi1>
        %parallel_loop3A_371 = tpu.scan <sum>, %parallel_loop3A_368 masked %parallel_loop3A_370 : vector<16xf32>, vector<16xi1> -> vector<16xf32>
        %parallel_loop3A_372 = vector.extract %parallel_loop3A_371[15] : f32 from vector<16xf32>
        %parallel_loop3A_373 = arith.constant 7.812500e-03 : f32
        %parallel_loop3A_374 = arith.mulf %parallel_loop3A_353, %parallel_loop3A_373 : f32
        %parallel_loop3A_375 = arith.constant 7.812500e-03 : f32
        %parallel_loop3A_376 = arith.mulf %parallel_loop3A_372, %parallel_loop3A_375 : f32
        %parallel_loop3A_377 = arith.mulf %parallel_loop3A_374, %parallel_loop3A_374 : f32
        %parallel_loop3A_378 = arith.subf %parallel_loop3A_376, %parallel_loop3A_377 : f32
        %parallel_loop3A_379 = arith.constant 9.99999996E-13 : f32
        %parallel_loop3A_380 = arith.addf %parallel_loop3A_378, %parallel_loop3A_379 : f32
        %parallel_loop3A_381 = arith.bitcast %parallel_loop3A_380 : f32 to i32
        %parallel_loop3A_382 = arith.constant 1 : i32
        %parallel_loop3A_383 = arith.shrsi %parallel_loop3A_381, %parallel_loop3A_382 : i32
        %parallel_loop3A_384 = arith.constant 1597463007 : i32
        %parallel_loop3A_385 = arith.subi %parallel_loop3A_384, %parallel_loop3A_383 : i32
        %parallel_loop3A_386 = arith.bitcast %parallel_loop3A_385 : i32 to f32
        %parallel_loop3A_387 = arith.constant 5.000000e-01 : f32
        %parallel_loop3A_388 = arith.mulf %parallel_loop3A_387, %parallel_loop3A_380 : f32
        %parallel_loop3A_389 = arith.mulf %parallel_loop3A_388, %parallel_loop3A_386 : f32
        %parallel_loop3A_390 = arith.mulf %parallel_loop3A_389, %parallel_loop3A_386 : f32
        %parallel_loop3A_391 = arith.constant 1.500000e+00 : f32
        %parallel_loop3A_392 = arith.subf %parallel_loop3A_391, %parallel_loop3A_390 : f32
        %parallel_loop3A_393 = arith.mulf %parallel_loop3A_386, %parallel_loop3A_392 : f32
        %parallel_loop3A_394 = arith.constant 5.000000e-01 : f32
        %parallel_loop3A_395 = arith.mulf %parallel_loop3A_394, %parallel_loop3A_380 : f32
        %parallel_loop3A_396 = arith.mulf %parallel_loop3A_395, %parallel_loop3A_393 : f32
        %parallel_loop3A_397 = arith.mulf %parallel_loop3A_396, %parallel_loop3A_393 : f32
        %parallel_loop3A_398 = arith.constant 1.500000e+00 : f32
        %parallel_loop3A_399 = arith.subf %parallel_loop3A_398, %parallel_loop3A_397 : f32
        %parallel_loop3A_400 = arith.mulf %parallel_loop3A_393, %parallel_loop3A_399 : f32
        %parallel_loop3A_401 = arith.constant 5.000000e-01 : f32
        %parallel_loop3A_402 = arith.mulf %parallel_loop3A_401, %parallel_loop3A_380 : f32
        %parallel_loop3A_403 = arith.mulf %parallel_loop3A_402, %parallel_loop3A_400 : f32
        %parallel_loop3A_404 = arith.mulf %parallel_loop3A_403, %parallel_loop3A_400 : f32
        %parallel_loop3A_405 = arith.constant 1.500000e+00 : f32
        %parallel_loop3A_406 = arith.subf %parallel_loop3A_405, %parallel_loop3A_404 : f32
        %parallel_loop3A_407 = arith.mulf %parallel_loop3A_400, %parallel_loop3A_406 : f32
        %parallel_loop3A_408 = vector.broadcast %parallel_loop3A_407 : f32 to vector<16xf32>
        %parallel_loop3A_409 = arith.mulf %parallel_loop3A_408, %get3A_37 : vector<16xf32>
        %parallel_loop3A_410 = vector.broadcast %parallel_loop3A_407 : f32 to vector<16xf32>
        %parallel_loop3A_411 = arith.mulf %parallel_loop3A_410, %get3A_39 : vector<16xf32>
        %parallel_loop3A_412 = vector.broadcast %parallel_loop3A_407 : f32 to vector<16xf32>
        %parallel_loop3A_413 = arith.mulf %parallel_loop3A_412, %get3A_41 : vector<16xf32>
        %parallel_loop3A_414 = vector.broadcast %parallel_loop3A_407 : f32 to vector<16xf32>
        %parallel_loop3A_415 = arith.mulf %parallel_loop3A_414, %get3A_43 : vector<16xf32>
        %parallel_loop3A_416 = vector.broadcast %parallel_loop3A_407 : f32 to vector<16xf32>
        %parallel_loop3A_417 = arith.mulf %parallel_loop3A_416, %get3A_45 : vector<16xf32>
        %parallel_loop3A_418 = vector.broadcast %parallel_loop3A_407 : f32 to vector<16xf32>
        %parallel_loop3A_419 = arith.mulf %parallel_loop3A_418, %get3A_47 : vector<16xf32>
        %parallel_loop3A_420 = vector.broadcast %parallel_loop3A_407 : f32 to vector<16xf32>
        %parallel_loop3A_421 = arith.mulf %parallel_loop3A_420, %get3A_49 : vector<16xf32>
        %parallel_loop3A_422 = vector.broadcast %parallel_loop3A_407 : f32 to vector<16xf32>
        %parallel_loop3A_423 = arith.mulf %parallel_loop3A_422, %get3A_51 : vector<16xf32>
        %parallel_loop3A_424 = vector.broadcast %parallel_loop3A_374 : f32 to vector<16xf32>
        %parallel_loop3A_425 = arith.subf %parallel_loop3A_293, %parallel_loop3A_424 : vector<16xf32>
        %parallel_loop3A_426 = arith.mulf %parallel_loop3A_425, %parallel_loop3A_409 : vector<16xf32>
        %parallel_loop3A_427 = arith.addf %parallel_loop3A_426, %get3A_53 : vector<16xf32>
        %parallel_loop3A_428 = arith.index_cast %parallel_loop3A_280 : i32 to index
        %parallel_loop3A_429 = arith.constant 0 : index
        %parallel_loop3A_430 = tpu.vector_load %arg20[%parallel_loop3A_428, %parallel_loop3A_429] {strides = array<i32>} : memref<80x128xf32, #tpu.memory_space<vmem>>, vector<16xf32>,
        tpu.vector_store %arg20[%parallel_loop3A_428, %parallel_loop3A_429], %parallel_loop3A_427 {strides = array<i32>} : memref<80x128xf32, #tpu.memory_space<vmem>>, vector<16xf32>,
        %parallel_loop3A_431 = vector.broadcast %parallel_loop3A_374 : f32 to vector<16xf32>
        %parallel_loop3A_432 = arith.subf %parallel_loop3A_300, %parallel_loop3A_431 : vector<16xf32>
        %parallel_loop3A_433 = arith.mulf %parallel_loop3A_432, %parallel_loop3A_411 : vector<16xf32>
        %parallel_loop3A_434 = arith.addf %parallel_loop3A_433, %get3A_55 : vector<16xf32>
        %parallel_loop3A_435 = arith.index_cast %parallel_loop3A_280 : i32 to index
        %parallel_loop3A_436 = arith.constant 16 : index
        %parallel_loop3A_437 = tpu.vector_load %arg20[%parallel_loop3A_435, %parallel_loop3A_436] {strides = array<i32>} : memref<80x128xf32, #tpu.memory_space<vmem>>, vector<16xf32>,
        tpu.vector_store %arg20[%parallel_loop3A_435, %parallel_loop3A_436], %parallel_loop3A_434 {strides = array<i32>} : memref<80x128xf32, #tpu.memory_space<vmem>>, vector<16xf32>,
        %parallel_loop3A_438 = vector.broadcast %parallel_loop3A_374 : f32 to vector<16xf32>
        %parallel_loop3A_439 = arith.subf %parallel_loop3A_307, %parallel_loop3A_438 : vector<16xf32>
        %parallel_loop3A_440 = arith.mulf %parallel_loop3A_439, %parallel_loop3A_413 : vector<16xf32>
        %parallel_loop3A_441 = arith.addf %parallel_loop3A_440, %get3A_57 : vector<16xf32>
        %parallel_loop3A_442 = arith.index_cast %parallel_loop3A_280 : i32 to index
        %parallel_loop3A_443 = arith.constant 32 : index
        %parallel_loop3A_444 = tpu.vector_load %arg20[%parallel_loop3A_442, %parallel_loop3A_443] {strides = array<i32>} : memref<80x128xf32, #tpu.memory_space<vmem>>, vector<16xf32>,
        tpu.vector_store %arg20[%parallel_loop3A_442, %parallel_loop3A_443], %parallel_loop3A_441 {strides = array<i32>} : memref<80x128xf32, #tpu.memory_space<vmem>>, vector<16xf32>,
        %parallel_loop3A_445 = vector.broadcast %parallel_loop3A_374 : f32 to vector<16xf32>
        %parallel_loop3A_446 = arith.subf %parallel_loop3A_314, %parallel_loop3A_445 : vector<16xf32>
        %parallel_loop3A_447 = arith.mulf %parallel_loop3A_446, %parallel_loop3A_415 : vector<16xf32>
        %parallel_loop3A_448 = arith.addf %parallel_loop3A_447, %get3A_59 : vector<16xf32>
        %parallel_loop3A_449 = arith.index_cast %parallel_loop3A_280 : i32 to index
        %parallel_loop3A_450 = arith.constant 48 : index
        %parallel_loop3A_451 = tpu.vector_load %arg20[%parallel_loop3A_449, %parallel_loop3A_450] {strides = array<i32>} : memref<80x128xf32, #tpu.memory_space<vmem>>, vector<16xf32>,
        tpu.vector_store %arg20[%parallel_loop3A_449, %parallel_loop3A_450], %parallel_loop3A_448 {strides = array<i32>} : memref<80x128xf32, #tpu.memory_space<vmem>>, vector<16xf32>,
        %parallel_loop3A_452 = vector.broadcast %parallel_loop3A_374 : f32 to vector<16xf32>
        %parallel_loop3A_453 = arith.subf %parallel_loop3A_321, %parallel_loop3A_452 : vector<16xf32>
        %parallel_loop3A_454 = arith.mulf %parallel_loop3A_453, %parallel_loop3A_417 : vector<16xf32>
        %parallel_loop3A_455 = arith.addf %parallel_loop3A_454, %get3A_61 : vector<16xf32>
        %parallel_loop3A_456 = arith.index_cast %parallel_loop3A_280 : i32 to index
        %parallel_loop3A_457 = arith.constant 64 : index
        %parallel_loop3A_458 = tpu.vector_load %arg20[%parallel_loop3A_456, %parallel_loop3A_457] {strides = array<i32>} : memref<80x128xf32, #tpu.memory_space<vmem>>, vector<16xf32>,
        tpu.vector_store %arg20[%parallel_loop3A_456, %parallel_loop3A_457], %parallel_loop3A_455 {strides = array<i32>} : memref<80x128xf32, #tpu.memory_space<vmem>>, vector<16xf32>,
        %parallel_loop3A_459 = vector.broadcast %parallel_loop3A_374 : f32 to vector<16xf32>
        %parallel_loop3A_460 = arith.subf %parallel_loop3A_328, %parallel_loop3A_459 : vector<16xf32>
        %parallel_loop3A_461 = arith.mulf %parallel_loop3A_460, %parallel_loop3A_419 : vector<16xf32>
        %parallel_loop3A_462 = arith.addf %parallel_loop3A_461, %get3A_63 : vector<16xf32>
        %parallel_loop3A_463 = arith.index_cast %parallel_loop3A_280 : i32 to index
        %parallel_loop3A_464 = arith.constant 80 : index
        %parallel_loop3A_465 = tpu.vector_load %arg20[%parallel_loop3A_463, %parallel_loop3A_464] {strides = array<i32>} : memref<80x128xf32, #tpu.memory_space<vmem>>, vector<16xf32>,
        tpu.vector_store %arg20[%parallel_loop3A_463, %parallel_loop3A_464], %parallel_loop3A_462 {strides = array<i32>} : memref<80x128xf32, #tpu.memory_space<vmem>>, vector<16xf32>,
        %parallel_loop3A_466 = vector.broadcast %parallel_loop3A_374 : f32 to vector<16xf32>
        %parallel_loop3A_467 = arith.subf %parallel_loop3A_335, %parallel_loop3A_466 : vector<16xf32>
        %parallel_loop3A_468 = arith.mulf %parallel_loop3A_467, %parallel_loop3A_421 : vector<16xf32>
        %parallel_loop3A_469 = arith.addf %parallel_loop3A_468, %get3A_65 : vector<16xf32>
        %parallel_loop3A_470 = arith.index_cast %parallel_loop3A_280 : i32 to index
        %parallel_loop3A_471 = arith.constant 96 : index
        %parallel_loop3A_472 = tpu.vector_load %arg20[%parallel_loop3A_470, %parallel_loop3A_471] {strides = array<i32>} : memref<80x128xf32, #tpu.memory_space<vmem>>, vector<16xf32>,
        tpu.vector_store %arg20[%parallel_loop3A_470, %parallel_loop3A_471], %parallel_loop3A_469 {strides = array<i32>} : memref<80x128xf32, #tpu.memory_space<vmem>>, vector<16xf32>,
        %parallel_loop3A_473 = vector.broadcast %parallel_loop3A_374 : f32 to vector<16xf32>
        %parallel_loop3A_474 = arith.subf %parallel_loop3A_342, %parallel_loop3A_473 : vector<16xf32>
        %parallel_loop3A_475 = arith.mulf %parallel_loop3A_474, %parallel_loop3A_423 : vector<16xf32>
        %parallel_loop3A_476 = arith.addf %parallel_loop3A_475, %get3A_67 : vector<16xf32>
        %parallel_loop3A_477 = arith.index_cast %parallel_loop3A_280 : i32 to index
        %parallel_loop3A_478 = arith.constant 112 : index
        %parallel_loop3A_479 = tpu.vector_load %arg20[%parallel_loop3A_477, %parallel_loop3A_478] {strides = array<i32>} : memref<80x128xf32, #tpu.memory_space<vmem>>, vector<16xf32>,
        tpu.vector_store %arg20[%parallel_loop3A_477, %parallel_loop3A_478], %parallel_loop3A_476 {strides = array<i32>} : memref<80x128xf32, #tpu.memory_space<vmem>>, vector<16xf32>,
      } {sc.loop_unroll_factor = 2 : i64, sc.parallel_access}
      %mul3A_268 = arith.constant 80 : i32
      %mul3A_269 = arith.muli %add3A_242, %mul3A_268 : i32
      %add3A_270 = arith.addi %mul3A_2, %mul3A_269 : i32
      %dma_start3A_271 = arith.constant 0 : i32
      %dma_start3A_272 = tpu.memref_slice %arg7[%add3A_270, %dma_start3A_271] : memref<204800x128xf32, #tpu.memory_space<hbm>> -> memref<80x128xf32, #tpu.memory_space<hbm>>
      %dma_start3A_273 = arith.constant 0 : i32
      %dma_start3A_274 = tpu.memref_slice %arg7[%add3A_270, %dma_start3A_273] : memref<204800x128xf32, #tpu.memory_space<hbm>> -> memref<80x128xf32, #tpu.memory_space<hbm>>
      tpu.enqueue_dma source(%arg20 : memref<80x128xf32, #tpu.memory_space<vmem>>) target(%dma_start3A_274 : memref<80x128xf32, #tpu.memory_space<hbm>>) target_semaphore(%arg32 : memref<!tpu.dma_semaphore, #tpu.memory_space<semaphore_mem>>)
      %lt3A_275 = arith.constant 19 : i32
      %lt3A_276 = arith.cmpi slt, %scan3A_121, %lt3A_275 : i32
      %convert_element_type3A_277 = arith.extui %lt3A_276 : i1 to i32
      %cond3A_278 = arith.constant 0 : i32
      %cond3A_279 = arith.cmpi ne, %convert_element_type3A_277, %cond3A_278 : i32
      scf.if %cond3A_279 {
        %mul3A_280 = arith.constant 80 : i32
        %mul3A_281 = arith.muli %add3A_242, %mul3A_280 : i32
        %add3A_282 = arith.addi %mul3A_2, %mul3A_281 : i32
        %dma_wait3A_283 = arith.constant 0 : i32
        %dma_wait3A_284 = tpu.memref_slice %arg8[%add3A_282, %dma_wait3A_283] : memref<204800x128xf32, #tpu.memory_space<hbm>> -> memref<80x128xf32, #tpu.memory_space<hbm>>
        %dma_wait3A_285 = arith.constant 0 : i32
        %dma_wait3A_286 = tpu.memref_slice %arg8[%add3A_282, %dma_wait3A_285] : memref<204800x128xf32, #tpu.memory_space<hbm>> -> memref<80x128xf32, #tpu.memory_space<hbm>>
        tpu.wait_dma2 semaphore(%arg28 : memref<!tpu.dma_semaphore, #tpu.memory_space<semaphore_mem>>) src(%arg16 : memref<80x128xf32, #tpu.memory_space<vmem>>) dst(%dma_wait3A_286 : memref<80x128xf32, #tpu.memory_space<hbm>>)
        %add3A_287 = arith.constant 4 : i32
        %add3A_288 = arith.addi %add3A_242, %add3A_287 : i32
        %mul3A_289 = arith.constant 80 : i32
        %mul3A_290 = arith.muli %add3A_288, %mul3A_289 : i32
        %dma_start3A_291 = tpu.memref_slice %arg9[%mul3A_290] : memref<6400xi32, #tpu.memory_space<vmem>> -> memref<80xi32, #tpu.memory_space<vmem>>
        %dma_start3A_292 = arith.constant 0 : i32
        %dma_start3A_293 = arith.constant 0 : i32
        %dma_start3A_294 = tpu.memref_slice %arg3[%dma_start3A_292, %dma_start3A_293] : memref<100000x128xf32, #tpu.memory_space<hbm>> -> memref<100000x128xf32, #tpu.memory_space<hbm>>
        tpu.enqueue_indirect_dma source(%dma_start3A_294 : memref<100000x128xf32, #tpu.memory_space<hbm>>) target(%arg16 : memref<80x128xf32, #tpu.memory_space<vmem>>) offsets(%dma_start3A_291 : memref<80xi32, #tpu.memory_space<vmem>>) semaphore(%arg24 : memref<!tpu.dma_semaphore, #tpu.memory_space<semaphore_mem>>)
      } else {
      }
    }
    %scan3A_72 = arith.constant 20 : i32
    %add3A_73 = arith.constant 6080 : i32
    %add3A_74 = arith.addi %mul3A_2, %add3A_73 : i32
    %dma_wait3A_75 = arith.constant 0 : i32
    %dma_wait3A_76 = tpu.memref_slice %arg8[%add3A_74, %dma_wait3A_75] : memref<204800x128xf32, #tpu.memory_space<hbm>> -> memref<80x128xf32, #tpu.memory_space<hbm>>
    %dma_wait3A_77 = arith.constant 0 : i32
    %dma_wait3A_78 = tpu.memref_slice %arg8[%add3A_74, %dma_wait3A_77] : memref<204800x128xf32, #tpu.memory_space<hbm>> -> memref<80x128xf32, #tpu.memory_space<hbm>>
    tpu.wait_dma2 semaphore(%arg25 : memref<!tpu.dma_semaphore, #tpu.memory_space<semaphore_mem>>) src(%arg13 : memref<80x128xf32, #tpu.memory_space<vmem>>) dst(%dma_wait3A_78 : memref<80x128xf32, #tpu.memory_space<hbm>>)
    %add3A_79 = arith.constant 6080 : i32
    %add3A_80 = arith.addi %mul3A_2, %add3A_79 : i32
    %dma_wait3A_81 = arith.constant 0 : i32
    %dma_wait3A_82 = tpu.memref_slice %arg7[%add3A_80, %dma_wait3A_81] : memref<204800x128xf32, #tpu.memory_space<hbm>> -> memref<80x128xf32, #tpu.memory_space<hbm>>
    %dma_wait3A_83 = arith.constant 0 : i32
    %dma_wait3A_84 = tpu.memref_slice %arg7[%add3A_80, %dma_wait3A_83] : memref<204800x128xf32, #tpu.memory_space<hbm>> -> memref<80x128xf32, #tpu.memory_space<hbm>>
    tpu.wait_dma2 semaphore(%arg29 : memref<!tpu.dma_semaphore, #tpu.memory_space<semaphore_mem>>) src(%arg17 : memref<80x128xf32, #tpu.memory_space<vmem>>) dst(%dma_wait3A_84 : memref<80x128xf32, #tpu.memory_space<hbm>>)
    %add3A_85 = arith.constant 6160 : i32
    %add3A_86 = arith.addi %mul3A_2, %add3A_85 : i32
    %dma_wait3A_87 = arith.constant 0 : i32
    %dma_wait3A_88 = tpu.memref_slice %arg8[%add3A_86, %dma_wait3A_87] : memref<204800x128xf32, #tpu.memory_space<hbm>> -> memref<80x128xf32, #tpu.memory_space<hbm>>
    %dma_wait3A_89 = arith.constant 0 : i32
    %dma_wait3A_90 = tpu.memref_slice %arg8[%add3A_86, %dma_wait3A_89] : memref<204800x128xf32, #tpu.memory_space<hbm>> -> memref<80x128xf32, #tpu.memory_space<hbm>>
    tpu.wait_dma2 semaphore(%arg26 : memref<!tpu.dma_semaphore, #tpu.memory_space<semaphore_mem>>) src(%arg14 : memref<80x128xf32, #tpu.memory_space<vmem>>) dst(%dma_wait3A_90 : memref<80x128xf32, #tpu.memory_space<hbm>>)
    %add3A_91 = arith.constant 6160 : i32
    %add3A_92 = arith.addi %mul3A_2, %add3A_91 : i32
    %dma_wait3A_93 = arith.constant 0 : i32
    %dma_wait3A_94 = tpu.memref_slice %arg7[%add3A_92, %dma_wait3A_93] : memref<204800x128xf32, #tpu.memory_space<hbm>> -> memref<80x128xf32, #tpu.memory_space<hbm>>
    %dma_wait3A_95 = arith.constant 0 : i32
    %dma_wait3A_96 = tpu.memref_slice %arg7[%add3A_92, %dma_wait3A_95] : memref<204800x128xf32, #tpu.memory_space<hbm>> -> memref<80x128xf32, #tpu.memory_space<hbm>>
    tpu.wait_dma2 semaphore(%arg30 : memref<!tpu.dma_semaphore, #tpu.memory_space<semaphore_mem>>) src(%arg18 : memref<80x128xf32, #tpu.memory_space<vmem>>) dst(%dma_wait3A_96 : memref<80x128xf32, #tpu.memory_space<hbm>>)
    %add3A_97 = arith.constant 6240 : i32
    %add3A_98 = arith.addi %mul3A_2, %add3A_97 : i32
    %dma_wait3A_99 = arith.constant 0 : i32
    %dma_wait3A_100 = tpu.memref_slice %arg8[%add3A_98, %dma_wait3A_99] : memref<204800x128xf32, #tpu.memory_space<hbm>> -> memref<80x128xf32, #tpu.memory_space<hbm>>
    %dma_wait3A_101 = arith.constant 0 : i32
    %dma_wait3A_102 = tpu.memref_slice %arg8[%add3A_98, %dma_wait3A_101] : memref<204800x128xf32, #tpu.memory_space<hbm>> -> memref<80x128xf32, #tpu.memory_space<hbm>>
    tpu.wait_dma2 semaphore(%arg27 : memref<!tpu.dma_semaphore, #tpu.memory_space<semaphore_mem>>) src(%arg15 : memref<80x128xf32, #tpu.memory_space<vmem>>) dst(%dma_wait3A_102 : memref<80x128xf32, #tpu.memory_space<hbm>>)
    %add3A_103 = arith.constant 6240 : i32
    %add3A_104 = arith.addi %mul3A_2, %add3A_103 : i32
    %dma_wait3A_105 = arith.constant 0 : i32
    %dma_wait3A_106 = tpu.memref_slice %arg7[%add3A_104, %dma_wait3A_105] : memref<204800x128xf32, #tpu.memory_space<hbm>> -> memref<80x128xf32, #tpu.memory_space<hbm>>
    %dma_wait3A_107 = arith.constant 0 : i32
    %dma_wait3A_108 = tpu.memref_slice %arg7[%add3A_104, %dma_wait3A_107] : memref<204800x128xf32, #tpu.memory_space<hbm>> -> memref<80x128xf32, #tpu.memory_space<hbm>>
    tpu.wait_dma2 semaphore(%arg31 : memref<!tpu.dma_semaphore, #tpu.memory_space<semaphore_mem>>) src(%arg19 : memref<80x128xf32, #tpu.memory_space<vmem>>) dst(%dma_wait3A_108 : memref<80x128xf32, #tpu.memory_space<hbm>>)
    %add3A_109 = arith.constant 6320 : i32
    %add3A_110 = arith.addi %mul3A_2, %add3A_109 : i32
    %dma_wait3A_111 = arith.constant 0 : i32
    %dma_wait3A_112 = tpu.memref_slice %arg8[%add3A_110, %dma_wait3A_111] : memref<204800x128xf32, #tpu.memory_space<hbm>> -> memref<80x128xf32, #tpu.memory_space<hbm>>
    %dma_wait3A_113 = arith.constant 0 : i32
    %dma_wait3A_114 = tpu.memref_slice %arg8[%add3A_110, %dma_wait3A_113] : memref<204800x128xf32, #tpu.memory_space<hbm>> -> memref<80x128xf32, #tpu.memory_space<hbm>>
    tpu.wait_dma2 semaphore(%arg28 : memref<!tpu.dma_semaphore, #tpu.memory_space<semaphore_mem>>) src(%arg16 : memref<80x128xf32, #tpu.memory_space<vmem>>) dst(%dma_wait3A_114 : memref<80x128xf32, #tpu.memory_space<hbm>>)
    %add3A_115 = arith.constant 6320 : i32
    %add3A_116 = arith.addi %mul3A_2, %add3A_115 : i32
    %dma_wait3A_117 = arith.constant 0 : i32
    %dma_wait3A_118 = tpu.memref_slice %arg7[%add3A_116, %dma_wait3A_117] : memref<204800x128xf32, #tpu.memory_space<hbm>> -> memref<80x128xf32, #tpu.memory_space<hbm>>
    %dma_wait3A_119 = arith.constant 0 : i32
    %dma_wait3A_120 = tpu.memref_slice %arg7[%add3A_116, %dma_wait3A_119] : memref<204800x128xf32, #tpu.memory_space<hbm>> -> memref<80x128xf32, #tpu.memory_space<hbm>>
    tpu.wait_dma2 semaphore(%arg32 : memref<!tpu.dma_semaphore, #tpu.memory_space<semaphore_mem>>) src(%arg20 : memref<80x128xf32, #tpu.memory_space<vmem>>) dst(%dma_wait3A_120 : memref<80x128xf32, #tpu.memory_space<hbm>>)
    return
  }
}

</mosaic_0001>

<sc_bundles>
// kernel: kernel.3.cloned.1.call-start
scs
__scs_entry_jumppad:
0x0: {  	(pc) =	sbr.rel $0x88, $3  }
0x1: {  	(tag) =	ssettag $0x0;
	lr =	simm.s32 $0x1  }
0x2: {  	[smem:$0x3F9C] =	sst lr;
	_ =	strace $0xD0000000  }
0x3: {  	_ = 	snop  }
0x4: {  	_ = 	snop  }
0x5: {  	_ = 	snop  }
0x6: {  	_ = 	snop  }
0x7: {  	_ = 	snop  }
__scs_overlays_trampoline_lowered:
0x8: {  	[smem:$0x3FAB] =	sst s0  }
0x9: {  	[smem:$0x3FAC] =	sst s1  }
0xa: {  	[smem:$0x3FAD] =	sst s2  }
0xb: {  	[smem:$0x3FAE] =	sst s3  }
0xc: {  	[smem:$0x3FAF] =	sst s4  }
0xd: {  	[smem:$0x3FB0] =	sst s5  }
0xe: {  	[smem:$0x3FB1] =	sst s6  }
0xf: {  	[smem:$0x3FB2] =	sst s7  }
0x10: {  	[smem:$0x3FB3] =	sst s8  }
0x11: {  	[smem:$0x3FB4] =	sst s9;
	s0 =	simm.s32 @!p0 $0x0  }
0x12: {  	s1 =	sld [smem:$0x3F9A];
	s0 =	simm.s32 @p0 $0x1  }
0x13: {  	[smem:$0x3FB5] =	sst s0;
	s0 =	simm.s32 @!p1 $0x0  }
0x14: {  	s2 =	sld [smem:$0x3F99];
	s0 =	simm.s32 @p1 $0x1  }
0x15: {  	[smem:$0x3FB6] =	sst s0;
	s0 =	simm.s32 @!p2 $0x0  }
0x16: {  	s3 =	sld [smem:$0x3FDB];
	s0 =	simm.s32 @p2 $0x1  }
0x17: {  	s4 =	simm.s32 $0x1BF5;
	[smem:$0x3FB8] =	sst s0  }
0x18: {  	s0 =	sld [smem:$0x3F9B];
	_ =	swait.ge [sflag:s4], $0x0  }
0x19: {  	s7 =	sld [smem:$0x3F9C]  }
0x1a: {  	s8 =	sadd.s32 $0xFFFFE003, lr  }
0x1b: {  	s9 =	sadd.s32 $0xFFFFFEF7, lr;
	s5 =	simm.s32 $0xFFFFFFFF;
	p2 =	slt.u32 s8, $0xFFFFF086  }
0x1c: {  	p1 =	slt.u32 s9, $0xF7A;
	s5 =	simm.s32 @!p2 $0x0  }
0x1d: {  	s5 =	simm.s32 @p1 $0x1;
	p0 =	seq.s32 s7, s2  }
0x1e: {  	s7 =	smul.u32 @!p0 $0xF7A, s2;
	p2 =	seq.s32 @!p0 s5, $0x0  }
0x1f: {  	s9 =	smul.u32 $0xF7A, s1;
	s8 =	simm.s32 @!p0 $0x1BF5;
	p2 =	por !p2, p0  }
0x20: {  	[sflag:s8] =	ssyncset.s32 @!p0 $0xFFFFF086;
	s6 =	sadd.s32 @!p0 s3, s7;
	s7 =	simm.s32 @!p0 $0x108  }
0x21: {  	s3 =	sadd.s32 s3, s9;
	s6 =	sadd.s32 @!p0 $0x88, s6;
	s7 =	simm.s32 @p2 $0x1082  }
0x22: {  	[simem:s7], [sflag:s8] =	dma.local @!p0 [hbm:s6], $0xF7A  }
0x23: {  	s9 =	sor.u32 $0xD0000000, s2;
	s6 =	simm.s32 $0x108;
	_ =	swait.ge @!p0 [sflag:s8], $0x0  }
0x24: {  	s3 =	sadd.s32 $0x88, s3;
	s6 =	simm.s32 @!p1 $0x1082;
	[sflag:s4] =	ssyncset.s32 $0xFFFFF086  }
0x25: {  	[simem:s6], [sflag:s4] =	dma.local [hbm:s3], $0xF7A  }
0x26: {  	[smem:$0x3F9C] =	sst s1;
	(tag) =	ssettag s2;
	_ =	strace s9  }
0x27: {  	s1 =	sld [smem:$0x3FAC]  }
0x28: {  	s2 =	sld [smem:$0x3FAD]  }
0x29: {  	s4 =	sld [smem:$0x3FAF]  }
0x2a: {  	p0 =	seq.s32 s5, $0x0;
	s5 =	sld [smem:$0x3FB0]  }
0x2b: {  	s6 =	sld [smem:$0x3FB1]  }
0x2c: {  	s7 =	sld [smem:$0x3FB2]  }
0x2d: {  	s3 =	simm.s32 $0x108;
	s8 =	sld [smem:$0x3FB3]  }
0x2e: {  	s3 =	simm.s32 @!p0 $0x1082;
	s9 =	sld [smem:$0x3FB4]  }
0x2f: {  	lr =	sadd.s32 s0, s3;
	s0 =	sld [smem:$0x3FAB]  }
0x30: {  	s3 =	sld [smem:$0x3FAE]  }
0x31: {  	[smem:$0x3FB7] =	sst s10  }
0x32: {  	s10 =	sld [smem:$0x3FB5];
	_ =	sdelay $0x3  }
0x33: {  	p0 =	seq.s32 s10, $0x1;
	s10 =	sld [smem:$0x3FB7];
	_ =	sdelay $0x3  }
0x34: {  	[smem:$0x3FB7] =	sst s10  }
0x35: {  	s10 =	sld [smem:$0x3FB6];
	_ =	sdelay $0x3  }
0x36: {  	p1 =	seq.s32 s10, $0x1;
	s10 =	sld [smem:$0x3FB7];
	_ =	sdelay $0x3  }
0x37: {  	[smem:$0x3FB7] =	sst s10  }
0x38: {  	s10 =	sld [smem:$0x3FB8]  }
0x39: {  	_ = 	snop;
	(pc) =	sbr.ind lr, $3  }
0x3a: {  	_ = 	snop  }
0x3b: {  	_ = 	snop  }
0x3c: {  	p2 =	seq.s32 s10, $0x1;
	s10 =	sld [smem:$0x3FB7]  }
0x3d: {  	_ =	shalt  }
0x3e: {  	_ =	shalt  }
0x3f: {  	_ =	shalt  }
0x40: {  	_ =	shalt  }
0x41: {  	_ =	shalt  }
0x42: {  	_ =	shalt  }
0x43: {  	_ =	shalt  }
0x44: {  	_ =	shalt  }
0x45: {  	_ =	shalt  }
0x46: {  	_ =	shalt  }
0x47: {  	_ =	shalt  }
0x48: {  	_ =	shalt  }
0x49: {  	_ =	shalt  }
0x4a: {  	_ =	shalt  }
0x4b: {  	_ =	shalt  }
0x4c: {  	_ =	shalt  }
0x4d: {  	_ =	shalt  }
0x4e: {  	_ =	shalt  }
0x4f: {  	_ =	shalt  }
0x50: {  	_ =	shalt  }
0x51: {  	_ =	shalt  }
0x52: {  	_ =	shalt  }
0x53: {  	_ =	shalt  }
0x54: {  	_ =	shalt  }
0x55: {  	_ =	shalt  }
0x56: {  	_ =	shalt  }
0x57: {  	_ =	shalt  }
0x58: {  	_ =	shalt  }
0x59: {  	_ =	shalt  }
0x5a: {  	_ =	shalt  }
0x5b: {  	_ =	shalt  }
0x5c: {  	_ =	shalt  }
0x5d: {  	_ =	shalt  }
0x5e: {  	_ =	shalt  }
0x5f: {  	_ =	shalt  }
0x60: {  	_ =	shalt  }
0x61: {  	_ =	shalt  }
0x62: {  	_ =	shalt  }
0x63: {  	_ =	shalt  }
0x64: {  	_ =	shalt  }
0x65: {  	_ =	shalt  }
0x66: {  	_ =	shalt  }
0x67: {  	_ =	shalt  }
0x68: {  	_ =	shalt  }
0x69: {  	_ =	shalt  }
0x6a: {  	_ =	shalt  }
0x6b: {  	_ =	shalt  }
0x6c: {  	_ =	shalt  }
0x6d: {  	_ =	shalt  }
0x6e: {  	_ =	shalt  }
0x6f: {  	_ =	shalt  }
0x70: {  	_ =	shalt  }
0x71: {  	_ =	shalt  }
0x72: {  	_ =	shalt  }
0x73: {  	_ =	shalt  }
0x74: {  	_ =	shalt  }
0x75: {  	_ =	shalt  }
0x76: {  	_ =	shalt  }
0x77: {  	_ =	shalt  }
0x78: {  	_ =	shalt  }
0x79: {  	_ =	shalt  }
0x7a: {  	_ =	shalt  }
0x7b: {  	_ =	shalt  }
0x7c: {  	_ =	shalt  }
0x7d: {  	_ =	shalt  }
0x7e: {  	_ =	shalt  }
0x7f: {  	_ =	shalt  }
0x80: {  	_ =	shalt  }
0x81: {  	_ =	shalt  }
0x82: {  	_ =	shalt  }
0x83: {  	_ =	shalt  }
0x84: {  	_ =	shalt  }
0x85: {  	_ =	shalt  }
0x86: {  	_ =	shalt  }
0x87: {  	_ =	shalt  }
.Lfunc_end0:
.L_simem_size_0:
called_computation_lowered:
.L_overlay_start_0:
0x88: {  	s2 =	sld [smem:$0x3FD9]  }
0x89: {  	s3 =	sld [smem:$0x3FFE];
	_ =	sdelay $0x1  }
0x8a: {  	s1 =	srdreg.scid  }
0x8b: {  	s0 =	sand.u32 $0x1, s1  }
0x8c: {  	s14 =	sshll.u32 s0, $0xA;
	s2 =	sadd.s32 s3, s2  }
0x8d: {  	s2 =	sadd.s32 s2, s14  }
0x8e: {  	[smem:$0x3FC3] =	sst s2  }
0x8f: {  	_ = 	snop  }
0x90: {  	s2 =	sld [smem:$0x3FC8]  }
0x91: {  	s15 =	sld [smem:$0x3FD0]  }
0x92: {  	s4 =	sld [smem:$0x3FC7]  }
0x93: {  	s5 =	sld [smem:$0x3FC6]  }
0x94: {  	s7 =	simm.s32 $0xA;
	s8 =	simm.s32 $0x10;
	s6 =	sld [smem:$0x3FC5]  }
0x95: {  	[smem:s8], [sflag:s7] =	dma.local [hbm:s15], $0x1  }
0x96: {  	_ =	swait.eq [sflag:s7], $0x1  }
0x97: {  	[sflag:s7] =	ssyncset.done $0x0  }
0x98: {  	s16 =	sld [smem:$0x10];
	[sflag:s7] =	ssyncadd.s32 $0xFFFFFFFF  }
0x99: {  	s17 =	sld [smem:$0x11];
	(tm) =	ssettm $0x1  }
0x9a: {  	s18 =	sld [smem:$0x3FFB];
	_ =	sdelay $0x3  }
0x9b: {  	_ =	strace s18  }
0x9c: {  	s8 =	sld [smem:$0x3FFC];
	_ =	sdelay $0x3  }
0x9d: {  	_ =	strace s8  }
0x9e: {  	s8 =	sld [smem:$0x3FFD];
	_ =	sdelay $0x3  }
0x9f: {  	_ =	strace s8  }
0xa0: {  	_ =	strace $0x8FFFFFFF  }
0xa1: {  	s19 =	sld [smem:$0x3FDB];
	_ =	sdelay $0x1  }
0xa2: {  	s9 =	simm.s32 $_scs_section_size  }
0xa3: {  	s10 =	simm.s32 $_size__tile_overlayer_lowered;
	s11 =	simm.s32 $_tile_overlayer_lowered  }
0xa4: {  	s22 =	simm.s32 $0x1BFF;
	s21 =	sshll.u32 s11, $0x1;
	s8 =	sadd.s32 s9, s19  }
0xa5: {  	s12 =	simm.s32 $0x0;
	s20 =	sshll.u32 s10, $0x1;
	s10 =	sadd.s32 s21, s8  }
0xa6: {  	[timem:s12], [sflag:s22] =	dma.local [hbm:s10], s20  }
0xa7: {  	_ =	swait.ge [sflag:s22], s20  }
0xa8: {  	s9 =	ssub.s32 $0x0, s20;
	[sflag:s22] =	ssyncset.done $0x0  }
0xa9: {  	[sflag:s22] =	ssyncadd.s32 s9;
	_ =	sdelay $0x1  }
0xaa: {  	s23 =	simm.s32 $0x1B8B  }
0xab: {  	_ =	swait.ge [sflag:s23], $0x1  }
0xac: {  	[sflag:s23] =	ssyncset.done $0x0  }
0xad: {  	s25 =	simm.s32 $0x1B8E;
	s24 =	sld [smem:$0x3FFE];
	[sflag:s23] =	ssyncadd.s32 $0xFFFFFFFF  }
0xae: {  	s26 =	simm.s32 $execute0_lowered;
	[smem:$0x3FD2] =	sst s25  }
0xaf: {  	s10 =	sshll.u32 s26, $0x1;
	_ =	strace $0x80000046;
	[dreg:$0x1] =	wrdreg $0xFFFFFFFF  }
0xb0: {  	s28 =	simm.s32 $_size_execute0_lowered;
	s8 =	sadd.s32 s8, s10;
	[dreg:$0x0] =	wrdreg $0x0  }
0xb1: {  	s10 =	sshll.u32 s28, $0x1;
	[dreg:$0x2] =	wrdreg s8  }
0xb2: {  	[dreg:$0x3] =	wrdreg s10  }
0xb3: {  	[dreg:$0x4] =	wrdreg $0xC0  }
0xb4: {  	_ =	task [dreg:s12], $0x5FFFF  }
0xb5: {  	[dreg:$0x1] =	wrdreg $0xFFFFFFFF  }
0xb6: {  	[dreg:$0x0] =	wrdreg $0x60  }
0xb7: {  	[dreg:$0x2] =	wrdreg s24  }
0xb8: {  	[dreg:$0x3] =	wrdreg s2  }
0xb9: {  	[dreg:$0x4] =	wrdreg s4  }
0xba: {  	[dreg:$0x5] =	wrdreg s5  }
0xbb: {  	[dreg:$0x6] =	wrdreg s6  }
0xbc: {  	[dreg:$0x7] =	wrdreg s16  }
0xbd: {  	[dreg:$0x8] =	wrdreg s17  }
0xbe: {  	[dreg:$0x9] =	wrdreg $0x9  }
0xbf: {  	_ =	task.clear_ibuf [dreg:s12], $0xAFFFF;
	_ =	strace $0x90000046  }
0xc0: {  	s29 =	simm.s32 $0x9;
	_ =	strace $0x80000048  }
0xc1: {  	_ =	swait.ge [sflag:s29], $0x1  }
0xc2: {  	[sflag:s29] =	ssyncadd.s32 $0xFFFFFFFF  }
0xc3: {  	_ =	strace $0x90000048  }
0xc4: {  	_ =	sfence  }
0xc5: {  	s30 =	sld [smem:$0x0];
	_ =	sdelay $0x2  }
0xc6: {  	s31 =	sshll.u32 s1, $0xD;
	s1 =	sshrl.u32 s1, $0x2  }
0xc7: {  	s3 =	sand.u32 $0x4000, s31;
	s1 =	sadd.s32 s1, s30  }
0xc8: {  	s0 =	sor.u32 s3, s0;
	s1 =	sshll.u32 s1, $0x11  }
0xc9: {  	s0 =	sor.u32 s1, s0  }
0xca: {  	s0 =	sadd.s32 $0x8F2B, s0  }
0xcb: {  	[sflag:s0] =	ssyncadd.remote.s32 $0x1  }
0xcc: {  	_ =	sfence.sel $0xFFFF  }
0xcd: {  	[dreg:$0x0] =	wrdreg $0xFFFFFFFF;
	(pc) =	sbr.abs _section_cstart, $3  }
0xce: {  	[dreg:$0x1] =	wrdreg $0xFFFFFFFF  }
0xcf: {  	_ =	task.clear_ibuf [dreg:s12], $0x2FFFF;
	_ =	strace $0x9FFFFFFF  }
0xd0: {  	(tm) =	ssettm $0x7FFFFFFF  }
0xd1: {  	_ =	shalt  }
tec
execute0_lowered:
.L_overlay_start_1:
0x0: {  	(tag) =	ssettag $0x1  }
0x1: {  	s0 =	rddreg [dreg:$0x0]  }
0x2: {  	s1 =	rddreg [dreg:$0x1];
	s2 =	srdreg.scid  }
0x3: {  	s3 =	stileid.u32;
	s6 =	rddreg [dreg:$0x5]  }
0x4: {  	s7 =	rddreg [dreg:$0x6];
	s9 =	simm.s32 $0x0;
	s29 =	simm.s32 $0xF600  }
0x5: {  	s5 =	simm.s32 $0xA;
	s8 =	simm.s32 $0xB;
	s10 =	simm.s32 $0xC  }
0x6: {  	s31 =	simm.s32 $0xFFFF9C80;
	s2 =	sand.u32 $0x1, s2;
	s3 =	sshll.u32 s3, $0x1  }
0x7: {  	s28 =	simm.s32 $0x3;
	s3 =	sor.u32 s2, s3;
	s2 =	ssub.s32 $0x2, s2  }
0x8: {  	s30 =	simm.s32 $0x4;
	s3 =	smul.u32 $0x1900, s3;
	s4 =	sshrl.u32 s2, $0x1  }
.Ltmp0:
0x9: {  	[smem:$0x7FF] =	sst s9;
	s2 =	ssub.s32 s2, s4;
	(pc) =	sbr.rel .LBB2_1-.Ltmp0, $4  }
0xa: {  	[dreg:$0x10] =	wrdreg s3;
	s3 =	sshrl.u32 s3, $0x3;
	s26 =	smax.u32 s2, $0x1  }
0xb: {  	s0 =	sadd.s32 s3, s0;
	_ =	strace $0x80000047;
	[dreg:$0x12] =	wrdreg s26  }
0xc: {  	s4 =	simm.s32 $0x9;
	[dreg:$0x9] =	wrdreg s31;
	s0 =	sadd.s32 $0x800, s0  }
0xd: {  	s2 =	simm.s32 $0x0;
	s3 =	simm.s32 $0x8;
	[dreg:$0x11] =	wrdreg s0  }
.LBB2_12:
0xe: {  	s0 =	simm.s32 $0x5  }
0xf: {  	_ =	swait.ge [sflag:s0], $0x2800  }
0x10: {  	[sflag:s0] =	ssyncset.done $0x0  }
0x11: {  	s4 =	simm.s32 $0x9;
	[sflag:s0] =	ssyncadd.s32 $0xFFFFD800  }
0x12: {  	_ =	swait.ge [sflag:s4], $0x2800  }
0x13: {  	[sflag:s4] =	ssyncset.done $0x0  }
0x14: {  	s25 =	simm.s32 $0x6;
	[sflag:s4] =	ssyncadd.s32 $0xFFFFD800  }
0x15: {  	_ =	swait.ge [sflag:s25], $0x2800  }
0x16: {  	[sflag:s25] =	ssyncset.done $0x0  }
0x17: {  	s5 =	simm.s32 $0xA;
	[sflag:s25] =	ssyncadd.s32 $0xFFFFD800  }
0x18: {  	_ =	swait.ge [sflag:s5], $0x2800  }
0x19: {  	[sflag:s5] =	ssyncset.done $0x0  }
0x1a: {  	s26 =	simm.s32 $0x7;
	[sflag:s5] =	ssyncadd.s32 $0xFFFFD800  }
0x1b: {  	_ =	swait.ge [sflag:s26], $0x2800  }
0x1c: {  	[sflag:s26] =	ssyncset.done $0x0  }
0x1d: {  	s8 =	simm.s32 $0xB;
	[sflag:s26] =	ssyncadd.s32 $0xFFFFD800  }
0x1e: {  	_ =	swait.ge [sflag:s8], $0x2800  }
0x1f: {  	[sflag:s8] =	ssyncset.done $0x0  }
0x20: {  	[sflag:s8] =	ssyncadd.s32 $0xFFFFD800  }
0x21: {  	_ =	swait.ge [sflag:s3], $0x2800  }
0x22: {  	[sflag:s3] =	ssyncset.done $0x0  }
0x23: {  	s10 =	simm.s32 $0xC;
	[sflag:s3] =	ssyncadd.s32 $0xFFFFD800  }
0x24: {  	_ =	swait.ge [sflag:s10], $0x2800  }
0x25: {  	s2 =	rddreg [dreg:$0x13]  }
0x26: {  	s31 =	rddreg [dreg:$0x12];
	s2 =	sadd.s32 $0x1, s2  }
0x27: {  	p0 =	sne.s32 s2, s31  }
.Ltmp1:
0x28: {  	_ = 	snop;
	(pc) =	sbr.rel @!p0 .LBB2_13-.Ltmp1, $3  }
0x29: {  	_ =	sdelay $0x1  }
0x2a: {  	[sflag:s10] =	ssyncset.done $0x0  }
0x2b: {  	[sflag:s10] =	ssyncadd.s32 $0xFFFFD800  }
.LBB2_1:
0x2c: {  	[dreg:$0x13] =	wrdreg s2  }
0x2d: {  	s0 =	rddreg [dreg:$0x11]  }
0x2e: {  	[tilespmem:s9], [sflag:$0x9] =	stream.linear.gather [hbm4b:s0+s9], $0x1900, $0x38;
	[tilespmem:$0x1BE00] =	vst v63  }
0x2f: {  	s18 =	rddreg [dreg:$0x2];
	s19 =	simm.s32 $0x1900  }
0x30: {  	[tilespmem:s19], [sflag:$0xA] =	stream.linear.gather [hbm4b:s18+s9], $0x6400, $0x38;
	[tilespmem:$0x1BE00] =	vst v63  }
0x31: {  	s20 =	rddreg [dreg:$0x3];
	s21 =	simm.s32 $0x7D00  }
0x32: {  	[tilespmem:s21], [sflag:$0xB] =	stream.linear.gather [hbm4b:s20+s9], $0x80, $0x38;
	[tilespmem:$0x1BE00] =	vst v63  }
0x33: {  	s22 =	rddreg [dreg:$0x4];
	s23 =	simm.s32 $0x7D80  }
0x34: {  	[tilespmem:s23], [sflag:$0xC] =	stream.linear.gather [hbm4b:s22+s9], $0x80, $0x38;
	[tilespmem:$0x1BE00] =	vst v63  }
0x35: {  	_ =	swait.ge [sflag:s4], $0x1900  }
0x36: {  	[sflag:s4] =	ssyncset.done $0x0  }
0x37: {  	s24 =	simm.s32 $0x7E00;
	s25 =	simm.s32 $0x50;
	[sflag:s4] =	ssyncadd.s32 $0xFFFFE700  }
0x38: {  	[tilespmem:s24], [sflag:$0x1] =	stream.indirect.gather [hbm4b:s1+s25], $0x80, s9, s25, $0xb8;
	[tilespmem:$0x1BE00] =	vst v63  }
0x39: {  	s26 =	simm.s32 $0xA600  }
0x3a: {  	[tilespmem:s26], [sflag:$0x2] =	stream.indirect.gather [hbm4b:s1+s25], $0x80, s25, s25, $0xb8;
	[tilespmem:$0x1BE00] =	vst v63  }
0x3b: {  	s13 =	simm.s32 $0xA0;
	s31 =	simm.s32 $0xCE00  }
0x3c: {  	[tilespmem:s31], [sflag:$0x3] =	stream.indirect.gather [hbm4b:s1+s25], $0x80, s13, s25, $0xb8;
	[tilespmem:$0x1BE00] =	vst v63  }
0x3d: {  	s14 =	simm.s32 $0xF0  }
0x3e: {  	[tilespmem:s29], [sflag:$0x4] =	stream.indirect.gather [hbm4b:s1+s25], $0x80, s14, s25, $0xb8;
	[tilespmem:$0x1BE00] =	vst v63  }
0x3f: {  	_ =	swait.ge [sflag:s5], $0x6400  }
0x40: {  	[sflag:s5] =	ssyncset.done $0x0  }
0x41: {  	[sflag:s5] =	ssyncadd.s32 $0xFFFF9C00  }
0x42: {  	_ =	swait.ge [sflag:s8], $0x80  }
0x43: {  	[sflag:s8] =	ssyncset.done $0x0  }
0x44: {  	[sflag:s8] =	ssyncadd.s32 $0xFFFFFF80  }
0x45: {  	_ =	swait.ge [sflag:s10], $0x80  }
0x46: {  	[sflag:s10] =	ssyncset.done $0x0  }
0x47: {  	[sflag:s10] =	ssyncadd.s32 $0xFFFFFF80  }
0x48: {  	v0 =	vld [tilespmem:$0x7D20]  }
0x49: {  	v8 =	vld [tilespmem:$0x7DD0]  }
0x4a: {  	v2 =	vld [tilespmem:$0x7D70]  }
0x4b: {  	v12 =	vld [tilespmem:$0x7D00]  }
0x4c: {  	v13 =	vld [tilespmem:$0x7D10]  }
0x4d: {  	v9 =	vld [tilespmem:$0x7DF0];
	[tilespmem:$0x1FF00] =	vst v0  }
0x4e: {  	v21 =	vld [tilespmem:$0x7DB0];
	[tilespmem:$0x1FF10] =	vst v8  }
0x4f: {  	v17 =	vld [tilespmem:$0x7DA0];
	[tilespmem:$0x1FF30] =	vst v2  }
0x50: {  	v10 =	vld [tilespmem:$0x7D60];
	[tilespmem:$0x1FF40] =	vst v12  }
0x51: {  	v20 =	vld [tilespmem:$0x7D90];
	[tilespmem:$0x1FF50] =	vst v13  }
0x52: {  	v11 =	vld [tilespmem:$0x7D50];
	[tilespmem:$0x1FF60] =	vst v9  }
0x53: {  	v19 =	vld [tilespmem:$0x7D80];
	[tilespmem:$0x1FF80] =	vst v21  }
0x54: {  	v3 =	vld [tilespmem:$0x7D40];
	[tilespmem:$0x1FF90] =	vst v17  }
0x55: {  	v4 =	vld [tilespmem:$0x7D30];
	[tilespmem:$0x1FFA0] =	vst v10  }
0x56: {  	v8 =	vld [tilespmem:$0x7DE0];
	[tilespmem:$0x1FFB0] =	vst v20  }
0x57: {  	v0 =	vld [tilespmem:$0x7DC0];
	[tilespmem:$0x1FFC0] =	vst v11  }
0x58: {  	[tilespmem:$0x1FFD0] =	vst v19  }
0x59: {  	[tilespmem:$0x1FFE0] =	vst v3  }
0x5a: {  	s11 =	simm.s32 $0x5080;
	[tilespmem:$0x1FFF0] =	vst v4  }
0x5b: {  	s2 =	simm.s32 $0x0;
	s15 =	simm.s32 $0x0;
	s0 =	simm.s32 $0x50;
	[tilespmem:$0x1FF20] =	vst v8  }
0x5c: {  	s20 =	simm.s32 $0x0;
	s5 =	simm.s32 $0x7880;
	s10 =	simm.s32 $0x2880;
	[tilespmem:$0x1FF70] =	vst v0  }
.LBB2_2:
0x5d: {  	s4 =	smulhi.u32 $0x51EB851F, s14  }
0x5e: {  	s8 =	smulhi.u32 $0x51EB851F, s13  }
0x5f: {  	s17 =	smulhi.u32 $0x51EB851F, s0  }
0x60: {  	s22 =	smulhi.u32 $0x51EB851F, s15;
	s4 =	sshrl.u32 s4, $0x6  }
0x61: {  	s12 =	smul.u32 $0xC8, s4  }
0x62: {  	s8 =	sshrl.u32 s8, $0x6;
	s4 =	smul.u32 $0xFFFF9C00, s4  }
0x63: {  	s16 =	smul.u32 $0xC8, s8  }
0x64: {  	s21 =	sshrl.u32 s17, $0x6;
	s8 =	smul.u32 $0xFFFF9C00, s8  }
0x65: {  	s25 =	smul.u32 $0xFFFF9C00, s21;
	[dreg:$0xf] =	wrdreg s4  }
0x66: {  	s26 =	sshrl.u32 s22, $0x6;
	[dreg:$0xd] =	wrdreg s8  }
0x67: {  	s24 =	smul.u32 $0xC8, s21;
	s12 =	ssub.s32 s15, s12;
	[dreg:$0xb] =	wrdreg s25  }
0x68: {  	s31 =	smul.u32 $0xC8, s26;
	s23 =	ssub.s32 s15, s16;
	[dreg:$0xe] =	wrdreg s12  }
0x69: {  	s29 =	ssub.s32 s15, s24;
	[dreg:$0xc] =	wrdreg s23  }
0x6a: {  	s8 =	ssub.s32 s15, s31;
	[dreg:$0xa] =	wrdreg s29  }
0x6b: {  	s17 =	simm.s32 $0x1;
	[dreg:$0x8] =	wrdreg s8  }
0x6c: {  	s16 =	smul.u32 $0x140, s20;
	_ =	swait.ge [sflag:s17], $0x2800  }
0x6d: {  	s18 =	rddreg [dreg:$0x10]  }
0x6e: {  	s4 =	sadd.s32 s18, s16  }
0x6f: {  	s19 =	simm.s32 $0x7E00;
	[sflag:s17] =	ssyncset.done $0x0;
	s21 =	sshll.u32 s4, $0x4  }
0x70: {  	p0 =	seq.s32 s20, $0x0;
	[sflag:s17] =	ssyncadd.s32 $0xFFFFD800;
	s4 =	sadd.s32 s7, s21  }
0x71: {  	[hbm4b:s4+s9] =	stream.linear.scatter [tilespmem:s19], [sflag:$0x5], $0x2800, $0x38;
	[tilespmem:$0x1BE00] =	vst v63  }
0x72: {  	s4 =	simm.s32 @!p0 $0x9  }
0x73: {  	_ =	swait.ge @!p0 [sflag:s4], $0x2800  }
0x74: {  	[sflag:s4] =	ssyncset.done @!p0 $0x0  }
0x75: {  	s22 =	simm.s32 $0x7E80;
	[sflag:s4] =	ssyncadd.s32 @!p0 $0xFFFFD800  }
0x76: {  	v16 =	vld [tilespmem:s22+$0x0]  }
0x77: {  	v17 =	vld [tilespmem:s22+$0x10]  }
0x78: {  	s23 =	rddreg [dreg:$0x8];
	v18 =	vld [tilespmem:s22+$0x20]  }
0x79: {  	s24 =	sadd.s32 $0xFFFFFFFE, s23;
	v19 =	vld [tilespmem:s22+$0x30]  }
0x7a: {  	s25 =	smul.u32 $0x6400, s26;
	s26 =	sadd.s32 $0x3, s24;
	v20 =	vld [tilespmem:s22+$0x40]  }
0x7b: {  	s17 =	rddreg [dreg:$0x9];
	v21 =	vld [tilespmem:s22+$0x50];
	p1 =	sgt.u32 s26, $0xC7  }
0x7c: {  	s4 =	ssub.s32 s2, s25;
	v22 =	vld [tilespmem:s22+$0x60];
	s17 =	simm.s32 @!p1 $0x80  }
0x7d: {  	v23 =	vld [tilespmem:s22+$0x70];
	s29 =	sadd.s32 s17, s4  }
0x7e: {  	v24 =	vld [tilespmem:s29+$0x1900]  }
0x7f: {  	v25 =	vld [tilespmem:s29+$0x1910]  }
0x80: {  	v26 =	vld [tilespmem:s29+$0x1920]  }
0x81: {  	v27 =	vld [tilespmem:s29+$0x1930]  }
0x82: {  	v28 =	vld [tilespmem:s29+$0x1940]  }
0x83: {  	v33 =	vld [tilespmem:s29+$0x1950]  }
0x84: {  	v34 =	vld [tilespmem:s29+$0x1960]  }
0x85: {  	v35 =	vld [tilespmem:s29+$0x1970]  }
0x86: {  	v42 =	vld [tilespmem:s22+$0xFFFFFF80]  }
0x87: {  	v45 =	vld [tilespmem:s22+$0xFFFFFF90];
	v31 =	vadd.f32 v24, v16;
	v32 =	vadd.f32 v25, v17  }
0x88: {  	s16 =	sadd.s32 $0x2, s24;
	v57 =	vld [tilespmem:s22+$0xFFFFFFB0];
	v30 =	vadd.f32 v26, v18;
	v27 =	vadd.f32 v27, v19  }
0x89: {  	v58 =	vld [tilespmem:s22+$0xFFFFFFC0];
	p1 =	sgt.u32 s16, $0xC7;
	s16 =	sadd.s32 $0xFFFF9C00, s4;
	s17 =	smov.u32 s4;
	v26 =	vadd.f32 v28, v20;
	v1 =	vadd.f32 v33, v21  }
0x8a: {  	v59 =	vld [tilespmem:s22+$0xFFFFFFE0];
	s17 =	smov.u32 @p1 s16;
	v0 =	vadd.f32 v34, v22;
	v33 =	vadd.f32 v35, v23  }
0x8b: {  	v36 =	vld [tilespmem:s17+$0x1900];
	v20 =	vadd.f32 v32, v31;
	v21 =	vmul.f32 v31, v31;
	v22 =	vmul.f32 v32, v32  }
0x8c: {  	v37 =	vld [tilespmem:s17+$0x1910];
	v23 =	vadd.f32 v27, v30;
	v25 =	vmul.f32 v30, v30;
	v53 =	vmul.f32 v27, v27  }
0x8d: {  	v16 =	vld [tilespmem:s17+$0x1920];
	v54 =	vadd.f32 v1, v26;
	v39 =	vmul.f32 v26, v26;
	v40 =	vmul.f32 v1, v1  }
0x8e: {  	v17 =	vld [tilespmem:s17+$0x1930];
	v41 =	vadd.f32 v33, v0;
	v43 =	vmul.f32 v0, v0;
	v44 =	vmul.f32 v33, v33  }
0x8f: {  	v18 =	vld [tilespmem:s17+$0x1940];
	v21 =	vadd.f32 v22, v21;
	v22 =	vadd.f32 v53, v25  }
0x90: {  	v19 =	vld [tilespmem:s17+$0x1950];
	v55 =	vadd.f32 v40, v39;
	v56 =	vadd.f32 v44, v43  }
0x91: {  	v24 =	vld [tilespmem:s17+$0x1960];
	v20 =	vadd.f32 v23, v20;
	v23 =	vadd.f32 v41, v54  }
0x92: {  	v25 =	vld [tilespmem:s22+$0xFFFFFFA0];
	v21 =	vadd.f32 v22, v21;
	v22 =	vadd.f32 v56, v55  }
0x93: {  	v20 =	vadd.f32 v23, v20;
	v23 =	vld [tilespmem:s22+$0xFFFFFFD0]  }
0x94: {  	v38 =	vld [tilespmem:s17+$0x1970];
	v21 =	vadd.f32 v22, v21  }
0x95: {  	v34 =	vadd.f32 v37, v45;
	(xrf2) =	vadd.scan.msk.f32 $0xffff, v20;
	v20 =	vld [tilespmem:s22+$0xFFFFFFF0]  }
0x96: {  	v40 =	vadd.f32 v36, v42;
	v36 =	vadd.f32 v17, v57;
	(xrf2) =	vadd.scan.msk.f32 $0xffff, v21  }
0x97: {  	v42 =	vadd.f32 v18, v58;
	v18 =	vmul.f32 v34, v34;
	v35 =	vadd.f32 v16, v25  }
0x98: {  	v45 =	vadd.f32 v24, v59;
	v22 =	vmul.f32 v36, v36;
	v43 =	vadd.f32 v19, v23  }
0x99: {  	s18 =	rddreg [dreg:$0x8];
	v16 =	vadd.f32 v34, v40;
	v21 =	vmul.f32 v35, v35;
	v19 =	vadd.f32 v36, v35  }
0x9a: {  	s19 =	sadd.s32 $0x0, s18;
	v23 =	vmul.f32 v42, v42;
	v44 =	vadd.f32 v38, v20;
	v20 =	vmul.f32 v43, v43  }
0x9b: {  	s12 =	sadd.s32 $0x3, s19;
	v17 =	vmul.f32 v40, v40;
	v16 =	vadd.f32 v19, v16;
	v21 =	vadd.f32 v22, v21  }
0x9c: {  	s31 =	simm.s32 $0x7F80;
	p1 =	sgt.u32 s12, $0xC7;
	s17 =	rddreg [dreg:$0x9];
	v19 =	vmul.f32 v45, v45;
	v24 =	vmul.f32 v44, v44;
	v20 =	vadd.f32 v20, v23  }
0x9d: {  	v60 =	vld [tilespmem:s31+$0x60];
	s12 =	sadd.s32 $0x100, s4;
	s17 =	simm.s32 @!p1 $0x80;
	v17 =	vadd.f32 v18, v17  }
0x9e: {  	v61 =	vld [tilespmem:s31+$0x70];
	s4 =	sadd.s32 s17, s12;
	v18 =	vadd.f32 v43, v42;
	v19 =	vadd.f32 v24, v19  }
0x9f: {  	v62 =	vld [tilespmem:s4+$0x1920];
	v22 =	vadd.f32 v44, v45;
	v17 =	vadd.f32 v21, v17;
	v21, _, _ =	vpop (xrf2)  }
0xa0: {  	v63 =	vld [tilespmem:s4+$0x1930];
	v19 =	vadd.f32 v19, v20;
	(v2sf) =	vpush v21, $0xF;
	v20, _, _ =	vpop (xrf2)  }
0xa1: {  	v46 =	vld [tilespmem:s4+$0x1940];
	(v2sf) =	vpush v20, $0xF  }
0xa2: {  	s16 =	sadd.s32 $0x2, s19;
	v47 =	vld [tilespmem:s4+$0x1950];
	v18 =	vadd.f32 v22, v18  }
0xa3: {  	s18 =	smov.u32 s12;
	p1 =	sgt.u32 s16, $0xC7;
	s16 =	sadd.s32 $0xFFFF9C00, s12;
	v48 =	vld [tilespmem:s4+$0x1960]  }
0xa4: {  	s18 =	smov.u32 @p1 s16;
	v49 =	vld [tilespmem:s4+$0x1970];
	v16 =	vadd.f32 v18, v16  }
0xa5: {  	v50 =	vld [tilespmem:s18+$0x1900]  }
0xa6: {  	v51 =	vld [tilespmem:s18+$0x1910];
	v17 =	vadd.f32 v19, v17;
	(xrf2) =	vadd.scan.msk.f32 $0xffff, v16  }
0xa7: {  	v52 =	vld [tilespmem:s18+$0x1920]  }
0xa8: {  	v25 =	vld [tilespmem:s31+$0x50];
	(xrf2) =	vadd.scan.msk.f32 $0xffff, v17  }
0xa9: {  	v23 =	vld [tilespmem:s31+$0x0]  }
0xaa: {  	v22 =	vld [tilespmem:s31+$0x10]  }
0xab: {  	v24 =	vld [tilespmem:s31+$0x40]  }
0xac: {  	v21 =	vld [tilespmem:s31+$0x20]  }
0xad: {  	v18 =	vld [tilespmem:s31+$0x30]  }
0xae: {  	v16 =	vld [tilespmem:s4+$0x1900]  }
0xaf: {  	v17 =	vld [tilespmem:s4+$0x1910];
	s22 =	spop (v2sf)  }
0xb0: {  	v41 =	vld [tilespmem:s18+$0x1930];
	v20 =	vadd.f32 v49, v61;
	v8 =	vadd.f32 v46, v24;
	v19, _, _ =	vpop (xrf2);
	s17 =	smul.f32 $7.812500000e-03, s22;
	s23 =	spop (v2sf)  }
0xb1: {  	v53 =	vld [tilespmem:s18+$0x1970];
	v14 =	vadd.f32 v62, v21;
	(v2sf) =	vpush v19, $0xF;
	s4 =	smul.f32 $7.812500000e-03, s23  }
0xb2: {  	v24 =	vld [tilespmem:s18+$0x1940];
	v15 =	vadd.f32 v63, v18;
	v21 =	vadd.f32 v48, v60;
	v19, _, _ =	vpop (xrf2);
	s24 =	smul.f32 s17, s17  }
0xb3: {  	v46 =	vld [tilespmem:s18+$0x1960];
	v56 =	vmul.f32 v8, v8;
	(v2sf) =	vpush v19, $0xF;
	v19 =	vadd.f32 v16, v23  }
0xb4: {  	v62 =	vmul.f32 v20, v20;
	v16 =	vadd.f32 v17, v22;
	v22 =	vadd.f32 v47, v25;
	v25 =	vld [tilespmem:s18+$0x1950];
	[tilespmem:$0x1FE90] =	vst v8;
	s4 =	ssub.f32 s4, s24  }
0xb5: {  	v38 =	vadd.f32 v15, v14;
	v7 =	vmul.f32 v14, v14;
	v55 =	vmul.f32 v15, v15;
	v57 =	vld [tilespmem:s31+$0xFFFFFF80]  }
0xb6: {  	v54 =	vadd.f32 v20, v21;
	v59 =	vmul.f32 v21, v21;
	v60 =	vld [tilespmem:s31+$0xFFFFFF90];
	v47 =	vadd.f32 v22, v8;
	s4 =	sadd.f32 $9.999999960e-13, s4  }
0xb7: {  	v63 =	vadd.f32 v55, v7;
	v55 =	vld [tilespmem:s31+$0xFFFFFFE0];
	v37 =	vadd.f32 v16, v19;
	v58 =	vmul.f32 v22, v22  }
0xb8: {  	v5 =	vmul.f32 v19, v19;
	v6 =	vmul.f32 v16, v16;
	v61 =	vadd.f32 v54, v47;
	v54 =	vld [tilespmem:s31+$0xFFFFFFA0];
	s25 =	sshra.s32 s4, $0x1;
	s4 =	smul.f32 $5.000000000e-01, s4  }
0xb9: {  	v37 =	vadd.f32 v38, v37;
	v8 =	vadd.f32 v58, v56;
	v56 =	vld [tilespmem:s31+$0xFFFFFFC0];
	s16 =	ssub.s32 $0x5F3759DF, s25  }
0xba: {  	v39 =	vadd.f32 v6, v5;
	v47 =	vadd.f32 v62, v59;
	v59 =	vld [tilespmem:s31+$0xFFFFFFD0];
	s26 =	smul.f32 s16, s4  }
0xbb: {  	v62 =	vld [tilespmem:s31+$0xFFFFFFF0]  }
0xbc: {  	v5 =	vld [tilespmem:s31+$0xFFFFFFB0];
	v38 =	vadd.f32 v61, v37;
	v48 =	vadd.f32 v63, v39;
	s18 =	smul.f32 s16, s26  }
0xbd: {  	v47 =	vadd.f32 v47, v8;
	v61 =	vadd.f32 v50, v57  }
0xbe: {  	v17 =	vadd.f32 v51, v60;
	v50 =	vadd.f32 v52, v54;
	s19 =	ssub.f32 $1.500000000e+00, s18  }
0xbf: {  	s24 =	rddreg [dreg:$0x8];
	v63 =	vmul.f32 v61, v61;
	v6 =	vadd.f32 v24, v56;
	v7 =	vadd.f32 v25, v59  }
0xc0: {  	v37 =	vmul.f32 v17, v17;
	v52 =	vadd.f32 v46, v55;
	v25 =	vadd.f32 v53, v62;
	s29 =	spop (v2sf);
	s19 =	smul.f32 s16, s19  }
0xc1: {  	v5 =	vadd.f32 v41, v5;
	s25 =	sadd.s32 $0x2, s24;
	v41 =	vmul.f32 v6, v6;
	v60 =	vmul.f32 v7, v7;
	s31 =	smul.f32 $7.812500000e-03, s29  }
0xc2: {  	v47 =	vadd.f32 v47, v48;
	v55 =	vmul.f32 v52, v52;
	v57 =	vmul.f32 v25, v25;
	s29 =	sadd.s32 $0x3, s25;
	s16 =	smul.f32 s19, s4  }
0xc3: {  	(xrf2) =	vadd.scan.msk.f32 $0xffff, v38;
	v48 =	vadd.f32 v17, v61;
	v49 =	vadd.f32 v37, v63;
	s24 =	rddreg [dreg:$0x9];
	p1 =	sgt.u32 s29, $0xC7  }
0xc4: {  	s12 =	sadd.s32 $0x100, s12;
	(xrf2) =	vadd.scan.msk.f32 $0xffff, v47;
	v38 =	vmul.f32 v50, v50;
	v46 =	vadd.f32 v60, v41;
	v63 =	vadd.f32 v57, v55;
	s24 =	simm.s32 @!p1 $0x80;
	s16 =	smul.f32 s16, s19  }
0xc5: {  	v51 =	vmovc v61;
	v54 =	vadd.f32 v5, v50;
	v39 =	vmul.f32 v5, v5;
	v61 =	vadd.f32 v7, v6;
	s24 =	sadd.s32 s24, s12  }
0xc6: {  	v62 =	vadd.f32 v25, v52;
	v46 =	vadd.f32 v63, v46;
	v63 =	vld [tilespmem:s24+$0x1900];
	s23 =	ssub.f32 $1.500000000e+00, s16;
	s16 =	simm.s32 $0x8080  }
0xc7: {  	v47 =	vadd.f32 v39, v38;
	v57 =	vld [tilespmem:s16+$0x0]  }
0xc8: {  	v48 =	vadd.f32 v54, v48;
	v53 =	vadd.f32 v62, v61;
	s22 =	spop (v2sf);
	v58 =	vld [tilespmem:s16+$0x10]  }
0xc9: {  	s8 =	smul.f32 $7.812500000e-03, s22;
	v59 =	vld [tilespmem:s16+$0x20]  }
0xca: {  	v47 =	vadd.f32 v47, v49;
	v48 =	vadd.f32 v53, v48;
	s22 =	smul.f32 s31, s31;
	v53 =	vld [tilespmem:s16+$0x30]  }
0xcb: {  	v39 =	vmov s31;
	v60 =	vld [tilespmem:s16+$0x40]  }
0xcc: {  	v24 =	vmov v17;
	v46 =	vadd.f32 v46, v47;
	v17 =	vsub.f32 v35, v39;
	s8 =	ssub.f32 s8, s22;
	v47 =	vld [tilespmem:s16+$0x50]  }
0xcd: {  	v37, _, _ =	vpop (xrf2);
	v61 =	vld [tilespmem:s16+$0x60]  }
0xce: {  	(v2sf) =	vpush v37, $0xF;
	s8 =	sadd.f32 $9.999999960e-13, s8;
	v38, _, _ =	vpop (xrf2);
	v62 =	vld [tilespmem:s16+$0x70];
	[tilespmem:$0x1FEA0] =	vst v17;
	v17 =	vsub.f32 v36, v39  }
0xcf: {  	(v2sf) =	vpush v38, $0xF;
	s19 =	smul.f32 s23, s19  }
0xd0: {  	(xrf2) =	vadd.scan.msk.f32 $0xffff, v48;
	s26 =	sshra.s32 s8, $0x1;
	s8 =	smul.f32 $5.000000000e-01, s8;
	v48 =	vld [tilespmem:s24+$0x1910];
	[tilespmem:$0x1FEB0] =	vst v17;
	v17 =	vsub.f32 v42, v39  }
0xd1: {  	s26 =	ssub.s32 $0x5F3759DF, s26;
	s4 =	smul.f32 s19, s4  }
0xd2: {  	s31 =	smul.f32 s26, s8;
	[tilespmem:$0x1FEC0] =	vst v17;
	v17 =	vsub.f32 v43, v39  }
0xd3: {  	s4 =	smul.f32 s4, s19  }
0xd4: {  	(xrf2) =	vadd.scan.msk.f32 $0xffff, v46;
	v42 =	vld [tilespmem:s24+$0x1920];
	[tilespmem:$0x1FED0] =	vst v17;
	v17 =	vsub.f32 v45, v39  }
0xd5: {  	v55 =	vsub.f32 v40, v39;
	s18 =	smul.f32 s26, s31;
	s4 =	ssub.f32 $1.500000000e+00, s4  }
0xd6: {  	v56 =	vsub.f32 v34, v39;
	v8 =	vsub.f32 v44, v39;
	v43 =	vmov s17;
	[tilespmem:$0x1FEE0] =	vst v17  }
0xd7: {  	v33 =	vsub.f32 v33, v43;
	v31 =	vsub.f32 v31, v43;
	s4 =	smul.f32 s4, s19;
	v45 =	vld [tilespmem:s24+$0x1930];
	s19 =	ssub.f32 $1.500000000e+00, s18  }
0xd8: {  	v32 =	vsub.f32 v32, v43;
	v37 =	vsub.f32 v30, v43;
	[tilespmem:$0x1FEF0] =	vst v8;
	v8 =	vld [tilespmem:$0x1FF00]  }
0xd9: {  	s23 =	sadd.s32 $0x2, s25;
	v41 =	vsub.f32 v27, v43;
	v35 =	vadd.f32 v48, v58;
	v39 =	vld [tilespmem:s24+$0x1940];
	s25 =	smul.f32 s26, s19  }
0xda: {  	v46 =	vsub.f32 v26, v43;
	v23 =	vsub.f32 v1, v43;
	v38 =	vld [tilespmem:s24+$0x1950]  }
0xdb: {  	v36 =	vadd.f32 v63, v57;
	v58 =	vmul.f32 v35, v35;
	v29 =	vld [tilespmem:s24+$0x1960];
	v49 =	vmul.f32 s4, v12;
	s26 =	smul.f32 s25, s8  }
0xdc: {  	p1 =	sgt.u32 s23, $0xC7;
	s17 =	smov.u32 s12;
	s18 =	sadd.s32 $0xFFFF9C00, s12;
	v26 =	vld [tilespmem:s24+$0x1970];
	v34 =	vadd.f32 v42, v59;
	v54 =	vmul.f32 s4, v2;
	v28 =	vmul.f32 s4, v13  }
0xdd: {  	v30, _, _ =	vpop (xrf2);
	v43 =	vsub.f32 v0, v43;
	s17 =	smov.u32 @p1 s18;
	s29 =	spop (v2sf);
	v63 =	vld [tilespmem:s16+$0xFFFFFF80];
	v40 =	vmul.f32 s4, v4;
	v0 =	vmul.f32 s4, v3;
	s18 =	smul.f32 s26, s25  }
0xde: {  	(v2sf) =	vpush v30, $0xF;
	v30, _, _ =	vpop (xrf2);
	v17 =	vld [tilespmem:s17+$0x1900];
	s31 =	spop (v2sf);
	v59 =	vmul.f32 v34, v34;
	v54 =	vmul.f32 v54, v33;
	s26 =	smul.f32 $7.812500000e-03, s29  }
0xdf: {  	(v2sf) =	vpush v30, $0xF;
	v18 =	vld [tilespmem:s17+$0x1910];
	v57 =	vmul.f32 v49, v31;
	v1 =	vmul.f32 v28, v32;
	s22 =	smul.f32 $7.812500000e-03, s31;
	s18 =	ssub.f32 $1.500000000e+00, s18  }
0xe0: {  	v44 =	vld [tilespmem:s17+$0x1930];
	v27 =	vmul.f32 s4, v8;
	v33 =	vadd.f32 v45, v53;
	v32 =	vadd.f32 v39, v60;
	s23 =	smul.f32 s26, s26  }
0xe1: {  	v48 =	vld [tilespmem:s17+$0x1950];
	v40 =	vmul.f32 v40, v41;
	v30 =	vadd.f32 v38, v47;
	v31 =	vadd.f32 v29, v61;
	s18 =	smul.f32 s18, s25  }
0xe2: {  	v49 =	vld [tilespmem:s17+$0x1920];
	v42 =	vadd.f32 v26, v62;
	v29 =	vadd.f32 v35, v36;
	v53 =	vmul.f32 v27, v37;
	s25 =	ssub.f32 s22, s23  }
0xe3: {  	v41 =	vld [tilespmem:s16+$0xFFFFFFC0];
	v28 =	vadd.f32 v33, v34;
	v37 =	vmul.f32 v36, v36;
	v61 =	vmul.f32 v33, v33;
	s8 =	smul.f32 s18, s8  }
0xe4: {  	v39 =	vld [tilespmem:s17+$0x1940];
	v47 =	vadd.f32 v30, v32;
	v60 =	vadd.f32 v42, v31;
	v62 =	vmul.f32 v32, v32;
	s19 =	sadd.f32 $9.999999960e-13, s25  }
0xe5: {  	v38 =	vld [tilespmem:s16+$0xFFFFFF90];
	v26 =	vmul.f32 v30, v30;
	v27 =	vmul.f32 v31, v31;
	v28 =	vadd.f32 v28, v29;
	s29 =	smul.f32 s8, s18  }
0xe6: {  	v37 =	vadd.f32 v58, v37;
	v29 =	vadd.f32 v60, v47;
	v47 =	vmul.f32 v42, v42;
	v60 =	vld [tilespmem:s16+$0xFFFFFFA0];
	s31 =	sshra.s32 s19, $0x1;
	s8 =	smul.f32 $5.000000000e-01, s19  }
0xe7: {  	v58 =	vmul.f32 v0, v46;
	v46 =	vmul.f32 s4, v11;
	v26 =	vadd.f32 v26, v62;
	v62 =	vld [tilespmem:s16+$0xFFFFFFD0];
	s23 =	ssub.s32 $0x5F3759DF, s31  }
0xe8: {  	v59 =	vadd.f32 v61, v59;
	v61 =	vld [tilespmem:s16+$0xFFFFFFB0];
	v27 =	vadd.f32 v47, v27;
	s24 =	smul.f32 s23, s8  }
0xe9: {  	v45 =	vld [tilespmem:s17+$0x1960];
	v23 =	vmul.f32 v46, v23;
	v46 =	vadd.f32 v39, v41;
	v47 =	vadd.f32 v29, v28  }
0xea: {  	v28 =	vadd.f32 v59, v37;
	v29 =	vmul.f32 s4, v10;
	v59 =	vld [tilespmem:s16+$0xFFFFFFE0];
	v0 =	vadd.f32 v27, v26;
	s22 =	ssub.f32 $1.500000000e+00, s29;
	s29 =	smul.f32 s23, s24  }
0xeb: {  	v26 =	vadd.f32 v17, v63;
	v27 =	vadd.f32 v18, v38;
	v38 =	vld [tilespmem:s17+$0x1970]  }
0xec: {  	v43 =	vmul.f32 v29, v43;
	(xrf2) =	vadd.scan.msk.f32 $0xffff, v47;
	v29 =	vadd.f32 v49, v60;
	v49 =	vld [tilespmem:s16+$0xFFFFFFF0];
	v47 =	vadd.f32 v48, v62;
	s31 =	ssub.f32 $1.500000000e+00, s29  }
0xed: {  	v62 =	vmul.f32 v46, v46;
	v37 =	vadd.f32 v0, v28;
	v28 =	vadd.f32 v44, v61;
	s4 =	smul.f32 s22, s18  }
0xee: {  	v63 =	vmul.f32 v26, v26;
	v0 =	vmul.f32 v27, v27;
	s17 =	smul.f32 s23, s31  }
0xef: {  	v60 =	vmul.f32 v29, v29;
	v61 =	vmul.f32 v28, v28  }
0xf0: {  	v39 =	vadd.f32 v0, v63;
	v63 =	vmul.f32 v47, v47;
	v12 =	vmul.f32 s4, v12;
	s22 =	smul.f32 s17, s8  }
0xf1: {  	v45 =	vadd.f32 v45, v59;
	v44 =	vadd.f32 v38, v49  }
0xf2: {  	s25 =	spop (v2sf);
	(xrf2) =	vadd.scan.msk.f32 $0xffff, v37;
	v38 =	vadd.f32 v61, v60;
	v37 =	vadd.f32 v63, v62;
	v48 =	vmul.f32 v12, v55;
	s24 =	smul.f32 s22, s17  }
0xf3: {  	s19 =	spop (v2sf);
	v63 =	vadd.f32 v54, v9;
	v55 =	vmul.f32 v45, v45;
	v62 =	vmul.f32 v44, v44  }
0xf4: {  	s18 =	smul.f32 $7.812500000e-03, s19;
	v61 =	vld [tilespmem:$0x1FEA0];
	s19 =	ssub.f32 $1.500000000e+00, s24;
	s24 =	simm.s32 $0x11E80  }
0xf5: {  	v38 =	vadd.f32 v38, v39;
	v39 =	vadd.f32 v62, v55;
	v62 =	vld [tilespmem:$0x1FFD0];
	[tilespmem:s24+$0x70] =	vst v63  }
0xf6: {  	v60 =	vmul.f32 s4, v4;
	v4 =	vld [tilespmem:$0x1FFB0];
	_ =	sdelay $0x2  }
0xf7: {  	v63 =	vld [tilespmem:$0x1FEB0]  }
0xf8: {  	v57 =	vadd.f32 v57, v62  }
0xf9: {  	v54 =	vld [tilespmem:$0x1FF90];
	v9 =	vadd.f32 v1, v4  }
0xfa: {  	v41 =	vmul.f32 s4, v13;
	[tilespmem:s24+$0x0] =	vst v57  }
0xfb: {  	[tilespmem:s24+$0x10] =	vst v9  }
0xfc: {  	v49 =	vmul.f32 v41, v56;
	v56 =	vmul.f32 v60, v63;
	v60 =	vld [tilespmem:$0x1FF80];
	_ =	sdelay $0x1  }
0xfd: {  	v53 =	vadd.f32 v53, v54;
	_ =	sdelay $0x1  }
0xfe: {  	[tilespmem:s24+$0x20] =	vst v53  }
0xff: {  	s16 =	smul.f32 $7.812500000e-03, s25;
	v62 =	vld [tilespmem:$0x1FEC0];
	v40 =	vadd.f32 v40, v60  }
0x100: {  	v63 =	vld [tilespmem:$0x1FF70]  }
0x101: {  	s23 =	smul.f32 s16, s16;
	v4 =	vld [tilespmem:$0x1FF10];
	[tilespmem:s24+$0x30] =	vst v40  }
0x102: {  	v17 =	vadd.f32 v27, v26;
	v59 =	vmul.f32 s4, v8;
	v8 =	vadd.f32 v28, v29;
	v40 =	vld [tilespmem:$0x1FF20]  }
0x103: {  	s18 =	ssub.f32 s18, s23  }
0x104: {  	v13 =	vadd.f32 v8, v17  }
0x105: {  	v8 =	vadd.f32 v47, v46;
	s18 =	sadd.f32 $9.999999960e-13, s18;
	v41 =	vadd.f32 v58, v63  }
0x106: {  	v0 =	vadd.f32 v44, v45;
	v1 =	vadd.f32 v23, v4  }
0x107: {  	v55 =	vmul.f32 v59, v61;
	v61 =	vmul.f32 s4, v11;
	s25 =	sshra.s32 s18, $0x1;
	s18 =	smul.f32 $5.000000000e-01, s18;
	v11 =	vld [tilespmem:$0x1FED0];
	[tilespmem:s24+$0x40] =	vst v41;
	v53 =	vadd.f32 v43, v40  }
0x108: {  	s22 =	ssub.s32 $0x5F3759DF, s25;
	s19 =	smul.f32 s19, s17;
	[tilespmem:s24+$0x50] =	vst v1  }
0x109: {  	v8 =	vadd.f32 v0, v8;
	v59, _, _ =	vpop (xrf2);
	s29 =	smul.f32 s22, s18;
	[tilespmem:s24+$0x60] =	vst v53  }
0x10a: {  	v37 =	vadd.f32 v39, v37;
	(v2sf) =	vpush v59, $0xF;
	v57 =	vmul.f32 s4, v3;
	s8 =	smul.f32 s19, s8;
	v54, _, _ =	vpop (xrf2);
	v1 =	vld [tilespmem:$0x1FEE0]  }
0x10b: {  	v0 =	vadd.f32 v8, v13;
	s17 =	smul.f32 s22, s29;
	(v2sf) =	vpush v54, $0xF;
	v63 =	vld [tilespmem:$0x1FEF0]  }
0x10c: {  	s8 =	smul.f32 s8, s19;
	v60 =	vmov s16;
	v57 =	vmul.f32 v57, v62;
	v62 =	vadd.f32 v37, v38  }
0x10d: {  	v59 =	vmul.f32 s4, v10;
	s17 =	ssub.f32 $1.500000000e+00, s17;
	v37 =	vsub.f32 v50, v60;
	v38 =	vsub.f32 v5, v60  }
0x10e: {  	s31 =	ssub.f32 $1.500000000e+00, s8;
	v39 =	vsub.f32 v7, v60;
	v58 =	vmul.f32 v61, v11;
	v61 =	vmul.f32 s4, v2  }
0x10f: {  	s8 =	smul.f32 s22, s17;
	s17 =	simm.s32 $0x8180;
	v41 =	vsub.f32 v6, v60;
	v43 =	vsub.f32 v51, v60  }
0x110: {  	(xrf2) =	vadd.scan.msk.f32 $0xffff, v0;
	s22 =	simm.s32 $0x11E80;
	s19 =	smul.f32 s31, s19;
	s16 =	simm.s32 $0x4;
	v40 =	vsub.f32 v24, v60;
	v59 =	vmul.f32 v59, v1;
	v54 =	vmul.f32 v61, v63  }
.LBB2_3:
0x111: {  	v61 =	vld [tilespmem:s17+$0x0]  }
0x112: {  	v1 =	vmov v46;
	v46 =	vld [tilespmem:s17+$0x10]  }
0x113: {  	v8 =	vld [tilespmem:$0x1FF40]  }
0x114: {  	v11 =	vld [tilespmem:$0x1FF30]  }
0x115: {  	v51 =	vmov v42;
	v42 =	vld [tilespmem:s17+$0x20]  }
0x116: {  	v9 =	vld [tilespmem:$0x1FF50]  }
0x117: {  	v10 =	vld [tilespmem:$0x1FF00]  }
0x118: {  	v53 =	vsub.f32 v52, v60;
	v52 =	vmov v45;
	v45 =	vld [tilespmem:s17+$0x30]  }
0x119: {  	v2 =	vsub.f32 v25, v60;
	v25 =	vmov v44;
	v44 =	vld [tilespmem:s17+$0x40]  }
0x11a: {  	v18 =	vld [tilespmem:$0x1FFE0]  }
0x11b: {  	v5 =	vld [tilespmem:s17+$0x50]  }
0x11c: {  	v12 =	vld [tilespmem:$0x1FE90]  }
0x11d: {  	v13 =	vld [tilespmem:$0x1FF60]  }
0x11e: {  	v60 =	vmov s26;
	v17 =	vld [tilespmem:$0x1FFD0]  }
0x11f: {  	[tilespmem:$0x1FE60] =	vst v1;
	v1 =	vsub.f32 v19, v60;
	v19 =	vld [tilespmem:$0x1FFF0]  }
0x120: {  	v7 =	vsub.f32 v20, v60;
	[tilespmem:$0x1FE80] =	vst v2;
	v2 =	vsub.f32 v16, v60;
	v16 =	vld [tilespmem:$0x1FFC0]  }
0x121: {  	v4 =	vsub.f32 v14, v60;
	v14 =	vld [tilespmem:$0x1FFA0];
	v20 =	vmovc v33;
	v3 =	vmul.f32 s19, v11;
	v33 =	vsub.f32 v12, v60;
	v12 =	vmovc v32  }
0x122: {  	v0 =	vmovc v47;
	(xrf2) =	vadd.scan.msk.f32 $0xffff, v62;
	v47 =	vmul.f32 s19, v8;
	v63 =	vmul.f32 s19, v9;
	[tilespmem:$0x1FE90] =	vst v12;
	v12 =	vld [tilespmem:$0x1FF10]  }
0x123: {  	[tilespmem:$0x1FE70] =	vst v0;
	v0 =	vmul.f32 s19, v10;
	v62 =	vmul.f32 v3, v7;
	v7 =	vld [tilespmem:s17+$0x60]  }
0x124: {  	s4 =	rddreg [dreg:$0x8];
	v50 =	vmovc v36;
	s29 =	smul.f32 s8, s18;
	v6 =	vsub.f32 v15, v60;
	v36 =	vmul.f32 s19, v19;
	v1 =	vmul.f32 v47, v1;
	v47 =	vld [tilespmem:s17+$0x70]  }
0x125: {  	s4 =	sadd.s32 s16, s4;
	v15 =	vsub.f32 v22, v60;
	v3 =	vmul.f32 s19, v16;
	v2 =	vmul.f32 v63, v2;
	v63 =	vld [tilespmem:$0x1FF90]  }
0x126: {  	v23 =	vmovc v34;
	s31 =	sadd.s32 $0x2, s4;
	s4 =	sadd.s32 $0x3, s4;
	s23 =	smul.f32 s29, s8;
	v60 =	vsub.f32 v21, v60;
	v34 =	vmul.f32 s19, v14;
	v6 =	vmul.f32 v36, v6;
	v36 =	vld [tilespmem:$0x1FF70]  }
0x127: {  	s12 =	sadd.s32 $0x100, s12;
	s29 =	rddreg [dreg:$0x9];
	p2 =	sgt.u32 s4, $0xC7;
	v62 =	vadd.f32 v62, v13;
	v3 =	vmul.f32 v3, v15;
	v15 =	vld [tilespmem:$0x1FFB0]  }
0x128: {  	s24 =	sadd.s32 $0x100, s24;
	s29 =	simm.s32 @!p2 $0x80;
	s26 =	ssub.f32 $1.500000000e+00, s23;
	v0 =	vmul.f32 v0, v4;
	v4 =	vmul.f32 v34, v60;
	v34 =	vld [tilespmem:$0x1FF20]  }
0x129: {  	v24 =	vmov v35;
	v35 =	vmul.f32 s19, v18;
	s19 =	sadd.s32 s29, s12;
	[tilespmem:s24+$0x70] =	vst v62;
	v62 =	vld [tilespmem:$0x1FF80]  }
0x12a: {  	s29 =	smul.f32 s26, s8;
	v1 =	vadd.f32 v1, v17;
	v32 =	vld [tilespmem:s19+$0x1900]  }
0x12b: {  	v22 =	vmov v30;
	v54 =	vadd.f32 v54, v13;
	v33 =	vmul.f32 v35, v33;
	v21, _, _ =	vpop (xrf2);
	v35 =	vld [tilespmem:s19+$0x1910]  }
0x12c: {  	s25 =	smul.f32 s29, s18;
	(v2sf) =	vpush v21, $0xF;
	v21 =	vmov v31;
	v31, _, _ =	vpop (xrf2);
	v30 =	vld [tilespmem:s19+$0x1920];
	[tilespmem:s24+$0x0] =	vst v1;
	v1 =	vadd.f32 v2, v15  }
0x12d: {  	p1 =	sgt.u32 s31, $0xC7;
	s4 =	sadd.s32 $0xFFFF9C00, s12;
	s8 =	smov.u32 s12;
	v0 =	vadd.f32 v0, v63;
	(v2sf) =	vpush v31, $0xF;
	v60 =	vld [tilespmem:s19+$0x1940]  }
0x12e: {  	s8 =	smov.u32 @p1 s4;
	s4 =	smul.f32 s25, s29;
	v33 =	vadd.f32 v33, v36;
	s26 =	spop (v2sf);
	v2 =	vld [tilespmem:s19+$0x1930];
	v6 =	vadd.f32 v6, v62;
	[tilespmem:s24+$0x10] =	vst v1  }
0x12f: {  	s26 =	smul.f32 $7.812500000e-03, s26;
	s31 =	spop (v2sf);
	v1 =	vadd.f32 v3, v12;
	v62 =	vadd.f32 v56, v62;
	v3 =	vld [tilespmem:s19+$0x1950];
	[tilespmem:s24+$0x20] =	vst v0  }
0x130: {  	s23 =	smul.f32 $7.812500000e-03, s31;
	v0 =	vadd.f32 v4, v34;
	v4 =	vadd.f32 v48, v17;
	v31 =	vld [tilespmem:s19+$0x1960];
	[tilespmem:s24+$0x30] =	vst v6  }
0x131: {  	s4 =	ssub.f32 $1.500000000e+00, s4;
	s25 =	smul.f32 s26, s26;
	v48 =	vadd.f32 v55, v63;
	v6 =	vadd.f32 v49, v15;
	v49 =	vld [tilespmem:s19+$0x1970];
	[tilespmem:s24+$0x40] =	vst v33  }
0x132: {  	v63 =	vadd.f32 v57, v36;
	v57 =	vld [tilespmem:s8+$0x1900];
	v36 =	vadd.f32 v32, v61;
	[tilespmem:s24+$0x50] =	vst v1  }
0x133: {  	s18 =	smul.f32 s4, s29;
	v1 =	vadd.f32 v58, v12;
	v58 =	vadd.f32 v59, v34;
	v59 =	vld [tilespmem:s8+$0x1910];
	s19 =	ssub.f32 s23, s25;
	[tilespmem:s24+$0x60] =	vst v0  }
0x134: {  	v35 =	vadd.f32 v35, v46;
	v32 =	vadd.f32 v60, v44;
	v0 =	vld [tilespmem:s8+$0x1920];
	[tilespmem:s22+$0xFFFFFF80] =	vst v4  }
0x135: {  	v61 =	vmul.f32 s18, v19;
	v15 =	vmovc v20;
	v34 =	vadd.f32 v30, v42;
	v33 =	vadd.f32 v2, v45;
	v4 =	vld [tilespmem:s8+$0x1930];
	[tilespmem:s22+$0xFFFFFF90] =	vst v6;
	s4 =	sadd.f32 $9.999999960e-13, s19  }
0x136: {  	v20 =	vmovc v51;
	v2 =	vmul.f32 s18, v8;
	v44 =	vadd.f32 v35, v36;
	v30 =	vadd.f32 v3, v5;
	v5 =	vld [tilespmem:s8+$0x1940];
	[tilespmem:s22+$0xFFFFFFA0] =	vst v48  }
0x137: {  	v46 =	vmul.f32 v36, v36;
	v45 =	vadd.f32 v33, v34;
	v31 =	vadd.f32 v31, v7;
	v7 =	vld [tilespmem:s8+$0x1950];
	s23 =	sshra.s32 s4, $0x1;
	s4 =	smul.f32 $5.000000000e-01, s4;
	[tilespmem:s22+$0xFFFFFFB0] =	vst v62  }
0x138: {  	v55 =	vmul.f32 v34, v34;
	v51 =	vmul.f32 v33, v33;
	v42 =	vadd.f32 v49, v47;
	v49 =	vld [tilespmem:s8+$0x1960];
	s19 =	ssub.s32 $0x5F3759DF, s23;
	[tilespmem:s22+$0xFFFFFFC0] =	vst v63  }
0x139: {  	v3 =	vmul.f32 s18, v9;
	v48 =	vmul.f32 v35, v35;
	v44 =	vadd.f32 v45, v44;
	v56 =	vld [tilespmem:s8+$0x1970];
	s25 =	smul.f32 s19, s4;
	[tilespmem:s22+$0xFFFFFFD0] =	vst v1  }
0x13a: {  	v62 =	vmul.f32 v32, v32;
	v47 =	vadd.f32 v30, v32;
	v60 =	vadd.f32 v42, v31;
	v1 =	vld [tilespmem:s17+$0xFFFFFF80];
	[tilespmem:s22+$0xFFFFFFE0] =	vst v58  }
0x13b: {  	v63 =	vmul.f32 v30, v30;
	v46 =	vadd.f32 v48, v46;
	v48 =	vadd.f32 v51, v55;
	s31 =	spop (v2sf);
	v58 =	vld [tilespmem:s17+$0xFFFFFF90];
	s8 =	smul.f32 s19, s25  }
0x13c: {  	v8 =	vmul.f32 v31, v31;
	s29 =	smul.f32 $7.812500000e-03, s31;
	v9 =	vld [tilespmem:s17+$0xFFFFFFA0];
	[tilespmem:s22+$0xFFFFFFF0] =	vst v54;
	v45 =	vadd.f32 v60, v47;
	v47 =	vmul.f32 v42, v42  }
0x13d: {  	v11 =	vmul.f32 s18, v11;
	v6 =	vmul.f32 s18, v10;
	v51 =	vadd.f32 v63, v62;
	s23 =	spop (v2sf);
	v54 =	vld [tilespmem:s17+$0xFFFFFFB0];
	s8 =	ssub.f32 $1.500000000e+00, s8  }
0x13e: {  	v10 =	vmul.f32 s18, v14;
	v46 =	vadd.f32 v48, v46;
	s31 =	smul.f32 $7.812500000e-03, s23;
	v8 =	vadd.f32 v47, v8;
	v47 =	vld [tilespmem:s17+$0xFFFFFFC0]  }
0x13f: {  	v62 =	vmul.f32 s18, v18;
	v44 =	vadd.f32 v45, v44;
	v45 =	vld [tilespmem:s17+$0xFFFFFFD0];
	s8 =	smul.f32 s19, s8;
	v1 =	vadd.f32 v57, v1  }
0x140: {  	v63 =	vmul.f32 s18, v16;
	s25 =	smul.f32 s29, s29;
	v8 =	vadd.f32 v8, v51;
	v58 =	vadd.f32 v59, v58;
	v59 =	vld [tilespmem:s17+$0xFFFFFFE0]  }
0x141: {  	v48 =	vmul.f32 v2, v43;
	v60 =	vmov s29;
	v0 =	vadd.f32 v0, v9;
	v9 =	vld [tilespmem:s17+$0xFFFFFFF0];
	s29 =	smul.f32 s8, s4  }
0x142: {  	s19 =	ssub.f32 s31, s25;
	v2 =	vadd.f32 v4, v54;
	v43 =	vmul.f32 v1, v1;
	v8 =	vadd.f32 v8, v46  }
0x143: {  	v4 =	vadd.f32 v58, v1;
	v46 =	vadd.f32 v5, v47;
	v5 =	vmul.f32 v58, v58;
	s18 =	smul.f32 s29, s8  }
0x144: {  	(xrf2) =	vadd.scan.msk.f32 $0xffff, v44;
	s19 =	sadd.f32 $9.999999960e-13, s19;
	v54 =	vmul.f32 v0, v0;
	v47 =	vadd.f32 v7, v45;
	v7 =	vadd.f32 v2, v0  }
0x145: {  	v57 =	vmul.f32 v2, v2;
	(xrf2) =	vadd.scan.msk.f32 $0xffff, v8;
	v45 =	vadd.f32 v49, v59;
	v5 =	vadd.f32 v5, v43;
	s29 =	ssub.f32 $1.500000000e+00, s18  }
0x146: {  	s23 =	sshra.s32 s19, $0x1;
	v59 =	vmul.f32 v46, v46;
	v44 =	vadd.f32 v56, v9;
	v9 =	vadd.f32 v47, v46;
	s18 =	smul.f32 $5.000000000e-01, s19  }
0x147: {  	v19 =	vmovc v50;
	s25 =	ssub.s32 $0x5F3759DF, s23;
	v50 =	vmul.f32 v47, v47;
	v4 =	vadd.f32 v7, v4;
	v8 =	vadd.f32 v57, v54;
	s29 =	smul.f32 s29, s8  }
0x148: {  	v43 =	vsub.f32 v26, v60;
	v49 =	vmul.f32 v3, v40;
	v56 =	vmul.f32 v61, v38;
	s31 =	smul.f32 s25, s18  }
0x149: {  	v61 =	vld [tilespmem:$0x1FE70];
	v12 =	vmul.f32 v45, v45;
	v54 =	vadd.f32 v44, v45;
	v55 =	vmul.f32 v44, v44;
	s4 =	smul.f32 s29, s4  }
0x14a: {  	s16 =	sadd.s32 $0x2, s16;
	v40 =	vsub.f32 v27, v60;
	v27 =	vmovc v58;
	v58 =	vmul.f32 v63, v39;
	v63 =	vld [tilespmem:$0x1FE80];
	v57 =	vadd.f32 v50, v59;
	s8 =	smul.f32 s25, s31  }
0x14b: {  	p1 =	slt.u32 s16, $0x4E;
	v51 =	vadd.f32 v54, v9;
	v9 =	vadd.f32 v55, v12;
	v54 =	vld [tilespmem:$0x1FE60];
	s4 =	smul.f32 s4, s29  }
.Ltmp2:
0x14c: {  	v14 =	vmovc v23;
	v16 =	vmovc v24;
	v26 =	vmov v1;
	v38 =	vsub.f32 v28, v60;
	v5 =	vadd.f32 v8, v5;
	(pc) =	sbr.rel @p1 .LBB2_3-.Ltmp2, $4  }
0x14d: {  	v28 =	vmovc v2;
	v55 =	vmul.f32 v6, v37;
	v37 =	vsub.f32 v29, v60;
	v3 =	vadd.f32 v9, v57;
	s8 =	ssub.f32 $1.500000000e+00, s8  }
0x14e: {  	v59 =	vmul.f32 v10, v53;
	v50, _, _ =	vpop (xrf2);
	v39 =	vsub.f32 v61, v60;
	v1 =	vadd.f32 v51, v4;
	s4 =	ssub.f32 $1.500000000e+00, s4  }
0x14f: {  	v57 =	vmul.f32 v62, v41;
	(v2sf) =	vpush v50, $0xF;
	v62 =	vadd.f32 v3, v5;
	s8 =	smul.f32 s25, s8;
	v51, _, _ =	vpop (xrf2)  }
0x150: {  	s22 =	smov.u32 s24;
	s17 =	sadd.s32 $0x100, s17;
	v29 =	vmovc v0;
	(xrf2) =	vadd.scan.msk.f32 $0xffff, v1;
	v41 =	vsub.f32 v54, v60;
	v54 =	vmul.f32 v11, v63;
	(v2sf) =	vpush v51, $0xF;
	s19 =	smul.f32 s4, s29  }
0x151: {  	_ =	sdelay $0x3  }
0x152: {  	(xrf2) =	vadd.scan.msk.f32 $0xffff, v62;
	_ =	sdelay $0x7  }
0x153: {  	v0, _, _ =	vpop (xrf2)  }
0x154: {  	(v2sf) =	vpush v0, $0xF;
	s4 =	spop (v2sf)  }
0x155: {  	v53, _, _ =	vpop (xrf2);
	s4 =	smul.f32 $7.812500000e-03, s4;
	s12 =	spop (v2sf)  }
0x156: {  	(v2sf) =	vpush v53, $0xF;
	s12 =	smul.f32 $7.812500000e-03, s12  }
0x157: {  	s16 =	smul.f32 s4, s4  }
0x158: {  	s17 =	smul.f32 s8, s18  }
0x159: {  	s12 =	ssub.f32 s12, s16  }
0x15a: {  	s23 =	smul.f32 s17, s8  }
0x15b: {  	s12 =	sadd.f32 $9.999999960e-13, s12  }
0x15c: {  	s16 =	ssub.f32 $1.500000000e+00, s23  }
0x15d: {  	v18 =	vld [tilespmem:$0x1FF30];
	s25 =	sshra.s32 s12, $0x1;
	s29 =	smul.f32 $5.000000000e-01, s12  }
0x15e: {  	v62 =	vld [tilespmem:$0x1FF50];
	s12 =	smul.f32 s16, s8;
	s16 =	ssub.s32 $0x5F3759DF, s25  }
0x15f: {  	v51 =	vld [tilespmem:$0x1FF00];
	s17 =	smul.f32 s16, s29  }
0x160: {  	v53 =	vld [tilespmem:$0x1FF40];
	s23 =	smul.f32 s12, s18  }
0x161: {  	v50 =	vld [tilespmem:$0x1FFF0];
	s8 =	smul.f32 s16, s17  }
0x162: {  	v12 =	vld [tilespmem:$0x1FF60];
	v0 =	vmov s26;
	s17 =	smul.f32 s23, s12  }
0x163: {  	v23 =	vsub.f32 v25, v60;
	v25 =	vld [tilespmem:$0x1FFE0];
	v2 =	vmul.f32 s19, v18;
	v3 =	vsub.f32 v20, v0;
	s25 =	spop (v2sf);
	s31 =	ssub.f32 $1.500000000e+00, s8  }
0x164: {  	v13 =	vld [tilespmem:$0x1FFD0];
	s8 =	smul.f32 $7.812500000e-03, s25;
	s17 =	ssub.f32 $1.500000000e+00, s17  }
0x165: {  	v6 =	vsub.f32 v19, v0;
	v20 =	vld [tilespmem:$0x1FFC0];
	v2 =	vmul.f32 v2, v3;
	v1 =	vmul.f32 s19, v53;
	s23 =	spop (v2sf);
	s16 =	smul.f32 s16, s31  }
0x166: {  	v61 =	vld [tilespmem:$0x1FE90];
	s18 =	smul.f32 $7.812500000e-03, s23  }
0x167: {  	v24 =	vsub.f32 v52, v60;
	v19 =	vld [tilespmem:$0x1FFA0];
	v2 =	vadd.f32 v2, v12;
	v1 =	vmul.f32 v1, v6;
	s17 =	smul.f32 s17, s12  }
0x168: {  	v4 =	vmul.f32 s19, v62;
	v5 =	vmul.f32 s19, v51;
	v60 =	vsub.f32 v16, v0;
	s12 =	sadd.s32 $0x100, s24;
	s25 =	smul.f32 s16, s29  }
0x169: {  	v7 =	vmul.f32 s19, v50;
	v10 =	vsub.f32 v14, v0;
	v14 =	vld [tilespmem:$0x1FFB0];
	v1 =	vadd.f32 v1, v13;
	s31 =	smul.f32 s8, s8;
	[tilespmem:s12+$0x70] =	vst v2  }
0x16a: {  	v17 =	vsub.f32 v15, v0;
	v16 =	vsub.f32 v22, v0;
	v9 =	vmul.f32 s19, v20;
	v15 =	vld [tilespmem:$0x1FF90];
	s26 =	smul.f32 s25, s16  }
0x16b: {  	v8 =	vmul.f32 s19, v25;
	v3 =	vmul.f32 v4, v60;
	v6 =	vsub.f32 v61, v0;
	s18 =	ssub.f32 s18, s31;
	v61 =	vld [tilespmem:$0x1FF80];
	[tilespmem:s12+$0x0] =	vst v1  }
0x16c: {  	v11 =	vmul.f32 s19, v19;
	v52 =	vmul.f32 v9, v16;
	v9 =	vld [tilespmem:$0x1FF10];
	s19 =	ssub.f32 $1.500000000e+00, s26  }
0x16d: {  	s18 =	sadd.f32 $9.999999960e-13, s18  }
0x16e: {  	v3 =	vadd.f32 v3, v14;
	v6 =	vmul.f32 v8, v6;
	v8 =	vld [tilespmem:$0x1FF70];
	s19 =	smul.f32 s19, s16  }
0x16f: {  	v63 =	vmul.f32 v5, v10;
	v0 =	vsub.f32 v21, v0;
	s23 =	sshra.s32 s18, $0x1;
	s16 =	smul.f32 $5.000000000e-01, s18  }
0x170: {  	v10 =	vmul.f32 v7, v17;
	v60 =	vadd.f32 v49, v14;
	[tilespmem:s12+$0x10] =	vst v3;
	v3 =	vadd.f32 v48, v13;
	s25 =	ssub.s32 $0x5F3759DF, s23;
	s26 =	smul.f32 s19, s29  }
0x171: {  	v0 =	vmul.f32 v11, v0;
	v11 =	vmul.f32 s17, v50;
	v5 =	vadd.f32 v52, v9;
	v52 =	vld [tilespmem:$0x1FF20];
	s23 =	smul.f32 s25, s16  }
0x172: {  	v16 =	vmul.f32 s17, v25;
	v17 =	vmul.f32 s17, v20;
	v2 =	vadd.f32 v63, v15;
	[tilespmem:s22+$0xFFFFFF80] =	vst v3;
	s24 =	smul.f32 s26, s19  }
0x173: {  	v21 =	vmovc v18;
	v18 =	vmul.f32 s17, v18;
	v63 =	vadd.f32 v10, v61;
	v1 =	vadd.f32 v6, v8;
	[tilespmem:s22+$0xFFFFFF90] =	vst v60;
	s26 =	smul.f32 s25, s23  }
0x174: {  	v10 =	vmul.f32 s17, v51;
	v6 =	vadd.f32 v55, v15;
	v7 =	vadd.f32 v57, v8;
	[tilespmem:s12+$0x20] =	vst v2;
	s24 =	ssub.f32 $1.500000000e+00, s24  }
0x175: {  	v55 =	vmovc v8;
	v8 =	vmul.f32 s17, v53;
	v3 =	vmul.f32 s17, v19;
	[tilespmem:s12+$0x30] =	vst v63;
	v63 =	vadd.f32 v56, v61;
	s26 =	ssub.f32 $1.500000000e+00, s26  }
0x176: {  	v48 =	vmovc v19;
	v19 =	vmov s4;
	[tilespmem:s12+$0x40] =	vst v1;
	v1 =	vadd.f32 v58, v9;
	v0 =	vadd.f32 v0, v52;
	s19 =	smul.f32 s24, s19  }
0x177: {  	v49 =	vmovc v20;
	v57 =	vmovc v9;
	v9 =	vmul.f32 s17, v62;
	[tilespmem:s22+$0xFFFFFFA0] =	vst v6;
	v6 =	vmov s8;
	v58 =	vsub.f32 v35, v19;
	s25 =	smul.f32 s25, s26  }
0x178: {  	v56 =	vmovc v51;
	v3 =	vmul.f32 v3, v24;
	[tilespmem:s12+$0x60] =	vst v0;
	v0 =	vadd.f32 v54, v12;
	v60 =	vmul.f32 s19, v53  }
0x179: {  	v51 =	vmovc v50;
	[tilespmem:s12+$0x50] =	vst v5;
	v54 =	vmovc v21;
	v20 =	vmul.f32 s19, v21;
	v21 =	vsub.f32 v42, v19;
	s26 =	smul.f32 s25, s16;
	v22 =	vmul.f32 s19, v62  }
0x17a: {  	v50 =	vmovc v25;
	[tilespmem:s22+$0xFFFFFFB0] =	vst v63;
	v63 =	vsub.f32 v36, v19;
	v25 =	vmul.f32 s19, v56;
	v42 =	vmul.f32 s19, v51  }
0x17b: {  	[tilespmem:s22+$0xFFFFFFC0] =	vst v7;
	v5 =	vadd.f32 v59, v52;
	v35 =	vmul.f32 s19, v49;
	v20 =	vmul.f32 v20, v21;
	s4 =	smul.f32 s26, s25  }
0x17c: {  	[tilespmem:s22+$0xFFFFFFD0] =	vst v1;
	v59 =	vsub.f32 v34, v19;
	v21 =	vmul.f32 s19, v50;
	v2 =	vmul.f32 v60, v63  }
0x17d: {  	[tilespmem:s22+$0xFFFFFFE0] =	vst v5;
	v60 =	vsub.f32 v33, v19;
	v7 =	vmul.f32 v22, v58;
	s4 =	ssub.f32 $1.500000000e+00, s4;
	v63 =	vadd.f32 v20, v12  }
0x17e: {  	s18 =	sadd.s32 $0x100, s12;
	[tilespmem:s22+$0xFFFFFFF0] =	vst v0;
	v33 =	vsub.f32 v32, v19;
	v1 =	vmul.f32 v25, v59;
	v2 =	vadd.f32 v2, v13  }
0x17f: {  	v32 =	vmul.f32 v10, v37;
	v4 =	vmul.f32 v42, v60;
	v36 =	vadd.f32 v7, v14;
	s8 =	smul.f32 s4, s25;
	[tilespmem:s18+$0x70] =	vst v63  }
0x180: {  	v37 =	vsub.f32 v46, v6;
	v0 =	vmul.f32 v21, v33;
	v1 =	vadd.f32 v1, v15;
	[tilespmem:s18+$0x0] =	vst v2  }
0x181: {  	v58 =	vmul.f32 v8, v43;
	v20 =	vsub.f32 v30, v19;
	v4 =	vadd.f32 v4, v61;
	[tilespmem:s18+$0x10] =	vst v36;
	s16 =	smul.f32 s8, s16  }
0x182: {  	v34 =	vmul.f32 s19, v48;
	v42 =	vsub.f32 v31, v19;
	v0 =	vadd.f32 v0, v55;
	[tilespmem:s18+$0x20] =	vst v1  }
0x183: {  	v60 =	vsub.f32 v26, v6;
	v59 =	vmul.f32 v35, v20;
	v2 =	vadd.f32 v58, v13;
	[tilespmem:s18+$0x30] =	vst v4;
	s16 =	smul.f32 s16, s8  }
0x184: {  	v33 =	vsub.f32 v29, v6;
	v7 =	vmul.f32 v34, v42;
	v42 =	vadd.f32 v3, v52;
	[tilespmem:s18+$0x40] =	vst v0  }
0x185: {  	v63 =	vmul.f32 v9, v40;
	v9 =	vsub.f32 v27, v6;
	v8 =	vadd.f32 v59, v57;
	[tilespmem:s12+$0xFFFFFF80] =	vst v2;
	s16 =	ssub.f32 $1.500000000e+00, s16  }
0x186: {  	v34 =	vmul.f32 v11, v38;
	v35 =	vmul.f32 v16, v41;
	v7 =	vadd.f32 v7, v52;
	[tilespmem:s12+$0xFFFFFFE0] =	vst v42  }
0x187: {  	v36 =	vsub.f32 v28, v6;
	v16 =	vmul.f32 v17, v39;
	v1 =	vadd.f32 v63, v14;
	[tilespmem:s18+$0x50] =	vst v8;
	s8 =	smul.f32 s16, s8  }
0x188: {  	v38 =	vsub.f32 v47, v6;
	v17 =	vmul.f32 v18, v23;
	v4 =	vadd.f32 v32, v15;
	[tilespmem:s18+$0x60] =	vst v7  }
0x189: {  	v39 =	vsub.f32 v45, v6;
	v0 =	vadd.f32 v34, v61;
	[tilespmem:s12+$0xFFFFFF90] =	vst v1;
	v18 =	vmul.f32 s8, v53  }
0x18a: {  	v11 =	vadd.f32 v35, v55;
	v41 =	vadd.f32 v16, v57;
	[tilespmem:s12+$0xFFFFFFA0] =	vst v4;
	v16 =	vmul.f32 s8, v62  }
0x18b: {  	v40 =	vsub.f32 v44, v6;
	[tilespmem:s12+$0xFFFFFFB0] =	vst v0;
	v43 =	vmul.f32 s8, v56;
	v5 =	vmul.f32 v18, v60  }
0x18c: {  	v44 =	vadd.f32 v17, v12;
	[tilespmem:s12+$0xFFFFFFC0] =	vst v11;
	v45 =	vmul.f32 s8, v51;
	v9 =	vmul.f32 v16, v9  }
0x18d: {  	[tilespmem:s12+$0xFFFFFFD0] =	vst v41;
	v46 =	vmul.f32 s8, v50;
	v3 =	vmul.f32 v43, v33;
	v5 =	vadd.f32 v5, v13  }
0x18e: {  	[tilespmem:s12+$0xFFFFFFF0] =	vst v44;
	v47 =	vmul.f32 s8, v49;
	v8 =	vmul.f32 v45, v36;
	v9 =	vadd.f32 v9, v14  }
0x18f: {  	v48 =	vmul.f32 s8, v48;
	v0 =	vmul.f32 v46, v37;
	v3 =	vadd.f32 v3, v15;
	[tilespmem:s18+$0xFFFFFF80] =	vst v5  }
0x190: {  	v49 =	vmul.f32 s8, v54;
	v2 =	vmul.f32 v47, v38;
	v50 =	vadd.f32 v8, v61;
	[tilespmem:s18+$0xFFFFFF90] =	vst v9  }
0x191: {  	v1 =	vmul.f32 v48, v39;
	v0 =	vadd.f32 v0, v55;
	[tilespmem:s18+$0xFFFFFFA0] =	vst v3  }
0x192: {  	v60 =	vmov v51;
	v51 =	vmul.f32 v49, v40;
	v2 =	vadd.f32 v2, v57;
	[tilespmem:s18+$0xFFFFFFB0] =	vst v50  }
0x193: {  	v1 =	vadd.f32 v1, v52;
	[tilespmem:s18+$0xFFFFFFC0] =	vst v0  }
0x194: {  	v58 =	vmov v54;
	v54 =	vadd.f32 v51, v12;
	[tilespmem:s18+$0xFFFFFFD0] =	vst v2  }
0x195: {  	p1 =	seq.s32 s20, $0x13;
	s22 =	simm.s32 $0x11E00;
	[tilespmem:s18+$0xFFFFFFE0] =	vst v1  }
0x196: {  	s19 =	sadd.s32 s6, s21;
	s4 =	simm.s32 @!p1 $0x5;
	s8 =	smul.u32 @!p1 $0x500, s20;
	[tilespmem:s18+$0xFFFFFFF0] =	vst v54  }
0x197: {  	[hbm4b:s19+s9] =	stream.linear.scatter [tilespmem:s22], [sflag:$0x9], $0x2800, $0x38;
	[tilespmem:$0x1BE00] =	vst v63  }
0x198: {  	s23 =	simm.s32 $0x2;
	_ =	swait.ge @!p1 [sflag:s4], $0x2800  }
0x199: {  	s12 =	simm.s32 @!p1 $0x7E00;
	s22 =	sshra.s32 @!p1 s8, $0x2;
	[sflag:s4] =	ssyncset.done @!p1 $0x0  }
0x19a: {  	s8 =	simm.s32 @!p1 $0x50;
	[sflag:s4] =	ssyncadd.s32 @!p1 $0xFFFFD800;
	s4 =	sadd.s32 @!p1 $0x140, s22  }
0x19b: {  	[tilespmem:s12], [sflag:$0x1] =	stream.indirect.gather @!p1 [hbm4b:s1+s8], $0x80, s4, s8, $0xb8;
	[tilespmem:$0x1BE00] =	vst v63  }
0x19c: {  	_ =	swait.ge [sflag:s23], $0x2800  }
0x19d: {  	s25 =	simm.s32 $0xA600;
	s12 =	sadd.s32 $0x500, s21;
	[sflag:s23] =	ssyncset.done $0x0  }
0x19e: {  	s4 =	simm.s32 @!p0 $0xA;
	s24 =	sadd.s32 s7, s12;
	[sflag:s23] =	ssyncadd.s32 $0xFFFFD800  }
0x19f: {  	[hbm4b:s24+s9] =	stream.linear.scatter [tilespmem:s25], [sflag:$0x6], $0x2800, $0x38;
	[tilespmem:$0x1BE00] =	vst v63  }
0x1a0: {  	_ =	swait.ge @!p0 [sflag:s4], $0x2800  }
0x1a1: {  	[sflag:s4] =	ssyncset.done @!p0 $0x0  }
0x1a2: {  	s26 =	simm.s32 $0xA680;
	[sflag:s4] =	ssyncadd.s32 @!p0 $0xFFFFD800  }
0x1a3: {  	v55 =	vld [tilespmem:s26+$0xFFFFFF80]  }
0x1a4: {  	v59 =	vmov v56;
	v56 =	vld [tilespmem:s26+$0xFFFFFF90]  }
0x1a5: {  	s18 =	rddreg [dreg:$0xa];
	v57 =	vld [tilespmem:s26+$0xFFFFFFA0]  }
0x1a6: {  	s8 =	sadd.s32 $0xFFFFFFFE, s18;
	v61 =	vld [tilespmem:s26+$0xFFFFFFB0]  }
0x1a7: {  	s23 =	sadd.s32 $0x52, s8;
	v63 =	vld [tilespmem:s26+$0xFFFFFFC0]  }
0x1a8: {  	s17 =	simm.s32 $0xFFFF9B80;
	s19 =	rddreg [dreg:$0xb];
	v12 =	vld [tilespmem:s26+$0xFFFFFFD0];
	p2 =	sgt.u32 s23, $0xC7  }
0x1a9: {  	s16 =	sadd.s32 s10, s19;
	v13 =	vld [tilespmem:s26+$0xFFFFFFE0];
	s17 =	simm.s32 @!p2 $0xFFFFFF80  }
0x1aa: {  	v14 =	vld [tilespmem:s26+$0xFFFFFFF0];
	s17 =	sadd.s32 s17, s16  }
0x1ab: {  	v35 =	vld [tilespmem:s17+$0x1900]  }
0x1ac: {  	v36 =	vld [tilespmem:s17+$0x1910]  }
0x1ad: {  	v37 =	vld [tilespmem:s17+$0x1920]  }
0x1ae: {  	v38 =	vld [tilespmem:s17+$0x1930]  }
0x1af: {  	v16 =	vld [tilespmem:s17+$0x1940]  }
0x1b0: {  	v17 =	vld [tilespmem:s17+$0x1950]  }
0x1b1: {  	v18 =	vld [tilespmem:s17+$0x1960]  }
0x1b2: {  	v19 =	vld [tilespmem:s17+$0x1970]  }
0x1b3: {  	v25 =	vld [tilespmem:s26+$0x10]  }
0x1b4: {  	v41 =	vld [tilespmem:s26+$0x20];
	v31 =	vadd.f32 v35, v55;
	v32 =	vadd.f32 v36, v56  }
0x1b5: {  	s8 =	sadd.s32 $0x53, s8;
	v51 =	vld [tilespmem:s26+$0x50];
	v30 =	vadd.f32 v37, v57;
	v29 =	vadd.f32 v38, v61  }
0x1b6: {  	v52 =	vld [tilespmem:s26+$0x60];
	p2 =	sgt.u32 s8, $0xC7;
	s8 =	sadd.s32 $0xFFFF9C00, s16;
	v28 =	vadd.f32 v16, v63;
	v27 =	vadd.f32 v17, v12  }
0x1b7: {  	v54 =	vld [tilespmem:s26+$0x70];
	s16 =	smov.u32 @p2 s8;
	v26 =	vadd.f32 v18, v13;
	v33 =	vadd.f32 v19, v14  }
0x1b8: {  	v20 =	vld [tilespmem:s16+$0x1900];
	v56 =	vadd.f32 v32, v31;
	v57 =	vmul.f32 v31, v31;
	v61 =	vmul.f32 v32, v32  }
0x1b9: {  	v21 =	vld [tilespmem:s16+$0x1910];
	v63 =	vadd.f32 v29, v30;
	v12 =	vmul.f32 v30, v30;
	v13 =	vmul.f32 v29, v29  }
0x1ba: {  	v39 =	vld [tilespmem:s16+$0x1920];
	v16 =	vadd.f32 v27, v28;
	v17 =	vmul.f32 v28, v28;
	v18 =	vmul.f32 v27, v27  }
0x1bb: {  	v2 =	vld [tilespmem:s16+$0x1940];
	v22 =	vadd.f32 v33, v26;
	v23 =	vmul.f32 v26, v26;
	v24 =	vmul.f32 v33, v33  }
0x1bc: {  	v3 =	vld [tilespmem:s16+$0x1950];
	v5 =	vadd.f32 v61, v57;
	v40 =	vadd.f32 v13, v12  }
0x1bd: {  	v7 =	vld [tilespmem:s16+$0x1960];
	v48 =	vadd.f32 v18, v17;
	v17 =	vadd.f32 v24, v23  }
0x1be: {  	v55 =	vld [tilespmem:s16+$0x1930];
	v4 =	vadd.f32 v63, v56;
	v49 =	vadd.f32 v22, v16  }
0x1bf: {  	v19 =	vld [tilespmem:s26+$0x0];
	v5 =	vadd.f32 v40, v5;
	v50 =	vadd.f32 v17, v48  }
0x1c0: {  	v14 =	vld [tilespmem:s16+$0x1970];
	v4 =	vadd.f32 v49, v4  }
0x1c1: {  	v18 =	vld [tilespmem:s26+$0x30];
	v5 =	vadd.f32 v50, v5  }
0x1c2: {  	v34 =	vadd.f32 v21, v25;
	v16 =	vld [tilespmem:s26+$0x40];
	(xrf2) =	vadd.scan.msk.f32 $0xffff, v4  }
0x1c3: {  	v36 =	vadd.f32 v39, v41;
	v45 =	vadd.f32 v7, v52;
	(xrf2) =	vadd.scan.msk.f32 $0xffff, v5  }
0x1c4: {  	v43 =	vadd.f32 v3, v51;
	v44 =	vadd.f32 v20, v19  }
0x1c5: {  	s4 =	simm.s32 $0xA780;
	v38 =	vmul.f32 v45, v45;
	v57 =	vmul.f32 v34, v34;
	v39 =	vadd.f32 v14, v54  }
0x1c6: {  	s24 =	rddreg [dreg:$0xa];
	v46 =	vld [tilespmem:s4+$0xFFFFFF80];
	v63 =	vmul.f32 v36, v36;
	v56 =	vmul.f32 v44, v44;
	v35 =	vadd.f32 v55, v18  }
0x1c7: {  	s8 =	sadd.s32 $0x0, s24;
	v51 =	vld [tilespmem:s4+$0xFFFFFFB0];
	v8 =	vadd.f32 v39, v45;
	v40 =	vmul.f32 v39, v39;
	v42 =	vadd.f32 v2, v16  }
0x1c8: {  	s25 =	rddreg [dreg:$0xb];
	v52 =	vld [tilespmem:s4+$0xFFFFFFC0];
	s26 =	sadd.s32 $0x52, s8;
	v55 =	vadd.f32 v34, v44;
	v1 =	vadd.f32 v57, v56;
	v12 =	vmul.f32 v35, v35  }
0x1c9: {  	s18 =	simm.s32 $0xFFFF9B80;
	s17 =	sadd.s32 $0x100, s10;
	v37 =	vmul.f32 v43, v43;
	p2 =	sgt.u32 s26, $0xC7;
	v54 =	vld [tilespmem:s4+$0xFFFFFFD0];
	v61 =	vadd.f32 v35, v36;
	v14 =	vadd.f32 v43, v42  }
0x1ca: {  	s16 =	sadd.s32 s17, s25;
	v48 =	vld [tilespmem:s4+$0xFFFFFF90];
	s18 =	simm.s32 @!p2 $0xFFFFFF80;
	v3 =	vadd.f32 v40, v38;
	v13 =	vmul.f32 v42, v42;
	v4 =	vadd.f32 v12, v63  }
0x1cb: {  	s18 =	sadd.s32 s18, s16;
	v50 =	vld [tilespmem:s4+$0xFFFFFFA0];
	v0 =	vadd.f32 v61, v55;
	v2 =	vadd.f32 v8, v14  }
0x1cc: {  	s8 =	sadd.s32 $0x53, s8;
	v21 =	vld [tilespmem:s18+$0x1950];
	v41 =	vadd.f32 v37, v13;
	v1 =	vadd.f32 v4, v1;
	v47, _, _ =	vpop (xrf2)  }
0x1cd: {  	p2 =	sgt.u32 s8, $0xC7;
	s8 =	sadd.s32 $0xFFFF9C00, s16;
	v23 =	vld [tilespmem:s18+$0x1960];
	v0 =	vadd.f32 v2, v0;
	(v2sf) =	vpush v47, $0xF;
	v49, _, _ =	vpop (xrf2)  }
0x1ce: {  	s16 =	smov.u32 @p2 s8;
	v24 =	vld [tilespmem:s18+$0x1970];
	v3 =	vadd.f32 v3, v41;
	(v2sf) =	vpush v49, $0xF  }
0x1cf: {  	v25 =	vld [tilespmem:s16+$0x1900];
	(xrf2) =	vadd.scan.msk.f32 $0xffff, v0  }
0x1d0: {  	v7 =	vld [tilespmem:s16+$0x1960];
	v1 =	vadd.f32 v3, v1  }
0x1d1: {  	v11 =	vld [tilespmem:s16+$0x1970]  }
0x1d2: {  	v56 =	vld [tilespmem:s4+$0xFFFFFFF0];
	(xrf2) =	vadd.scan.msk.f32 $0xffff, v1  }
0x1d3: {  	v57 =	vld [tilespmem:s18+$0x1900]  }
0x1d4: {  	v16 =	vld [tilespmem:s18+$0x1940]  }
0x1d5: {  	v55 =	vld [tilespmem:s4+$0xFFFFFFE0]  }
0x1d6: {  	v12 =	vld [tilespmem:s18+$0x1930]  }
0x1d7: {  	v61 =	vld [tilespmem:s18+$0x1910]  }
0x1d8: {  	v38 =	vld [tilespmem:s16+$0x1910]  }
0x1d9: {  	v63 =	vld [tilespmem:s18+$0x1920];
	v22 =	vadd.f32 v21, v54;
	v17, _, _ =	vpop (xrf2)  }
0x1da: {  	v19 =	vadd.f32 v57, v46;
	v2 =	vld [tilespmem:s16+$0x1920];
	(v2sf) =	vpush v17, $0xF  }
0x1db: {  	v16 =	vadd.f32 v16, v52;
	v4 =	vld [tilespmem:s16+$0x1930];
	v18 =	vadd.f32 v12, v51  }
0x1dc: {  	v13 =	vadd.f32 v61, v48;
	v0 =	vld [tilespmem:s16+$0x1940];
	v20 =	vadd.f32 v23, v55;
	v17, _, _ =	vpop (xrf2);
	s18 =	spop (v2sf)  }
0x1dd: {  	v23 =	vadd.f32 v24, v56;
	v1 =	vld [tilespmem:s16+$0x1950];
	[tilespmem:$0x1FE10] =	vst v18;
	(v2sf) =	vpush v17, $0xF;
	s18 =	smul.f32 $7.812500000e-03, s18;
	s19 =	spop (v2sf)  }
0x1de: {  	v6 =	vmul.f32 v19, v19;
	[tilespmem:$0x1FE20] =	vst v16;
	s8 =	smul.f32 $7.812500000e-03, s19  }
0x1df: {  	v56 =	vadd.f32 v22, v16;
	v21 =	vmov v13;
	v24 =	vadd.f32 v23, v20;
	v55 =	vld [tilespmem:s4+$0x0];
	[tilespmem:$0x1FE30] =	vst v20;
	s23 =	smul.f32 s18, s18  }
0x1e0: {  	v54 =	vmul.f32 v16, v16;
	v57 =	vmul.f32 v21, v21;
	v12 =	vld [tilespmem:s4+$0x10];
	v17 =	vadd.f32 v63, v50  }
0x1e1: {  	v61 =	vmul.f32 v22, v22;
	v14 =	vadd.f32 v13, v19;
	v13 =	vadd.f32 v24, v56;
	v24 =	vld [tilespmem:s4+$0x20];
	s8 =	ssub.f32 s8, s23  }
0x1e2: {  	v6 =	vadd.f32 v57, v6;
	v57 =	vld [tilespmem:s4+$0x40];
	v5 =	vadd.f32 v18, v17  }
0x1e3: {  	v52 =	vmul.f32 v18, v18;
	v56 =	vadd.f32 v61, v54;
	v10 =	vmul.f32 v17, v17;
	s8 =	sadd.f32 $9.999999960e-13, s8  }
0x1e4: {  	v61 =	vld [tilespmem:s4+$0x50];
	v63 =	vmul.f32 v20, v20;
	v3 =	vadd.f32 v5, v14;
	v14 =	vmul.f32 v23, v23  }
0x1e5: {  	v38 =	vadd.f32 v38, v12;
	v50 =	vld [tilespmem:s4+$0x30];
	v49 =	vadd.f32 v52, v10;
	s24 =	sshra.s32 s8, $0x1;
	s8 =	smul.f32 $5.000000000e-01, s8  }
0x1e6: {  	v52 =	vadd.f32 v25, v55;
	v25 =	vld [tilespmem:s4+$0x70];
	v8 =	vadd.f32 v14, v63;
	s16 =	ssub.s32 $0x5F3759DF, s24  }
0x1e7: {  	v40 =	vadd.f32 v2, v24;
	v41 =	vadd.f32 v0, v57;
	v63 =	vld [tilespmem:s4+$0x60];
	s25 =	smul.f32 s16, s8  }
0x1e8: {  	v6 =	vadd.f32 v49, v6;
	v8 =	vadd.f32 v8, v56  }
0x1e9: {  	v51 =	vadd.f32 v1, v61;
	v37 =	vmul.f32 v40, v40;
	v3 =	vadd.f32 v13, v3;
	s26 =	spop (v2sf);
	s23 =	smul.f32 s16, s25  }
0x1ea: {  	v54 =	vmul.f32 v41, v41;
	v16 =	vadd.f32 v4, v50;
	v6 =	vadd.f32 v8, v6;
	s19 =	smul.f32 $7.812500000e-03, s26  }
0x1eb: {  	v12 =	vadd.f32 v38, v52;
	v13 =	vmul.f32 v52, v52;
	v14 =	vmul.f32 v38, v38;
	(xrf2) =	vadd.scan.msk.f32 $0xffff, v3;
	s25 =	ssub.f32 $1.500000000e+00, s23  }
0x1ec: {  	v55 =	vmul.f32 v51, v51;
	v25 =	vadd.f32 v11, v25;
	v50 =	vadd.f32 v7, v63;
	(xrf2) =	vadd.scan.msk.f32 $0xffff, v6;
	s26 =	spop (v2sf);
	s23 =	smul.f32 s19, s19  }
0x1ed: {  	v46 =	vadd.f32 v16, v40;
	v47 =	vmul.f32 v16, v16;
	v0 =	vadd.f32 v14, v13;
	s24 =	smul.f32 $7.812500000e-03, s26  }
0x1ee: {  	v56 =	vadd.f32 v51, v41;
	v61 =	vmul.f32 v25, v25;
	v57 =	vmul.f32 v50, v50;
	s4 =	smul.f32 s16, s25  }
0x1ef: {  	v3 =	vadd.f32 v55, v54;
	v63 =	vadd.f32 v25, v50  }
0x1f0: {  	v4 =	vadd.f32 v47, v37;
	v10 =	vadd.f32 v61, v57;
	s16 =	ssub.f32 s24, s23;
	s25 =	smul.f32 s4, s8  }
0x1f1: {  	v1 =	vadd.f32 v46, v12;
	v11 =	vadd.f32 v63, v56  }
0x1f2: {  	v0 =	vadd.f32 v4, v0;
	v3 =	vadd.f32 v10, v3;
	s23 =	smul.f32 s25, s4;
	s25 =	sadd.f32 $9.999999960e-13, s16;
	s16 =	simm.s32 $0xA880  }
0x1f3: {  	s29 =	rddreg [dreg:$0xa];
	v1 =	vadd.f32 v11, v1;
	v5 =	vld [tilespmem:s16+$0xFFFFFF80]  }
0x1f4: {  	v0 =	vadd.f32 v3, v0;
	v4 =	vld [tilespmem:s16+$0xFFFFFF90];
	s24 =	ssub.f32 $1.500000000e+00, s23  }
0x1f5: {  	s26 =	sadd.s32 $0x2, s29;
	v12, _, _ =	vpop (xrf2);
	(xrf2) =	vadd.scan.msk.f32 $0xffff, v1;
	v2 =	vld [tilespmem:s16+$0xFFFFFFA0]  }
0x1f6: {  	s29 =	rddreg [dreg:$0xb];
	v13, _, _ =	vpop (xrf2);
	v18 =	vld [tilespmem:s16+$0xFFFFFFB0];
	(xrf2) =	vadd.scan.msk.f32 $0xffff, v0;
	s31 =	sshra.s32 s25, $0x1;
	s23 =	smul.f32 s24, s4  }
0x1f7: {  	v14 =	vmov s19;
	v1 =	vld [tilespmem:s16+$0xFFFFFFC0];
	s31 =	ssub.s32 $0x5F3759DF, s31;
	s4 =	smul.f32 $5.000000000e-01, s25;
	s25 =	sadd.s32 $0x52, s26  }
0x1f8: {  	v48 =	vsub.f32 v44, v14;
	v49 =	vsub.f32 v34, v14;
	v0 =	vld [tilespmem:s16+$0xFFFFFFD0];
	s24 =	sadd.s32 $0x100, s17;
	p2 =	sgt.u32 s25, $0xC7;
	s25 =	simm.s32 $0xFFFF9B80  }
0x1f9: {  	v55 =	vsub.f32 v36, v14;
	v54 =	vsub.f32 v42, v14;
	v6 =	vld [tilespmem:s16+$0xFFFFFFE0];
	s17 =	sadd.s32 s24, s29;
	s8 =	smul.f32 s23, s8;
	s25 =	simm.s32 @!p2 $0xFFFFFF80  }
0x1fa: {  	v43 =	vsub.f32 v43, v14;
	v36 =	vsub.f32 v39, v14;
	v8 =	vld [tilespmem:s16+$0xFFFFFFF0];
	s19 =	smul.f32 s31, s4;
	s25 =	sadd.s32 s25, s17  }
0x1fb: {  	v44 =	vmov s18;
	v56 =	vsub.f32 v35, v14;
	v35 =	vsub.f32 v45, v14;
	s8 =	smul.f32 s8, s23;
	v9 =	vld [tilespmem:s25+$0x1900]  }
0x1fc: {  	v33 =	vsub.f32 v33, v44;
	v31 =	vsub.f32 v31, v44;
	s19 =	smul.f32 s31, s19;
	v10 =	vld [tilespmem:s25+$0x1910]  }
0x1fd: {  	v32 =	vsub.f32 v32, v44;
	v47 =	vsub.f32 v30, v44;
	v11 =	vld [tilespmem:s25+$0x1920];
	[tilespmem:$0x1FE40] =	vst v35;
	s8 =	ssub.f32 $1.500000000e+00, s8  }
0x1fe: {  	v29 =	vsub.f32 v29, v44;
	(v2sf) =	vpush v12, $0xF;
	v42 =	vld [tilespmem:s25+$0x1930];
	[tilespmem:$0x1FE50] =	vst v36;
	s19 =	ssub.f32 $1.500000000e+00, s19  }
0x1ff: {  	v28 =	vsub.f32 v28, v44;
	(v2sf) =	vpush v13, $0xF;
	v30, _, _ =	vpop (xrf2);
	v39 =	vld [tilespmem:s25+$0x1940];
	s8 =	smul.f32 s8, s23  }
0x200: {  	v27 =	vsub.f32 v27, v44;
	(v2sf) =	vpush v30, $0xF;
	v45 =	vld [tilespmem:s25+$0x1950];
	v30, _, _ =	vpop (xrf2);
	s18 =	smul.f32 s31, s19  }
0x201: {  	v57 =	vld [tilespmem:s25+$0x1960];
	s23 =	sadd.s32 $0x53, s26;
	(v2sf) =	vpush v30, $0xF;
	v36 =	vadd.f32 v9, v5  }
0x202: {  	v20 =	vmovc v58;
	v3 =	vmovc v59;
	s19 =	sadd.s32 $0xFFFF9C00, s17;
	p2 =	sgt.u32 s23, $0xC7;
	v35 =	vadd.f32 v10, v4;
	v37 =	vmul.f32 s8, v58;
	v58 =	vmul.f32 s8, v59;
	v59 =	vld [tilespmem:s25+$0x1970];
	s25 =	smul.f32 s18, s4  }
0x203: {  	v24 =	vld [tilespmem:$0x1FFC0];
	v34 =	vadd.f32 v11, v2;
	v7 =	vmul.f32 s8, v53;
	v46 =	vmul.f32 s8, v62;
	s17 =	smov.u32 @p2 s19  }
0x204: {  	v12 =	vmovc v60;
	v60 =	vmul.f32 s8, v60;
	v61 =	vld [tilespmem:s17+$0x1900];
	v14 =	vmul.f32 v37, v33;
	s19 =	smul.f32 s25, s18;
	v33 =	vadd.f32 v42, v18  }
0x205: {  	v5 =	vld [tilespmem:s17+$0x1910];
	v30 =	vadd.f32 v45, v0;
	v9 =	vmul.f32 v36, v36;
	v45 =	vmul.f32 v34, v34  }
0x206: {  	v2 =	vld [tilespmem:s17+$0x1920];
	v15 =	vmul.f32 v7, v31;
	v7 =	vadd.f32 v35, v36;
	s19 =	ssub.f32 $1.500000000e+00, s19;
	v4 =	vadd.f32 v33, v34  }
0x207: {  	v0 =	vld [tilespmem:s16+$0x10];
	v37 =	vmul.f32 v46, v32;
	v32 =	vadd.f32 v39, v1;
	v31 =	vadd.f32 v57, v6  }
0x208: {  	v13 =	vmul.f32 v58, v47;
	v42 =	vadd.f32 v59, v8;
	s18 =	smul.f32 s19, s18;
	v7 =	vadd.f32 v4, v7;
	v4 =	vld [tilespmem:$0x1FFE0]  }
0x209: {  	v44 =	vsub.f32 v26, v44;
	v39 =	vmul.f32 v35, v35;
	v60 =	vmul.f32 v60, v29;
	v18 =	vld [tilespmem:$0x1FFA0]  }
0x20a: {  	v1 =	vld [tilespmem:s17+$0x1930];
	v26 =	vmul.f32 v30, v30;
	v11 =	vadd.f32 v30, v32;
	v46 =	vadd.f32 v42, v31;
	s4 =	smul.f32 s18, s4  }
0x20b: {  	v47 =	vmul.f32 v33, v33;
	v58 =	vmul.f32 v32, v32;
	v59 =	vld [tilespmem:s16+$0x0]  }
0x20c: {  	v63 =	vmul.f32 v31, v31;
	v8 =	vadd.f32 v46, v11;
	v11 =	vmul.f32 v42, v42;
	v46 =	vld [tilespmem:s16+$0x20];
	s4 =	smul.f32 s4, s18  }
0x20d: {  	v6 =	vld [tilespmem:s17+$0x1940];
	v9 =	vadd.f32 v39, v9;
	v45 =	vadd.f32 v47, v45;
	v39 =	vmul.f32 s8, v4  }
0x20e: {  	v47 =	vld [tilespmem:s16+$0x30];
	v26 =	vadd.f32 v26, v58;
	v29 =	vmul.f32 s8, v18;
	v11 =	vadd.f32 v11, v63;
	s4 =	ssub.f32 $1.500000000e+00, s4  }
0x20f: {  	v58 =	vld [tilespmem:s16+$0x40];
	v9 =	vadd.f32 v45, v9;
	v39 =	vmul.f32 v39, v28;
	v28 =	vmul.f32 s8, v24  }
0x210: {  	v10 =	vld [tilespmem:s17+$0x1950];
	v11 =	vadd.f32 v11, v26;
	v26 =	vadd.f32 v61, v59;
	v59 =	vmul.f32 v29, v44;
	s4 =	smul.f32 s4, s18  }
0x211: {  	v29 =	vadd.f32 v2, v46;
	v2 =	vld [tilespmem:s16+$0x70];
	v63 =	vmul.f32 v28, v27;
	v27 =	vadd.f32 v5, v0  }
0x212: {  	v7 =	vadd.f32 v8, v7;
	v0 =	vld [tilespmem:s17+$0x1970];
	v9 =	vadd.f32 v11, v9;
	v11 =	vmul.f32 s4, v53  }
0x213: {  	v8 =	vld [tilespmem:s16+$0x50];
	v28 =	vadd.f32 v1, v47;
	v53 =	vmul.f32 v26, v26;
	v61 =	vmul.f32 v27, v27  }
0x214: {  	v46 =	vadd.f32 v6, v58  }
0x215: {  	v6 =	vadd.f32 v61, v53;
	v53 =	vmul.f32 v29, v29;
	v61 =	vmul.f32 v28, v28;
	_ =	sdelay $0x1  }
0x216: {  	v44 =	vadd.f32 v0, v2;
	v0 =	vadd.f32 v61, v53;
	v61 =	vld [tilespmem:$0x1FF60]  }
0x217: {  	v47 =	vadd.f32 v10, v8  }
0x218: {  	v57 =	vld [tilespmem:s17+$0x1960];
	(xrf2) =	vadd.scan.msk.f32 $0xffff, v7;
	v7 =	vmul.f32 s4, v62  }
0x219: {  	s26 =	spop (v2sf);
	v45 =	vld [tilespmem:s16+$0x60];
	v62 =	vmul.f32 v46, v46;
	v5 =	vmul.f32 v47, v47  }
0x21a: {  	s31 =	smul.f32 $7.812500000e-03, s26  }
0x21b: {  	v2 =	vadd.f32 v5, v62;
	v62 =	vadd.f32 v14, v61  }
0x21c: {  	s29 =	simm.s32 $0x14680;
	s26 =	smul.f32 s31, s31;
	s25 =	spop (v2sf)  }
0x21d: {  	s23 =	smul.f32 $7.812500000e-03, s25;
	v14 =	vld [tilespmem:$0x1FFD0];
	[tilespmem:s29+$0xFFFFFFF0] =	vst v62  }
0x21e: {  	v45 =	vadd.f32 v57, v45;
	v61 =	vld [tilespmem:$0x1FFB0]  }
0x21f: {  	s23 =	ssub.f32 s23, s26  }
0x220: {  	v53 =	vmul.f32 v45, v45;
	v58 =	vmul.f32 v44, v44  }
0x221: {  	s19 =	sadd.f32 $9.999999960e-13, s23;
	v0 =	vadd.f32 v0, v6  }
0x222: {  	v8 =	vmul.f32 s4, v3;
	v6 =	vadd.f32 v58, v53;
	v53 =	vadd.f32 v15, v14  }
0x223: {  	s25 =	sshra.s32 s19, $0x1;
	s19 =	smul.f32 $5.000000000e-01, s19;
	v62 =	vadd.f32 v37, v61  }
0x224: {  	s23 =	ssub.s32 $0x5F3759DF, s25;
	v12 =	vmul.f32 s4, v12;
	v55 =	vmul.f32 v8, v55;
	v8 =	vld [tilespmem:$0x1FF90];
	[tilespmem:s29+$0xFFFFFF80] =	vst v53  }
0x225: {  	s26 =	smul.f32 s23, s19;
	[tilespmem:s29+$0xFFFFFF90] =	vst v62  }
0x226: {  	v56 =	vmul.f32 v12, v56;
	v12 =	vld [tilespmem:$0x1FF80]  }
0x227: {  	s26 =	smul.f32 s23, s26;
	_ =	sdelay $0x1  }
0x228: {  	s25 =	spop (v2sf);
	s18 =	ssub.f32 $1.500000000e+00, s26;
	v3 =	vadd.f32 v13, v8  }
0x229: {  	s8 =	smul.f32 $7.812500000e-03, s25  }
0x22a: {  	s25 =	spop (v2sf);
	s16 =	smul.f32 s23, s18;
	[tilespmem:s29+$0xFFFFFFA0] =	vst v3;
	v13 =	vadd.f32 v60, v12  }
0x22b: {  	s17 =	smul.f32 $7.812500000e-03, s25;
	v3 =	vld [tilespmem:$0x1FF70]  }
0x22c: {  	(xrf2) =	vadd.scan.msk.f32 $0xffff, v9;
	s23 =	smul.f32 s16, s19;
	v37 =	vld [tilespmem:$0x1FF10];
	[tilespmem:s29+$0xFFFFFFB0] =	vst v13  }
0x22d: {  	s26 =	smul.f32 s8, s8;
	v1 =	vadd.f32 v27, v26;
	v10 =	vadd.f32 v28, v29;
	v53 =	vld [tilespmem:$0x1FF20]  }
0x22e: {  	s25 =	smul.f32 s23, s16  }
0x22f: {  	s17 =	ssub.f32 s17, s26;
	v1 =	vadd.f32 v10, v1;
	v10 =	vadd.f32 v47, v46  }
0x230: {  	v57 =	vadd.f32 v44, v45;
	s23 =	ssub.f32 $1.500000000e+00, s25;
	v3 =	vadd.f32 v39, v3  }
0x231: {  	s17 =	sadd.f32 $9.999999960e-13, s17;
	v39 =	vadd.f32 v63, v37  }
0x232: {  	v9 =	vadd.f32 v57, v10;
	v10 =	vmul.f32 s4, v4;
	s23 =	smul.f32 s23, s16;
	[tilespmem:s29+$0xFFFFFFC0] =	vst v3;
	v4 =	vadd.f32 v59, v53  }
0x233: {  	s26 =	sshra.s32 s17, $0x1;
	s18 =	smul.f32 $5.000000000e-01, s17;
	[tilespmem:s29+$0xFFFFFFD0] =	vst v39  }
0x234: {  	v48 =	vmul.f32 v11, v48;
	s17 =	ssub.s32 $0x5F3759DF, s26;
	v11, _, _ =	vpop (xrf2);
	s19 =	smul.f32 s23, s19;
	[tilespmem:s29+$0xFFFFFFE0] =	vst v4  }
0x235: {  	s26 =	smul.f32 s17, s18;
	(v2sf) =	vpush v11, $0xF;
	v14 =	vmul.f32 s4, v24;
	v3 =	vld [tilespmem:$0x1FE40]  }
0x236: {  	v1 =	vadd.f32 v9, v1;
	v2 =	vadd.f32 v6, v2;
	v57 =	vmul.f32 v10, v54;
	v54, _, _ =	vpop (xrf2);
	s19 =	smul.f32 s19, s23;
	v63 =	vld [tilespmem:$0x1FE50]  }
0x237: {  	s16 =	smul.f32 s17, s26;
	(v2sf) =	vpush v54, $0xF;
	v58 =	vmul.f32 v14, v43;
	v60 =	vmov s8  }
0x238: {  	s26 =	ssub.f32 $1.500000000e+00, s19;
	v61 =	vmul.f32 s4, v20;
	v62 =	vadd.f32 v2, v0;
	v43 =	vsub.f32 v52, v60  }
0x239: {  	s25 =	ssub.f32 $1.500000000e+00, s16;
	v37 =	vsub.f32 v40, v60;
	v41 =	vsub.f32 v41, v60;
	v59 =	vmul.f32 s4, v18  }
0x23a: {  	v49 =	vmul.f32 v7, v49;
	s16 =	simm.s32 $0x4;
	s19 =	smul.f32 s26, s23;
	v40 =	vsub.f32 v51, v60;
	v39 =	vsub.f32 v38, v60  }
0x23b: {  	(xrf2) =	vadd.scan.msk.f32 $0xffff, v1;
	s26 =	simm.s32 $0x14680;
	s8 =	smul.f32 s17, s25;
	s17 =	simm.s32 $0xA980;
	v38 =	vsub.f32 v16, v60;
	v59 =	vmul.f32 v59, v3;
	v54 =	vmul.f32 v61, v63  }
.LBB2_5:
0x23c: {  	v61 =	vld [tilespmem:s17+$0xFFFFFF80]  }
0x23d: {  	v53 =	vsub.f32 v50, v60;
	v1 =	vsub.f32 v25, v60;
	v60 =	vld [tilespmem:$0x1FF40]  }
0x23e: {  	v5 =	vld [tilespmem:s17+$0xFFFFFFA0]  }
0x23f: {  	v63 =	vld [tilespmem:$0x1FF50]  }
0x240: {  	v12 =	vld [tilespmem:$0x1FF00]  }
0x241: {  	v9 =	vld [tilespmem:s17+$0xFFFFFFB0]  }
0x242: {  	v18 =	vld [tilespmem:$0x1FFE0]  }
0x243: {  	v16 =	vld [tilespmem:$0x1FFC0]  }
0x244: {  	v25 =	vmov v44;
	v44 =	vld [tilespmem:s17+$0xFFFFFFD0]  }
0x245: {  	v14 =	vld [tilespmem:$0x1FFA0]  }
0x246: {  	v13 =	vld [tilespmem:$0x1FE10]  }
0x247: {  	v51 =	vmov v46;
	v46 =	vld [tilespmem:s17+$0xFFFFFFE0]  }
0x248: {  	v52 =	vmov v47;
	v47 =	vld [tilespmem:$0x1FE20]  }
0x249: {  	v0 =	vmov s31;
	v15 =	vmov v33;
	(xrf2) =	vadd.scan.msk.f32 $0xffff, v62;
	v62 =	vld [tilespmem:$0x1FF30]  }
0x24a: {  	v8 =	vsub.f32 v19, v0;
	v19 =	vld [tilespmem:$0x1FFF0]  }
0x24b: {  	v24 =	vmov v42;
	v42 =	vsub.f32 v17, v0;
	[tilespmem:$0x1FE10] =	vst v15;
	v17 =	vld [tilespmem:$0x1FFD0]  }
0x24c: {  	[tilespmem:$0x1FE00] =	vst v1;
	v1 =	vld [tilespmem:s17+$0xFFFFFF90];
	v15 =	vmov v32  }
0x24d: {  	v4 =	vsub.f32 v23, v0;
	v11 =	vsub.f32 v21, v0;
	v32 =	vld [tilespmem:$0x1FE30];
	v2 =	vmul.f32 s19, v60  }
0x24e: {  	v50 =	vmovc v45;
	v23 =	vmovc v36;
	v33 =	vsub.f32 v22, v0;
	v6 =	vmul.f32 s19, v63;
	v45 =	vsub.f32 v13, v0;
	v13 =	vld [tilespmem:$0x1FF60]  }
0x24f: {  	[tilespmem:$0x1FE20] =	vst v15;
	v36 =	vmul.f32 s19, v16;
	v15 =	vmovc v31;
	v2 =	vmul.f32 v2, v8;
	v8 =	vsub.f32 v47, v0;
	v47 =	vld [tilespmem:s17+$0xFFFFFFF0]  }
0x250: {  	s4 =	rddreg [dreg:$0xa];
	v7 =	vmul.f32 s19, v12;
	v3 =	vmul.f32 s19, v62;
	[tilespmem:$0x1FE30] =	vst v15;
	v15 =	vld [tilespmem:$0x1FFB0]  }
0x251: {  	s25 =	rddreg [dreg:$0xb];
	s23 =	smul.f32 s8, s18;
	v6 =	vmul.f32 v6, v11;
	v11 =	vmul.f32 v36, v33;
	v36 =	vld [tilespmem:$0x1FF80]  }
0x252: {  	s24 =	sadd.s32 $0x100, s24;
	s29 =	sadd.s32 $0x100, s29;
	s4 =	sadd.s32 s16, s4;
	v10 =	vmul.f32 s19, v19;
	v33 =	vld [tilespmem:$0x1FF10];
	v3 =	vmul.f32 v3, v4  }
0x253: {  	v20 =	vmovc v35;
	v21 =	vmov v34;
	s31 =	sadd.s32 $0x52, s4;
	s4 =	sadd.s32 $0x53, s4;
	s23 =	smul.f32 s23, s8;
	v35 =	vmul.f32 s19, v18;
	v34 =	vmul.f32 s19, v14;
	v4 =	vld [tilespmem:s17+$0xFFFFFFC0]  }
0x254: {  	p3 =	sgt.u32 s31, $0xC7;
	p2 =	sgt.u32 s4, $0xC7;
	s19 =	simm.s32 $0xFFFF9B80;
	v0 =	vsub.f32 v32, v0;
	v10 =	vmul.f32 v10, v45;
	v45 =	vld [tilespmem:$0x1FF90];
	v3 =	vadd.f32 v3, v13  }
0x255: {  	s4 =	sadd.s32 s24, s25;
	s23 =	ssub.f32 $1.500000000e+00, s23;
	s19 =	simm.s32 @!p3 $0xFFFFFF80;
	v8 =	vmul.f32 v35, v8;
	v35 =	vld [tilespmem:$0x1FF70]  }
0x256: {  	s19 =	sadd.s32 s19, s4;
	v0 =	vmul.f32 v34, v0;
	v34 =	vld [tilespmem:$0x1FF20];
	[tilespmem:s29+$0xFFFFFFF0] =	vst v3  }
0x257: {  	v7 =	vmul.f32 v7, v42;
	s8 =	smul.f32 s23, s8;
	v42, _, _ =	vpop (xrf2);
	v2 =	vadd.f32 v2, v17;
	v3 =	vld [tilespmem:s19+$0x1900]  }
0x258: {  	(v2sf) =	vpush v42, $0xF;
	v32 =	vld [tilespmem:s19+$0x1910]  }
0x259: {  	v22 =	vmov v30;
	s23 =	smul.f32 s8, s18;
	v54 =	vadd.f32 v54, v13;
	v30 =	vld [tilespmem:s19+$0x1920];
	[tilespmem:s29+$0xFFFFFF80] =	vst v2;
	v2 =	vadd.f32 v6, v15  }
0x25a: {  	s25 =	sadd.s32 $0xFFFF9C00, s4;
	v31, _, _ =	vpop (xrf2);
	v10 =	vadd.f32 v10, v36;
	v6 =	vadd.f32 v7, v45;
	v7 =	vld [tilespmem:s19+$0x1930]  }
0x25b: {  	s4 =	smov.u32 @p2 s25;
	s18 =	smul.f32 s23, s8;
	s25 =	spop (v2sf);
	(v2sf) =	vpush v31, $0xF;
	v45 =	vadd.f32 v55, v45;
	v42 =	vld [tilespmem:s19+$0x1940];
	[tilespmem:s29+$0xFFFFFF90] =	vst v2  }
0x25c: {  	v8 =	vadd.f32 v8, v35;
	s31 =	smul.f32 $7.812500000e-03, s25;
	s25 =	spop (v2sf);
	v2 =	vadd.f32 v11, v33;
	v11 =	vld [tilespmem:s19+$0x1950];
	[tilespmem:s29+$0xFFFFFFA0] =	vst v6  }
0x25d: {  	s18 =	ssub.f32 $1.500000000e+00, s18;
	v0 =	vadd.f32 v0, v34;
	s23 =	smul.f32 $7.812500000e-03, s25;
	v6 =	vadd.f32 v48, v17;
	v31 =	vld [tilespmem:s19+$0x1960];
	[tilespmem:s29+$0xFFFFFFB0] =	vst v10  }
0x25e: {  	s25 =	smul.f32 s31, s31;
	v10 =	vadd.f32 v49, v15;
	v49 =	vadd.f32 v57, v35;
	v48 =	vld [tilespmem:s19+$0x1970];
	[tilespmem:s29+$0xFFFFFFC0] =	vst v8  }
0x25f: {  	v55 =	vld [tilespmem:s4+$0x1900];
	s18 =	smul.f32 s18, s8;
	v8 =	vadd.f32 v56, v36;
	[tilespmem:s29+$0xFFFFFFD0] =	vst v2;
	v2 =	vadd.f32 v58, v33  }
0x260: {  	v56 =	vadd.f32 v59, v34;
	v35 =	vadd.f32 v32, v1;
	v1 =	vld [tilespmem:s4+$0x1910];
	s23 =	ssub.f32 s23, s25;
	[tilespmem:s29+$0xFFFFFFE0] =	vst v0  }
0x261: {  	v36 =	vadd.f32 v3, v61;
	v34 =	vadd.f32 v30, v5;
	v0 =	vld [tilespmem:s4+$0x1920];
	v3 =	vmul.f32 s18, v60;
	[tilespmem:s26+$0x0] =	vst v6  }
0x262: {  	v5 =	vmul.f32 s18, v63;
	v33 =	vadd.f32 v7, v9;
	v32 =	vadd.f32 v42, v4;
	v4 =	vld [tilespmem:s4+$0x1930];
	[tilespmem:s26+$0x10] =	vst v10;
	s8 =	sadd.f32 $9.999999960e-13, s23  }
0x263: {  	v7 =	vmul.f32 s18, v12;
	v6 =	vld [tilespmem:s4+$0x1940];
	[tilespmem:s26+$0x20] =	vst v45;
	v9 =	vadd.f32 v35, v36;
	v45 =	vmul.f32 v35, v35  }
0x264: {  	v30 =	vadd.f32 v11, v44;
	v10 =	vadd.f32 v33, v34;
	v11 =	vmul.f32 v36, v36;
	v44 =	vld [tilespmem:s4+$0x1950];
	[tilespmem:s26+$0x30] =	vst v8;
	s25 =	sshra.s32 s8, $0x1;
	s8 =	smul.f32 $5.000000000e-01, s8  }
0x265: {  	v31 =	vadd.f32 v31, v46;
	v46 =	vmul.f32 v34, v34;
	v57 =	vld [tilespmem:s4+$0x1960];
	[tilespmem:s26+$0x40] =	vst v49;
	v42 =	vadd.f32 v48, v47;
	s19 =	ssub.s32 $0x5F3759DF, s25  }
0x266: {  	v49 =	vmul.f32 v32, v32;
	v8 =	vadd.f32 v30, v32;
	v48 =	vmul.f32 v33, v33;
	v58 =	vld [tilespmem:s4+$0x1970];
	[tilespmem:s26+$0x50] =	vst v2;
	s23 =	smul.f32 s19, s8  }
0x267: {  	v2 =	vmul.f32 v30, v30;
	v11 =	vadd.f32 v45, v11;
	v61 =	vld [tilespmem:s17+$0x0];
	[tilespmem:s26+$0x60] =	vst v56;
	v47 =	vadd.f32 v42, v31  }
0x268: {  	v12 =	vmul.f32 v31, v31;
	s25 =	spop (v2sf);
	v63 =	vmul.f32 v42, v42;
	v45 =	vadd.f32 v48, v46;
	v46 =	vld [tilespmem:s17+$0x20];
	s4 =	smul.f32 s19, s23  }
0x269: {  	v9 =	vadd.f32 v10, v9;
	v56 =	vmul.f32 s18, v19;
	s23 =	smul.f32 $7.812500000e-03, s25;
	v8 =	vadd.f32 v47, v8;
	v47 =	vld [tilespmem:s17+$0x10];
	[tilespmem:s26+$0x70] =	vst v54  }
0x26a: {  	v59 =	vmul.f32 s18, v16;
	v2 =	vadd.f32 v2, v49;
	v10 =	vadd.f32 v63, v12;
	v12 =	vld [tilespmem:s17+$0x30];
	s4 =	ssub.f32 $1.500000000e+00, s4;
	s25 =	spop (v2sf)  }
0x26b: {  	v48 =	vmul.f32 v3, v43;
	v56 =	vmul.f32 v56, v38;
	v11 =	vadd.f32 v45, v11;
	v13 =	vld [tilespmem:s17+$0x40];
	s25 =	smul.f32 $7.812500000e-03, s25  }
0x26c: {  	v60 =	vmov s23;
	v45 =	vld [tilespmem:s17+$0x60];
	v8 =	vadd.f32 v8, v9;
	v2 =	vadd.f32 v10, v2;
	s4 =	smul.f32 s19, s4  }
0x26d: {  	v54 =	vmul.f32 s18, v18;
	v55 =	vadd.f32 v55, v61;
	v43 =	vsub.f32 v26, v60;
	s19 =	smul.f32 s23, s23  }
0x26e: {  	v63 =	vmul.f32 s18, v14;
	v10 =	vld [tilespmem:s17+$0x50];
	v38 =	vsub.f32 v28, v60;
	v0 =	vadd.f32 v0, v46;
	s23 =	smul.f32 s4, s8  }
0x26f: {  	(xrf2) =	vadd.scan.msk.f32 $0xffff, v8;
	v8 =	vmul.f32 s18, v62;
	v2 =	vadd.f32 v2, v11;
	v1 =	vadd.f32 v1, v47;
	s19 =	ssub.f32 s25, s19  }
0x270: {  	v11 =	vld [tilespmem:s17+$0x70];
	v62 =	vmul.f32 v55, v55;
	v3 =	vadd.f32 v4, v12;
	v46 =	vadd.f32 v6, v13;
	s18 =	smul.f32 s23, s4  }
0x271: {  	v13 =	vmul.f32 v0, v0;
	v45 =	vadd.f32 v57, v45;
	v57 =	vmul.f32 v54, v41;
	s19 =	sadd.f32 $9.999999960e-13, s19  }
0x272: {  	(xrf2) =	vadd.scan.msk.f32 $0xffff, v2;
	v41 =	vsub.f32 v51, v60;
	v4 =	vadd.f32 v1, v55;
	v12 =	vmul.f32 v1, v1;
	s23 =	ssub.f32 $1.500000000e+00, s18  }
0x273: {  	v26 =	vmovc v55;
	v47 =	vadd.f32 v44, v10;
	v55 =	vmul.f32 v7, v37;
	v37 =	vsub.f32 v29, v60;
	s25 =	sshra.s32 s19, $0x1;
	s18 =	smul.f32 $5.000000000e-01, s19  }
0x274: {  	v14 =	vadd.f32 v3, v0;
	v61 =	vmul.f32 v3, v3;
	v6 =	vadd.f32 v12, v62;
	s19 =	ssub.s32 $0x5F3759DF, s25;
	s4 =	smul.f32 s23, s4  }
0x275: {  	v49 =	vmul.f32 v46, v46;
	v44 =	vadd.f32 v58, v11;
	v11 =	vadd.f32 v47, v46;
	s25 =	smul.f32 s19, s18  }
0x276: {  	v62 =	vmul.f32 v47, v47;
	v2 =	vadd.f32 v14, v4;
	v4 =	vmul.f32 v45, v45;
	s8 =	smul.f32 s4, s8  }
0x277: {  	s16 =	sadd.s32 $0x2, s16;
	v12 =	vadd.f32 v61, v13;
	v14 =	vadd.f32 v44, v45;
	v61 =	vmul.f32 v44, v44;
	s23 =	smul.f32 s19, s25  }
0x278: {  	p2 =	slt.u32 s16, $0x4E;
	v58 =	vmul.f32 v59, v40;
	v59 =	vmul.f32 v63, v53;
	v63 =	vld [tilespmem:$0x1FE00];
	v62 =	vadd.f32 v62, v49;
	s8 =	smul.f32 s8, s4  }
.Ltmp3:
0x279: {  	v17 =	vmovc v21;
	v21 =	vmov v20;
	v13 =	vadd.f32 v14, v11;
	v4 =	vadd.f32 v61, v4;
	(pc) =	sbr.rel @p2 .LBB2_5-.Ltmp3, $4  }
0x27a: {  	v19 =	vmovc v23;
	v23 =	vmovc v24;
	v29 =	vmov v0;
	v40 =	vsub.f32 v52, v60;
	v6 =	vadd.f32 v12, v6;
	s23 =	ssub.f32 $1.500000000e+00, s23  }
0x27b: {  	v28 =	vmov v3;
	v14, _, _ =	vpop (xrf2);
	v2 =	vadd.f32 v13, v2;
	v4 =	vadd.f32 v4, v62;
	s25 =	ssub.f32 $1.500000000e+00, s8  }
0x27c: {  	v49 =	vmul.f32 v5, v39;
	v39 =	vsub.f32 v27, v60;
	(v2sf) =	vpush v14, $0xF;
	v54, _, _ =	vpop (xrf2);
	s8 =	smul.f32 s19, s23  }
0x27d: {  	s26 =	smov.u32 s29;
	s17 =	sadd.s32 $0x100, s17;
	v27 =	vmovc v1;
	v62 =	vadd.f32 v4, v6;
	(v2sf) =	vpush v54, $0xF;
	(xrf2) =	vadd.scan.msk.f32 $0xffff, v2;
	v54 =	vmul.f32 v8, v63;
	s19 =	smul.f32 s25, s4  }
0x27e: {  	_ =	sdelay $0x3  }
0x27f: {  	(xrf2) =	vadd.scan.msk.f32 $0xffff, v62;
	_ =	sdelay $0x7  }
0x280: {  	v0, _, _ =	vpop (xrf2)  }
0x281: {  	(v2sf) =	vpush v0, $0xF;
	s4 =	spop (v2sf)  }
0x282: {  	v53, _, _ =	vpop (xrf2);
	s4 =	smul.f32 $7.812500000e-03, s4;
	s16 =	spop (v2sf)  }
0x283: {  	(v2sf) =	vpush v53, $0xF;
	s16 =	smul.f32 $7.812500000e-03, s16  }
0x284: {  	s17 =	smul.f32 s4, s4  }
0x285: {  	s23 =	smul.f32 s8, s18  }
0x286: {  	s16 =	ssub.f32 s16, s17  }
0x287: {  	s24 =	smul.f32 s23, s8  }
0x288: {  	v18 =	vld [tilespmem:$0x1FF30];
	s16 =	sadd.f32 $9.999999960e-13, s16  }
0x289: {  	v24 =	vsub.f32 v50, v60;
	v50 =	vsub.f32 v25, v60;
	v25 =	vld [tilespmem:$0x1FF00];
	s17 =	ssub.f32 $1.500000000e+00, s24  }
0x28a: {  	v12 =	vld [tilespmem:$0x1FE10];
	s25 =	sshra.s32 s16, $0x1;
	s24 =	smul.f32 $5.000000000e-01, s16  }
0x28b: {  	v20 =	vld [tilespmem:$0x1FFC0];
	s16 =	smul.f32 s17, s8;
	s17 =	ssub.s32 $0x5F3759DF, s25  }
0x28c: {  	v63 =	vld [tilespmem:$0x1FE20];
	s25 =	smul.f32 s17, s24  }
0x28d: {  	v53 =	vld [tilespmem:$0x1FF40];
	s23 =	smul.f32 s16, s18  }
0x28e: {  	v14 =	vld [tilespmem:$0x1FE30];
	v0 =	vmov s31;
	s8 =	smul.f32 s17, s25  }
0x28f: {  	v11 =	vsub.f32 v17, v0;
	v17 =	vsub.f32 v12, v0;
	v12 =	vld [tilespmem:$0x1FF60];
	s18 =	smul.f32 s23, s16  }
0x290: {  	v62 =	vld [tilespmem:$0x1FF50];
	v2 =	vmul.f32 s19, v18;
	v3 =	vsub.f32 v23, v0;
	s23 =	spop (v2sf);
	s25 =	ssub.f32 $1.500000000e+00, s8  }
0x291: {  	v13 =	vld [tilespmem:$0x1FFD0];
	s8 =	smul.f32 $7.812500000e-03, s23;
	s18 =	ssub.f32 $1.500000000e+00, s18  }
0x292: {  	v6 =	vsub.f32 v19, v0;
	v23 =	vld [tilespmem:$0x1FFF0];
	v2 =	vmul.f32 v2, v3;
	v1 =	vmul.f32 s19, v53;
	s23 =	spop (v2sf);
	s17 =	smul.f32 s17, s25  }
0x293: {  	v61 =	vsub.f32 v21, v0;
	v21 =	vld [tilespmem:$0x1FFE0];
	s23 =	smul.f32 $7.812500000e-03, s23  }
0x294: {  	v19 =	vld [tilespmem:$0x1FFA0];
	v2 =	vadd.f32 v2, v12;
	v1 =	vmul.f32 v1, v6;
	s18 =	smul.f32 s18, s16  }
0x295: {  	v4 =	vmul.f32 s19, v62;
	v16 =	vsub.f32 v22, v0;
	v6 =	vsub.f32 v63, v0;
	s16 =	sadd.s32 $0x100, s29;
	s25 =	smul.f32 s17, s24  }
0x296: {  	v9 =	vmul.f32 s19, v20;
	v0 =	vsub.f32 v14, v0;
	v14 =	vld [tilespmem:$0x1FFB0];
	v1 =	vadd.f32 v1, v13;
	s31 =	smul.f32 s8, s8;
	[tilespmem:s16+$0xFFFFFFF0] =	vst v2  }
0x297: {  	v5 =	vmul.f32 s19, v25;
	v3 =	vmul.f32 v4, v61;
	v15 =	vld [tilespmem:$0x1FF90];
	s25 =	smul.f32 s25, s17  }
0x298: {  	v52 =	vmul.f32 v9, v16;
	v7 =	vmul.f32 s19, v23;
	s23 =	ssub.f32 s23, s31;
	v60 =	vld [tilespmem:$0x1FF80];
	[tilespmem:s16+$0xFFFFFF80] =	vst v1  }
0x299: {  	v8 =	vmul.f32 s19, v21;
	v10 =	vmul.f32 s19, v19;
	v9 =	vld [tilespmem:$0x1FF10];
	s19 =	ssub.f32 $1.500000000e+00, s25  }
0x29a: {  	s23 =	sadd.f32 $9.999999960e-13, s23  }
0x29b: {  	v6 =	vmul.f32 v8, v6;
	v3 =	vadd.f32 v3, v14;
	v8 =	vld [tilespmem:$0x1FF70];
	s19 =	smul.f32 s19, s17  }
0x29c: {  	v11 =	vmul.f32 v5, v11;
	s25 =	sshra.s32 s23, $0x1;
	s17 =	smul.f32 $5.000000000e-01, s23  }
0x29d: {  	v51 =	vmul.f32 v7, v17;
	v0 =	vmul.f32 v10, v0;
	[tilespmem:s16+$0xFFFFFF90] =	vst v3;
	v3 =	vadd.f32 v48, v13;
	s23 =	ssub.s32 $0x5F3759DF, s25;
	s24 =	smul.f32 s19, s24  }
0x29e: {  	v61 =	vadd.f32 v49, v14;
	v10 =	vmul.f32 s18, v25;
	v5 =	vadd.f32 v52, v9;
	v52 =	vld [tilespmem:$0x1FF20];
	s25 =	smul.f32 s23, s17  }
0x29f: {  	v49 =	vmovc v21;
	v16 =	vmul.f32 s18, v21;
	v17 =	vmul.f32 s18, v20;
	v2 =	vadd.f32 v11, v15;
	[tilespmem:s26+$0x0] =	vst v3;
	s24 =	smul.f32 s24, s19  }
0x2a0: {  	v21 =	vmovc v18;
	v18 =	vmul.f32 s18, v18;
	v63 =	vadd.f32 v51, v60;
	v1 =	vadd.f32 v6, v8;
	[tilespmem:s26+$0x10] =	vst v61;
	s25 =	smul.f32 s23, s25  }
0x2a1: {  	v11 =	vmul.f32 s18, v23;
	v6 =	vadd.f32 v55, v15;
	v7 =	vadd.f32 v57, v8;
	[tilespmem:s16+$0xFFFFFFA0] =	vst v2;
	s24 =	ssub.f32 $1.500000000e+00, s24  }
0x2a2: {  	v55 =	vmovc v8;
	v8 =	vmul.f32 s18, v53;
	v3 =	vmul.f32 s18, v19;
	[tilespmem:s16+$0xFFFFFFB0] =	vst v63;
	v63 =	vadd.f32 v56, v60;
	s25 =	ssub.f32 $1.500000000e+00, s25  }
0x2a3: {  	v51 =	vmovc v23;
	v23 =	vmovc v19;
	v19 =	vmov s4;
	[tilespmem:s16+$0xFFFFFFC0] =	vst v1;
	v1 =	vadd.f32 v58, v9;
	v0 =	vadd.f32 v0, v52;
	s19 =	smul.f32 s24, s19  }
0x2a4: {  	v57 =	vmovc v9;
	v9 =	vmul.f32 s18, v62;
	[tilespmem:s26+$0x20] =	vst v6;
	v6 =	vmov s8;
	v58 =	vsub.f32 v35, v19;
	s23 =	smul.f32 s23, s25  }
0x2a5: {  	v3 =	vmul.f32 v3, v24;
	[tilespmem:s16+$0xFFFFFFE0] =	vst v0;
	v0 =	vadd.f32 v54, v12;
	v61 =	vmul.f32 s19, v53  }
0x2a6: {  	v48 =	vmovc v20;
	[tilespmem:s16+$0xFFFFFFD0] =	vst v5;
	v54 =	vmovc v21;
	v20 =	vmul.f32 s19, v21;
	v21 =	vsub.f32 v42, v19;
	s24 =	smul.f32 s23, s17;
	v22 =	vmul.f32 s19, v62  }
0x2a7: {  	v56 =	vmovc v25;
	[tilespmem:s26+$0x30] =	vst v63;
	v63 =	vsub.f32 v36, v19;
	v25 =	vmul.f32 s19, v25;
	v42 =	vmul.f32 s19, v51  }
0x2a8: {  	[tilespmem:s26+$0x40] =	vst v7;
	v5 =	vadd.f32 v59, v52;
	v35 =	vmul.f32 s19, v48;
	v20 =	vmul.f32 v20, v21;
	s4 =	smul.f32 s24, s23  }
0x2a9: {  	[tilespmem:s26+$0x50] =	vst v1;
	v59 =	vsub.f32 v34, v19;
	v21 =	vmul.f32 s19, v49;
	v2 =	vmul.f32 v61, v63  }
0x2aa: {  	[tilespmem:s26+$0x60] =	vst v5;
	v61 =	vsub.f32 v33, v19;
	v7 =	vmul.f32 v22, v58;
	s25 =	ssub.f32 $1.500000000e+00, s4;
	v63 =	vadd.f32 v20, v12  }
0x2ab: {  	[tilespmem:s26+$0x70] =	vst v0;
	s26 =	sadd.s32 $0x100, s16;
	v33 =	vsub.f32 v32, v19;
	v1 =	vmul.f32 v25, v59;
	v2 =	vadd.f32 v2, v13  }
0x2ac: {  	v32 =	vmul.f32 v10, v37;
	v4 =	vmul.f32 v42, v61;
	v36 =	vadd.f32 v7, v14;
	[tilespmem:s26+$0xFFFFFFF0] =	vst v63;
	s8 =	smul.f32 s25, s23  }
0x2ad: {  	v37 =	vsub.f32 v46, v6;
	v0 =	vmul.f32 v21, v33;
	v1 =	vadd.f32 v1, v15;
	[tilespmem:s26+$0xFFFFFF80] =	vst v2  }
0x2ae: {  	v58 =	vmul.f32 v8, v43;
	v20 =	vsub.f32 v30, v19;
	v4 =	vadd.f32 v4, v60;
	[tilespmem:s26+$0xFFFFFF90] =	vst v36;
	s17 =	smul.f32 s8, s17  }
0x2af: {  	v34 =	vmul.f32 s19, v23;
	v42 =	vsub.f32 v31, v19;
	v0 =	vadd.f32 v0, v55;
	[tilespmem:s26+$0xFFFFFFA0] =	vst v1  }
0x2b0: {  	v61 =	vsub.f32 v26, v6;
	v59 =	vmul.f32 v35, v20;
	v2 =	vadd.f32 v58, v13;
	[tilespmem:s26+$0xFFFFFFB0] =	vst v4;
	s17 =	smul.f32 s17, s8  }
0x2b1: {  	v33 =	vsub.f32 v29, v6;
	v7 =	vmul.f32 v34, v42;
	v42 =	vadd.f32 v3, v52;
	[tilespmem:s26+$0xFFFFFFC0] =	vst v0  }
0x2b2: {  	v63 =	vmul.f32 v9, v39;
	v9 =	vsub.f32 v27, v6;
	v8 =	vadd.f32 v59, v57;
	[tilespmem:s16+$0x0] =	vst v2;
	s17 =	ssub.f32 $1.500000000e+00, s17  }
0x2b3: {  	v34 =	vmul.f32 v11, v38;
	v35 =	vmul.f32 v16, v41;
	v7 =	vadd.f32 v7, v52;
	[tilespmem:s16+$0x60] =	vst v42  }
0x2b4: {  	v36 =	vsub.f32 v28, v6;
	v16 =	vmul.f32 v17, v40;
	v1 =	vadd.f32 v63, v14;
	[tilespmem:s26+$0xFFFFFFD0] =	vst v8;
	s8 =	smul.f32 s17, s8  }
0x2b5: {  	v38 =	vsub.f32 v47, v6;
	v17 =	vmul.f32 v18, v50;
	v4 =	vadd.f32 v32, v15;
	[tilespmem:s26+$0xFFFFFFE0] =	vst v7  }
0x2b6: {  	v39 =	vsub.f32 v45, v6;
	v0 =	vadd.f32 v34, v60;
	[tilespmem:s16+$0x10] =	vst v1;
	v18 =	vmul.f32 s8, v53  }
0x2b7: {  	v11 =	vadd.f32 v35, v55;
	v41 =	vadd.f32 v16, v57;
	[tilespmem:s16+$0x20] =	vst v4;
	v16 =	vmul.f32 s8, v62  }
0x2b8: {  	v40 =	vsub.f32 v44, v6;
	[tilespmem:s16+$0x30] =	vst v0;
	v43 =	vmul.f32 s8, v56;
	v5 =	vmul.f32 v18, v61  }
0x2b9: {  	v44 =	vadd.f32 v17, v12;
	[tilespmem:s16+$0x40] =	vst v11;
	v45 =	vmul.f32 s8, v51;
	v9 =	vmul.f32 v16, v9  }
0x2ba: {  	[tilespmem:s16+$0x50] =	vst v41;
	v46 =	vmul.f32 s8, v49;
	v3 =	vmul.f32 v43, v33;
	v5 =	vadd.f32 v5, v13  }
0x2bb: {  	[tilespmem:s16+$0x70] =	vst v44;
	v47 =	vmul.f32 s8, v48;
	v8 =	vmul.f32 v45, v36;
	v9 =	vadd.f32 v9, v14  }
0x2bc: {  	v48 =	vmul.f32 s8, v23;
	v0 =	vmul.f32 v46, v37;
	v3 =	vadd.f32 v3, v15;
	[tilespmem:s26+$0x0] =	vst v5  }
0x2bd: {  	v49 =	vmul.f32 s8, v54;
	v2 =	vmul.f32 v47, v38;
	v50 =	vadd.f32 v8, v60;
	[tilespmem:s26+$0x10] =	vst v9  }
0x2be: {  	v1 =	vmul.f32 v48, v39;
	v0 =	vadd.f32 v0, v55;
	[tilespmem:s26+$0x20] =	vst v3  }
0x2bf: {  	v61 =	vmov v51;
	v51 =	vmul.f32 v49, v40;
	v2 =	vadd.f32 v2, v57;
	[tilespmem:s26+$0x30] =	vst v50  }
0x2c0: {  	v1 =	vadd.f32 v1, v52;
	[tilespmem:s26+$0x40] =	vst v0  }
0x2c1: {  	v58 =	vmov v54;
	v54 =	vadd.f32 v51, v12;
	[tilespmem:s26+$0x50] =	vst v2  }
0x2c2: {  	[tilespmem:s26+$0x60] =	vst v1  }
0x2c3: {  	s4 =	simm.s32 @!p1 $0x6;
	s16 =	sadd.s32 s6, s12;
	s17 =	simm.s32 $0x14600;
	[tilespmem:s26+$0x70] =	vst v54  }
0x2c4: {  	[hbm4b:s16+s9] =	stream.linear.scatter [tilespmem:s17], [sflag:$0xA], $0x2800, $0x38;
	[tilespmem:$0x1BE00] =	vst v63  }
0x2c5: {  	_ =	swait.ge @!p1 [sflag:s4], $0x2800  }
0x2c6: {  	s12 =	simm.s32 @!p1 $0xA600;
	[sflag:s4] =	ssyncset.done @!p1 $0x0  }
0x2c7: {  	s8 =	simm.s32 @!p1 $0x50;
	[sflag:s4] =	ssyncadd.s32 @!p1 $0xFFFFD800;
	s4 =	sadd.s32 @!p1 $0x190, s22  }
0x2c8: {  	[tilespmem:s12], [sflag:$0x2] =	stream.indirect.gather @!p1 [hbm4b:s1+s8], $0x80, s4, s8, $0xb8;
	[tilespmem:$0x1BE00] =	vst v63  }
0x2c9: {  	_ =	swait.ge [sflag:s28], $0x2800  }
0x2ca: {  	s19 =	simm.s32 $0xCE00;
	s12 =	sadd.s32 $0xA00, s21;
	[sflag:s28] =	ssyncset.done $0x0  }
0x2cb: {  	s4 =	simm.s32 @!p0 $0xB;
	s18 =	sadd.s32 s7, s12;
	[sflag:s28] =	ssyncadd.s32 $0xFFFFD800  }
0x2cc: {  	[hbm4b:s18+s9] =	stream.linear.scatter [tilespmem:s19], [sflag:$0x7], $0x2800, $0x38;
	[tilespmem:$0x1BE00] =	vst v63  }
0x2cd: {  	_ =	swait.ge @!p0 [sflag:s4], $0x2800  }
0x2ce: {  	[sflag:s4] =	ssyncset.done @!p0 $0x0  }
0x2cf: {  	s23 =	simm.s32 $0xCE80;
	[sflag:s4] =	ssyncadd.s32 @!p0 $0xFFFFD800  }
0x2d0: {  	v55 =	vld [tilespmem:s23+$0xFFFFFF80]  }
0x2d1: {  	v59 =	vmov v56;
	v56 =	vld [tilespmem:s23+$0xFFFFFF90]  }
0x2d2: {  	v57 =	vld [tilespmem:s23+$0xFFFFFFA0]  }
0x2d3: {  	v60 =	vld [tilespmem:s23+$0xFFFFFFB0]  }
0x2d4: {  	v63 =	vld [tilespmem:s23+$0xFFFFFFC0]  }
0x2d5: {  	s24 =	rddreg [dreg:$0xc];
	v12 =	vld [tilespmem:s23+$0xFFFFFFD0]  }
0x2d6: {  	s8 =	sadd.s32 $0xFFFFFFFE, s24;
	v13 =	vld [tilespmem:s23+$0xFFFFFFE0]  }
0x2d7: {  	s26 =	sadd.s32 $0xA2, s8;
	v14 =	vld [tilespmem:s23+$0xFFFFFFF0]  }
0x2d8: {  	s17 =	simm.s32 $0xFFFF9B80;
	s25 =	rddreg [dreg:$0xd];
	v25 =	vld [tilespmem:s23+$0x10];
	p2 =	sgt.u32 s26, $0xC7  }
0x2d9: {  	s16 =	sadd.s32 s11, s25;
	v41 =	vld [tilespmem:s23+$0x20];
	s17 =	simm.s32 @!p2 $0xFFFFFF80  }
0x2da: {  	v51 =	vld [tilespmem:s23+$0x50];
	s17 =	sadd.s32 s17, s16  }
0x2db: {  	v35 =	vld [tilespmem:s17+$0x1900]  }
0x2dc: {  	v36 =	vld [tilespmem:s17+$0x1910]  }
0x2dd: {  	v37 =	vld [tilespmem:s17+$0x1920]  }
0x2de: {  	v38 =	vld [tilespmem:s17+$0x1930]  }
0x2df: {  	v16 =	vld [tilespmem:s17+$0x1940]  }
0x2e0: {  	v17 =	vld [tilespmem:s17+$0x1950]  }
0x2e1: {  	v18 =	vld [tilespmem:s17+$0x1960]  }
0x2e2: {  	s8 =	sadd.s32 $0xA3, s8;
	v19 =	vld [tilespmem:s17+$0x1970]  }
0x2e3: {  	v52 =	vld [tilespmem:s23+$0x60];
	p2 =	sgt.u32 s8, $0xC7;
	s8 =	sadd.s32 $0xFFFF9C00, s16;
	v31 =	vadd.f32 v35, v55  }
0x2e4: {  	v54 =	vld [tilespmem:s23+$0x70];
	s16 =	smov.u32 @p2 s8;
	v32 =	vadd.f32 v36, v56;
	v30 =	vadd.f32 v37, v57  }
0x2e5: {  	v20 =	vld [tilespmem:s16+$0x1900];
	v29 =	vadd.f32 v38, v60;
	v28 =	vadd.f32 v16, v63  }
0x2e6: {  	v21 =	vld [tilespmem:s16+$0x1910];
	v27 =	vadd.f32 v17, v12;
	v26 =	vadd.f32 v18, v13  }
0x2e7: {  	v39 =	vld [tilespmem:s16+$0x1920];
	v33 =	vadd.f32 v19, v14;
	v56 =	vadd.f32 v32, v31;
	v57 =	vmul.f32 v31, v31  }
0x2e8: {  	v2 =	vld [tilespmem:s16+$0x1940];
	v60 =	vmul.f32 v32, v32;
	v63 =	vadd.f32 v29, v30;
	v12 =	vmul.f32 v30, v30  }
0x2e9: {  	v3 =	vld [tilespmem:s16+$0x1950];
	v13 =	vmul.f32 v29, v29;
	v16 =	vadd.f32 v27, v28;
	v17 =	vmul.f32 v28, v28  }
0x2ea: {  	v7 =	vld [tilespmem:s16+$0x1960];
	v18 =	vmul.f32 v27, v27;
	v22 =	vadd.f32 v33, v26;
	v23 =	vmul.f32 v26, v26  }
0x2eb: {  	v55 =	vld [tilespmem:s16+$0x1930];
	v24 =	vmul.f32 v33, v33;
	v5 =	vadd.f32 v60, v57;
	v40 =	vadd.f32 v13, v12  }
0x2ec: {  	v14 =	vld [tilespmem:s16+$0x1970];
	v4 =	vadd.f32 v63, v56;
	v49 =	vadd.f32 v22, v16  }
0x2ed: {  	v19 =	vld [tilespmem:s23+$0x0];
	v48 =	vadd.f32 v18, v17;
	v17 =	vadd.f32 v24, v23  }
0x2ee: {  	v34 =	vadd.f32 v21, v25;
	v18 =	vld [tilespmem:s23+$0x30];
	v4 =	vadd.f32 v49, v4  }
0x2ef: {  	v16 =	vld [tilespmem:s23+$0x40];
	v5 =	vadd.f32 v40, v5;
	v50 =	vadd.f32 v17, v48  }
0x2f0: {  	v43 =	vadd.f32 v3, v51;
	v45 =	vadd.f32 v7, v52;
	(xrf2) =	vadd.scan.msk.f32 $0xffff, v4  }
0x2f1: {  	v36 =	vadd.f32 v39, v41;
	v5 =	vadd.f32 v50, v5  }
0x2f2: {  	v37 =	vmul.f32 v43, v43;
	v38 =	vmul.f32 v45, v45;
	v39 =	vadd.f32 v14, v54  }
0x2f3: {  	s4 =	simm.s32 $0xCF80;
	v57 =	vmul.f32 v34, v34;
	v44 =	vadd.f32 v20, v19;
	v35 =	vadd.f32 v55, v18;
	(xrf2) =	vadd.scan.msk.f32 $0xffff, v5  }
0x2f4: {  	s18 =	rddreg [dreg:$0xc];
	v46 =	vld [tilespmem:s4+$0xFFFFFF80];
	v63 =	vmul.f32 v36, v36;
	v8 =	vadd.f32 v39, v45;
	v42 =	vadd.f32 v2, v16  }
0x2f5: {  	s8 =	sadd.s32 $0x0, s18;
	v51 =	vld [tilespmem:s4+$0xFFFFFFB0];
	v56 =	vmul.f32 v44, v44;
	v55 =	vadd.f32 v34, v44;
	v60 =	vadd.f32 v35, v36  }
0x2f6: {  	s19 =	rddreg [dreg:$0xd];
	v52 =	vld [tilespmem:s4+$0xFFFFFFC0];
	s23 =	sadd.s32 $0xA2, s8;
	v40 =	vmul.f32 v39, v39;
	v12 =	vmul.f32 v35, v35;
	v14 =	vadd.f32 v43, v42  }
0x2f7: {  	s18 =	simm.s32 $0xFFFF9B80;
	s17 =	sadd.s32 $0x100, s11;
	p2 =	sgt.u32 s23, $0xC7;
	v54 =	vld [tilespmem:s4+$0xFFFFFFD0];
	v1 =	vadd.f32 v57, v56;
	v13 =	vmul.f32 v42, v42;
	v0 =	vadd.f32 v60, v55  }
0x2f8: {  	s16 =	sadd.s32 s17, s19;
	v48 =	vld [tilespmem:s4+$0xFFFFFF90];
	s18 =	simm.s32 @!p2 $0xFFFFFF80;
	v4 =	vadd.f32 v12, v63;
	v2 =	vadd.f32 v8, v14  }
0x2f9: {  	s18 =	sadd.s32 s18, s16;
	v50 =	vld [tilespmem:s4+$0xFFFFFFA0];
	v3 =	vadd.f32 v40, v38;
	v41 =	vadd.f32 v37, v13  }
0x2fa: {  	s8 =	sadd.s32 $0xA3, s8;
	v21 =	vld [tilespmem:s18+$0x1950];
	v1 =	vadd.f32 v4, v1;
	v0 =	vadd.f32 v2, v0;
	v47, _, _ =	vpop (xrf2)  }
0x2fb: {  	p2 =	sgt.u32 s8, $0xC7;
	s8 =	sadd.s32 $0xFFFF9C00, s16;
	v23 =	vld [tilespmem:s18+$0x1960];
	v3 =	vadd.f32 v3, v41;
	(v2sf) =	vpush v47, $0xF  }
0x2fc: {  	s16 =	smov.u32 @p2 s8;
	v24 =	vld [tilespmem:s18+$0x1970]  }
0x2fd: {  	v25 =	vld [tilespmem:s16+$0x1900];
	v1 =	vadd.f32 v3, v1;
	(xrf2) =	vadd.scan.msk.f32 $0xffff, v0;
	v49, _, _ =	vpop (xrf2)  }
0x2fe: {  	v7 =	vld [tilespmem:s16+$0x1960];
	(v2sf) =	vpush v49, $0xF  }
0x2ff: {  	v11 =	vld [tilespmem:s16+$0x1970];
	(xrf2) =	vadd.scan.msk.f32 $0xffff, v1  }
0x300: {  	v56 =	vld [tilespmem:s4+$0xFFFFFFF0]  }
0x301: {  	v57 =	vld [tilespmem:s18+$0x1900]  }
0x302: {  	v18 =	vld [tilespmem:s18+$0x1940]  }
0x303: {  	v60 =	vld [tilespmem:s18+$0x1910]  }
0x304: {  	v63 =	vld [tilespmem:s18+$0x1920]  }
0x305: {  	v12 =	vld [tilespmem:s18+$0x1930]  }
0x306: {  	v55 =	vld [tilespmem:s4+$0xFFFFFFE0]  }
0x307: {  	v38 =	vld [tilespmem:s16+$0x1910];
	v22 =	vadd.f32 v21, v54;
	v19 =	vadd.f32 v57, v46;
	v16, _, _ =	vpop (xrf2)  }
0x308: {  	v18 =	vadd.f32 v18, v52;
	v2 =	vld [tilespmem:s16+$0x1920];
	(v2sf) =	vpush v16, $0xF  }
0x309: {  	v4 =	vld [tilespmem:s16+$0x1930];
	v20 =	vadd.f32 v60, v48;
	v17 =	vadd.f32 v63, v50;
	v16, _, _ =	vpop (xrf2)  }
0x30a: {  	v0 =	vld [tilespmem:s16+$0x1940];
	s24 =	spop (v2sf);
	(v2sf) =	vpush v16, $0xF;
	v16 =	vadd.f32 v12, v51  }
0x30b: {  	v6 =	vmul.f32 v19, v19;
	v21 =	vadd.f32 v23, v55;
	v23 =	vadd.f32 v24, v56;
	v1 =	vld [tilespmem:s16+$0x1950];
	[tilespmem:$0x1FDC0] =	vst v18  }
0x30c: {  	v14 =	vadd.f32 v22, v18;
	v54 =	vmul.f32 v18, v18;
	v13 =	vadd.f32 v20, v19;
	[tilespmem:$0x1FDB0] =	vst v16  }
0x30d: {  	v60 =	vmul.f32 v22, v22;
	v24 =	vadd.f32 v23, v21;
	s18 =	smul.f32 $7.812500000e-03, s24;
	s25 =	spop (v2sf);
	v5 =	vadd.f32 v16, v17;
	v55 =	vld [tilespmem:s4+$0x0];
	[tilespmem:$0x1FDD0] =	vst v21  }
0x30e: {  	v9 =	vmul.f32 v20, v20;
	v10 =	vmul.f32 v17, v17;
	s8 =	smul.f32 $7.812500000e-03, s25;
	v12 =	vld [tilespmem:s4+$0x10]  }
0x30f: {  	v63 =	vmul.f32 v21, v21;
	s26 =	smul.f32 s18, s18;
	v3 =	vadd.f32 v5, v13;
	v13 =	vadd.f32 v24, v14;
	v24 =	vld [tilespmem:s4+$0x20]  }
0x310: {  	v52 =	vmul.f32 v16, v16;
	v14 =	vmul.f32 v23, v23;
	v50 =	vld [tilespmem:s4+$0x30]  }
0x311: {  	v56 =	vadd.f32 v60, v54;
	v6 =	vadd.f32 v9, v6;
	v57 =	vld [tilespmem:s4+$0x40];
	s8 =	ssub.f32 s8, s26  }
0x312: {  	v49 =	vadd.f32 v52, v10;
	v60 =	vld [tilespmem:s4+$0x50];
	v8 =	vadd.f32 v14, v63  }
0x313: {  	v3 =	vadd.f32 v13, v3;
	s8 =	sadd.f32 $9.999999960e-13, s8  }
0x314: {  	v6 =	vadd.f32 v49, v6;
	v63 =	vld [tilespmem:s4+$0x60];
	v8 =	vadd.f32 v8, v56  }
0x315: {  	v52 =	vadd.f32 v25, v55;
	v25 =	vld [tilespmem:s4+$0x70];
	s23 =	sshra.s32 s8, $0x1;
	s8 =	smul.f32 $5.000000000e-01, s8;
	v38 =	vadd.f32 v38, v12  }
0x316: {  	v40 =	vadd.f32 v2, v24;
	v16 =	vadd.f32 v4, v50;
	s16 =	ssub.s32 $0x5F3759DF, s23  }
0x317: {  	v41 =	vadd.f32 v0, v57;
	v51 =	vadd.f32 v1, v60;
	s25 =	spop (v2sf);
	s24 =	smul.f32 s16, s8  }
0x318: {  	v6 =	vadd.f32 v8, v6;
	v13 =	vmul.f32 v52, v52;
	s19 =	smul.f32 $7.812500000e-03, s25;
	v12 =	vadd.f32 v38, v52  }
0x319: {  	(xrf2) =	vadd.scan.msk.f32 $0xffff, v3;
	v14 =	vmul.f32 v38, v38;
	v37 =	vmul.f32 v40, v40;
	v46 =	vadd.f32 v16, v40;
	s26 =	smul.f32 s16, s24  }
0x31a: {  	v47 =	vmul.f32 v16, v16;
	v50 =	vadd.f32 v7, v63;
	(xrf2) =	vadd.scan.msk.f32 $0xffff, v6;
	s24 =	smul.f32 s19, s19;
	v25 =	vadd.f32 v11, v25  }
0x31b: {  	v54 =	vmul.f32 v41, v41;
	v55 =	vmul.f32 v51, v51;
	v56 =	vadd.f32 v51, v41;
	s25 =	ssub.f32 $1.500000000e+00, s26;
	s26 =	spop (v2sf)  }
0x31c: {  	v0 =	vadd.f32 v14, v13;
	v57 =	vmul.f32 v50, v50;
	v60 =	vmul.f32 v25, v25;
	s23 =	smul.f32 $7.812500000e-03, s26  }
0x31d: {  	v4 =	vadd.f32 v47, v37;
	v63 =	vadd.f32 v25, v50;
	s4 =	smul.f32 s16, s25  }
0x31e: {  	v3 =	vadd.f32 v55, v54;
	v10 =	vadd.f32 v60, v57  }
0x31f: {  	v1 =	vadd.f32 v46, v12;
	v11 =	vadd.f32 v63, v56;
	s16 =	ssub.f32 s23, s24;
	s25 =	smul.f32 s4, s8  }
0x320: {  	v0 =	vadd.f32 v4, v0;
	v3 =	vadd.f32 v10, v3  }
0x321: {  	v24 =	vld [tilespmem:$0x1FFC0];
	v1 =	vadd.f32 v11, v1;
	s24 =	sadd.f32 $9.999999960e-13, s16;
	s16 =	simm.s32 $0xD080;
	s26 =	smul.f32 s25, s4  }
0x322: {  	s29 =	rddreg [dreg:$0xd];
	v5 =	vld [tilespmem:s16+$0xFFFFFF80];
	v0 =	vadd.f32 v3, v0  }
0x323: {  	v12, _, _ =	vpop (xrf2);
	v4 =	vld [tilespmem:s16+$0xFFFFFF90];
	(xrf2) =	vadd.scan.msk.f32 $0xffff, v1;
	s23 =	ssub.f32 $1.500000000e+00, s26  }
0x324: {  	s31 =	simm.s32 $0xFFFF9B80;
	s25 =	rddreg [dreg:$0xc];
	v2 =	vld [tilespmem:s16+$0xFFFFFFA0];
	v13, _, _ =	vpop (xrf2);
	(xrf2) =	vadd.scan.msk.f32 $0xffff, v0  }
0x325: {  	v14 =	vmov s19;
	v18 =	vld [tilespmem:s16+$0xFFFFFFB0];
	s25 =	sadd.s32 $0x2, s25;
	s26 =	sshra.s32 s24, $0x1;
	s23 =	smul.f32 s23, s4  }
0x326: {  	v48 =	vsub.f32 v44, v14;
	v49 =	vsub.f32 v34, v14;
	v1 =	vld [tilespmem:s16+$0xFFFFFFC0];
	s26 =	ssub.s32 $0x5F3759DF, s26;
	s4 =	smul.f32 $5.000000000e-01, s24;
	s24 =	sadd.s32 $0xA2, s25  }
0x327: {  	v55 =	vsub.f32 v36, v14;
	v54 =	vsub.f32 v42, v14;
	v6 =	vld [tilespmem:s16+$0xFFFFFFE0];
	p2 =	sgt.u32 s24, $0xC7;
	s24 =	sadd.s32 $0x100, s17;
	s8 =	smul.f32 s23, s8  }
0x328: {  	v43 =	vsub.f32 v43, v14;
	v44 =	vmov s18;
	v36 =	vsub.f32 v39, v14;
	v8 =	vld [tilespmem:s16+$0xFFFFFFF0];
	s17 =	sadd.s32 s24, s29;
	s31 =	simm.s32 @!p2 $0xFFFFFF80;
	s19 =	smul.f32 s26, s4  }
0x329: {  	v33 =	vsub.f32 v33, v44;
	v31 =	vsub.f32 v31, v44;
	v0 =	vld [tilespmem:s16+$0xFFFFFFD0];
	s29 =	sadd.s32 s31, s17;
	s8 =	smul.f32 s8, s23  }
0x32a: {  	v56 =	vsub.f32 v35, v14;
	v35 =	vsub.f32 v45, v14;
	v9 =	vld [tilespmem:s29+$0x1900];
	s19 =	smul.f32 s26, s19  }
0x32b: {  	v32 =	vsub.f32 v32, v44;
	v47 =	vsub.f32 v30, v44;
	v10 =	vld [tilespmem:s29+$0x1910];
	s8 =	ssub.f32 $1.500000000e+00, s8  }
0x32c: {  	v29 =	vsub.f32 v29, v44;
	(v2sf) =	vpush v12, $0xF;
	v11 =	vld [tilespmem:s29+$0x1920];
	[tilespmem:$0x1FDE0] =	vst v35;
	s19 =	ssub.f32 $1.500000000e+00, s19  }
0x32d: {  	v28 =	vsub.f32 v28, v44;
	(v2sf) =	vpush v13, $0xF;
	v42 =	vld [tilespmem:s29+$0x1930];
	[tilespmem:$0x1FDF0] =	vst v36;
	v30, _, _ =	vpop (xrf2);
	s8 =	smul.f32 s8, s23  }
0x32e: {  	v27 =	vsub.f32 v27, v44;
	v45 =	vld [tilespmem:s29+$0x1950];
	(v2sf) =	vpush v30, $0xF;
	s18 =	smul.f32 s26, s19;
	v30, _, _ =	vpop (xrf2)  }
0x32f: {  	v39 =	vld [tilespmem:s29+$0x1940];
	s23 =	sadd.s32 $0xA3, s25;
	(v2sf) =	vpush v30, $0xF;
	v36 =	vadd.f32 v9, v5  }
0x330: {  	v57 =	vld [tilespmem:s29+$0x1960];
	s19 =	sadd.s32 $0xFFFF9C00, s17;
	p2 =	sgt.u32 s23, $0xC7;
	v35 =	vadd.f32 v10, v4;
	v7 =	vmul.f32 s8, v53;
	v37 =	vmul.f32 s8, v58;
	s25 =	smul.f32 s18, s4  }
0x331: {  	v21 =	vmovc v58;
	v3 =	vmovc v59;
	v34 =	vadd.f32 v11, v2;
	v46 =	vmul.f32 s8, v62;
	v58 =	vmul.f32 s8, v59;
	s17 =	smov.u32 @p2 s19;
	v59 =	vld [tilespmem:s29+$0x1970]  }
0x332: {  	v12 =	vmovc v61;
	v60 =	vmul.f32 s8, v61;
	v61 =	vld [tilespmem:s17+$0x1900];
	v14 =	vmul.f32 v37, v33;
	s19 =	smul.f32 s25, s18;
	v33 =	vadd.f32 v42, v18  }
0x333: {  	v5 =	vld [tilespmem:s17+$0x1910];
	v30 =	vadd.f32 v45, v0;
	v9 =	vmul.f32 v36, v36;
	v45 =	vmul.f32 v34, v34  }
0x334: {  	v2 =	vld [tilespmem:s17+$0x1920];
	v15 =	vmul.f32 v7, v31;
	v7 =	vadd.f32 v35, v36;
	s19 =	ssub.f32 $1.500000000e+00, s19;
	v4 =	vadd.f32 v33, v34  }
0x335: {  	v0 =	vld [tilespmem:s16+$0x10];
	v37 =	vmul.f32 v46, v32;
	v32 =	vadd.f32 v39, v1;
	v31 =	vadd.f32 v57, v6  }
0x336: {  	v13 =	vmul.f32 v58, v47;
	v42 =	vadd.f32 v59, v8;
	s18 =	smul.f32 s19, s18;
	v7 =	vadd.f32 v4, v7;
	v4 =	vld [tilespmem:$0x1FFE0]  }
0x337: {  	v44 =	vsub.f32 v26, v44;
	v39 =	vmul.f32 v35, v35;
	v60 =	vmul.f32 v60, v29;
	v18 =	vld [tilespmem:$0x1FFA0]  }
0x338: {  	v1 =	vld [tilespmem:s17+$0x1930];
	v26 =	vmul.f32 v30, v30;
	v11 =	vadd.f32 v30, v32;
	v46 =	vadd.f32 v42, v31;
	s4 =	smul.f32 s18, s4  }
0x339: {  	v47 =	vmul.f32 v33, v33;
	v58 =	vmul.f32 v32, v32;
	v59 =	vld [tilespmem:s16+$0x0]  }
0x33a: {  	v63 =	vmul.f32 v31, v31;
	v8 =	vadd.f32 v46, v11;
	v11 =	vmul.f32 v42, v42;
	v46 =	vld [tilespmem:s16+$0x20];
	s4 =	smul.f32 s4, s18  }
0x33b: {  	v6 =	vld [tilespmem:s17+$0x1940];
	v9 =	vadd.f32 v39, v9;
	v45 =	vadd.f32 v47, v45;
	v39 =	vmul.f32 s8, v4  }
0x33c: {  	v47 =	vld [tilespmem:s16+$0x30];
	v26 =	vadd.f32 v26, v58;
	v29 =	vmul.f32 s8, v18;
	v11 =	vadd.f32 v11, v63;
	s4 =	ssub.f32 $1.500000000e+00, s4  }
0x33d: {  	v58 =	vld [tilespmem:s16+$0x40];
	v9 =	vadd.f32 v45, v9;
	v39 =	vmul.f32 v39, v28;
	v28 =	vmul.f32 s8, v24  }
0x33e: {  	v10 =	vld [tilespmem:s17+$0x1950];
	v11 =	vadd.f32 v11, v26;
	v26 =	vadd.f32 v61, v59;
	v59 =	vmul.f32 v29, v44;
	s4 =	smul.f32 s4, s18  }
0x33f: {  	v29 =	vadd.f32 v2, v46;
	v2 =	vld [tilespmem:s16+$0x70];
	v63 =	vmul.f32 v28, v27;
	v27 =	vadd.f32 v5, v0  }
0x340: {  	v7 =	vadd.f32 v8, v7;
	v0 =	vld [tilespmem:s17+$0x1970];
	v9 =	vadd.f32 v11, v9;
	v11 =	vmul.f32 s4, v53  }
0x341: {  	v8 =	vld [tilespmem:s16+$0x50];
	v28 =	vadd.f32 v1, v47;
	v53 =	vmul.f32 v26, v26;
	v61 =	vmul.f32 v27, v27  }
0x342: {  	v46 =	vadd.f32 v6, v58  }
0x343: {  	v6 =	vadd.f32 v61, v53;
	v53 =	vmul.f32 v29, v29;
	v61 =	vmul.f32 v28, v28;
	_ =	sdelay $0x1  }
0x344: {  	v44 =	vadd.f32 v0, v2;
	v0 =	vadd.f32 v61, v53;
	v61 =	vld [tilespmem:$0x1FF60]  }
0x345: {  	v47 =	vadd.f32 v10, v8  }
0x346: {  	v57 =	vld [tilespmem:s17+$0x1960];
	(xrf2) =	vadd.scan.msk.f32 $0xffff, v7;
	v7 =	vmul.f32 s4, v62  }
0x347: {  	v45 =	vld [tilespmem:s16+$0x60];
	v62 =	vmul.f32 v46, v46;
	v5 =	vmul.f32 v47, v47  }
0x348: {  	s26 =	spop (v2sf)  }
0x349: {  	s31 =	smul.f32 $7.812500000e-03, s26;
	v2 =	vadd.f32 v5, v62;
	v62 =	vadd.f32 v14, v61  }
0x34a: {  	s29 =	simm.s32 $0x16E80  }
0x34b: {  	s26 =	smul.f32 s31, s31;
	s25 =	spop (v2sf);
	v14 =	vld [tilespmem:$0x1FFD0];
	[tilespmem:s29+$0xFFFFFFF0] =	vst v62  }
0x34c: {  	s23 =	smul.f32 $7.812500000e-03, s25;
	v45 =	vadd.f32 v57, v45;
	v61 =	vld [tilespmem:$0x1FFB0];
	_ =	sdelay $0x1  }
0x34d: {  	s23 =	ssub.f32 s23, s26;
	v53 =	vmul.f32 v45, v45;
	v58 =	vmul.f32 v44, v44  }
0x34e: {  	v0 =	vadd.f32 v0, v6  }
0x34f: {  	s19 =	sadd.f32 $9.999999960e-13, s23;
	v8 =	vmul.f32 s4, v3;
	v6 =	vadd.f32 v58, v53;
	v53 =	vadd.f32 v15, v14  }
0x350: {  	v62 =	vadd.f32 v37, v61  }
0x351: {  	s25 =	sshra.s32 s19, $0x1;
	s19 =	smul.f32 $5.000000000e-01, s19;
	v12 =	vmul.f32 s4, v12;
	v55 =	vmul.f32 v8, v55;
	v8 =	vld [tilespmem:$0x1FF90];
	[tilespmem:s29+$0xFFFFFF80] =	vst v53  }
0x352: {  	s23 =	ssub.s32 $0x5F3759DF, s25;
	[tilespmem:s29+$0xFFFFFF90] =	vst v62  }
0x353: {  	s26 =	smul.f32 s23, s19;
	v56 =	vmul.f32 v12, v56;
	v12 =	vld [tilespmem:$0x1FF80];
	_ =	sdelay $0x1  }
0x354: {  	s25 =	spop (v2sf);
	s26 =	smul.f32 s23, s26  }
0x355: {  	s8 =	smul.f32 $7.812500000e-03, s25;
	v3 =	vadd.f32 v13, v8  }
0x356: {  	s25 =	spop (v2sf);
	s18 =	ssub.f32 $1.500000000e+00, s26  }
0x357: {  	s17 =	smul.f32 $7.812500000e-03, s25;
	[tilespmem:s29+$0xFFFFFFA0] =	vst v3;
	v13 =	vadd.f32 v60, v12  }
0x358: {  	s16 =	smul.f32 s23, s18;
	v3 =	vld [tilespmem:$0x1FF70]  }
0x359: {  	s26 =	smul.f32 s8, s8;
	(xrf2) =	vadd.scan.msk.f32 $0xffff, v9;
	v37 =	vld [tilespmem:$0x1FF10];
	[tilespmem:s29+$0xFFFFFFB0] =	vst v13  }
0x35a: {  	v1 =	vadd.f32 v27, v26;
	v10 =	vadd.f32 v28, v29;
	s23 =	smul.f32 s16, s19;
	v53 =	vld [tilespmem:$0x1FF20]  }
0x35b: {  	s17 =	ssub.f32 s17, s26  }
0x35c: {  	v1 =	vadd.f32 v10, v1;
	v10 =	vadd.f32 v47, v46;
	s25 =	smul.f32 s23, s16  }
0x35d: {  	s17 =	sadd.f32 $9.999999960e-13, s17;
	v57 =	vadd.f32 v44, v45;
	v3 =	vadd.f32 v39, v3  }
0x35e: {  	s23 =	ssub.f32 $1.500000000e+00, s25;
	v39 =	vadd.f32 v63, v37  }
0x35f: {  	s26 =	sshra.s32 s17, $0x1;
	s18 =	smul.f32 $5.000000000e-01, s17;
	v9 =	vadd.f32 v57, v10;
	v10 =	vmul.f32 s4, v4;
	[tilespmem:s29+$0xFFFFFFC0] =	vst v3;
	v4 =	vadd.f32 v59, v53  }
0x360: {  	s17 =	ssub.s32 $0x5F3759DF, s26;
	s23 =	smul.f32 s23, s16;
	[tilespmem:s29+$0xFFFFFFD0] =	vst v39  }
0x361: {  	v48 =	vmul.f32 v11, v48;
	v11, _, _ =	vpop (xrf2);
	s26 =	smul.f32 s17, s18;
	[tilespmem:s29+$0xFFFFFFE0] =	vst v4  }
0x362: {  	(v2sf) =	vpush v11, $0xF;
	s19 =	smul.f32 s23, s19;
	v14 =	vmul.f32 s4, v24;
	v3 =	vld [tilespmem:$0x1FDE0]  }
0x363: {  	v1 =	vadd.f32 v9, v1;
	v2 =	vadd.f32 v6, v2;
	v57 =	vmul.f32 v10, v54;
	s16 =	smul.f32 s17, s26;
	v54, _, _ =	vpop (xrf2);
	v63 =	vld [tilespmem:$0x1FDF0]  }
0x364: {  	(v2sf) =	vpush v54, $0xF;
	s19 =	smul.f32 s19, s23;
	v58 =	vmul.f32 v14, v43;
	v60 =	vmov s8  }
0x365: {  	s25 =	ssub.f32 $1.500000000e+00, s16;
	v61 =	vmul.f32 s4, v21;
	v62 =	vadd.f32 v2, v0;
	v43 =	vsub.f32 v52, v60  }
0x366: {  	s26 =	ssub.f32 $1.500000000e+00, s19;
	v37 =	vsub.f32 v40, v60;
	v41 =	vsub.f32 v41, v60;
	v59 =	vmul.f32 s4, v18  }
0x367: {  	v49 =	vmul.f32 v7, v49;
	s16 =	simm.s32 $0x4;
	s8 =	smul.f32 s17, s25;
	v40 =	vsub.f32 v51, v60;
	v39 =	vsub.f32 v38, v60  }
0x368: {  	(xrf2) =	vadd.scan.msk.f32 $0xffff, v1;
	s17 =	simm.s32 $0xD180;
	v38 =	vsub.f32 v16, v60;
	s4 =	smul.f32 s26, s23;
	s26 =	simm.s32 $0x16E80;
	v59 =	vmul.f32 v59, v3;
	v53 =	vmul.f32 v61, v63  }
.LBB2_7:
0x369: {  	v61 =	vld [tilespmem:s17+$0xFFFFFF80]  }
0x36a: {  	v54 =	vsub.f32 v50, v60;
	v1 =	vsub.f32 v25, v60;
	v60 =	vld [tilespmem:$0x1FF40]  }
0x36b: {  	v5 =	vld [tilespmem:s17+$0xFFFFFFA0]  }
0x36c: {  	v63 =	vld [tilespmem:$0x1FF50]  }
0x36d: {  	v12 =	vld [tilespmem:$0x1FF00]  }
0x36e: {  	v9 =	vld [tilespmem:s17+$0xFFFFFFB0]  }
0x36f: {  	v18 =	vld [tilespmem:$0x1FFE0]  }
0x370: {  	v16 =	vld [tilespmem:$0x1FFC0]  }
0x371: {  	v25 =	vmov v44;
	v44 =	vld [tilespmem:s17+$0xFFFFFFD0]  }
0x372: {  	v14 =	vld [tilespmem:$0x1FFA0]  }
0x373: {  	v13 =	vld [tilespmem:$0x1FDB0]  }
0x374: {  	v51 =	vmov v46;
	v46 =	vld [tilespmem:s17+$0xFFFFFFE0]  }
0x375: {  	v52 =	vmov v47;
	v47 =	vld [tilespmem:$0x1FDC0]  }
0x376: {  	v0 =	vmov s31;
	v15 =	vmov v33;
	(xrf2) =	vadd.scan.msk.f32 $0xffff, v62;
	v62 =	vld [tilespmem:$0x1FF30]  }
0x377: {  	v8 =	vsub.f32 v19, v0;
	v19 =	vld [tilespmem:$0x1FFF0]  }
0x378: {  	v24 =	vmov v42;
	v42 =	vsub.f32 v17, v0;
	[tilespmem:$0x1FDB0] =	vst v15;
	v17 =	vld [tilespmem:$0x1FFD0]  }
0x379: {  	[tilespmem:$0x1FDA0] =	vst v1;
	v1 =	vld [tilespmem:s17+$0xFFFFFF90];
	v15 =	vmov v32  }
0x37a: {  	v11 =	vsub.f32 v20, v0;
	v32 =	vld [tilespmem:$0x1FDD0];
	v2 =	vmul.f32 s4, v60  }
0x37b: {  	v21 =	vmovc v36;
	v50 =	vmovc v45;
	v33 =	vsub.f32 v22, v0;
	v6 =	vmul.f32 s4, v63;
	v45 =	vsub.f32 v13, v0;
	v13 =	vld [tilespmem:$0x1FF60]  }
0x37c: {  	[tilespmem:$0x1FDC0] =	vst v15;
	v36 =	vmul.f32 s4, v16;
	v15 =	vmovc v31;
	v2 =	vmul.f32 v2, v8;
	v8 =	vsub.f32 v47, v0;
	v47 =	vld [tilespmem:s17+$0xFFFFFFF0]  }
0x37d: {  	s19 =	rddreg [dreg:$0xc];
	v4 =	vsub.f32 v23, v0;
	v3 =	vmul.f32 s4, v62;
	[tilespmem:$0x1FDD0] =	vst v15;
	v15 =	vld [tilespmem:$0x1FFB0]  }
0x37e: {  	s25 =	rddreg [dreg:$0xd];
	s23 =	smul.f32 s8, s18;
	v6 =	vmul.f32 v6, v11;
	v11 =	vmul.f32 v36, v33;
	v36 =	vld [tilespmem:$0x1FF80]  }
0x37f: {  	s24 =	sadd.s32 $0x100, s24;
	s29 =	sadd.s32 $0x100, s29;
	s19 =	sadd.s32 s16, s19;
	v10 =	vmul.f32 s4, v19;
	v33 =	vld [tilespmem:$0x1FF10];
	v3 =	vmul.f32 v3, v4  }
0x380: {  	v23 =	vmovc v35;
	v20 =	vmov v34;
	s31 =	sadd.s32 $0xA2, s19;
	s19 =	sadd.s32 $0xA3, s19;
	s23 =	smul.f32 s23, s8;
	v35 =	vmul.f32 s4, v18;
	v34 =	vmul.f32 s4, v14;
	v4 =	vld [tilespmem:s17+$0xFFFFFFC0]  }
0x381: {  	p3 =	sgt.u32 s31, $0xC7;
	p2 =	sgt.u32 s19, $0xC7;
	s19 =	simm.s32 $0xFFFF9B80;
	v0 =	vsub.f32 v32, v0;
	v10 =	vmul.f32 v10, v45;
	v45 =	vld [tilespmem:$0x1FF90];
	v3 =	vadd.f32 v3, v13  }
0x382: {  	s19 =	simm.s32 @!p3 $0xFFFFFF80;
	v7 =	vmul.f32 s4, v12;
	s23 =	ssub.f32 $1.500000000e+00, s23;
	s4 =	sadd.s32 s24, s25;
	v8 =	vmul.f32 v35, v8;
	v35 =	vld [tilespmem:$0x1FF70]  }
0x383: {  	s19 =	sadd.s32 s19, s4;
	v0 =	vmul.f32 v34, v0;
	v34 =	vld [tilespmem:$0x1FF20];
	[tilespmem:s29+$0xFFFFFFF0] =	vst v3  }
0x384: {  	v7 =	vmul.f32 v7, v42;
	s8 =	smul.f32 s23, s8;
	v42, _, _ =	vpop (xrf2);
	v2 =	vadd.f32 v2, v17;
	v3 =	vld [tilespmem:s19+$0x1900]  }
0x385: {  	(v2sf) =	vpush v42, $0xF;
	v32 =	vld [tilespmem:s19+$0x1910]  }
0x386: {  	v22 =	vmov v30;
	s23 =	smul.f32 s8, s18;
	v53 =	vadd.f32 v53, v13;
	v30 =	vld [tilespmem:s19+$0x1920];
	[tilespmem:s29+$0xFFFFFF80] =	vst v2;
	v2 =	vadd.f32 v6, v15  }
0x387: {  	s25 =	sadd.s32 $0xFFFF9C00, s4;
	v31, _, _ =	vpop (xrf2);
	v10 =	vadd.f32 v10, v36;
	v6 =	vadd.f32 v7, v45;
	v7 =	vld [tilespmem:s19+$0x1930]  }
0x388: {  	s4 =	smov.u32 @p2 s25;
	s18 =	smul.f32 s23, s8;
	s25 =	spop (v2sf);
	(v2sf) =	vpush v31, $0xF;
	v45 =	vadd.f32 v55, v45;
	v42 =	vld [tilespmem:s19+$0x1940];
	[tilespmem:s29+$0xFFFFFF90] =	vst v2  }
0x389: {  	v8 =	vadd.f32 v8, v35;
	s31 =	smul.f32 $7.812500000e-03, s25;
	s25 =	spop (v2sf);
	v2 =	vadd.f32 v11, v33;
	v11 =	vld [tilespmem:s19+$0x1950];
	[tilespmem:s29+$0xFFFFFFA0] =	vst v6  }
0x38a: {  	s18 =	ssub.f32 $1.500000000e+00, s18;
	v0 =	vadd.f32 v0, v34;
	s23 =	smul.f32 $7.812500000e-03, s25;
	v6 =	vadd.f32 v48, v17;
	v31 =	vld [tilespmem:s19+$0x1960];
	[tilespmem:s29+$0xFFFFFFB0] =	vst v10  }
0x38b: {  	s25 =	smul.f32 s31, s31;
	v10 =	vadd.f32 v49, v15;
	v49 =	vadd.f32 v57, v35;
	v48 =	vld [tilespmem:s19+$0x1970];
	[tilespmem:s29+$0xFFFFFFC0] =	vst v8  }
0x38c: {  	v55 =	vld [tilespmem:s4+$0x1900];
	s18 =	smul.f32 s18, s8;
	v8 =	vadd.f32 v56, v36;
	[tilespmem:s29+$0xFFFFFFD0] =	vst v2;
	v2 =	vadd.f32 v58, v33  }
0x38d: {  	v56 =	vadd.f32 v59, v34;
	v35 =	vadd.f32 v32, v1;
	v1 =	vld [tilespmem:s4+$0x1910];
	s23 =	ssub.f32 s23, s25;
	[tilespmem:s29+$0xFFFFFFE0] =	vst v0  }
0x38e: {  	v36 =	vadd.f32 v3, v61;
	v34 =	vadd.f32 v30, v5;
	v0 =	vld [tilespmem:s4+$0x1920];
	v3 =	vmul.f32 s18, v60;
	[tilespmem:s26+$0x0] =	vst v6  }
0x38f: {  	v5 =	vmul.f32 s18, v63;
	v33 =	vadd.f32 v7, v9;
	v32 =	vadd.f32 v42, v4;
	v4 =	vld [tilespmem:s4+$0x1930];
	[tilespmem:s26+$0x10] =	vst v10;
	s8 =	sadd.f32 $9.999999960e-13, s23  }
0x390: {  	v7 =	vmul.f32 s18, v12;
	v6 =	vld [tilespmem:s4+$0x1940];
	[tilespmem:s26+$0x20] =	vst v45;
	v9 =	vadd.f32 v35, v36;
	v45 =	vmul.f32 v35, v35  }
0x391: {  	v30 =	vadd.f32 v11, v44;
	v10 =	vadd.f32 v33, v34;
	v11 =	vmul.f32 v36, v36;
	v44 =	vld [tilespmem:s4+$0x1950];
	[tilespmem:s26+$0x30] =	vst v8;
	s25 =	sshra.s32 s8, $0x1;
	s8 =	smul.f32 $5.000000000e-01, s8  }
0x392: {  	v31 =	vadd.f32 v31, v46;
	v46 =	vmul.f32 v34, v34;
	v57 =	vld [tilespmem:s4+$0x1960];
	[tilespmem:s26+$0x40] =	vst v49;
	v42 =	vadd.f32 v48, v47;
	s19 =	ssub.s32 $0x5F3759DF, s25  }
0x393: {  	v49 =	vmul.f32 v32, v32;
	v8 =	vadd.f32 v30, v32;
	v48 =	vmul.f32 v33, v33;
	v58 =	vld [tilespmem:s4+$0x1970];
	[tilespmem:s26+$0x50] =	vst v2;
	s23 =	smul.f32 s19, s8  }
0x394: {  	v2 =	vmul.f32 v30, v30;
	v11 =	vadd.f32 v45, v11;
	v61 =	vld [tilespmem:s17+$0x0];
	[tilespmem:s26+$0x60] =	vst v56;
	v47 =	vadd.f32 v42, v31  }
0x395: {  	v12 =	vmul.f32 v31, v31;
	s25 =	spop (v2sf);
	v63 =	vmul.f32 v42, v42;
	v45 =	vadd.f32 v48, v46;
	v46 =	vld [tilespmem:s17+$0x20];
	s4 =	smul.f32 s19, s23  }
0x396: {  	v9 =	vadd.f32 v10, v9;
	v56 =	vmul.f32 s18, v19;
	s23 =	smul.f32 $7.812500000e-03, s25;
	v8 =	vadd.f32 v47, v8;
	v47 =	vld [tilespmem:s17+$0x10];
	[tilespmem:s26+$0x70] =	vst v53  }
0x397: {  	v59 =	vmul.f32 s18, v16;
	v2 =	vadd.f32 v2, v49;
	v10 =	vadd.f32 v63, v12;
	v12 =	vld [tilespmem:s17+$0x30];
	s4 =	ssub.f32 $1.500000000e+00, s4;
	s25 =	spop (v2sf)  }
0x398: {  	v48 =	vmul.f32 v3, v43;
	v56 =	vmul.f32 v56, v38;
	v11 =	vadd.f32 v45, v11;
	v13 =	vld [tilespmem:s17+$0x40];
	s25 =	smul.f32 $7.812500000e-03, s25  }
0x399: {  	v60 =	vmov s23;
	v45 =	vld [tilespmem:s17+$0x60];
	v8 =	vadd.f32 v8, v9;
	v2 =	vadd.f32 v10, v2;
	s4 =	smul.f32 s19, s4  }
0x39a: {  	v53 =	vmul.f32 s18, v18;
	v55 =	vadd.f32 v55, v61;
	v43 =	vsub.f32 v26, v60;
	s19 =	smul.f32 s23, s23  }
0x39b: {  	v63 =	vmul.f32 s18, v14;
	v10 =	vld [tilespmem:s17+$0x50];
	v38 =	vsub.f32 v28, v60;
	v0 =	vadd.f32 v0, v46;
	s23 =	smul.f32 s4, s8  }
0x39c: {  	(xrf2) =	vadd.scan.msk.f32 $0xffff, v8;
	v8 =	vmul.f32 s18, v62;
	v2 =	vadd.f32 v2, v11;
	v1 =	vadd.f32 v1, v47;
	s19 =	ssub.f32 s25, s19  }
0x39d: {  	v11 =	vld [tilespmem:s17+$0x70];
	v62 =	vmul.f32 v55, v55;
	v3 =	vadd.f32 v4, v12;
	v46 =	vadd.f32 v6, v13;
	s18 =	smul.f32 s23, s4  }
0x39e: {  	v13 =	vmul.f32 v0, v0;
	v45 =	vadd.f32 v57, v45;
	v57 =	vmul.f32 v53, v41;
	s19 =	sadd.f32 $9.999999960e-13, s19  }
0x39f: {  	(xrf2) =	vadd.scan.msk.f32 $0xffff, v2;
	v41 =	vsub.f32 v51, v60;
	v4 =	vadd.f32 v1, v55;
	v12 =	vmul.f32 v1, v1;
	s23 =	ssub.f32 $1.500000000e+00, s18  }
0x3a0: {  	v26 =	vmovc v55;
	v47 =	vadd.f32 v44, v10;
	v55 =	vmul.f32 v7, v37;
	v37 =	vsub.f32 v29, v60;
	s25 =	sshra.s32 s19, $0x1;
	s18 =	smul.f32 $5.000000000e-01, s19  }
0x3a1: {  	v14 =	vadd.f32 v3, v0;
	v61 =	vmul.f32 v3, v3;
	v6 =	vadd.f32 v12, v62;
	s19 =	ssub.s32 $0x5F3759DF, s25;
	s4 =	smul.f32 s23, s4  }
0x3a2: {  	v49 =	vmul.f32 v46, v46;
	v44 =	vadd.f32 v58, v11;
	v11 =	vadd.f32 v47, v46;
	s25 =	smul.f32 s19, s18  }
0x3a3: {  	v62 =	vmul.f32 v47, v47;
	v2 =	vadd.f32 v14, v4;
	v4 =	vmul.f32 v45, v45;
	s8 =	smul.f32 s4, s8  }
0x3a4: {  	s16 =	sadd.s32 $0x2, s16;
	v12 =	vadd.f32 v61, v13;
	v14 =	vadd.f32 v44, v45;
	v61 =	vmul.f32 v44, v44;
	s23 =	smul.f32 s19, s25  }
0x3a5: {  	p2 =	slt.u32 s16, $0x4E;
	v58 =	vmul.f32 v59, v40;
	v59 =	vmul.f32 v63, v54;
	v63 =	vld [tilespmem:$0x1FDA0];
	v62 =	vadd.f32 v62, v49;
	s8 =	smul.f32 s8, s4  }
.Ltmp4:
0x3a6: {  	v17 =	vmovc v20;
	v20 =	vmov v23;
	v13 =	vadd.f32 v14, v11;
	v4 =	vadd.f32 v61, v4;
	(pc) =	sbr.rel @p2 .LBB2_7-.Ltmp4, $4  }
0x3a7: {  	v23 =	vmovc v24;
	v19 =	vmovc v21;
	v29 =	vmov v0;
	v40 =	vsub.f32 v52, v60;
	v6 =	vadd.f32 v12, v6;
	s23 =	ssub.f32 $1.500000000e+00, s23  }
0x3a8: {  	v28 =	vmov v3;
	v14, _, _ =	vpop (xrf2);
	v2 =	vadd.f32 v13, v2;
	v4 =	vadd.f32 v4, v62;
	s25 =	ssub.f32 $1.500000000e+00, s8  }
0x3a9: {  	v49 =	vmul.f32 v5, v39;
	v39 =	vsub.f32 v27, v60;
	(v2sf) =	vpush v14, $0xF;
	v53, _, _ =	vpop (xrf2);
	s8 =	smul.f32 s19, s23  }
0x3aa: {  	s26 =	smov.u32 s29;
	s17 =	sadd.s32 $0x100, s17;
	v27 =	vmovc v1;
	v62 =	vadd.f32 v4, v6;
	(v2sf) =	vpush v53, $0xF;
	(xrf2) =	vadd.scan.msk.f32 $0xffff, v2;
	v53 =	vmul.f32 v8, v63;
	s4 =	smul.f32 s25, s4  }
0x3ab: {  	_ =	sdelay $0x2  }
0x3ac: {  	(xrf2) =	vadd.scan.msk.f32 $0xffff, v62;
	_ =	sdelay $0x6  }
0x3ad: {  	v0, _, _ =	vpop (xrf2)  }
0x3ae: {  	(v2sf) =	vpush v0, $0xF;
	_ =	sdelay $0x1  }
0x3af: {  	v54, _, _ =	vpop (xrf2);
	s16 =	spop (v2sf)  }
0x3b0: {  	(v2sf) =	vpush v54, $0xF;
	s17 =	smul.f32 $7.812500000e-03, s16;
	s23 =	spop (v2sf)  }
0x3b1: {  	s16 =	smul.f32 $7.812500000e-03, s23  }
0x3b2: {  	s19 =	smul.f32 s17, s17  }
0x3b3: {  	s23 =	smul.f32 s8, s18  }
0x3b4: {  	s16 =	ssub.f32 s16, s19  }
0x3b5: {  	s24 =	smul.f32 s23, s8  }
0x3b6: {  	s16 =	sadd.f32 $9.999999960e-13, s16  }
0x3b7: {  	v18 =	vld [tilespmem:$0x1FF30];
	s19 =	ssub.f32 $1.500000000e+00, s24  }
0x3b8: {  	v24 =	vsub.f32 v50, v60;
	v50 =	vsub.f32 v25, v60;
	v25 =	vld [tilespmem:$0x1FF00];
	s25 =	sshra.s32 s16, $0x1;
	s24 =	smul.f32 $5.000000000e-01, s16  }
0x3b9: {  	v21 =	vld [tilespmem:$0x1FFE0];
	s16 =	smul.f32 s19, s8;
	s19 =	ssub.s32 $0x5F3759DF, s25  }
0x3ba: {  	v12 =	vld [tilespmem:$0x1FDB0];
	s25 =	smul.f32 s19, s24  }
0x3bb: {  	v63 =	vld [tilespmem:$0x1FDC0];
	s18 =	smul.f32 s16, s18  }
0x3bc: {  	v62 =	vld [tilespmem:$0x1FF50];
	v0 =	vmov s31;
	s23 =	spop (v2sf);
	s25 =	smul.f32 s19, s25  }
0x3bd: {  	v3 =	vsub.f32 v23, v0;
	v23 =	vld [tilespmem:$0x1FFF0];
	s8 =	smul.f32 $7.812500000e-03, s23  }
0x3be: {  	v61 =	vsub.f32 v20, v0;
	v20 =	vld [tilespmem:$0x1FFC0];
	s18 =	smul.f32 s18, s16  }
0x3bf: {  	v54 =	vld [tilespmem:$0x1FF40];
	s23 =	ssub.f32 $1.500000000e+00, s25;
	s25 =	spop (v2sf)  }
0x3c0: {  	v6 =	vsub.f32 v19, v0;
	v19 =	vld [tilespmem:$0x1FFA0];
	s25 =	smul.f32 $7.812500000e-03, s25  }
0x3c1: {  	v2 =	vmul.f32 s4, v18;
	v16 =	vsub.f32 v12, v0;
	v12 =	vld [tilespmem:$0x1FF60];
	s19 =	smul.f32 s19, s23  }
0x3c2: {  	v14 =	vld [tilespmem:$0x1FDD0];
	v5 =	vmul.f32 s4, v25;
	v8 =	vmul.f32 s4, v21;
	s23 =	smul.f32 s8, s8  }
0x3c3: {  	v13 =	vld [tilespmem:$0x1FFD0];
	v4 =	vmul.f32 s4, v62;
	v2 =	vmul.f32 v2, v3;
	s31 =	smul.f32 s19, s24  }
0x3c4: {  	v7 =	vmul.f32 s4, v23;
	v1 =	vmul.f32 s4, v54;
	s18 =	ssub.f32 $1.500000000e+00, s18  }
0x3c5: {  	v11 =	vsub.f32 v17, v0;
	v9 =	vmul.f32 s4, v20;
	v10 =	vmul.f32 s4, v19;
	s4 =	ssub.f32 s25, s23;
	s25 =	smul.f32 s31, s19  }
0x3c6: {  	v17 =	vsub.f32 v22, v0;
	v2 =	vadd.f32 v2, v12;
	v1 =	vmul.f32 v1, v6  }
0x3c7: {  	v6 =	vsub.f32 v63, v0;
	v0 =	vsub.f32 v14, v0;
	v14 =	vld [tilespmem:$0x1FFB0];
	s23 =	ssub.f32 $1.500000000e+00, s25;
	s25 =	smul.f32 s18, s16;
	s16 =	sadd.s32 $0x100, s29  }
0x3c8: {  	v1 =	vadd.f32 v1, v13;
	[tilespmem:s16+$0xFFFFFFF0] =	vst v2  }
0x3c9: {  	v15 =	vld [tilespmem:$0x1FF90]  }
0x3ca: {  	v3 =	vmul.f32 v4, v61;
	s4 =	sadd.f32 $9.999999960e-13, s4;
	v60 =	vld [tilespmem:$0x1FF80];
	[tilespmem:s16+$0xFFFFFF80] =	vst v1  }
0x3cb: {  	v52 =	vmul.f32 v9, v17;
	s19 =	smul.f32 s23, s19;
	v9 =	vld [tilespmem:$0x1FF10]  }
0x3cc: {  	v6 =	vmul.f32 v8, v6;
	v3 =	vadd.f32 v3, v14;
	s31 =	sshra.s32 s4, $0x1;
	s18 =	smul.f32 $5.000000000e-01, s4;
	v8 =	vld [tilespmem:$0x1FF70]  }
0x3cd: {  	v11 =	vmul.f32 v5, v11;
	s4 =	ssub.s32 $0x5F3759DF, s31;
	s24 =	smul.f32 s19, s24  }
0x3ce: {  	v51 =	vmul.f32 v7, v16;
	v0 =	vmul.f32 v10, v0;
	s31 =	smul.f32 s4, s18;
	[tilespmem:s16+$0xFFFFFF90] =	vst v3;
	v3 =	vadd.f32 v48, v13  }
0x3cf: {  	v61 =	vadd.f32 v49, v14;
	v10 =	vmul.f32 s25, v25;
	v16 =	vmul.f32 s25, v21;
	s23 =	smul.f32 s24, s19  }
0x3d0: {  	v49 =	vmovc v21;
	v17 =	vmul.f32 s25, v20;
	v63 =	vadd.f32 v51, v60;
	v5 =	vadd.f32 v52, v9;
	v52 =	vld [tilespmem:$0x1FF20];
	[tilespmem:s26+$0x0] =	vst v3  }
0x3d1: {  	v21 =	vmovc v18;
	v18 =	vmul.f32 s25, v18;
	s24 =	smul.f32 s4, s31;
	v2 =	vadd.f32 v11, v15;
	v1 =	vadd.f32 v6, v8;
	s23 =	ssub.f32 $1.500000000e+00, s23;
	[tilespmem:s26+$0x10] =	vst v61  }
0x3d2: {  	v51 =	vmovc v23;
	v11 =	vmul.f32 s25, v23;
	v6 =	vadd.f32 v55, v15;
	v7 =	vadd.f32 v57, v8;
	[tilespmem:s16+$0xFFFFFFB0] =	vst v63  }
0x3d3: {  	v23 =	vmovc v19;
	v55 =	vmovc v8;
	v8 =	vmul.f32 s25, v54;
	s24 =	ssub.f32 $1.500000000e+00, s24;
	v3 =	vmul.f32 s25, v19;
	v19 =	vmov s17;
	[tilespmem:s16+$0xFFFFFFC0] =	vst v1;
	s19 =	smul.f32 s23, s19  }
0x3d4: {  	v63 =	vadd.f32 v56, v60;
	v1 =	vadd.f32 v58, v9;
	[tilespmem:s26+$0x20] =	vst v6;
	v6 =	vmov s8  }
0x3d5: {  	v48 =	vmovc v20;
	[tilespmem:s16+$0xFFFFFFA0] =	vst v2;
	s31 =	smul.f32 s4, s24;
	v58 =	vsub.f32 v35, v19;
	v61 =	vmul.f32 s19, v54;
	v20 =	vmul.f32 s19, v21  }
0x3d6: {  	v56 =	vmovc v25;
	[tilespmem:s26+$0x30] =	vst v63;
	v63 =	vsub.f32 v36, v19;
	v22 =	vmul.f32 s19, v62;
	v25 =	vmul.f32 s19, v25  }
0x3d7: {  	[tilespmem:s16+$0xFFFFFFD0] =	vst v5;
	s4 =	smul.f32 s31, s18;
	v35 =	vmul.f32 s19, v48;
	v0 =	vadd.f32 v0, v52;
	v5 =	vadd.f32 v59, v52  }
0x3d8: {  	[tilespmem:s26+$0x40] =	vst v7;
	v59 =	vsub.f32 v34, v19;
	v2 =	vmul.f32 v61, v63;
	v61 =	vsub.f32 v33, v19  }
0x3d9: {  	[tilespmem:s26+$0x50] =	vst v1;
	s4 =	smul.f32 s4, s31;
	v7 =	vmul.f32 v22, v58;
	v33 =	vsub.f32 v32, v19;
	v58 =	vmul.f32 v8, v43  }
0x3da: {  	v34 =	vmul.f32 s19, v23;
	[tilespmem:s16+$0xFFFFFFE0] =	vst v0;
	v0 =	vadd.f32 v53, v12;
	v53 =	vmovc v21;
	v21 =	vsub.f32 v42, v19  }
0x3db: {  	v42 =	vmul.f32 s19, v51;
	[tilespmem:s26+$0x60] =	vst v5;
	v1 =	vmul.f32 v25, v59;
	s17 =	ssub.f32 $1.500000000e+00, s4;
	v2 =	vadd.f32 v2, v13  }
0x3dc: {  	v36 =	vadd.f32 v7, v14;
	v20 =	vmul.f32 v20, v21;
	v21 =	vmul.f32 s19, v49;
	[tilespmem:s26+$0x70] =	vst v0;
	s19 =	sadd.s32 $0x100, s16  }
0x3dd: {  	v32 =	vmul.f32 v10, v37;
	v37 =	vsub.f32 v46, v6;
	v1 =	vadd.f32 v1, v15;
	s8 =	smul.f32 s17, s31;
	[tilespmem:s19+$0xFFFFFF80] =	vst v2  }
0x3de: {  	v4 =	vmul.f32 v42, v61;
	v42 =	vsub.f32 v31, v19;
	[tilespmem:s19+$0xFFFFFF90] =	vst v36;
	v2 =	vadd.f32 v58, v13  }
0x3df: {  	v3 =	vmul.f32 v3, v24;
	v61 =	vsub.f32 v26, v6;
	v63 =	vadd.f32 v20, v12;
	[tilespmem:s19+$0xFFFFFFA0] =	vst v1;
	s23 =	smul.f32 s8, s18  }
0x3e0: {  	v36 =	vsub.f32 v28, v6;
	v0 =	vmul.f32 v21, v33;
	v4 =	vadd.f32 v4, v60;
	[tilespmem:s16+$0x0] =	vst v2  }
0x3e1: {  	v20 =	vsub.f32 v30, v19;
	v7 =	vmul.f32 v34, v42;
	v42 =	vadd.f32 v3, v52;
	[tilespmem:s19+$0xFFFFFFF0] =	vst v63;
	s17 =	smul.f32 s23, s8  }
0x3e2: {  	v57 =	vmovc v9;
	v9 =	vmul.f32 s25, v62;
	v33 =	vsub.f32 v29, v6;
	v0 =	vadd.f32 v0, v55;
	[tilespmem:s19+$0xFFFFFFB0] =	vst v4  }
0x3e3: {  	v34 =	vmul.f32 v11, v38;
	v59 =	vmul.f32 v35, v20;
	v7 =	vadd.f32 v7, v52;
	[tilespmem:s16+$0x60] =	vst v42;
	s17 =	ssub.f32 $1.500000000e+00, s17  }
0x3e4: {  	v38 =	vsub.f32 v47, v6;
	v63 =	vmul.f32 v9, v39;
	v4 =	vadd.f32 v32, v15;
	[tilespmem:s19+$0xFFFFFFC0] =	vst v0  }
0x3e5: {  	v9 =	vsub.f32 v27, v6;
	v35 =	vmul.f32 v16, v41;
	v8 =	vadd.f32 v59, v57;
	[tilespmem:s19+$0xFFFFFFE0] =	vst v7;
	s8 =	smul.f32 s17, s8  }
0x3e6: {  	v16 =	vmul.f32 v17, v40;
	v17 =	vmul.f32 v18, v50;
	v1 =	vadd.f32 v63, v14;
	[tilespmem:s16+$0x20] =	vst v4  }
0x3e7: {  	v39 =	vsub.f32 v45, v6;
	v0 =	vadd.f32 v34, v60;
	[tilespmem:s19+$0xFFFFFFD0] =	vst v8;
	v18 =	vmul.f32 s8, v54  }
0x3e8: {  	v11 =	vadd.f32 v35, v55;
	v41 =	vadd.f32 v16, v57;
	[tilespmem:s16+$0x10] =	vst v1;
	v16 =	vmul.f32 s8, v62  }
0x3e9: {  	v40 =	vsub.f32 v44, v6;
	[tilespmem:s16+$0x30] =	vst v0;
	v43 =	vmul.f32 s8, v56;
	v5 =	vmul.f32 v18, v61  }
0x3ea: {  	v44 =	vadd.f32 v17, v12;
	[tilespmem:s16+$0x40] =	vst v11;
	v45 =	vmul.f32 s8, v51;
	v9 =	vmul.f32 v16, v9  }
0x3eb: {  	[tilespmem:s16+$0x50] =	vst v41;
	v46 =	vmul.f32 s8, v49;
	v3 =	vmul.f32 v43, v33;
	v5 =	vadd.f32 v5, v13  }
0x3ec: {  	[tilespmem:s16+$0x70] =	vst v44;
	v47 =	vmul.f32 s8, v48;
	v8 =	vmul.f32 v45, v36;
	v9 =	vadd.f32 v9, v14  }
0x3ed: {  	v48 =	vmul.f32 s8, v23;
	v0 =	vmul.f32 v46, v37;
	v3 =	vadd.f32 v3, v15;
	[tilespmem:s19+$0x0] =	vst v5  }
0x3ee: {  	v49 =	vmul.f32 s8, v53;
	v2 =	vmul.f32 v47, v38;
	v50 =	vadd.f32 v8, v60;
	[tilespmem:s19+$0x10] =	vst v9  }
0x3ef: {  	v1 =	vmul.f32 v48, v39;
	v0 =	vadd.f32 v0, v55;
	[tilespmem:s19+$0x20] =	vst v3  }
0x3f0: {  	v61 =	vmov v51;
	v51 =	vmul.f32 v49, v40;
	v2 =	vadd.f32 v2, v57;
	[tilespmem:s19+$0x30] =	vst v50  }
0x3f1: {  	v1 =	vadd.f32 v1, v52;
	[tilespmem:s19+$0x40] =	vst v0  }
0x3f2: {  	v58 =	vmov v53;
	v53 =	vadd.f32 v51, v12;
	[tilespmem:s19+$0x50] =	vst v2  }
0x3f3: {  	[tilespmem:s19+$0x60] =	vst v1  }
0x3f4: {  	s24 =	sadd.s32 s6, s12;
	s25 =	simm.s32 $0x16E00;
	s4 =	simm.s32 @!p1 $0x7;
	[tilespmem:s19+$0x70] =	vst v53  }
0x3f5: {  	[hbm4b:s24+s9] =	stream.linear.scatter [tilespmem:s25], [sflag:$0xB], $0x2800, $0x38;
	[tilespmem:$0x1BE00] =	vst v63  }
0x3f6: {  	_ =	swait.ge @!p1 [sflag:s4], $0x2800  }
0x3f7: {  	s12 =	simm.s32 @!p1 $0xCE00;
	[sflag:s4] =	ssyncset.done @!p1 $0x0  }
0x3f8: {  	s8 =	simm.s32 @!p1 $0x50;
	[sflag:s4] =	ssyncadd.s32 @!p1 $0xFFFFD800;
	s4 =	sadd.s32 @!p1 $0x1E0, s22  }
0x3f9: {  	[tilespmem:s12], [sflag:$0x3] =	stream.indirect.gather @!p1 [hbm4b:s1+s8], $0x80, s4, s8, $0xb8;
	[tilespmem:$0x1BE00] =	vst v63  }
0x3fa: {  	_ =	swait.ge [sflag:s30], $0x2800  }
0x3fb: {  	s29 =	simm.s32 $0xF600;
	s12 =	sadd.s32 $0xF00, s21;
	[sflag:s30] =	ssyncset.done $0x0  }
0x3fc: {  	s4 =	simm.s32 @!p0 $0xC;
	s26 =	sadd.s32 s7, s12;
	[sflag:s30] =	ssyncadd.s32 $0xFFFFD800  }
0x3fd: {  	[hbm4b:s26+s9] =	stream.linear.scatter [tilespmem:s29], [sflag:$0x8], $0x2800, $0x38;
	[tilespmem:$0x1BE00] =	vst v63  }
0x3fe: {  	_ =	swait.ge @!p0 [sflag:s4], $0x2800  }
0x3ff: {  	[sflag:s4] =	ssyncset.done @!p0 $0x0  }
0x400: {  	s31 =	simm.s32 $0xF680;
	[sflag:s4] =	ssyncadd.s32 @!p0 $0xFFFFD800  }
0x401: {  	v55 =	vld [tilespmem:s31+$0xFFFFFF80]  }
0x402: {  	v59 =	vmov v56;
	v56 =	vld [tilespmem:s31+$0xFFFFFF90]  }
0x403: {  	v57 =	vld [tilespmem:s31+$0xFFFFFFA0]  }
0x404: {  	s18 =	rddreg [dreg:$0xe];
	v60 =	vld [tilespmem:s31+$0xFFFFFFB0]  }
0x405: {  	s8 =	sadd.s32 $0xFFFFFFFE, s18;
	v63 =	vld [tilespmem:s31+$0xFFFFFFC0]  }
0x406: {  	s21 =	sadd.s32 $0xF2, s8;
	v12 =	vld [tilespmem:s31+$0xFFFFFFD0]  }
0x407: {  	s17 =	simm.s32 $0xFFFF9B80;
	s19 =	rddreg [dreg:$0xf];
	v13 =	vld [tilespmem:s31+$0xFFFFFFE0];
	p0 =	sgt.u32 s21, $0xC7  }
0x408: {  	s16 =	sadd.s32 s5, s19;
	v14 =	vld [tilespmem:s31+$0xFFFFFFF0];
	s17 =	simm.s32 @!p0 $0xFFFFFF80  }
0x409: {  	v25 =	vld [tilespmem:s31+$0x10];
	s17 =	sadd.s32 s17, s16  }
0x40a: {  	v35 =	vld [tilespmem:s17+$0x1900]  }
0x40b: {  	v36 =	vld [tilespmem:s17+$0x1910]  }
0x40c: {  	v37 =	vld [tilespmem:s17+$0x1920]  }
0x40d: {  	v38 =	vld [tilespmem:s17+$0x1930]  }
0x40e: {  	v16 =	vld [tilespmem:s17+$0x1940]  }
0x40f: {  	s8 =	sadd.s32 $0xF3, s8;
	v17 =	vld [tilespmem:s17+$0x1950]  }
0x410: {  	p0 =	sgt.u32 s8, $0xC7;
	s8 =	sadd.s32 $0xFFFF9C00, s16;
	v18 =	vld [tilespmem:s17+$0x1960]  }
0x411: {  	s16 =	smov.u32 @p0 s8;
	v19 =	vld [tilespmem:s17+$0x1970]  }
0x412: {  	v20 =	vld [tilespmem:s16+$0x1900]  }
0x413: {  	v21 =	vld [tilespmem:s16+$0x1910]  }
0x414: {  	v39 =	vld [tilespmem:s16+$0x1920];
	v31 =	vadd.f32 v35, v55;
	v32 =	vadd.f32 v36, v56  }
0x415: {  	v40 =	vld [tilespmem:s16+$0x1930];
	v30 =	vadd.f32 v37, v57;
	v29 =	vadd.f32 v38, v60  }
0x416: {  	v41 =	vld [tilespmem:s16+$0x1940];
	v28 =	vadd.f32 v16, v63;
	v27 =	vadd.f32 v17, v12  }
0x417: {  	v3 =	vld [tilespmem:s16+$0x1950];
	v26 =	vadd.f32 v18, v13;
	v33 =	vadd.f32 v19, v14  }
0x418: {  	v7 =	vld [tilespmem:s16+$0x1960];
	v47 =	vadd.f32 v32, v31;
	v48 =	vmul.f32 v31, v31;
	v49 =	vmul.f32 v32, v32  }
0x419: {  	v53 =	vld [tilespmem:s16+$0x1970];
	v50 =	vadd.f32 v29, v30;
	v51 =	vmul.f32 v30, v30;
	v52 =	vmul.f32 v29, v29  }
0x41a: {  	v19 =	vld [tilespmem:s31+$0x0];
	v16 =	vadd.f32 v27, v28;
	v17 =	vmul.f32 v28, v28;
	v18 =	vmul.f32 v27, v27  }
0x41b: {  	v56 =	vld [tilespmem:s31+$0x20];
	v22 =	vadd.f32 v33, v26;
	v23 =	vmul.f32 v26, v26;
	v24 =	vmul.f32 v33, v33  }
0x41c: {  	v12 =	vld [tilespmem:s31+$0x50];
	v5 =	vadd.f32 v49, v48;
	v55 =	vadd.f32 v52, v51  }
0x41d: {  	v13 =	vld [tilespmem:s31+$0x60];
	v57 =	vadd.f32 v18, v17;
	v17 =	vadd.f32 v24, v23  }
0x41e: {  	v14 =	vld [tilespmem:s31+$0x70];
	v4 =	vadd.f32 v50, v47;
	v60 =	vadd.f32 v22, v16  }
0x41f: {  	v18 =	vld [tilespmem:s31+$0x30];
	v5 =	vadd.f32 v55, v5;
	v63 =	vadd.f32 v17, v57  }
0x420: {  	v16 =	vld [tilespmem:s31+$0x40];
	v4 =	vadd.f32 v60, v4  }
0x421: {  	s22 =	rddreg [dreg:$0xe];
	v34 =	vadd.f32 v21, v25;
	v5 =	vadd.f32 v63, v5  }
0x422: {  	s8 =	sadd.s32 $0x0, s22;
	v44 =	vadd.f32 v20, v19;
	v36 =	vadd.f32 v39, v56;
	(xrf2) =	vadd.scan.msk.f32 $0xffff, v4  }
0x423: {  	s23 =	rddreg [dreg:$0xf];
	s4 =	simm.s32 $0xF780;
	s24 =	sadd.s32 $0xF2, s8;
	v43 =	vadd.f32 v3, v12;
	v45 =	vadd.f32 v7, v13;
	(xrf2) =	vadd.scan.msk.f32 $0xffff, v5  }
0x424: {  	s18 =	simm.s32 $0xFFFF9B80;
	s17 =	sadd.s32 $0x100, s5;
	p0 =	sgt.u32 s24, $0xC7;
	v50 =	vmul.f32 v34, v34;
	v39 =	vadd.f32 v53, v14;
	v48 =	vadd.f32 v34, v44  }
0x425: {  	s8 =	sadd.s32 $0xF3, s8;
	s16 =	sadd.s32 s17, s23;
	s18 =	simm.s32 @!p0 $0xFFFFFF80;
	v49 =	vmul.f32 v44, v44;
	v35 =	vadd.f32 v40, v18;
	v42 =	vadd.f32 v41, v16  }
0x426: {  	v46 =	vld [tilespmem:s4+$0xFFFFFFB0];
	p0 =	sgt.u32 s8, $0xC7;
	s8 =	sadd.s32 $0xFFFF9C00, s16;
	s18 =	sadd.s32 s18, s16;
	v52 =	vmul.f32 v36, v36;
	v57 =	vmul.f32 v43, v43;
	v8 =	vadd.f32 v39, v45  }
0x427: {  	s16 =	smov.u32 @p0 s8;
	v21 =	vld [tilespmem:s18+$0x1950];
	v60 =	vmul.f32 v45, v45;
	v51 =	vadd.f32 v35, v36;
	v56 =	vadd.f32 v43, v42  }
0x428: {  	v25 =	vld [tilespmem:s16+$0x1900];
	v63 =	vmul.f32 v39, v39;
	v1 =	vadd.f32 v50, v49;
	v53 =	vmul.f32 v35, v35  }
0x429: {  	v38 =	vld [tilespmem:s16+$0x1910];
	v55 =	vmul.f32 v42, v42;
	v0 =	vadd.f32 v51, v48;
	v2 =	vadd.f32 v8, v56  }
0x42a: {  	v47 =	vld [tilespmem:s4+$0xFFFFFFC0];
	v3 =	vadd.f32 v63, v60;
	v4 =	vadd.f32 v53, v52  }
0x42b: {  	v23 =	vld [tilespmem:s18+$0x1960];
	v11 =	vadd.f32 v57, v55;
	v0 =	vadd.f32 v2, v0  }
0x42c: {  	v24 =	vld [tilespmem:s18+$0x1970];
	v1 =	vadd.f32 v4, v1;
	v13, _, _ =	vpop (xrf2)  }
0x42d: {  	v12 =	vld [tilespmem:s4+$0xFFFFFF80];
	v3 =	vadd.f32 v3, v11;
	(xrf2) =	vadd.scan.msk.f32 $0xffff, v0;
	(v2sf) =	vpush v13, $0xF;
	v40, _, _ =	vpop (xrf2)  }
0x42e: {  	v14 =	vld [tilespmem:s4+$0xFFFFFF90];
	(v2sf) =	vpush v40, $0xF  }
0x42f: {  	v7 =	vld [tilespmem:s16+$0x1960];
	v1 =	vadd.f32 v3, v1  }
0x430: {  	v41 =	vld [tilespmem:s4+$0xFFFFFFA0]  }
0x431: {  	v49 =	vld [tilespmem:s4+$0xFFFFFFE0];
	(xrf2) =	vadd.scan.msk.f32 $0xffff, v1  }
0x432: {  	v18 =	vld [tilespmem:s18+$0x1940]  }
0x433: {  	v51 =	vld [tilespmem:s18+$0x1900]  }
0x434: {  	v52 =	vld [tilespmem:s18+$0x1910]  }
0x435: {  	v53 =	vld [tilespmem:s18+$0x1920]  }
0x436: {  	v48 =	vld [tilespmem:s4+$0xFFFFFFD0]  }
0x437: {  	v55 =	vld [tilespmem:s18+$0x1930];
	v16, _, _ =	vpop (xrf2)  }
0x438: {  	v50 =	vld [tilespmem:s4+$0xFFFFFFF0];
	(v2sf) =	vpush v16, $0xF  }
0x439: {  	v18 =	vadd.f32 v18, v47;
	v2 =	vld [tilespmem:s16+$0x1920];
	v19 =	vadd.f32 v51, v12  }
0x43a: {  	v4 =	vld [tilespmem:s16+$0x1930];
	v20 =	vadd.f32 v52, v14;
	v17 =	vadd.f32 v53, v41  }
0x43b: {  	v11 =	vld [tilespmem:s16+$0x1970];
	v22 =	vadd.f32 v21, v48;
	v21 =	vadd.f32 v23, v49;
	v16, _, _ =	vpop (xrf2)  }
0x43c: {  	v0 =	vld [tilespmem:s16+$0x1940];
	s25 =	spop (v2sf);
	(v2sf) =	vpush v16, $0xF;
	v16 =	vadd.f32 v55, v46  }
0x43d: {  	v63 =	vmul.f32 v18, v18;
	v23 =	vadd.f32 v24, v50;
	v1 =	vld [tilespmem:s16+$0x1950];
	v56 =	vadd.f32 v20, v19;
	[tilespmem:$0x1FD60] =	vst v18;
	s18 =	smul.f32 $7.812500000e-03, s25;
	s26 =	spop (v2sf)  }
0x43e: {  	v6 =	vmul.f32 v19, v19;
	v57 =	vadd.f32 v22, v18;
	v9 =	vmul.f32 v20, v20;
	[tilespmem:$0x1FD50] =	vst v16;
	s8 =	smul.f32 $7.812500000e-03, s26  }
0x43f: {  	v10 =	vmul.f32 v17, v17;
	v24 =	vadd.f32 v23, v21;
	v12 =	vmul.f32 v22, v22;
	s31 =	smul.f32 s18, s18;
	v41 =	vld [tilespmem:s4+$0x0];
	[tilespmem:$0x1FD70] =	vst v21  }
0x440: {  	v13 =	vmul.f32 v21, v21;
	v52 =	vmul.f32 v23, v23;
	v5 =	vadd.f32 v16, v17;
	v14 =	vld [tilespmem:s4+$0x10]  }
0x441: {  	v51 =	vadd.f32 v24, v57;
	v6 =	vadd.f32 v9, v6;
	v60 =	vmul.f32 v16, v16;
	v24 =	vld [tilespmem:s4+$0x20];
	s8 =	ssub.f32 s8, s31  }
0x442: {  	v8 =	vadd.f32 v52, v13;
	v3 =	vadd.f32 v5, v56;
	v55 =	vld [tilespmem:s4+$0x30]  }
0x443: {  	v53 =	vadd.f32 v60, v10;
	v56 =	vadd.f32 v12, v63;
	v57 =	vld [tilespmem:s4+$0x40];
	s8 =	sadd.f32 $9.999999960e-13, s8  }
0x444: {  	v60 =	vld [tilespmem:s4+$0x50]  }
0x445: {  	v63 =	vld [tilespmem:s4+$0x60];
	v6 =	vadd.f32 v53, v6;
	v8 =	vadd.f32 v8, v56;
	s19 =	sshra.s32 s8, $0x1;
	s8 =	smul.f32 $5.000000000e-01, s8  }
0x446: {  	v3 =	vadd.f32 v51, v3;
	s16 =	ssub.s32 $0x5F3759DF, s19  }
0x447: {  	v51 =	vadd.f32 v25, v41;
	v25 =	vld [tilespmem:s4+$0x70];
	v6 =	vadd.f32 v8, v6;
	s22 =	spop (v2sf);
	s21 =	smul.f32 s16, s8  }
0x448: {  	v38 =	vadd.f32 v38, v14;
	v40 =	vadd.f32 v2, v24;
	s19 =	smul.f32 $7.812500000e-03, s22  }
0x449: {  	v16 =	vadd.f32 v4, v55;
	v41 =	vadd.f32 v0, v57;
	s23 =	smul.f32 s16, s21  }
0x44a: {  	(xrf2) =	vadd.scan.msk.f32 $0xffff, v3;
	v52 =	vadd.f32 v1, v60;
	v50 =	vadd.f32 v7, v63;
	s26 =	smul.f32 s19, s19  }
0x44b: {  	v13 =	vmul.f32 v51, v51;
	v12 =	vadd.f32 v38, v51;
	v14 =	vmul.f32 v38, v38;
	s24 =	ssub.f32 $1.500000000e+00, s23;
	s25 =	spop (v2sf)  }
0x44c: {  	v37 =	vmul.f32 v40, v40;
	v47 =	vmul.f32 v16, v16;
	v25 =	vadd.f32 v11, v25;
	s21 =	smul.f32 $7.812500000e-03, s25  }
0x44d: {  	(xrf2) =	vadd.scan.msk.f32 $0xffff, v6;
	v46 =	vadd.f32 v16, v40;
	v53 =	vmul.f32 v41, v41;
	v55 =	vmul.f32 v52, v52;
	s4 =	smul.f32 s16, s24  }
0x44e: {  	v56 =	vadd.f32 v52, v41;
	v57 =	vmul.f32 v50, v50;
	v63 =	vadd.f32 v25, v50  }
0x44f: {  	v0 =	vadd.f32 v14, v13;
	v4 =	vadd.f32 v47, v37;
	v60 =	vmul.f32 v25, v25;
	s16 =	ssub.f32 s21, s26;
	s31 =	smul.f32 s4, s8  }
0x450: {  	v1 =	vadd.f32 v46, v12;
	v11 =	vadd.f32 v63, v56  }
0x451: {  	v24 =	vld [tilespmem:$0x1FFC0];
	v3 =	vadd.f32 v55, v53;
	v10 =	vadd.f32 v60, v57;
	s23 =	sadd.f32 $9.999999960e-13, s16;
	s16 =	simm.s32 $0xF880;
	s22 =	smul.f32 s31, s4  }
0x452: {  	s24 =	rddreg [dreg:$0xe];
	v1 =	vadd.f32 v11, v1;
	v5 =	vld [tilespmem:s16+$0xFFFFFF80]  }
0x453: {  	v0 =	vadd.f32 v4, v0;
	v3 =	vadd.f32 v10, v3;
	v4 =	vld [tilespmem:s16+$0xFFFFFF90];
	s21 =	ssub.f32 $1.500000000e+00, s22  }
0x454: {  	v12, _, _ =	vpop (xrf2);
	v2 =	vld [tilespmem:s16+$0xFFFFFFA0];
	s31 =	rddreg [dreg:$0xf];
	(xrf2) =	vadd.scan.msk.f32 $0xffff, v1  }
0x455: {  	v0 =	vadd.f32 v3, v0;
	v18 =	vld [tilespmem:s16+$0xFFFFFFB0];
	s26 =	sshra.s32 s23, $0x1;
	s22 =	sadd.s32 $0x2, s24;
	s25 =	smul.f32 s21, s4  }
0x456: {  	v14 =	vmov s19;
	v1 =	vld [tilespmem:s16+$0xFFFFFFC0];
	s24 =	ssub.s32 $0x5F3759DF, s26;
	s26 =	sadd.s32 $0xF2, s22;
	s4 =	smul.f32 $5.000000000e-01, s23  }
0x457: {  	v48 =	vsub.f32 v44, v14;
	v49 =	vsub.f32 v34, v14;
	v13, _, _ =	vpop (xrf2);
	v6 =	vld [tilespmem:s16+$0xFFFFFFE0];
	(xrf2) =	vadd.scan.msk.f32 $0xffff, v0;
	p0 =	sgt.u32 s26, $0xC7;
	s21 =	sadd.s32 $0x100, s17;
	s26 =	simm.s32 $0xFFFF9B80  }
0x458: {  	v53 =	vsub.f32 v36, v14;
	v55 =	vsub.f32 v35, v14;
	v8 =	vld [tilespmem:s16+$0xFFFFFFF0];
	s17 =	sadd.s32 s21, s31;
	s26 =	simm.s32 @!p0 $0xFFFFFF80;
	s8 =	smul.f32 s25, s8  }
0x459: {  	v43 =	vsub.f32 v43, v14;
	v35 =	vsub.f32 v45, v14;
	v0 =	vld [tilespmem:s16+$0xFFFFFFD0];
	s31 =	smul.f32 s24, s4;
	s23 =	sadd.s32 s26, s17  }
0x45a: {  	v44 =	vmov s18;
	v36 =	vsub.f32 v39, v14;
	(v2sf) =	vpush v12, $0xF;
	v9 =	vld [tilespmem:s23+$0x1900];
	s8 =	smul.f32 s8, s25  }
0x45b: {  	v33 =	vsub.f32 v33, v44;
	v31 =	vsub.f32 v31, v44;
	v10 =	vld [tilespmem:s23+$0x1910];
	s19 =	smul.f32 s24, s31  }
0x45c: {  	v32 =	vsub.f32 v32, v44;
	(v2sf) =	vpush v13, $0xF;
	v11 =	vld [tilespmem:s23+$0x1920];
	[tilespmem:$0x1FD80] =	vst v35;
	s8 =	ssub.f32 $1.500000000e+00, s8  }
0x45d: {  	v47 =	vsub.f32 v30, v44;
	v56 =	vsub.f32 v42, v14;
	v42 =	vld [tilespmem:s23+$0x1930];
	[tilespmem:$0x1FD90] =	vst v36;
	s19 =	ssub.f32 $1.500000000e+00, s19  }
0x45e: {  	v29 =	vsub.f32 v29, v44;
	v28 =	vsub.f32 v28, v44;
	v39 =	vld [tilespmem:s23+$0x1940];
	v30, _, _ =	vpop (xrf2);
	s8 =	smul.f32 s8, s25  }
0x45f: {  	v27 =	vsub.f32 v27, v44;
	s22 =	sadd.s32 $0xF3, s22;
	v45 =	vld [tilespmem:s23+$0x1950];
	(v2sf) =	vpush v30, $0xF;
	s18 =	smul.f32 s24, s19  }
0x460: {  	v21 =	vmovc v58;
	v3 =	vmov v59;
	p0 =	sgt.u32 s22, $0xC7;
	v57 =	vld [tilespmem:s23+$0x1960];
	s19 =	sadd.s32 $0xFFFF9C00, s17;
	v36 =	vadd.f32 v9, v5;
	v35 =	vadd.f32 v10, v4  }
0x461: {  	v30, _, _ =	vpop (xrf2);
	v34 =	vadd.f32 v11, v2;
	s17 =	smov.u32 @p0 s19;
	v37 =	vmul.f32 s8, v58;
	v58 =	vmul.f32 s8, v59;
	v59 =	vld [tilespmem:s23+$0x1970];
	s23 =	smul.f32 s18, s4  }
0x462: {  	v12 =	vmovc v61;
	(v2sf) =	vpush v30, $0xF;
	v7 =	vmul.f32 s8, v54;
	v60 =	vmul.f32 s8, v61;
	v61 =	vld [tilespmem:s17+$0x1900]  }
0x463: {  	v46 =	vmul.f32 s8, v62;
	v5 =	vld [tilespmem:s17+$0x1910];
	v14 =	vmul.f32 v37, v33;
	s19 =	smul.f32 s23, s18;
	v33 =	vadd.f32 v42, v18  }
0x464: {  	v2 =	vld [tilespmem:s17+$0x1920];
	v30 =	vadd.f32 v45, v0;
	v9 =	vmul.f32 v36, v36;
	v45 =	vmul.f32 v34, v34  }
0x465: {  	v10 =	vld [tilespmem:s17+$0x1950];
	v15 =	vmul.f32 v7, v31;
	v7 =	vadd.f32 v35, v36;
	s19 =	ssub.f32 $1.500000000e+00, s19;
	v4 =	vadd.f32 v33, v34  }
0x466: {  	v0 =	vld [tilespmem:s16+$0x10];
	v37 =	vmul.f32 v46, v32;
	v32 =	vadd.f32 v39, v1;
	v31 =	vadd.f32 v57, v6  }
0x467: {  	v13 =	vmul.f32 v58, v47;
	v42 =	vadd.f32 v59, v8;
	s18 =	smul.f32 s19, s18;
	v7 =	vadd.f32 v4, v7;
	v4 =	vld [tilespmem:$0x1FFE0]  }
0x468: {  	v44 =	vsub.f32 v26, v44;
	v39 =	vmul.f32 v35, v35;
	v26 =	vmul.f32 v30, v30;
	v18 =	vld [tilespmem:$0x1FFA0]  }
0x469: {  	s24 =	spop (v2sf);
	v1 =	vld [tilespmem:s17+$0x1930];
	v11 =	vadd.f32 v30, v32;
	v47 =	vmul.f32 v33, v33;
	v46 =	vadd.f32 v42, v31;
	s4 =	smul.f32 s18, s4  }
0x46a: {  	s26 =	smul.f32 $7.812500000e-03, s24;
	v58 =	vmul.f32 v32, v32;
	v63 =	vmul.f32 v31, v31;
	v9 =	vadd.f32 v39, v9;
	v59 =	vld [tilespmem:s16+$0x0]  }
0x46b: {  	s25 =	spop (v2sf);
	v45 =	vadd.f32 v47, v45;
	v8 =	vadd.f32 v46, v11;
	v11 =	vmul.f32 v42, v42;
	v46 =	vld [tilespmem:s16+$0x20];
	s4 =	smul.f32 s4, s18  }
0x46c: {  	s22 =	smul.f32 $7.812500000e-03, s25;
	v6 =	vld [tilespmem:s17+$0x1940];
	v60 =	vmul.f32 v60, v29;
	v26 =	vadd.f32 v26, v58;
	v39 =	vmul.f32 s8, v4  }
0x46d: {  	s31 =	smul.f32 s26, s26;
	v47 =	vld [tilespmem:s16+$0x30];
	v29 =	vmul.f32 s8, v18;
	v9 =	vadd.f32 v45, v9;
	v11 =	vadd.f32 v11, v63;
	s4 =	ssub.f32 $1.500000000e+00, s4  }
0x46e: {  	v58 =	vld [tilespmem:s16+$0x40];
	v7 =	vadd.f32 v8, v7;
	v39 =	vmul.f32 v39, v28;
	v28 =	vmul.f32 s8, v24  }
0x46f: {  	s22 =	ssub.f32 s22, s31;
	v8 =	vld [tilespmem:s16+$0x50];
	v11 =	vadd.f32 v11, v26;
	v26 =	vadd.f32 v61, v59;
	v59 =	vmul.f32 v29, v44;
	s4 =	smul.f32 s4, s18  }
0x470: {  	v29 =	vadd.f32 v2, v46;
	v2 =	vld [tilespmem:s16+$0x70];
	v63 =	vmul.f32 v28, v27;
	v27 =	vadd.f32 v5, v0  }
0x471: {  	s19 =	sadd.f32 $9.999999960e-13, s22;
	v0 =	vld [tilespmem:s17+$0x1970];
	v9 =	vadd.f32 v11, v9;
	v11 =	vmul.f32 s4, v54  }
0x472: {  	v28 =	vadd.f32 v1, v47;
	v54 =	vmul.f32 v26, v26;
	v61 =	vmul.f32 v27, v27  }
0x473: {  	v57 =	vld [tilespmem:s17+$0x1960];
	s23 =	sshra.s32 s19, $0x1;
	s19 =	smul.f32 $5.000000000e-01, s19;
	v46 =	vadd.f32 v6, v58  }
0x474: {  	v45 =	vld [tilespmem:s16+$0x60];
	s22 =	ssub.s32 $0x5F3759DF, s23;
	v6 =	vadd.f32 v61, v54;
	v54 =	vmul.f32 v29, v29;
	v61 =	vmul.f32 v28, v28  }
0x475: {  	s24 =	smul.f32 s22, s19;
	v47 =	vadd.f32 v10, v8  }
0x476: {  	v44 =	vadd.f32 v0, v2;
	v0 =	vadd.f32 v61, v54;
	v61 =	vld [tilespmem:$0x1FF60]  }
0x477: {  	s25 =	spop (v2sf);
	s31 =	smul.f32 s22, s24;
	(xrf2) =	vadd.scan.msk.f32 $0xffff, v7;
	v7 =	vmul.f32 s4, v62;
	v1 =	vadd.f32 v27, v26;
	v10 =	vadd.f32 v28, v29  }
0x478: {  	s8 =	smul.f32 $7.812500000e-03, s25;
	s23 =	spop (v2sf);
	v62 =	vmul.f32 v46, v46;
	v5 =	vmul.f32 v47, v47  }
0x479: {  	v45 =	vadd.f32 v57, v45;
	s17 =	smul.f32 $7.812500000e-03, s23;
	v1 =	vadd.f32 v10, v1  }
0x47a: {  	s24 =	smul.f32 s8, s8;
	v10 =	vadd.f32 v47, v46;
	v2 =	vadd.f32 v5, v62  }
0x47b: {  	v57 =	vadd.f32 v44, v45;
	v62 =	vadd.f32 v14, v61  }
0x47c: {  	s17 =	ssub.f32 s17, s24;
	s24 =	simm.s32 $0x19680  }
0x47d: {  	(xrf2) =	vadd.scan.msk.f32 $0xffff, v9;
	v9 =	vadd.f32 v57, v10;
	v57 =	vld [tilespmem:$0x1FFD0];
	[tilespmem:s24+$0xFFFFFFF0] =	vst v62  }
0x47e: {  	v61 =	vld [tilespmem:$0x1FFB0];
	_ =	sdelay $0x1  }
0x47f: {  	v54 =	vmul.f32 v45, v45;
	v58 =	vmul.f32 v44, v44  }
0x480: {  	v0 =	vadd.f32 v0, v6  }
0x481: {  	v8 =	vmul.f32 s4, v3;
	v6 =	vadd.f32 v58, v54;
	v58 =	vadd.f32 v15, v57  }
0x482: {  	v62 =	vadd.f32 v37, v61  }
0x483: {  	v54 =	vmul.f32 v8, v53;
	v8 =	vld [tilespmem:$0x1FF90];
	[tilespmem:s24+$0xFFFFFF80] =	vst v58  }
0x484: {  	[tilespmem:s24+$0xFFFFFF90] =	vst v62  }
0x485: {  	v14 =	vmul.f32 s4, v12;
	v12 =	vld [tilespmem:$0x1FF80];
	_ =	sdelay $0x2  }
0x486: {  	v3 =	vadd.f32 v13, v8  }
0x487: {  	s18 =	ssub.f32 $1.500000000e+00, s31  }
0x488: {  	[tilespmem:s24+$0xFFFFFFA0] =	vst v3;
	v13 =	vadd.f32 v60, v12  }
0x489: {  	s16 =	smul.f32 s22, s18;
	v3 =	vld [tilespmem:$0x1FF70]  }
0x48a: {  	v37 =	vld [tilespmem:$0x1FF10];
	[tilespmem:s24+$0xFFFFFFB0] =	vst v13  }
0x48b: {  	s22 =	smul.f32 s16, s19;
	v53 =	vld [tilespmem:$0x1FF20];
	_ =	sdelay $0x1  }
0x48c: {  	s25 =	smul.f32 s22, s16  }
0x48d: {  	s17 =	sadd.f32 $9.999999960e-13, s17;
	v3 =	vadd.f32 v39, v3  }
0x48e: {  	s22 =	ssub.f32 $1.500000000e+00, s25;
	v39 =	vadd.f32 v63, v37  }
0x48f: {  	s31 =	sshra.s32 s17, $0x1;
	s18 =	smul.f32 $5.000000000e-01, s17;
	v10 =	vmul.f32 s4, v4;
	[tilespmem:s24+$0xFFFFFFC0] =	vst v3;
	v4 =	vadd.f32 v59, v53  }
0x490: {  	s17 =	ssub.s32 $0x5F3759DF, s31;
	s22 =	smul.f32 s22, s16;
	[tilespmem:s24+$0xFFFFFFD0] =	vst v39  }
0x491: {  	v48 =	vmul.f32 v11, v48;
	s23 =	smul.f32 s17, s18;
	v11, _, _ =	vpop (xrf2);
	[tilespmem:s24+$0xFFFFFFE0] =	vst v4  }
0x492: {  	(v2sf) =	vpush v11, $0xF;
	s19 =	smul.f32 s22, s19;
	v55 =	vmul.f32 v14, v55;
	v14 =	vmul.f32 s4, v24;
	v3 =	vld [tilespmem:$0x1FD80]  }
0x493: {  	s16 =	smul.f32 s17, s23;
	v1 =	vadd.f32 v9, v1;
	v2 =	vadd.f32 v6, v2;
	v57 =	vmul.f32 v10, v56;
	v56, _, _ =	vpop (xrf2);
	v63 =	vld [tilespmem:$0x1FD90]  }
0x494: {  	s19 =	smul.f32 s19, s22;
	(v2sf) =	vpush v56, $0xF;
	v58 =	vmul.f32 v14, v43;
	v60 =	vmov s8  }
0x495: {  	s25 =	ssub.f32 $1.500000000e+00, s16;
	v61 =	vmul.f32 s4, v21;
	v62 =	vadd.f32 v2, v0;
	v43 =	vsub.f32 v51, v60  }
0x496: {  	s31 =	ssub.f32 $1.500000000e+00, s19;
	v37 =	vsub.f32 v40, v60;
	v41 =	vsub.f32 v41, v60;
	v59 =	vmul.f32 s4, v18  }
0x497: {  	v49 =	vmul.f32 v7, v49;
	s16 =	simm.s32 $0x4;
	s8 =	smul.f32 s17, s25;
	v40 =	vsub.f32 v52, v60;
	v39 =	vsub.f32 v38, v60  }
0x498: {  	(xrf2) =	vadd.scan.msk.f32 $0xffff, v1;
	s17 =	simm.s32 $0xF980;
	v38 =	vsub.f32 v16, v60;
	s4 =	smul.f32 s31, s22;
	s22 =	simm.s32 $0x19680;
	v59 =	vmul.f32 v59, v3;
	v51 =	vmul.f32 v61, v63  }
.LBB2_9:
0x499: {  	v61 =	vld [tilespmem:s17+$0xFFFFFF80]  }
0x49a: {  	v56 =	vsub.f32 v50, v60;
	v1 =	vsub.f32 v25, v60;
	v60 =	vld [tilespmem:$0x1FF40]  }
0x49b: {  	v5 =	vld [tilespmem:s17+$0xFFFFFFA0]  }
0x49c: {  	v63 =	vld [tilespmem:$0x1FF50]  }
0x49d: {  	v12 =	vld [tilespmem:$0x1FF00]  }
0x49e: {  	v9 =	vld [tilespmem:s17+$0xFFFFFFB0]  }
0x49f: {  	v18 =	vld [tilespmem:$0x1FFE0]  }
0x4a0: {  	v16 =	vld [tilespmem:$0x1FFC0]  }
0x4a1: {  	v25 =	vmov v44;
	v44 =	vld [tilespmem:s17+$0xFFFFFFD0]  }
0x4a2: {  	v14 =	vld [tilespmem:$0x1FFA0]  }
0x4a3: {  	v13 =	vld [tilespmem:$0x1FD50]  }
0x4a4: {  	v52 =	vmov v46;
	v46 =	vld [tilespmem:s17+$0xFFFFFFE0]  }
0x4a5: {  	v53 =	vmov v47;
	v47 =	vld [tilespmem:$0x1FD60]  }
0x4a6: {  	v0 =	vmov s26;
	v15 =	vmov v33;
	(xrf2) =	vadd.scan.msk.f32 $0xffff, v62;
	v62 =	vld [tilespmem:$0x1FF30]  }
0x4a7: {  	v8 =	vsub.f32 v19, v0;
	v19 =	vld [tilespmem:$0x1FFF0]  }
0x4a8: {  	v24 =	vmov v42;
	v42 =	vsub.f32 v17, v0;
	[tilespmem:$0x1FD50] =	vst v15;
	v17 =	vld [tilespmem:$0x1FFD0]  }
0x4a9: {  	[tilespmem:$0x1FD40] =	vst v1;
	v1 =	vld [tilespmem:s17+$0xFFFFFF90];
	v15 =	vmov v32  }
0x4aa: {  	v11 =	vsub.f32 v20, v0;
	v32 =	vld [tilespmem:$0x1FD70];
	v2 =	vmul.f32 s4, v60  }
0x4ab: {  	v21 =	vmovc v36;
	v50 =	vmovc v45;
	v33 =	vsub.f32 v22, v0;
	v6 =	vmul.f32 s4, v63;
	v45 =	vsub.f32 v13, v0;
	v13 =	vld [tilespmem:$0x1FF60]  }
0x4ac: {  	[tilespmem:$0x1FD60] =	vst v15;
	v36 =	vmul.f32 s4, v16;
	v15 =	vmovc v31;
	v2 =	vmul.f32 v2, v8;
	v8 =	vsub.f32 v47, v0;
	v47 =	vld [tilespmem:s17+$0xFFFFFFF0]  }
0x4ad: {  	s19 =	rddreg [dreg:$0xe];
	v4 =	vsub.f32 v23, v0;
	v3 =	vmul.f32 s4, v62;
	[tilespmem:$0x1FD70] =	vst v15;
	v15 =	vld [tilespmem:$0x1FFB0]  }
0x4ae: {  	s25 =	rddreg [dreg:$0xf];
	s23 =	smul.f32 s8, s18;
	v6 =	vmul.f32 v6, v11;
	v11 =	vmul.f32 v36, v33;
	v36 =	vld [tilespmem:$0x1FF80]  }
0x4af: {  	s21 =	sadd.s32 $0x100, s21;
	s24 =	sadd.s32 $0x100, s24;
	s19 =	sadd.s32 s16, s19;
	v10 =	vmul.f32 s4, v19;
	v33 =	vld [tilespmem:$0x1FF10];
	v3 =	vmul.f32 v3, v4  }
0x4b0: {  	v23 =	vmovc v35;
	v20 =	vmov v34;
	s31 =	sadd.s32 $0xF2, s19;
	s19 =	sadd.s32 $0xF3, s19;
	s23 =	smul.f32 s23, s8;
	v35 =	vmul.f32 s4, v18;
	v34 =	vmul.f32 s4, v14;
	v4 =	vld [tilespmem:s17+$0xFFFFFFC0]  }
0x4b1: {  	p2 =	sgt.u32 s31, $0xC7;
	p0 =	sgt.u32 s19, $0xC7;
	s19 =	simm.s32 $0xFFFF9B80;
	v0 =	vsub.f32 v32, v0;
	v10 =	vmul.f32 v10, v45;
	v45 =	vld [tilespmem:$0x1FF90];
	v3 =	vadd.f32 v3, v13  }
0x4b2: {  	s19 =	simm.s32 @!p2 $0xFFFFFF80;
	v7 =	vmul.f32 s4, v12;
	s23 =	ssub.f32 $1.500000000e+00, s23;
	s4 =	sadd.s32 s21, s25;
	v8 =	vmul.f32 v35, v8;
	v35 =	vld [tilespmem:$0x1FF70]  }
0x4b3: {  	s19 =	sadd.s32 s19, s4;
	v0 =	vmul.f32 v34, v0;
	v34 =	vld [tilespmem:$0x1FF20];
	[tilespmem:s24+$0xFFFFFFF0] =	vst v3  }
0x4b4: {  	v7 =	vmul.f32 v7, v42;
	s8 =	smul.f32 s23, s8;
	v42, _, _ =	vpop (xrf2);
	v2 =	vadd.f32 v2, v17;
	v3 =	vld [tilespmem:s19+$0x1900]  }
0x4b5: {  	(v2sf) =	vpush v42, $0xF;
	v32 =	vld [tilespmem:s19+$0x1910]  }
0x4b6: {  	v22 =	vmov v30;
	s26 =	smul.f32 s8, s18;
	v51 =	vadd.f32 v51, v13;
	v30 =	vld [tilespmem:s19+$0x1920];
	[tilespmem:s24+$0xFFFFFF80] =	vst v2;
	v2 =	vadd.f32 v6, v15  }
0x4b7: {  	v31, _, _ =	vpop (xrf2);
	v10 =	vadd.f32 v10, v36;
	v6 =	vadd.f32 v7, v45;
	v7 =	vld [tilespmem:s19+$0x1930]  }
0x4b8: {  	s25 =	sadd.s32 $0xFFFF9C00, s4;
	s18 =	smul.f32 s26, s8;
	s31 =	spop (v2sf);
	(v2sf) =	vpush v31, $0xF;
	v45 =	vadd.f32 v54, v45;
	v42 =	vld [tilespmem:s19+$0x1940];
	[tilespmem:s24+$0xFFFFFF90] =	vst v2  }
0x4b9: {  	s4 =	smov.u32 @p0 s25;
	v8 =	vadd.f32 v8, v35;
	s26 =	smul.f32 $7.812500000e-03, s31;
	s25 =	spop (v2sf);
	v2 =	vadd.f32 v11, v33;
	v11 =	vld [tilespmem:s19+$0x1950];
	[tilespmem:s24+$0xFFFFFFA0] =	vst v6  }
0x4ba: {  	s18 =	ssub.f32 $1.500000000e+00, s18;
	v0 =	vadd.f32 v0, v34;
	s23 =	smul.f32 $7.812500000e-03, s25;
	v6 =	vadd.f32 v48, v17;
	v31 =	vld [tilespmem:s19+$0x1960];
	[tilespmem:s24+$0xFFFFFFB0] =	vst v10  }
0x4bb: {  	s31 =	smul.f32 s26, s26;
	v10 =	vadd.f32 v49, v15;
	v49 =	vadd.f32 v57, v35;
	v48 =	vld [tilespmem:s19+$0x1970];
	[tilespmem:s24+$0xFFFFFFC0] =	vst v8  }
0x4bc: {  	v54 =	vld [tilespmem:s4+$0x1900];
	s18 =	smul.f32 s18, s8;
	v8 =	vadd.f32 v55, v36;
	[tilespmem:s24+$0xFFFFFFD0] =	vst v2;
	v2 =	vadd.f32 v58, v33  }
0x4bd: {  	v55 =	vadd.f32 v59, v34;
	v35 =	vadd.f32 v32, v1;
	v1 =	vld [tilespmem:s4+$0x1910];
	s25 =	ssub.f32 s23, s31;
	[tilespmem:s24+$0xFFFFFFE0] =	vst v0  }
0x4be: {  	v36 =	vadd.f32 v3, v61;
	v34 =	vadd.f32 v30, v5;
	v0 =	vld [tilespmem:s4+$0x1920];
	v3 =	vmul.f32 s18, v60;
	[tilespmem:s22+$0x0] =	vst v6  }
0x4bf: {  	v5 =	vmul.f32 s18, v63;
	v33 =	vadd.f32 v7, v9;
	v32 =	vadd.f32 v42, v4;
	v4 =	vld [tilespmem:s4+$0x1930];
	[tilespmem:s22+$0x10] =	vst v10;
	s8 =	sadd.f32 $9.999999960e-13, s25  }
0x4c0: {  	v7 =	vmul.f32 s18, v12;
	v6 =	vld [tilespmem:s4+$0x1940];
	[tilespmem:s22+$0x20] =	vst v45;
	v9 =	vadd.f32 v35, v36;
	v45 =	vmul.f32 v35, v35  }
0x4c1: {  	v30 =	vadd.f32 v11, v44;
	v10 =	vadd.f32 v33, v34;
	v11 =	vmul.f32 v36, v36;
	v44 =	vld [tilespmem:s4+$0x1950];
	[tilespmem:s22+$0x30] =	vst v8;
	s31 =	sshra.s32 s8, $0x1;
	s8 =	smul.f32 $5.000000000e-01, s8  }
0x4c2: {  	v31 =	vadd.f32 v31, v46;
	v46 =	vmul.f32 v34, v34;
	v57 =	vld [tilespmem:s4+$0x1960];
	[tilespmem:s22+$0x40] =	vst v49;
	v42 =	vadd.f32 v48, v47;
	s19 =	ssub.s32 $0x5F3759DF, s31  }
0x4c3: {  	v49 =	vmul.f32 v32, v32;
	v8 =	vadd.f32 v30, v32;
	v48 =	vmul.f32 v33, v33;
	v58 =	vld [tilespmem:s4+$0x1970];
	[tilespmem:s22+$0x50] =	vst v2;
	s23 =	smul.f32 s19, s8  }
0x4c4: {  	v2 =	vmul.f32 v30, v30;
	v11 =	vadd.f32 v45, v11;
	v61 =	vld [tilespmem:s17+$0x0];
	[tilespmem:s22+$0x60] =	vst v55;
	v47 =	vadd.f32 v42, v31  }
0x4c5: {  	v12 =	vmul.f32 v31, v31;
	s25 =	spop (v2sf);
	v63 =	vmul.f32 v42, v42;
	v45 =	vadd.f32 v48, v46;
	v46 =	vld [tilespmem:s17+$0x20];
	s4 =	smul.f32 s19, s23  }
0x4c6: {  	v9 =	vadd.f32 v10, v9;
	v55 =	vmul.f32 s18, v19;
	s23 =	smul.f32 $7.812500000e-03, s25;
	v8 =	vadd.f32 v47, v8;
	v47 =	vld [tilespmem:s17+$0x10];
	[tilespmem:s22+$0x70] =	vst v51  }
0x4c7: {  	v59 =	vmul.f32 s18, v16;
	v2 =	vadd.f32 v2, v49;
	v10 =	vadd.f32 v63, v12;
	v12 =	vld [tilespmem:s17+$0x30];
	s4 =	ssub.f32 $1.500000000e+00, s4;
	s31 =	spop (v2sf)  }
0x4c8: {  	v48 =	vmul.f32 v3, v43;
	v55 =	vmul.f32 v55, v38;
	v11 =	vadd.f32 v45, v11;
	v13 =	vld [tilespmem:s17+$0x40];
	s25 =	smul.f32 $7.812500000e-03, s31  }
0x4c9: {  	v60 =	vmov s23;
	v45 =	vld [tilespmem:s17+$0x60];
	v8 =	vadd.f32 v8, v9;
	v2 =	vadd.f32 v10, v2;
	s4 =	smul.f32 s19, s4  }
0x4ca: {  	v51 =	vmul.f32 s18, v18;
	v54 =	vadd.f32 v54, v61;
	s31 =	smul.f32 s23, s23;
	v43 =	vsub.f32 v26, v60  }
0x4cb: {  	v63 =	vmul.f32 s18, v14;
	v10 =	vld [tilespmem:s17+$0x50];
	v38 =	vsub.f32 v28, v60;
	v0 =	vadd.f32 v0, v46;
	s23 =	smul.f32 s4, s8  }
0x4cc: {  	(xrf2) =	vadd.scan.msk.f32 $0xffff, v8;
	v8 =	vmul.f32 s18, v62;
	v2 =	vadd.f32 v2, v11;
	s19 =	ssub.f32 s25, s31;
	v1 =	vadd.f32 v1, v47  }
0x4cd: {  	v11 =	vld [tilespmem:s17+$0x70];
	v62 =	vmul.f32 v54, v54;
	v3 =	vadd.f32 v4, v12;
	v46 =	vadd.f32 v6, v13;
	s18 =	smul.f32 s23, s4  }
0x4ce: {  	v13 =	vmul.f32 v0, v0;
	s19 =	sadd.f32 $9.999999960e-13, s19;
	v45 =	vadd.f32 v57, v45;
	v57 =	vmul.f32 v51, v41  }
0x4cf: {  	(xrf2) =	vadd.scan.msk.f32 $0xffff, v2;
	v41 =	vsub.f32 v52, v60;
	v4 =	vadd.f32 v1, v54;
	v12 =	vmul.f32 v1, v1;
	s25 =	ssub.f32 $1.500000000e+00, s18  }
0x4d0: {  	v26 =	vmovc v54;
	v47 =	vadd.f32 v44, v10;
	v54 =	vmul.f32 v7, v37;
	v37 =	vsub.f32 v29, v60;
	s31 =	sshra.s32 s19, $0x1;
	s18 =	smul.f32 $5.000000000e-01, s19  }
0x4d1: {  	v14 =	vadd.f32 v3, v0;
	v61 =	vmul.f32 v3, v3;
	v6 =	vadd.f32 v12, v62;
	s19 =	ssub.s32 $0x5F3759DF, s31;
	s4 =	smul.f32 s25, s4  }
0x4d2: {  	v49 =	vmul.f32 v46, v46;
	v44 =	vadd.f32 v58, v11;
	v11 =	vadd.f32 v47, v46;
	s25 =	smul.f32 s19, s18  }
0x4d3: {  	v62 =	vmul.f32 v47, v47;
	v2 =	vadd.f32 v14, v4;
	v4 =	vmul.f32 v45, v45;
	s8 =	smul.f32 s4, s8  }
0x4d4: {  	s16 =	sadd.s32 $0x2, s16;
	v12 =	vadd.f32 v61, v13;
	v14 =	vadd.f32 v44, v45;
	v61 =	vmul.f32 v44, v44;
	s23 =	smul.f32 s19, s25  }
0x4d5: {  	p0 =	slt.u32 s16, $0x4E;
	v58 =	vmul.f32 v59, v40;
	v59 =	vmul.f32 v63, v56;
	v63 =	vld [tilespmem:$0x1FD40];
	v62 =	vadd.f32 v62, v49;
	s8 =	smul.f32 s8, s4  }
.Ltmp5:
0x4d6: {  	v17 =	vmovc v20;
	v20 =	vmov v23;
	v13 =	vadd.f32 v14, v11;
	v4 =	vadd.f32 v61, v4;
	(pc) =	sbr.rel @p0 .LBB2_9-.Ltmp5, $4  }
0x4d7: {  	v23 =	vmovc v24;
	v19 =	vmovc v21;
	v29 =	vmov v0;
	v40 =	vsub.f32 v53, v60;
	v6 =	vadd.f32 v12, v6;
	s23 =	ssub.f32 $1.500000000e+00, s23  }
0x4d8: {  	v28 =	vmov v3;
	v14, _, _ =	vpop (xrf2);
	v2 =	vadd.f32 v13, v2;
	v4 =	vadd.f32 v4, v62;
	s31 =	ssub.f32 $1.500000000e+00, s8  }
0x4d9: {  	v49 =	vmul.f32 v5, v39;
	v39 =	vsub.f32 v27, v60;
	(v2sf) =	vpush v14, $0xF;
	v51, _, _ =	vpop (xrf2);
	s8 =	smul.f32 s19, s23  }
0x4da: {  	s22 =	smov.u32 s24;
	s17 =	sadd.s32 $0x100, s17;
	v27 =	vmovc v1;
	v62 =	vadd.f32 v4, v6;
	(v2sf) =	vpush v51, $0xF;
	(xrf2) =	vadd.scan.msk.f32 $0xffff, v2;
	v51 =	vmul.f32 v8, v63;
	s4 =	smul.f32 s31, s4  }
0x4db: {  	_ =	sdelay $0x1  }
0x4dc: {  	(xrf2) =	vadd.scan.msk.f32 $0xffff, v62;
	_ =	sdelay $0x6  }
0x4dd: {  	v0, _, _ =	vpop (xrf2)  }
0x4de: {  	(v2sf) =	vpush v0, $0xF;
	_ =	sdelay $0x1  }
0x4df: {  	v61, _, _ =	vpop (xrf2)  }
0x4e0: {  	s16 =	spop (v2sf);
	(v2sf) =	vpush v61, $0xF  }
0x4e1: {  	s17 =	smul.f32 $7.812500000e-03, s16;
	s23 =	spop (v2sf)  }
0x4e2: {  	s16 =	smul.f32 $7.812500000e-03, s23  }
0x4e3: {  	s19 =	smul.f32 s17, s17  }
0x4e4: {  	s21 =	smul.f32 s8, s18  }
0x4e5: {  	s16 =	ssub.f32 s16, s19  }
0x4e6: {  	s25 =	smul.f32 s21, s8  }
0x4e7: {  	s16 =	sadd.f32 $9.999999960e-13, s16  }
0x4e8: {  	v18 =	vld [tilespmem:$0x1FF40];
	s19 =	ssub.f32 $1.500000000e+00, s25  }
0x4e9: {  	v21 =	vld [tilespmem:$0x1FF30];
	s31 =	sshra.s32 s16, $0x1;
	s23 =	smul.f32 $5.000000000e-01, s16  }
0x4ea: {  	v53 =	vld [tilespmem:$0x1FF50];
	s16 =	smul.f32 s19, s8;
	s19 =	ssub.s32 $0x5F3759DF, s31  }
0x4eb: {  	v56 =	vld [tilespmem:$0x1FF00];
	s25 =	smul.f32 s19, s23  }
0x4ec: {  	v24 =	vld [tilespmem:$0x1FFF0];
	s18 =	smul.f32 s16, s18;
	s31 =	spop (v2sf)  }
0x4ed: {  	v14 =	vld [tilespmem:$0x1FFE0];
	s8 =	smul.f32 $7.812500000e-03, s31  }
0x4ee: {  	v1 =	vsub.f32 v50, v60;
	v50 =	vld [tilespmem:$0x1FFC0];
	s25 =	smul.f32 s19, s25  }
0x4ef: {  	v4 =	vsub.f32 v25, v60;
	v0 =	vmov s26;
	v61 =	vld [tilespmem:$0x1FF60];
	s31 =	spop (v2sf);
	s26 =	smul.f32 s8, s8  }
0x4f0: {  	v52 =	vld [tilespmem:$0x1FFA0];
	[tilespmem:$0x1FD20] =	vst v1;
	v2 =	vmul.f32 s4, v21;
	v3 =	vsub.f32 v23, v0;
	s21 =	ssub.f32 $1.500000000e+00, s25;
	s25 =	smul.f32 $7.812500000e-03, s31  }
0x4f1: {  	v15 =	vld [tilespmem:$0x1FFD0];
	[tilespmem:$0x1FD30] =	vst v4;
	v1 =	vmul.f32 s4, v18;
	v4 =	vmul.f32 s4, v53;
	s18 =	smul.f32 s18, s16  }
0x4f2: {  	v5 =	vmul.f32 s4, v56;
	v6 =	vsub.f32 v19, v0;
	v2 =	vmul.f32 v2, v3;
	s19 =	smul.f32 s19, s21;
	s21 =	ssub.f32 s25, s26  }
0x4f3: {  	v7 =	vmul.f32 s4, v24;
	v8 =	vmul.f32 s4, v14;
	v11 =	vsub.f32 v17, v0;
	s26 =	ssub.f32 $1.500000000e+00, s18  }
0x4f4: {  	v12 =	vld [tilespmem:$0x1FD50];
	v3 =	vsub.f32 v20, v0;
	v1 =	vmul.f32 v1, v6;
	v2 =	vadd.f32 v2, v61;
	s31 =	smul.f32 s19, s23  }
0x4f5: {  	v62 =	vld [tilespmem:$0x1FD60];
	v9 =	vmul.f32 s4, v50;
	v10 =	vmul.f32 s4, v52;
	v63 =	vsub.f32 v22, v0;
	s4 =	smul.f32 s26, s16;
	s16 =	sadd.s32 $0x100, s24  }
0x4f6: {  	v3 =	vmul.f32 v4, v3;
	v4 =	vmul.f32 v5, v11;
	v11 =	vld [tilespmem:$0x1FD70];
	v1 =	vadd.f32 v1, v15;
	[tilespmem:s16+$0xFFFFFFF0] =	vst v2  }
0x4f7: {  	v19 =	vmul.f32 v9, v63;
	s31 =	smul.f32 s31, s19;
	v9 =	vld [tilespmem:$0x1FFB0]  }
0x4f8: {  	s21 =	sadd.f32 $9.999999960e-13, s21;
	[tilespmem:s16+$0xFFFFFF80] =	vst v1  }
0x4f9: {  	s31 =	ssub.f32 $1.500000000e+00, s31;
	v63 =	vld [tilespmem:$0x1FF90]  }
0x4fa: {  	v6 =	vsub.f32 v62, v0;
	s25 =	sshra.s32 s21, $0x1;
	s26 =	smul.f32 $5.000000000e-01, s21;
	v62 =	vld [tilespmem:$0x1FF80]  }
0x4fb: {  	v16 =	vsub.f32 v12, v0;
	v0 =	vsub.f32 v11, v0;
	v13 =	vld [tilespmem:$0x1FF70];
	s19 =	smul.f32 s31, s19;
	s31 =	ssub.s32 $0x5F3759DF, s25  }
0x4fc: {  	s24 =	smul.f32 s31, s26;
	v3 =	vadd.f32 v3, v9  }
0x4fd: {  	v5 =	vmul.f32 v7, v16;
	v0 =	vmul.f32 v10, v0;
	s23 =	smul.f32 s19, s23  }
0x4fe: {  	v2 =	vmul.f32 v8, v6;
	v1 =	vadd.f32 v48, v15;
	v16 =	vadd.f32 v4, v63;
	s24 =	smul.f32 s31, s24;
	[tilespmem:s16+$0xFFFFFF90] =	vst v3  }
0x4ff: {  	v6 =	vmul.f32 s4, v53;
	v7 =	vmul.f32 s4, v56;
	v17 =	vadd.f32 v5, v62;
	s23 =	smul.f32 s23, s19;
	v12 =	vld [tilespmem:$0x1FF10]  }
0x500: {  	v48 =	vmul.f32 s4, v14;
	v2 =	vadd.f32 v2, v13;
	v5 =	vmul.f32 s4, v18;
	[tilespmem:s16+$0xFFFFFFA0] =	vst v16;
	s24 =	ssub.f32 $1.500000000e+00, s24  }
0x501: {  	v4 =	vadd.f32 v49, v9;
	v8 =	vadd.f32 v54, v63;
	v3 =	vmul.f32 s4, v50;
	v60 =	vld [tilespmem:$0x1FF20];
	[tilespmem:s16+$0xFFFFFFB0] =	vst v17;
	s23 =	ssub.f32 $1.500000000e+00, s23  }
0x502: {  	v10 =	vadd.f32 v55, v62;
	v16 =	vmul.f32 s4, v21;
	v5 =	vmul.f32 v5, v43;
	[tilespmem:s22+$0x0] =	vst v1;
	s21 =	smul.f32 s31, s24  }
0x503: {  	v23 =	vmovc v18;
	v17 =	vadd.f32 v57, v13;
	v1 =	vadd.f32 v51, v61;
	[tilespmem:s22+$0x20] =	vst v8;
	v8 =	vmov s8;
	s19 =	smul.f32 s23, s19  }
0x504: {  	[tilespmem:s16+$0xFFFFFFC0] =	vst v2;
	v3 =	vmul.f32 v3, v40;
	v5 =	vadd.f32 v5, v15;
	v19 =	vadd.f32 v19, v12  }
0x505: {  	[tilespmem:s22+$0x10] =	vst v4;
	s23 =	smul.f32 s21, s26;
	v18 =	vadd.f32 v58, v12;
	v55 =	vmul.f32 s19, v23;
	v20 =	vmul.f32 s19, v21  }
0x506: {  	v22 =	vmul.f32 s19, v53;
	v25 =	vmul.f32 s19, v56;
	[tilespmem:s16+$0xFFFFFFD0] =	vst v19;
	v19 =	vmov s17  }
0x507: {  	v49 =	vmovc v21;
	[tilespmem:s22+$0x30] =	vst v10;
	v58 =	vmul.f32 s19, v24;
	v0 =	vadd.f32 v0, v60;
	s8 =	smul.f32 s23, s21;
	v21 =	vsub.f32 v42, v19  }
0x508: {  	[tilespmem:s22+$0x40] =	vst v17;
	v51 =	vmul.f32 s19, v52;
	v54 =	vadd.f32 v59, v60;
	v57 =	vsub.f32 v36, v19  }
0x509: {  	[tilespmem:s22+$0x70] =	vst v1;
	v59 =	vsub.f32 v35, v19;
	v35 =	vmul.f32 s19, v50;
	s8 =	ssub.f32 $1.500000000e+00, s8;
	v20 =	vmul.f32 v20, v21  }
0x50a: {  	v42 =	vsub.f32 v34, v19;
	[tilespmem:s22+$0x60] =	vst v54;
	v54 =	vsub.f32 v33, v19;
	v4 =	vmul.f32 v55, v57  }
0x50b: {  	[tilespmem:s22+$0x50] =	vst v18;
	v21 =	vmul.f32 s19, v14;
	v17 =	vmul.f32 v22, v59;
	s8 =	smul.f32 s8, s21;
	v55 =	vadd.f32 v20, v61  }
0x50c: {  	s24 =	sadd.s32 $0x100, s16;
	[tilespmem:s16+$0xFFFFFFE0] =	vst v0;
	v57 =	vsub.f32 v32, v19;
	v18 =	vmul.f32 v25, v42;
	v4 =	vadd.f32 v4, v15  }
0x50d: {  	v0 =	vmul.f32 v58, v54;
	v59 =	vsub.f32 v31, v19;
	v58 =	vadd.f32 v17, v9;
	s25 =	smul.f32 s8, s26;
	[tilespmem:s24+$0xFFFFFFF0] =	vst v55  }
0x50e: {  	v20 =	vsub.f32 v30, v19;
	v1 =	vmul.f32 v21, v57;
	v30 =	vadd.f32 v18, v63;
	[tilespmem:s24+$0xFFFFFF80] =	vst v4  }
0x50f: {  	v40 =	vsub.f32 v47, v8;
	v0 =	vadd.f32 v0, v62;
	v17 =	vmul.f32 v51, v59;
	[tilespmem:s24+$0xFFFFFF90] =	vst v58;
	s17 =	smul.f32 s25, s8  }
0x510: {  	v43 =	vsub.f32 v44, v8;
	v31 =	vmul.f32 v35, v20;
	v1 =	vadd.f32 v1, v13;
	[tilespmem:s24+$0xFFFFFFA0] =	vst v30  }
0x511: {  	v2 =	vmul.f32 s4, v24;
	v3 =	vadd.f32 v3, v12;
	[tilespmem:s24+$0xFFFFFFB0] =	vst v0;
	v17 =	vadd.f32 v17, v60;
	s17 =	ssub.f32 $1.500000000e+00, s17  }
0x512: {  	v33 =	vmul.f32 v6, v39;
	v34 =	vsub.f32 v27, v8;
	v18 =	vadd.f32 v31, v12;
	[tilespmem:s24+$0xFFFFFFC0] =	vst v1  }
0x513: {  	v36 =	vsub.f32 v29, v8;
	v39 =	vsub.f32 v46, v8;
	v35 =	vmul.f32 v7, v37;
	[tilespmem:s24+$0xFFFFFFE0] =	vst v17;
	s8 =	smul.f32 s17, s8  }
0x514: {  	v32 =	vsub.f32 v26, v8;
	v37 =	vmul.f32 v2, v38;
	v4 =	vadd.f32 v33, v9;
	[tilespmem:s24+$0xFFFFFFD0] =	vst v18  }
0x515: {  	v38 =	vmul.f32 v48, v41;
	v0 =	vadd.f32 v35, v63;
	v17 =	vld [tilespmem:$0x1FD20];
	[tilespmem:s16+$0x0] =	vst v5;
	v42 =	vmul.f32 s8, v23  }
0x516: {  	v20 =	vsub.f32 v28, v8;
	v1 =	vadd.f32 v37, v62;
	v18 =	vld [tilespmem:$0x1FD30];
	[tilespmem:s16+$0x10] =	vst v4;
	v44 =	vmul.f32 s8, v53  }
0x517: {  	v2 =	vadd.f32 v38, v13;
	[tilespmem:s16+$0x20] =	vst v0;
	v46 =	vmul.f32 s8, v56;
	v47 =	vmul.f32 v42, v32  }
0x518: {  	v41 =	vsub.f32 v45, v8;
	[tilespmem:s16+$0x30] =	vst v1;
	v51 =	vmul.f32 s8, v24;
	v6 =	vmul.f32 v44, v34  }
0x519: {  	[tilespmem:s16+$0x40] =	vst v2;
	v54 =	vmul.f32 s8, v14;
	v7 =	vmul.f32 v46, v36;
	v2 =	vadd.f32 v47, v15  }
0x51a: {  	[tilespmem:s16+$0x50] =	vst v3;
	v55 =	vmul.f32 s8, v50;
	v56 =	vmul.f32 v51, v20;
	v6 =	vadd.f32 v6, v9  }
0x51b: {  	v57 =	vmul.f32 s8, v52;
	v1 =	vmul.f32 v54, v39;
	v7 =	vadd.f32 v7, v63;
	[tilespmem:s24+$0x0] =	vst v2  }
0x51c: {  	v58 =	vmul.f32 s8, v49;
	v3 =	vmul.f32 v55, v40;
	v59 =	vadd.f32 v56, v62;
	[tilespmem:s24+$0x10] =	vst v6  }
0x51d: {  	v11 =	vmul.f32 s4, v52;
	v4 =	vmul.f32 v57, v41;
	v1 =	vadd.f32 v1, v13;
	[tilespmem:s24+$0x20] =	vst v7  }
0x51e: {  	v0 =	vmul.f32 v58, v43;
	v62 =	vadd.f32 v3, v12;
	[tilespmem:s24+$0x30] =	vst v59  }
0x51f: {  	v11 =	vmul.f32 v11, v17;
	v63 =	vadd.f32 v4, v60;
	[tilespmem:s24+$0x40] =	vst v1  }
0x520: {  	v0 =	vadd.f32 v0, v61;
	v16 =	vmul.f32 v16, v18;
	[tilespmem:s24+$0x50] =	vst v62  }
.Ltmp6:
0x521: {  	v45 =	vadd.f32 v11, v60;
	[tilespmem:s24+$0x60] =	vst v63;
	(pc) =	sbr.rel @p1 .LBB2_12-.Ltmp6, $4  }
0x522: {  	[tilespmem:s24+$0x70] =	vst v0;
	v48 =	vadd.f32 v16, v61  }
0x523: {  	[tilespmem:s16+$0x60] =	vst v45  }
0x524: {  	s31 =	simm.s32 $0x19600;
	s26 =	sadd.s32 s6, s12;
	[tilespmem:s16+$0x70] =	vst v48  }
0x525: {  	[hbm4b:s26+s9] =	stream.linear.scatter [tilespmem:s31], [sflag:$0xC], $0x2800, $0x38;
	[tilespmem:$0x1BE00] =	vst v63  }
0x526: {  	s4 =	smul.u32 $0x500, s20;
	_ =	swait.ge [sflag:s3], $0x2800  }
0x527: {  	s8 =	simm.s32 $0x50;
	s20 =	sadd.s32 $0x1, s20;
	s15 =	sadd.s32 $0x140, s15  }
.Ltmp7:
0x528: {  	s2 =	sadd.s32 $0xA000, s2;
	s0 =	sadd.s32 $0x140, s0;
	(pc) =	sbr.rel .LBB2_2-.Ltmp7, $4  }
0x529: {  	s10 =	sadd.s32 $0xA000, s10;
	s13 =	sadd.s32 $0x140, s13;
	s11 =	sadd.s32 $0xA000, s11  }
0x52a: {  	s14 =	sadd.s32 $0x140, s14;
	[sflag:s3] =	ssyncset.done $0x0;
	s4 =	sshra.s32 s4, $0x2  }
0x52b: {  	v11 =	vmov v50;
	v10 =	vmov v52;
	v12 =	vmov v23;
	s5 =	sadd.s32 $0xA000, s5;
	[sflag:s3] =	ssyncadd.s32 $0xFFFFD800;
	s4 =	sadd.s32 $0x230, s4  }
0x52c: {  	v13 =	vmovc v53;
	v2 =	vmovc v49;
	v9 =	vmov v61;
	v4 =	vmov v24;
	v3 =	vmov v14;
	[tilespmem:s29], [sflag:$0x4] =	stream.indirect.gather [hbm4b:s1+s8], $0x80, s4, s8, $0xb8;
	[tilespmem:$0x1BE00] =	vst v63  }
.LBB2_13:
0x52d: {  	_ =	sfence.sel $0x180000  }
0x52e: {  	[bflag:$0x0] =	sbarrier.arrive $0xFFFF  }
0x52f: {  	_ =	strace $0x90000047  }
0x530: {  	s0 =	stileid.u32;
	[bflag:$0x2] =	sbarrier.arrive $0xFFFF  }
0x531: {  	p0 =	sne.s32 s0, $0x0;
	s0 =	rddreg [dreg:$0x7]  }
0x532: {  	s0 =	sadd.s32 @!p0 $0x100000, s0  }
0x533: {  	[sflag:s0] =	ssyncadd.tile.s32 @!p0 $0x1;
	_ =	shalt  }
.Lfunc_end2:
_tile_overlayer_lowered:
.L_overlay_start_2:
0x534: {  	(tag) =	ssettag $0x2  }
0x535: {  	s0 =	rddreg [dreg:$0x0];
	s2 =	stileid.u32  }
0x536: {  	s1 =	rddreg [dreg:$0x1];
	p0 =	sne.s32 s2, $0x0  }
0x537: {  	s3 =	rddreg [dreg:$0x2];
	[bflag:$0x3] =	sbarrier.arrive $0xFFFF;
	s2 =	simm.s32 @!p0 $0x1C0D  }
0x538: {  	[timem:s3], [sflag:s2] =	dma.local @!p0 [hbm:s0], s1  }
0x539: {  	s0 =	simm.s32 @!p0 $0xD  }
0x53a: {  	_ =	swait.ge @!p0 [sflag:s0], s1  }
0x53b: {  	s1 =	ssub.s32 @!p0 $0x0, s1;
	[sflag:s0] =	ssyncset.done @!p0 $0x0  }
0x53c: {  	[sflag:s0] =	ssyncadd.s32 @!p0 s1  }
0x53d: {  	[bflag:$0x3] =	sbarrier.arrive $0xFFFF  }
0x53e: {  	_ =	shalt  }

</sc_bundles>
